<compile_context>
chip_gen: v7x
topology: tpu7x:2x2x1
jax: 0.10.2.dev20260603
libtpu: 0.0.44.dev20260713+nightly
codegen_flags: <defaults>
</compile_context>

<pallas_src>
import functools

import jax
import jax.numpy as jnp
from jax import lax
from jax.experimental import pallas as pl
from jax.experimental.pallas import tpu as pltpu
from jax.experimental.pallas import tpu_sc as plsc

N = 10000
E = 320000
D = 128
ED = 16
G = 16
GEN_EPS = 1e-7
BN_EPS = 1e-5
LN_EPS = 1e-5

NC = 2
NS = 16
NW = NC * NS
CH = 80
KSUB = 5
MCH = CH * KSUB
KSUB_S = 2
MCH_S = CH * KSUB_S

BN_ROWS = 1000
BE = 2000

_vmesh = plsc.VectorSubcoreMesh(core_axis_name="c", subcore_axis_name="s")


def _absmax_body(a_ref, o_ref):
    i = pl.program_id(0)

    @pl.when(i == 0)
    def _():
        o_ref[0, 0] = 0.0

    o_ref[0, 0] = jnp.maximum(o_ref[0, 0], jnp.max(jnp.abs(a_ref[...])))


def _edge_attr_absmax(edge_attr):
    bea = 4000
    return pl.pallas_call(
        _absmax_body,
        grid=(E // bea,),
        in_specs=[pl.BlockSpec((bea, ED), lambda i: (i, 0))],
        out_specs=pl.BlockSpec(memory_space=pltpu.SMEM),
        out_shape=jax.ShapeDtypeStruct((1, 1), jnp.float32),
    )(edge_attr)


def _fcin_body(x_ref, wt_ref, b_ref, g_ref, bb_ref, x1_ref, h_ref):
    y = jnp.dot(x_ref[...], wt_ref[...], preferred_element_type=jnp.float32)
    y = y + b_ref[...]
    x1_ref[...] = y
    mu = jnp.mean(y, axis=1, keepdims=True)
    var = jnp.mean((y - mu) ** 2, axis=1, keepdims=True)
    hn = (y - mu) * lax.rsqrt(var + LN_EPS) * g_ref[...] + bb_ref[...]
    h_ref[...] = jnp.maximum(hn, 0.0)


def _fcin_ln(x, wt, b, g, bb):
    return pl.pallas_call(
        _fcin_body,
        grid=(N // BN_ROWS,),
        in_specs=[
            pl.BlockSpec((BN_ROWS, D), lambda i: (i, 0)),
            pl.BlockSpec((D, D), lambda i: (0, 0)),
            pl.BlockSpec((1, D), lambda i: (0, 0)),
            pl.BlockSpec((1, D), lambda i: (0, 0)),
            pl.BlockSpec((1, D), lambda i: (0, 0)),
        ],
        out_specs=[
            pl.BlockSpec((BN_ROWS, D), lambda i: (i, 0)),
            pl.BlockSpec((BN_ROWS, D), lambda i: (i, 0)),
        ],
        out_shape=[
            jax.ShapeDtypeStruct((N, D), jnp.float32),
            jax.ShapeDtypeStruct((N, D), jnp.float32),
        ],
    )(x, wt, b.reshape(1, D), g.reshape(1, D), bb.reshape(1, D))


def _sc_gather(h, src):
    epw = E // NW
    nmc = epw // MCH

    @functools.partial(
        pl.kernel,
        out_type=jax.ShapeDtypeStruct((E, D), jnp.float32),
        mesh=_vmesh,
        scratch_types=[
            pltpu.VMEM((MCH,), jnp.int32),
            pltpu.VMEM((MCH,), jnp.int32),
            pltpu.VMEM((MCH, D), jnp.float32),
            pltpu.VMEM((MCH, D), jnp.float32),
        ] + [pltpu.SemaphoreType.DMA] * 6,
    )
    def k(h_hbm, src_hbm, out_hbm, idx_a, idx_b, rows_a, rows_b,
          si_a, si_b, sg_a, sg_b, sw_a, sw_b):
        cid = lax.axis_index("c")
        sid = lax.axis_index("s")
        wid = sid * NC + cid
        base = wid * epw
        slots = ((idx_a, rows_a, si_a, sg_a, sw_a),
                 (idx_b, rows_b, si_b, sg_b, sw_b))

        def start_idx(slot, ch):
            idx_v, _, si, _, _ = slot
            pltpu.async_copy(src_hbm.at[pl.ds(base + ch * MCH, MCH)],
                             idx_v, si)

        def process(slot, ch):
            idx_v, rows_v, si, sg, sw = slot
            eb = base + ch * MCH
            pltpu.make_async_copy(src_hbm.at[pl.ds(eb, MCH)], idx_v, si).wait()

            @pl.when(ch >= 2)
            def _():
                pltpu.make_async_copy(rows_v, out_hbm.at[pl.ds(eb, MCH)],
                                      sw).wait()

            for kk in range(KSUB):
                pltpu.async_copy(
                    h_hbm.at[idx_v.at[pl.ds(kk * CH, CH)]],
                    rows_v.at[pl.ds(kk * CH, CH)],
                    sg,
                )
            for kk in range(KSUB):
                pltpu.make_async_copy(
                    h_hbm.at[idx_v.at[pl.ds(kk * CH, CH)]],
                    rows_v.at[pl.ds(kk * CH, CH)],
                    sg,
                ).wait()
            pltpu.async_copy(rows_v, out_hbm.at[pl.ds(eb, MCH)], sw)

        start_idx(slots[0], 0)

        @pl.loop(0, nmc - 1, step=2)
        def _(g):
            start_idx(slots[1], g + 1)
            process(slots[0], g)
            start_idx(slots[0], g + 2)
            process(slots[1], g + 1)

        process(slots[0], nmc - 1)
        pltpu.make_async_copy(rows_a, out_hbm.at[pl.ds(base, MCH)], sw_a).wait()
        pltpu.make_async_copy(rows_b, out_hbm.at[pl.ds(base, MCH)], sw_b).wait()

    return k(h, src)


def _mid_body(t_ref, c_ref, g_ref, a_ref, lewt_ref, leb_ref, o_ref):
    e = jnp.dot(a_ref[...], lewt_ref[...], preferred_element_type=jnp.float32)
    e = e + leb_ref[...]
    m = jnp.maximum(g_ref[...] + e, 0.0) + GEN_EPS
    ex = jnp.exp(m * t_ref[0, 0] - c_ref[0, 0])
    o_ref[0] = m * ex
    o_ref[1] = ex


def _mid(t, c, gathered, edge_attr, lewt, leb):
    return pl.pallas_call(
        _mid_body,
        grid=(E // BE,),
        in_specs=[
            pl.BlockSpec(memory_space=pltpu.SMEM),
            pl.BlockSpec(memory_space=pltpu.SMEM),
            pl.BlockSpec((BE, D), lambda i: (i, 0)),
            pl.BlockSpec((BE, ED), lambda i: (i, 0)),
            pl.BlockSpec((ED, D), lambda i: (0, 0)),
            pl.BlockSpec((1, D), lambda i: (0, 0)),
        ],
        out_specs=pl.BlockSpec((2, BE, D), lambda i: (0, i, 0)),
        out_shape=jax.ShapeDtypeStruct((2, E, D), jnp.float32),
    )(t.reshape(1, 1), c.reshape(1, 1), gathered, edge_attr, lewt,
      leb.reshape(1, D))


def _sc_scatter(vals, dst, zeros):
    epc = E // NS
    nmc = epc // MCH_S
    rpt = (N // NS) // 8 * 8
    rem = N - rpt * NS

    @functools.partial(
        pl.kernel,
        out_type=jax.ShapeDtypeStruct((NC, N, D), jnp.float32),
        mesh=_vmesh,
        scratch_types=[
            pltpu.VMEM_SHARED((N, D), jnp.float32),
        ] + [pltpu.VMEM((CH,), jnp.int32) for _ in range(2 * KSUB_S)] + [
            pltpu.VMEM((MCH_S, D), jnp.float32),
            pltpu.VMEM((MCH_S, D), jnp.float32),
            pltpu.SemaphoreType.DMA,
            pltpu.SemaphoreType.DMA,
        ],
    )
    def k(vals_hbm, dst_hbm, z_hbm, out_hbm, acc, *rest):
        idx_a = rest[:KSUB_S]
        idx_b = rest[KSUB_S:2 * KSUB_S]
        rows_a, rows_b, sem_a, sem_b = rest[2 * KSUB_S:]
        cid = lax.axis_index("c")
        sid = lax.axis_index("s")
        pltpu.sync_copy(z_hbm.at[pl.ds(sid * rpt, rpt)],
                        acc.at[pl.ds(sid * rpt, rpt)])

        @pl.when(sid == 0)
        def _():
            pltpu.sync_copy(z_hbm.at[pl.ds(rpt * NS, rem)],
                            acc.at[pl.ds(rpt * NS, rem)])

        plsc.subcore_barrier()
        base = sid * epc
        slots = ((idx_a, rows_a, sem_a), (idx_b, rows_b, sem_b))

        def start(slot, ch):
            idx_bufs, rows_v, sem = slot
            eb = base + ch * MCH_S
            pltpu.async_copy(vals_hbm.at[cid].at[pl.ds(eb, MCH_S)],
                             rows_v, sem)
            for kk in range(KSUB_S):
                pltpu.async_copy(dst_hbm.at[pl.ds(eb + kk * CH, CH)],
                                 idx_bufs[kk], sem)

        def fin_scatter(slot, ch):
            idx_bufs, rows_v, sem = slot
            eb = base + ch * MCH_S
            pltpu.make_async_copy(vals_hbm.at[cid].at[pl.ds(eb, MCH_S)],
                                  rows_v, sem).wait()
            for kk in range(KSUB_S):
                pltpu.make_async_copy(dst_hbm.at[pl.ds(eb + kk * CH, CH)],
                                      idx_bufs[kk], sem).wait()
            for kk in range(KSUB_S):
                pltpu.sync_copy(
                    rows_v.at[pl.ds(kk * CH, CH)],
                    acc.at[idx_bufs[kk]],
                    add=True,
                )

        start(slots[0], 0)

        @pl.loop(0, nmc - 1, step=2)
        def _(g):
            start(slots[1], g + 1)
            fin_scatter(slots[0], g)
            start(slots[0], g + 2)
            fin_scatter(slots[1], g + 1)

        fin_scatter(slots[0], nmc - 1)
        plsc.subcore_barrier()
        pltpu.sync_copy(acc.at[pl.ds(sid * rpt, rpt)],
                        out_hbm.at[cid].at[pl.ds(sid * rpt, rpt)])

        @pl.when(sid == 0)
        def _():
            pltpu.sync_copy(acc.at[pl.ds(rpt * NS, rem)],
                            out_hbm.at[cid].at[pl.ds(rpt * NS, rem)])

    return k(vals, dst, zeros)


def _tail(x, h, num, den, w1t, s1, q1, w2t, b2, lng, lnb, emit_h):
    def body(x_ref, h_ref, num_ref, den_ref, w1t_ref, s1_ref, q1_ref,
             w2t_ref, b2_ref, g_ref, bb_ref, xn_ref, *maybe_hn):
        dn = den_ref[...]
        safe = jnp.where(dn > 0.0, dn, 1.0)
        agg = jnp.where(dn > 0.0, num_ref[...] / safe, 0.0)
        out = agg + h_ref[...]
        z = jnp.dot(out, w1t_ref[...], preferred_element_type=jnp.float32)
        z = jnp.maximum(z * s1_ref[...] + q1_ref[...], 0.0)
        y = jnp.dot(z, w2t_ref[...], preferred_element_type=jnp.float32)
        xn = x_ref[...] + y + b2_ref[...]
        xn_ref[...] = xn
        if emit_h:
            mu = jnp.mean(xn, axis=1, keepdims=True)
            var = jnp.mean((xn - mu) ** 2, axis=1, keepdims=True)
            hn = (xn - mu) * lax.rsqrt(var + LN_EPS) * g_ref[...] + bb_ref[...]
            maybe_hn[0][...] = jnp.maximum(hn, 0.0)

    n_out = 2 if emit_h else 1
    row = lambda i: (i, 0)
    full = lambda i: (0, 0)
    res = pl.pallas_call(
        body,
        grid=(N // BN_ROWS,),
        in_specs=[
            pl.BlockSpec((BN_ROWS, D), row),
            pl.BlockSpec((BN_ROWS, D), row),
            pl.BlockSpec((BN_ROWS, D), row),
            pl.BlockSpec((BN_ROWS, D), row),
            pl.BlockSpec((D, 2 * D), full),
            pl.BlockSpec((1, 2 * D), full),
            pl.BlockSpec((1, 2 * D), full),
            pl.BlockSpec((2 * D, D), full),
            pl.BlockSpec((1, D), full),
            pl.BlockSpec((1, D), full),
            pl.BlockSpec((1, D), full),
        ],
        out_specs=[pl.BlockSpec((BN_ROWS, D), row)] * n_out,
        out_shape=[jax.ShapeDtypeStruct((N, D), jnp.float32)] * n_out,
    )(x, h, num, den, w1t, s1.reshape(1, 2 * D), q1.reshape(1, 2 * D),
      w2t, b2.reshape(1, D), lng.reshape(1, D), lnb.reshape(1, D))
    return (res[0], res[1]) if emit_h else (res[0], None)


def _pool_body(bid_ref, x_ref, fot_ref, fob_ref, o_ref, acc, cnt):
    i = pl.program_id(0)

    @pl.when(i == 0)
    def _():
        acc[...] = jnp.zeros_like(acc)
        cnt[...] = jnp.zeros_like(cnt)

    bids = bid_ref[0]
    gid = lax.broadcasted_iota(jnp.int32, (G, BN_ROWS), 0)
    oh = (gid == bids).astype(jnp.float32)
    acc[...] += jnp.dot(oh, x_ref[...], preferred_element_type=jnp.float32)
    cnt[...] = cnt[...] + jnp.sum(oh, axis=1, keepdims=True)

    @pl.when(i == pl.num_programs(0) - 1)
    def _():
        pooled = acc[...] / jnp.maximum(cnt[...], 1.0)
        pooled = jnp.maximum(pooled, 0.0)
        o_ref[...] = (
            jnp.dot(pooled, fot_ref[...], preferred_element_type=jnp.float32)
            + fob_ref[...]
        )


def _pool(batch3, x, fot, fob):
    return pl.pallas_call(
        _pool_body,
        grid=(N // BN_ROWS,),
        in_specs=[
            pl.BlockSpec((1, 1, BN_ROWS), lambda i: (i, 0, 0)),
            pl.BlockSpec((BN_ROWS, D), lambda i: (i, 0)),
            pl.BlockSpec((D, D), lambda i: (0, 0)),
            pl.BlockSpec((1, D), lambda i: (0, 0)),
        ],
        out_specs=pl.BlockSpec((G, D), lambda i: (0, 0)),
        out_shape=jax.ShapeDtypeStruct((G, D), jnp.float32),
        scratch_shapes=[
            pltpu.VMEM((G, D), jnp.float32),
            pltpu.VMEM((G, D), jnp.float32),
        ],
    )(batch3, x, fot, fob.reshape(1, D))


def kernel(x, edge_index, edge_attr, batch, fc_in_w, fc_in_b,
           ln_g0, ln_b0, lin_edge_w0, lin_edge_b0, t0, mlp_w10, mlp_b10,
           bn_g0, bn_b0, bn_rm0, bn_rv0, mlp_w20, mlp_b20,
           ln_g1, ln_b1, lin_edge_w1, lin_edge_b1, t1, mlp_w11, mlp_b11,
           bn_g1, bn_b1, bn_rm1, bn_rv1, mlp_w21, mlp_b21,
           fc_out_w, fc_out_b):
    src = edge_index[0]
    dst = edge_index[1]
    batch3 = batch.reshape(N // BN_ROWS, 1, BN_ROWS)
    zeros = jnp.zeros((N, D), jnp.float32)

    amax = _edge_attr_absmax(edge_attr)[0, 0]

    x1, h = _fcin_ln(x, fc_in_w.T, fc_in_b, ln_g0, ln_b0)

    layers = [
        (ln_g0, ln_b0, lin_edge_w0, lin_edge_b0, t0, mlp_w10, mlp_b10,
         bn_g0, bn_b0, bn_rm0, bn_rv0, mlp_w20, mlp_b20, ln_g1, ln_b1),
        (ln_g1, ln_b1, lin_edge_w1, lin_edge_b1, t1, mlp_w11, mlp_b11,
         bn_g1, bn_b1, bn_rm1, bn_rv1, mlp_w21, mlp_b21, None, None),
    ]
    for l, (lng, lnb, lew, leb, t, w1, b1, bg, bb, brm, brv, w2, b2,
            lng_next, lnb_next) in enumerate(layers):
        srow = jnp.max(jnp.sum(jnp.abs(lew), axis=1))
        bound = (11.32 * jnp.max(jnp.abs(lng)) + jnp.max(jnp.abs(lnb))
                 + amax * srow + jnp.max(jnp.abs(leb)))
        c = jnp.minimum(jnp.abs(t) * bound + 1.0, 80.0)

        gathered = _sc_gather(h, src)
        vals = _mid(t, c, gathered, edge_attr, lew.T, leb)
        nd = _sc_scatter(vals, dst, zeros)

        s1 = bg * lax.rsqrt(brv + BN_EPS)
        q1 = (b1 - brm) * s1 + bb
        if l == 0:
            x1, h = _tail(x1, h, nd[0], nd[1], w1.T, s1, q1, w2.T, b2,
                          lng_next, lnb_next, emit_h=True)
        else:
            x1, _ = _tail(x1, h, nd[0], nd[1], w1.T, s1, q1, w2.T, b2,
                          lng, lnb, emit_h=False)

    return _pool(batch3, x1, fc_out_w.T, fc_out_b)

# --- scband reference (transcript-rebuilt; emitter-appended) ---
"""Pipeline reference for scband-deeper-gcn-71837622992996 (READ-ONLY COPY).

The authoritative reference and input builder live on the scoring server;
editing this copy changes nothing except your own understanding.
"""

import jax, jax.numpy as jnp
import numpy as np

N = 10000
E = 320000
D = 128
ED = 16
G = 16
GEN_EPS = 1e-7
BN_EPS = 1e-5
LN_EPS = 1e-5


def _glorot(key, shape):
    fan_out, fan_in = shape
    lim = np.sqrt(6.0 / (fan_in + fan_out))
    return jax.random.uniform(key, shape, dtype=jnp.float32, minval=-lim, maxval=lim)


def setup_inputs(seed: int = 0):
    key = jax.random.key(seed)
    ks = jax.random.split(key, 40)
    inp = {}
    inp["x"] = jax.random.normal(ks[0], (N, D), dtype=jnp.float32)
    inp["edge_index"] = jax.random.randint(ks[1], (2, E), 0, N, dtype=jnp.int32)
    inp["edge_attr"] = jax.random.normal(ks[2], (E, ED), dtype=jnp.float32)
    inp["batch"] = jnp.sort(jax.random.randint(ks[3], (N,), 0, G, dtype=jnp.int32))
    inp["fc_in_w"] = _glorot(ks[4], (D, D))
    inp["fc_in_b"] = jnp.zeros((D,), jnp.float32)
    for l in range(2):
        o = 5 + l * 12
        inp[f"ln_g{l}"] = jnp.ones((D,), jnp.float32)
        inp[f"ln_b{l}"] = jnp.zeros((D,), jnp.float32)
        inp[f"lin_edge_w{l}"] = _glorot(ks[o], (D, ED))
        inp[f"lin_edge_b{l}"] = jnp.zeros((D,), jnp.float32)
        inp[f"t{l}"] = jnp.ones((), jnp.float32)
        inp[f"mlp_w1{l}"] = _glorot(ks[o + 1], (2 * D, D))
        inp[f"mlp_b1{l}"] = jnp.zeros((2 * D,), jnp.float32)
        inp[f"bn_g{l}"] = jnp.ones((2 * D,), jnp.float32)
        inp[f"bn_b{l}"] = jnp.zeros((2 * D,), jnp.float32)
        inp[f"bn_rm{l}"] = jnp.zeros((2 * D,), jnp.float32)
        inp[f"bn_rv{l}"] = jnp.ones((2 * D,), jnp.float32)
        inp[f"mlp_w2{l}"] = _glorot(ks[o + 2], (D, 2 * D))
        inp[f"mlp_b2{l}"] = jnp.zeros((D,), jnp.float32)
    inp["fc_out_w"] = _glorot(ks[30], (D, D))
    inp["fc_out_b"] = jnp.zeros((D,), jnp.float32)
    return inp


def _layer_norm(h, g, b):
    mu = jnp.mean(h, axis=-1, keepdims=True)
    var = jnp.mean((h - mu) ** 2, axis=-1, keepdims=True)
    return (h - mu) / jnp.sqrt(var + LN_EPS) * g + b


def _gen_conv(h, src, dst, edge_attr, lew, leb, t, w1, b1, bg, bb, brm, brv, w2, b2):
    # GENConv(aggr='softmax', learn_t=True, edge_dim=16); in==out so no lin_src
    e = edge_attr @ lew.T + leb
    msg = jnp.maximum(h[src] + e, 0.0) + GEN_EPS  # message: relu(x_j + e) + eps
    alpha = msg * t
    amax = jax.ops.segment_max(alpha, dst, num_segments=N)
    amax = jnp.where(jnp.isfinite(amax), amax, 0.0)
    amax = jax.lax.stop_gradient(amax)  # PyG softmax detaches the max
    ex = jnp.exp(alpha - amax[dst])
    den = jax.ops.segment_sum(ex, dst, num_segments=N) + 1e-16
    agg = jax.ops.segment_sum(msg * (ex / den[dst]), dst, num_segments=N)
    out = agg + h  # GENConv residual: out + x_dst
    z = out @ w1.T + b1
    z = (z - brm) / jnp.sqrt(brv + BN_EPS) * bg + bb  # MLP BatchNorm (eval)
    z = jnp.maximum(z, 0.0)
    return z @ w2.T + b2


def _forward(p, edge_index, batch):
    src = edge_index[0]
    dst = edge_index[1]
    x = p["x"] @ p["fc_in_w"].T + p["fc_in_b"]
    for l in range(2):
        # DeepGCNLayer block='res+': h = conv(drop(act(norm(x)))); x = x + h
        h = _layer_norm(x, p[f"ln_g{l}"], p[f"ln_b{l}"])
        h = jnp.maximum(h, 0.0)
        h = _gen_conv(h, src, dst, p["edge_attr"], p[f"lin_edge_w{l}"], p[f"lin_edge_b{l}"], p[f"t{l}"], p[f"mlp_w1{l}"], p[f"mlp_b1{l}"], p[f"bn_g{l}"], p[f"bn_b{l}"], p[f"bn_rm{l}"], p[f"bn_rv{l}"], p[f"mlp_w2{l}"], p[f"mlp_b2{l}"])
        x = x + h
    s = jax.ops.segment_sum(x, batch, num_segments=G)
    cnt = jax.ops.segment_sum(jnp.ones((x.shape[0],), jnp.float32), batch, num_segments=G)
    pooled = s / jnp.maximum(cnt, 1.0)[:, None]  # global_mean_pool
    pooled = jnp.maximum(pooled, 0.0)  # out_act relu (dropout p=0 is identity)
    return pooled @ p["fc_out_w"].T + p["fc_out_b"]


def reference(x, edge_index, edge_attr, batch, fc_in_w, fc_in_b,
              ln_g0, ln_b0, lin_edge_w0, lin_edge_b0, t0, mlp_w10, mlp_b10,
              bn_g0, bn_b0, bn_rm0, bn_rv0, mlp_w20, mlp_b20,
              ln_g1, ln_b1, lin_edge_w1, lin_edge_b1, t1, mlp_w11, mlp_b11,
              bn_g1, bn_b1, bn_rm1, bn_rv1, mlp_w21, mlp_b21,
              fc_out_w, fc_out_b):
    inp = dict(locals())
    edge_index = inp.pop("edge_index")
    batch = inp.pop("batch")
    return _forward(inp, edge_index, batch)

if __name__ == "__main__":
    import jax
    _d = setup_inputs()
    print(jax.jit(kernel)(*tuple(_d.values())))

</pallas_src>

<mosaic_0001>
#map = affine_map<(d0, d1) -> (0, 0, 0)>
#map1 = affine_map<(d0, d1) -> (0)>
#map2 = affine_map<(d0, d1) -> (0, 0)>
module attributes {stable_mosaic.version = 14 : i64} {
  func.func @k(%arg0: i32, %arg1: i32, %arg2: memref<2x320000x128xf32, #tpu.memory_space<hbm>>, %arg3: memref<320000xi32, #tpu.memory_space<hbm>>, %arg4: memref<10000x128xf32, #tpu.memory_space<hbm>>, %arg5: memref<2x10000x128xf32, #tpu.memory_space<hbm>>, %arg6: memref<10000x128xf32, #tpu.memory_space<vmem_shared>>, %arg7: memref<80xi32, #tpu.memory_space<vmem>>, %arg8: memref<80xi32, #tpu.memory_space<vmem>>, %arg9: memref<80xi32, #tpu.memory_space<vmem>>, %arg10: memref<80xi32, #tpu.memory_space<vmem>>, %arg11: memref<160x128xf32, #tpu.memory_space<vmem>>, %arg12: memref<160x128xf32, #tpu.memory_space<vmem>>, %arg13: memref<!tpu.dma_semaphore, #tpu.memory_space<semaphore_mem>>, %arg14: memref<!tpu.dma_semaphore, #tpu.memory_space<semaphore_mem>>) attributes {dimension_semantics = [#tpu.dimension_semantics<core_parallel>, #tpu.dimension_semantics<subcore_parallel>], iteration_bounds = array<i64: 2, 16>, scalar_prefetch = 0 : i64, scratch_operands = 9 : i64, tpu.core_type = #tpu.core_type<sc_vector_subcore>, window_params = [{transform_indices = #map}, {transform_indices = #map1}, {transform_indices = #map2}, {transform_indices = #map}]} {
    %mul3A = arith.constant 624 : i32
    %mul3A_0 = arith.muli %arg1, %mul3A : i32
    %mul3A_1 = arith.constant 624 : i32
    %mul3A_2 = arith.muli %arg1, %mul3A_1 : i32
    "tpu.region"() ({
      %run_scoped3A = tpu.sem_alloc : memref<!tpu.dma_semaphore, #tpu.memory_space<semaphore_mem>>
      %dma_start3A_62 = arith.constant 0 : i32
      %dma_start3A_63 = tpu.memref_slice %arg6[%mul3A_2, %dma_start3A_62] : memref<10000x128xf32, #tpu.memory_space<vmem_shared>> -> memref<624x128xf32, #tpu.memory_space<vmem_shared>>
      %dma_start3A_64 = arith.constant 0 : i32
      %dma_start3A_65 = tpu.memref_slice %arg4[%mul3A_0, %dma_start3A_64] : memref<10000x128xf32, #tpu.memory_space<hbm>> -> memref<624x128xf32, #tpu.memory_space<hbm>>
      tpu.enqueue_dma source(%dma_start3A_65 : memref<624x128xf32, #tpu.memory_space<hbm>>) target(%dma_start3A_63 : memref<624x128xf32, #tpu.memory_space<vmem_shared>>) target_semaphore(%run_scoped3A : memref<!tpu.dma_semaphore, #tpu.memory_space<semaphore_mem>>)
      %dma_wait3A_66 = arith.constant 0 : i32
      %dma_wait3A_67 = tpu.memref_slice %arg6[%mul3A_2, %dma_wait3A_66] : memref<10000x128xf32, #tpu.memory_space<vmem_shared>> -> memref<624x128xf32, #tpu.memory_space<vmem_shared>>
      %dma_wait3A_68 = arith.constant 0 : i32
      %dma_wait3A_69 = tpu.memref_slice %arg4[%mul3A_0, %dma_wait3A_68] : memref<10000x128xf32, #tpu.memory_space<hbm>> -> memref<624x128xf32, #tpu.memory_space<hbm>>
      tpu.wait_dma2 semaphore(%run_scoped3A : memref<!tpu.dma_semaphore, #tpu.memory_space<semaphore_mem>>) src(%dma_wait3A_69 : memref<624x128xf32, #tpu.memory_space<hbm>>) dst(%dma_wait3A_67 : memref<624x128xf32, #tpu.memory_space<vmem_shared>>)
      tpu.yield
    }) : () -> ()
    %eq3A = arith.constant 0 : i32
    %eq3A_3 = arith.cmpi eq, %arg1, %eq3A : i32
    %convert_element_type3A = arith.extui %eq3A_3 : i1 to i32
    %cond3A = arith.constant 0 : i32
    %cond3A_4 = arith.cmpi ne, %convert_element_type3A, %cond3A : i32
    scf.if %cond3A_4 {
      "tpu.region"() ({
        %run_scoped3A = tpu.sem_alloc : memref<!tpu.dma_semaphore, #tpu.memory_space<semaphore_mem>>
        %dma_start3A_62 = arith.constant 9984 : i32
        %dma_start3A_63 = arith.constant 0 : i32
        %dma_start3A_64 = tpu.memref_slice %arg6[%dma_start3A_62, %dma_start3A_63] : memref<10000x128xf32, #tpu.memory_space<vmem_shared>> -> memref<16x128xf32, #tpu.memory_space<vmem_shared>>
        %dma_start3A_65 = arith.constant 9984 : i32
        %dma_start3A_66 = arith.constant 0 : i32
        %dma_start3A_67 = tpu.memref_slice %arg4[%dma_start3A_65, %dma_start3A_66] : memref<10000x128xf32, #tpu.memory_space<hbm>> -> memref<16x128xf32, #tpu.memory_space<hbm>>
        tpu.enqueue_dma source(%dma_start3A_67 : memref<16x128xf32, #tpu.memory_space<hbm>>) target(%dma_start3A_64 : memref<16x128xf32, #tpu.memory_space<vmem_shared>>) target_semaphore(%run_scoped3A : memref<!tpu.dma_semaphore, #tpu.memory_space<semaphore_mem>>)
        %dma_wait3A_68 = arith.constant 9984 : i32
        %dma_wait3A_69 = arith.constant 0 : i32
        %dma_wait3A_70 = tpu.memref_slice %arg6[%dma_wait3A_68, %dma_wait3A_69] : memref<10000x128xf32, #tpu.memory_space<vmem_shared>> -> memref<16x128xf32, #tpu.memory_space<vmem_shared>>
        %dma_wait3A_71 = arith.constant 9984 : i32
        %dma_wait3A_72 = arith.constant 0 : i32
        %dma_wait3A_73 = tpu.memref_slice %arg4[%dma_wait3A_71, %dma_wait3A_72] : memref<10000x128xf32, #tpu.memory_space<hbm>> -> memref<16x128xf32, #tpu.memory_space<hbm>>
        tpu.wait_dma2 semaphore(%run_scoped3A : memref<!tpu.dma_semaphore, #tpu.memory_space<semaphore_mem>>) src(%dma_wait3A_73 : memref<16x128xf32, #tpu.memory_space<hbm>>) dst(%dma_wait3A_70 : memref<16x128xf32, #tpu.memory_space<vmem_shared>>)
        tpu.yield
      }) : () -> ()
    } else {
    }
    %barrier3A = arith.constant 0 : index
    tpu.barrier barrier_id(%barrier3A)
    %mul3A_5 = arith.constant 20000 : i32
    %mul3A_6 = arith.muli %arg1, %mul3A_5 : i32
    %add3A = arith.constant 0 : i32
    %add3A_7 = arith.addi %mul3A_6, %add3A : i32
    %dma_start3A = arith.constant 0 : i32
    %dma_start3A_8 = arith.constant 0 : i32
    %dma_start3A_9 = tpu.memref_slice %arg2[%arg0, %dma_start3A, %dma_start3A_8] : memref<2x320000x128xf32, #tpu.memory_space<hbm>> -> memref<1x320000x128xf32, #tpu.memory_space<hbm>>
    %dma_start3A_10 = tpu.memref_squeeze %dma_start3A_9 : memref<1x320000x128xf32, #tpu.memory_space<hbm>> -> memref<320000x128xf32, #tpu.memory_space<hbm>>
    %dma_start3A_11 = arith.constant 0 : i32
    %dma_start3A_12 = tpu.memref_slice %dma_start3A_10[%add3A_7, %dma_start3A_11] : memref<320000x128xf32, #tpu.memory_space<hbm>> -> memref<160x128xf32, #tpu.memory_space<hbm>>
    %dma_start3A_13 = arith.constant 0 : i32
    %dma_start3A_14 = arith.constant 0 : i32
    %dma_start3A_15 = tpu.memref_slice %arg2[%arg0, %dma_start3A_13, %dma_start3A_14] : memref<2x320000x128xf32, #tpu.memory_space<hbm>> -> memref<1x320000x128xf32, #tpu.memory_space<hbm>>
    %dma_start3A_16 = tpu.memref_squeeze %dma_start3A_15 : memref<1x320000x128xf32, #tpu.memory_space<hbm>> -> memref<320000x128xf32, #tpu.memory_space<hbm>>
    %dma_start3A_17 = arith.constant 0 : i32
    %dma_start3A_18 = tpu.memref_slice %dma_start3A_16[%add3A_7, %dma_start3A_17] : memref<320000x128xf32, #tpu.memory_space<hbm>> -> memref<160x128xf32, #tpu.memory_space<hbm>>
    tpu.enqueue_dma source(%dma_start3A_18 : memref<160x128xf32, #tpu.memory_space<hbm>>) target(%arg11 : memref<160x128xf32, #tpu.memory_space<vmem>>) target_semaphore(%arg13 : memref<!tpu.dma_semaphore, #tpu.memory_space<semaphore_mem>>)
    %add3A_19 = arith.constant 0 : i32
    %add3A_20 = arith.addi %add3A_7, %add3A_19 : i32
    %dma_start3A_21 = tpu.memref_slice %arg3[%add3A_20] : memref<320000xi32, #tpu.memory_space<hbm>> -> memref<80xi32, #tpu.memory_space<hbm>>
    %dma_start3A_22 = tpu.memref_slice %arg3[%add3A_20] : memref<320000xi32, #tpu.memory_space<hbm>> -> memref<80xi32, #tpu.memory_space<hbm>>
    tpu.enqueue_dma source(%dma_start3A_22 : memref<80xi32, #tpu.memory_space<hbm>>) target(%arg7 : memref<80xi32, #tpu.memory_space<vmem>>) target_semaphore(%arg13 : memref<!tpu.dma_semaphore, #tpu.memory_space<semaphore_mem>>)
    %add3A_23 = arith.constant 80 : i32
    %add3A_24 = arith.addi %add3A_7, %add3A_23 : i32
    %dma_start3A_25 = tpu.memref_slice %arg3[%add3A_24] : memref<320000xi32, #tpu.memory_space<hbm>> -> memref<80xi32, #tpu.memory_space<hbm>>
    %dma_start3A_26 = tpu.memref_slice %arg3[%add3A_24] : memref<320000xi32, #tpu.memory_space<hbm>> -> memref<80xi32, #tpu.memory_space<hbm>>
    tpu.enqueue_dma source(%dma_start3A_26 : memref<80xi32, #tpu.memory_space<hbm>>) target(%arg8 : memref<80xi32, #tpu.memory_space<vmem>>) target_semaphore(%arg13 : memref<!tpu.dma_semaphore, #tpu.memory_space<semaphore_mem>>)
    %scan3A = arith.constant 0 : i32
    %scan3A_27 = arith.constant 62 : i32
    %scan3A_28 = arith.addi %scan3A, %scan3A_27 : i32
    %scan3A_29 = arith.constant 1 : i32
    scf.for %scan3A_62 = %scan3A to %scan3A_28 step %scan3A_29  : i32 {
      %mul3A_63 = arith.constant 2 : i32
      %mul3A_64 = arith.muli %scan3A_62, %mul3A_63 : i32
      %add3A_65 = arith.constant 0 : i32
      %add3A_66 = arith.addi %add3A_65, %mul3A_64 : i32
      %add3A_67 = arith.constant 1 : i32
      %add3A_68 = arith.addi %add3A_66, %add3A_67 : i32
      %mul3A_69 = arith.constant 160 : i32
      %mul3A_70 = arith.muli %add3A_68, %mul3A_69 : i32
      %add3A_71 = arith.addi %mul3A_6, %mul3A_70 : i32
      %dma_start3A_72 = arith.constant 0 : i32
      %dma_start3A_73 = arith.constant 0 : i32
      %dma_start3A_74 = tpu.memref_slice %arg2[%arg0, %dma_start3A_72, %dma_start3A_73] : memref<2x320000x128xf32, #tpu.memory_space<hbm>> -> memref<1x320000x128xf32, #tpu.memory_space<hbm>>
      %dma_start3A_75 = tpu.memref_squeeze %dma_start3A_74 : memref<1x320000x128xf32, #tpu.memory_space<hbm>> -> memref<320000x128xf32, #tpu.memory_space<hbm>>
      %dma_start3A_76 = arith.constant 0 : i32
      %dma_start3A_77 = tpu.memref_slice %dma_start3A_75[%add3A_71, %dma_start3A_76] : memref<320000x128xf32, #tpu.memory_space<hbm>> -> memref<160x128xf32, #tpu.memory_space<hbm>>
      %dma_start3A_78 = arith.constant 0 : i32
      %dma_start3A_79 = arith.constant 0 : i32
      %dma_start3A_80 = tpu.memref_slice %arg2[%arg0, %dma_start3A_78, %dma_start3A_79] : memref<2x320000x128xf32, #tpu.memory_space<hbm>> -> memref<1x320000x128xf32, #tpu.memory_space<hbm>>
      %dma_start3A_81 = tpu.memref_squeeze %dma_start3A_80 : memref<1x320000x128xf32, #tpu.memory_space<hbm>> -> memref<320000x128xf32, #tpu.memory_space<hbm>>
      %dma_start3A_82 = arith.constant 0 : i32
      %dma_start3A_83 = tpu.memref_slice %dma_start3A_81[%add3A_71, %dma_start3A_82] : memref<320000x128xf32, #tpu.memory_space<hbm>> -> memref<160x128xf32, #tpu.memory_space<hbm>>
      tpu.enqueue_dma source(%dma_start3A_83 : memref<160x128xf32, #tpu.memory_space<hbm>>) target(%arg12 : memref<160x128xf32, #tpu.memory_space<vmem>>) target_semaphore(%arg14 : memref<!tpu.dma_semaphore, #tpu.memory_space<semaphore_mem>>)
      %add3A_84 = arith.constant 0 : i32
      %add3A_85 = arith.addi %add3A_71, %add3A_84 : i32
      %dma_start3A_86 = tpu.memref_slice %arg3[%add3A_85] : memref<320000xi32, #tpu.memory_space<hbm>> -> memref<80xi32, #tpu.memory_space<hbm>>
      %dma_start3A_87 = tpu.memref_slice %arg3[%add3A_85] : memref<320000xi32, #tpu.memory_space<hbm>> -> memref<80xi32, #tpu.memory_space<hbm>>
      tpu.enqueue_dma source(%dma_start3A_87 : memref<80xi32, #tpu.memory_space<hbm>>) target(%arg9 : memref<80xi32, #tpu.memory_space<vmem>>) target_semaphore(%arg14 : memref<!tpu.dma_semaphore, #tpu.memory_space<semaphore_mem>>)
      %add3A_88 = arith.constant 80 : i32
      %add3A_89 = arith.addi %add3A_71, %add3A_88 : i32
      %dma_start3A_90 = tpu.memref_slice %arg3[%add3A_89] : memref<320000xi32, #tpu.memory_space<hbm>> -> memref<80xi32, #tpu.memory_space<hbm>>
      %dma_start3A_91 = tpu.memref_slice %arg3[%add3A_89] : memref<320000xi32, #tpu.memory_space<hbm>> -> memref<80xi32, #tpu.memory_space<hbm>>
      tpu.enqueue_dma source(%dma_start3A_91 : memref<80xi32, #tpu.memory_space<hbm>>) target(%arg10 : memref<80xi32, #tpu.memory_space<vmem>>) target_semaphore(%arg14 : memref<!tpu.dma_semaphore, #tpu.memory_space<semaphore_mem>>)
      %mul3A_92 = arith.constant 160 : i32
      %mul3A_93 = arith.muli %add3A_66, %mul3A_92 : i32
      %add3A_94 = arith.addi %mul3A_6, %mul3A_93 : i32
      %dma_wait3A_95 = arith.constant 0 : i32
      %dma_wait3A_96 = arith.constant 0 : i32
      %dma_wait3A_97 = tpu.memref_slice %arg2[%arg0, %dma_wait3A_95, %dma_wait3A_96] : memref<2x320000x128xf32, #tpu.memory_space<hbm>> -> memref<1x320000x128xf32, #tpu.memory_space<hbm>>
      %dma_wait3A_98 = tpu.memref_squeeze %dma_wait3A_97 : memref<1x320000x128xf32, #tpu.memory_space<hbm>> -> memref<320000x128xf32, #tpu.memory_space<hbm>>
      %dma_wait3A_99 = arith.constant 0 : i32
      %dma_wait3A_100 = tpu.memref_slice %dma_wait3A_98[%add3A_94, %dma_wait3A_99] : memref<320000x128xf32, #tpu.memory_space<hbm>> -> memref<160x128xf32, #tpu.memory_space<hbm>>
      %dma_wait3A_101 = arith.constant 0 : i32
      %dma_wait3A_102 = arith.constant 0 : i32
      %dma_wait3A_103 = tpu.memref_slice %arg2[%arg0, %dma_wait3A_101, %dma_wait3A_102] : memref<2x320000x128xf32, #tpu.memory_space<hbm>> -> memref<1x320000x128xf32, #tpu.memory_space<hbm>>
      %dma_wait3A_104 = tpu.memref_squeeze %dma_wait3A_103 : memref<1x320000x128xf32, #tpu.memory_space<hbm>> -> memref<320000x128xf32, #tpu.memory_space<hbm>>
      %dma_wait3A_105 = arith.constant 0 : i32
      %dma_wait3A_106 = tpu.memref_slice %dma_wait3A_104[%add3A_94, %dma_wait3A_105] : memref<320000x128xf32, #tpu.memory_space<hbm>> -> memref<160x128xf32, #tpu.memory_space<hbm>>
      tpu.wait_dma2 semaphore(%arg13 : memref<!tpu.dma_semaphore, #tpu.memory_space<semaphore_mem>>) src(%dma_wait3A_106 : memref<160x128xf32, #tpu.memory_space<hbm>>) dst(%arg11 : memref<160x128xf32, #tpu.memory_space<vmem>>)
      %add3A_107 = arith.constant 0 : i32
      %add3A_108 = arith.addi %add3A_94, %add3A_107 : i32
      %dma_wait3A_109 = tpu.memref_slice %arg3[%add3A_108] : memref<320000xi32, #tpu.memory_space<hbm>> -> memref<80xi32, #tpu.memory_space<hbm>>
      %dma_wait3A_110 = tpu.memref_slice %arg3[%add3A_108] : memref<320000xi32, #tpu.memory_space<hbm>> -> memref<80xi32, #tpu.memory_space<hbm>>
      tpu.wait_dma2 semaphore(%arg13 : memref<!tpu.dma_semaphore, #tpu.memory_space<semaphore_mem>>) src(%dma_wait3A_110 : memref<80xi32, #tpu.memory_space<hbm>>) dst(%arg7 : memref<80xi32, #tpu.memory_space<vmem>>)
      %add3A_111 = arith.constant 80 : i32
      %add3A_112 = arith.addi %add3A_94, %add3A_111 : i32
      %dma_wait3A_113 = tpu.memref_slice %arg3[%add3A_112] : memref<320000xi32, #tpu.memory_space<hbm>> -> memref<80xi32, #tpu.memory_space<hbm>>
      %dma_wait3A_114 = tpu.memref_slice %arg3[%add3A_112] : memref<320000xi32, #tpu.memory_space<hbm>> -> memref<80xi32, #tpu.memory_space<hbm>>
      tpu.wait_dma2 semaphore(%arg13 : memref<!tpu.dma_semaphore, #tpu.memory_space<semaphore_mem>>) src(%dma_wait3A_114 : memref<80xi32, #tpu.memory_space<hbm>>) dst(%arg8 : memref<80xi32, #tpu.memory_space<vmem>>)
      "tpu.region"() ({
        %run_scoped3A = tpu.sem_alloc : memref<!tpu.dma_semaphore, #tpu.memory_space<semaphore_mem>>
        %dma_start3A_165 = arith.constant 0 : i32
        %dma_start3A_166 = arith.constant 0 : i32
        %dma_start3A_167 = tpu.memref_slice %arg11[%dma_start3A_165, %dma_start3A_166] : memref<160x128xf32, #tpu.memory_space<vmem>> -> memref<80x128xf32, #tpu.memory_space<vmem>>
        %dma_start3A_168 = arith.constant 0 : i32
        %dma_start3A_169 = arith.constant 0 : i32
        %dma_start3A_170 = tpu.memref_slice %arg6[%dma_start3A_168, %dma_start3A_169] : memref<10000x128xf32, #tpu.memory_space<vmem_shared>> -> memref<10000x128xf32, #tpu.memory_space<vmem_shared>>
        tpu.enqueue_indirect_dma source(%dma_start3A_167 : memref<80x128xf32, #tpu.memory_space<vmem>>) target(%dma_start3A_170 : memref<10000x128xf32, #tpu.memory_space<vmem_shared>>) offsets(%arg7 : memref<80xi32, #tpu.memory_space<vmem>>) semaphore(%run_scoped3A : memref<!tpu.dma_semaphore, #tpu.memory_space<semaphore_mem>>) {add = true}
        %dma_wait3A_171 = arith.constant 0 : i32
        %dma_wait3A_172 = arith.constant 0 : i32
        %dma_wait3A_173 = tpu.memref_slice %arg11[%dma_wait3A_171, %dma_wait3A_172] : memref<160x128xf32, #tpu.memory_space<vmem>> -> memref<80x128xf32, #tpu.memory_space<vmem>>
        %dma_wait3A_174 = arith.constant 0 : i32
        %dma_wait3A_175 = arith.constant 0 : i32
        %dma_wait3A_176 = tpu.memref_slice %arg6[%dma_wait3A_174, %dma_wait3A_175] : memref<10000x128xf32, #tpu.memory_space<vmem_shared>> -> memref<10000x128xf32, #tpu.memory_space<vmem_shared>>
        tpu.wait_indirect_dma semaphore(%run_scoped3A : memref<!tpu.dma_semaphore, #tpu.memory_space<semaphore_mem>>) src(%dma_wait3A_173 : memref<80x128xf32, #tpu.memory_space<vmem>>) dst(%dma_wait3A_176 : memref<10000x128xf32, #tpu.memory_space<vmem_shared>>)
        tpu.yield
      }) : () -> ()
      "tpu.region"() ({
        %run_scoped3A = tpu.sem_alloc : memref<!tpu.dma_semaphore, #tpu.memory_space<semaphore_mem>>
        %dma_start3A_165 = arith.constant 80 : i32
        %dma_start3A_166 = arith.constant 0 : i32
        %dma_start3A_167 = tpu.memref_slice %arg11[%dma_start3A_165, %dma_start3A_166] : memref<160x128xf32, #tpu.memory_space<vmem>> -> memref<80x128xf32, #tpu.memory_space<vmem>>
        %dma_start3A_168 = arith.constant 0 : i32
        %dma_start3A_169 = arith.constant 0 : i32
        %dma_start3A_170 = tpu.memref_slice %arg6[%dma_start3A_168, %dma_start3A_169] : memref<10000x128xf32, #tpu.memory_space<vmem_shared>> -> memref<10000x128xf32, #tpu.memory_space<vmem_shared>>
        tpu.enqueue_indirect_dma source(%dma_start3A_167 : memref<80x128xf32, #tpu.memory_space<vmem>>) target(%dma_start3A_170 : memref<10000x128xf32, #tpu.memory_space<vmem_shared>>) offsets(%arg8 : memref<80xi32, #tpu.memory_space<vmem>>) semaphore(%run_scoped3A : memref<!tpu.dma_semaphore, #tpu.memory_space<semaphore_mem>>) {add = true}
        %dma_wait3A_171 = arith.constant 80 : i32
        %dma_wait3A_172 = arith.constant 0 : i32
        %dma_wait3A_173 = tpu.memref_slice %arg11[%dma_wait3A_171, %dma_wait3A_172] : memref<160x128xf32, #tpu.memory_space<vmem>> -> memref<80x128xf32, #tpu.memory_space<vmem>>
        %dma_wait3A_174 = arith.constant 0 : i32
        %dma_wait3A_175 = arith.constant 0 : i32
        %dma_wait3A_176 = tpu.memref_slice %arg6[%dma_wait3A_174, %dma_wait3A_175] : memref<10000x128xf32, #tpu.memory_space<vmem_shared>> -> memref<10000x128xf32, #tpu.memory_space<vmem_shared>>
        tpu.wait_indirect_dma semaphore(%run_scoped3A : memref<!tpu.dma_semaphore, #tpu.memory_space<semaphore_mem>>) src(%dma_wait3A_173 : memref<80x128xf32, #tpu.memory_space<vmem>>) dst(%dma_wait3A_176 : memref<10000x128xf32, #tpu.memory_space<vmem_shared>>)
        tpu.yield
      }) : () -> ()
      %add3A_115 = arith.constant 2 : i32
      %add3A_116 = arith.addi %add3A_66, %add3A_115 : i32
      %mul3A_117 = arith.constant 160 : i32
      %mul3A_118 = arith.muli %add3A_116, %mul3A_117 : i32
      %add3A_119 = arith.addi %mul3A_6, %mul3A_118 : i32
      %dma_start3A_120 = arith.constant 0 : i32
      %dma_start3A_121 = arith.constant 0 : i32
      %dma_start3A_122 = tpu.memref_slice %arg2[%arg0, %dma_start3A_120, %dma_start3A_121] : memref<2x320000x128xf32, #tpu.memory_space<hbm>> -> memref<1x320000x128xf32, #tpu.memory_space<hbm>>
      %dma_start3A_123 = tpu.memref_squeeze %dma_start3A_122 : memref<1x320000x128xf32, #tpu.memory_space<hbm>> -> memref<320000x128xf32, #tpu.memory_space<hbm>>
      %dma_start3A_124 = arith.constant 0 : i32
      %dma_start3A_125 = tpu.memref_slice %dma_start3A_123[%add3A_119, %dma_start3A_124] : memref<320000x128xf32, #tpu.memory_space<hbm>> -> memref<160x128xf32, #tpu.memory_space<hbm>>
      %dma_start3A_126 = arith.constant 0 : i32
      %dma_start3A_127 = arith.constant 0 : i32
      %dma_start3A_128 = tpu.memref_slice %arg2[%arg0, %dma_start3A_126, %dma_start3A_127] : memref<2x320000x128xf32, #tpu.memory_space<hbm>> -> memref<1x320000x128xf32, #tpu.memory_space<hbm>>
      %dma_start3A_129 = tpu.memref_squeeze %dma_start3A_128 : memref<1x320000x128xf32, #tpu.memory_space<hbm>> -> memref<320000x128xf32, #tpu.memory_space<hbm>>
      %dma_start3A_130 = arith.constant 0 : i32
      %dma_start3A_131 = tpu.memref_slice %dma_start3A_129[%add3A_119, %dma_start3A_130] : memref<320000x128xf32, #tpu.memory_space<hbm>> -> memref<160x128xf32, #tpu.memory_space<hbm>>
      tpu.enqueue_dma source(%dma_start3A_131 : memref<160x128xf32, #tpu.memory_space<hbm>>) target(%arg11 : memref<160x128xf32, #tpu.memory_space<vmem>>) target_semaphore(%arg13 : memref<!tpu.dma_semaphore, #tpu.memory_space<semaphore_mem>>)
      %add3A_132 = arith.constant 0 : i32
      %add3A_133 = arith.addi %add3A_119, %add3A_132 : i32
      %dma_start3A_134 = tpu.memref_slice %arg3[%add3A_133] : memref<320000xi32, #tpu.memory_space<hbm>> -> memref<80xi32, #tpu.memory_space<hbm>>
      %dma_start3A_135 = tpu.memref_slice %arg3[%add3A_133] : memref<320000xi32, #tpu.memory_space<hbm>> -> memref<80xi32, #tpu.memory_space<hbm>>
      tpu.enqueue_dma source(%dma_start3A_135 : memref<80xi32, #tpu.memory_space<hbm>>) target(%arg7 : memref<80xi32, #tpu.memory_space<vmem>>) target_semaphore(%arg13 : memref<!tpu.dma_semaphore, #tpu.memory_space<semaphore_mem>>)
      %add3A_136 = arith.constant 80 : i32
      %add3A_137 = arith.addi %add3A_119, %add3A_136 : i32
      %dma_start3A_138 = tpu.memref_slice %arg3[%add3A_137] : memref<320000xi32, #tpu.memory_space<hbm>> -> memref<80xi32, #tpu.memory_space<hbm>>
      %dma_start3A_139 = tpu.memref_slice %arg3[%add3A_137] : memref<320000xi32, #tpu.memory_space<hbm>> -> memref<80xi32, #tpu.memory_space<hbm>>
      tpu.enqueue_dma source(%dma_start3A_139 : memref<80xi32, #tpu.memory_space<hbm>>) target(%arg8 : memref<80xi32, #tpu.memory_space<vmem>>) target_semaphore(%arg13 : memref<!tpu.dma_semaphore, #tpu.memory_space<semaphore_mem>>)
      %add3A_140 = arith.constant 1 : i32
      %add3A_141 = arith.addi %add3A_66, %add3A_140 : i32
      %mul3A_142 = arith.constant 160 : i32
      %mul3A_143 = arith.muli %add3A_141, %mul3A_142 : i32
      %add3A_144 = arith.addi %mul3A_6, %mul3A_143 : i32
      %dma_wait3A_145 = arith.constant 0 : i32
      %dma_wait3A_146 = arith.constant 0 : i32
      %dma_wait3A_147 = tpu.memref_slice %arg2[%arg0, %dma_wait3A_145, %dma_wait3A_146] : memref<2x320000x128xf32, #tpu.memory_space<hbm>> -> memref<1x320000x128xf32, #tpu.memory_space<hbm>>
      %dma_wait3A_148 = tpu.memref_squeeze %dma_wait3A_147 : memref<1x320000x128xf32, #tpu.memory_space<hbm>> -> memref<320000x128xf32, #tpu.memory_space<hbm>>
      %dma_wait3A_149 = arith.constant 0 : i32
      %dma_wait3A_150 = tpu.memref_slice %dma_wait3A_148[%add3A_144, %dma_wait3A_149] : memref<320000x128xf32, #tpu.memory_space<hbm>> -> memref<160x128xf32, #tpu.memory_space<hbm>>
      %dma_wait3A_151 = arith.constant 0 : i32
      %dma_wait3A_152 = arith.constant 0 : i32
      %dma_wait3A_153 = tpu.memref_slice %arg2[%arg0, %dma_wait3A_151, %dma_wait3A_152] : memref<2x320000x128xf32, #tpu.memory_space<hbm>> -> memref<1x320000x128xf32, #tpu.memory_space<hbm>>
      %dma_wait3A_154 = tpu.memref_squeeze %dma_wait3A_153 : memref<1x320000x128xf32, #tpu.memory_space<hbm>> -> memref<320000x128xf32, #tpu.memory_space<hbm>>
      %dma_wait3A_155 = arith.constant 0 : i32
      %dma_wait3A_156 = tpu.memref_slice %dma_wait3A_154[%add3A_144, %dma_wait3A_155] : memref<320000x128xf32, #tpu.memory_space<hbm>> -> memref<160x128xf32, #tpu.memory_space<hbm>>
      tpu.wait_dma2 semaphore(%arg14 : memref<!tpu.dma_semaphore, #tpu.memory_space<semaphore_mem>>) src(%dma_wait3A_156 : memref<160x128xf32, #tpu.memory_space<hbm>>) dst(%arg12 : memref<160x128xf32, #tpu.memory_space<vmem>>)
      %add3A_157 = arith.constant 0 : i32
      %add3A_158 = arith.addi %add3A_144, %add3A_157 : i32
      %dma_wait3A_159 = tpu.memref_slice %arg3[%add3A_158] : memref<320000xi32, #tpu.memory_space<hbm>> -> memref<80xi32, #tpu.memory_space<hbm>>
      %dma_wait3A_160 = tpu.memref_slice %arg3[%add3A_158] : memref<320000xi32, #tpu.memory_space<hbm>> -> memref<80xi32, #tpu.memory_space<hbm>>
      tpu.wait_dma2 semaphore(%arg14 : memref<!tpu.dma_semaphore, #tpu.memory_space<semaphore_mem>>) src(%dma_wait3A_160 : memref<80xi32, #tpu.memory_space<hbm>>) dst(%arg9 : memref<80xi32, #tpu.memory_space<vmem>>)
      %add3A_161 = arith.constant 80 : i32
      %add3A_162 = arith.addi %add3A_144, %add3A_161 : i32
      %dma_wait3A_163 = tpu.memref_slice %arg3[%add3A_162] : memref<320000xi32, #tpu.memory_space<hbm>> -> memref<80xi32, #tpu.memory_space<hbm>>
      %dma_wait3A_164 = tpu.memref_slice %arg3[%add3A_162] : memref<320000xi32, #tpu.memory_space<hbm>> -> memref<80xi32, #tpu.memory_space<hbm>>
      tpu.wait_dma2 semaphore(%arg14 : memref<!tpu.dma_semaphore, #tpu.memory_space<semaphore_mem>>) src(%dma_wait3A_164 : memref<80xi32, #tpu.memory_space<hbm>>) dst(%arg10 : memref<80xi32, #tpu.memory_space<vmem>>)
      "tpu.region"() ({
        %run_scoped3A = tpu.sem_alloc : memref<!tpu.dma_semaphore, #tpu.memory_space<semaphore_mem>>
        %dma_start3A_165 = arith.constant 0 : i32
        %dma_start3A_166 = arith.constant 0 : i32
        %dma_start3A_167 = tpu.memref_slice %arg12[%dma_start3A_165, %dma_start3A_166] : memref<160x128xf32, #tpu.memory_space<vmem>> -> memref<80x128xf32, #tpu.memory_space<vmem>>
        %dma_start3A_168 = arith.constant 0 : i32
        %dma_start3A_169 = arith.constant 0 : i32
        %dma_start3A_170 = tpu.memref_slice %arg6[%dma_start3A_168, %dma_start3A_169] : memref<10000x128xf32, #tpu.memory_space<vmem_shared>> -> memref<10000x128xf32, #tpu.memory_space<vmem_shared>>
        tpu.enqueue_indirect_dma source(%dma_start3A_167 : memref<80x128xf32, #tpu.memory_space<vmem>>) target(%dma_start3A_170 : memref<10000x128xf32, #tpu.memory_space<vmem_shared>>) offsets(%arg9 : memref<80xi32, #tpu.memory_space<vmem>>) semaphore(%run_scoped3A : memref<!tpu.dma_semaphore, #tpu.memory_space<semaphore_mem>>) {add = true}
        %dma_wait3A_171 = arith.constant 0 : i32
        %dma_wait3A_172 = arith.constant 0 : i32
        %dma_wait3A_173 = tpu.memref_slice %arg12[%dma_wait3A_171, %dma_wait3A_172] : memref<160x128xf32, #tpu.memory_space<vmem>> -> memref<80x128xf32, #tpu.memory_space<vmem>>
        %dma_wait3A_174 = arith.constant 0 : i32
        %dma_wait3A_175 = arith.constant 0 : i32
        %dma_wait3A_176 = tpu.memref_slice %arg6[%dma_wait3A_174, %dma_wait3A_175] : memref<10000x128xf32, #tpu.memory_space<vmem_shared>> -> memref<10000x128xf32, #tpu.memory_space<vmem_shared>>
        tpu.wait_indirect_dma semaphore(%run_scoped3A : memref<!tpu.dma_semaphore, #tpu.memory_space<semaphore_mem>>) src(%dma_wait3A_173 : memref<80x128xf32, #tpu.memory_space<vmem>>) dst(%dma_wait3A_176 : memref<10000x128xf32, #tpu.memory_space<vmem_shared>>)
        tpu.yield
      }) : () -> ()
      "tpu.region"() ({
        %run_scoped3A = tpu.sem_alloc : memref<!tpu.dma_semaphore, #tpu.memory_space<semaphore_mem>>
        %dma_start3A_165 = arith.constant 80 : i32
        %dma_start3A_166 = arith.constant 0 : i32
        %dma_start3A_167 = tpu.memref_slice %arg12[%dma_start3A_165, %dma_start3A_166] : memref<160x128xf32, #tpu.memory_space<vmem>> -> memref<80x128xf32, #tpu.memory_space<vmem>>
        %dma_start3A_168 = arith.constant 0 : i32
        %dma_start3A_169 = arith.constant 0 : i32
        %dma_start3A_170 = tpu.memref_slice %arg6[%dma_start3A_168, %dma_start3A_169] : memref<10000x128xf32, #tpu.memory_space<vmem_shared>> -> memref<10000x128xf32, #tpu.memory_space<vmem_shared>>
        tpu.enqueue_indirect_dma source(%dma_start3A_167 : memref<80x128xf32, #tpu.memory_space<vmem>>) target(%dma_start3A_170 : memref<10000x128xf32, #tpu.memory_space<vmem_shared>>) offsets(%arg10 : memref<80xi32, #tpu.memory_space<vmem>>) semaphore(%run_scoped3A : memref<!tpu.dma_semaphore, #tpu.memory_space<semaphore_mem>>) {add = true}
        %dma_wait3A_171 = arith.constant 80 : i32
        %dma_wait3A_172 = arith.constant 0 : i32
        %dma_wait3A_173 = tpu.memref_slice %arg12[%dma_wait3A_171, %dma_wait3A_172] : memref<160x128xf32, #tpu.memory_space<vmem>> -> memref<80x128xf32, #tpu.memory_space<vmem>>
        %dma_wait3A_174 = arith.constant 0 : i32
        %dma_wait3A_175 = arith.constant 0 : i32
        %dma_wait3A_176 = tpu.memref_slice %arg6[%dma_wait3A_174, %dma_wait3A_175] : memref<10000x128xf32, #tpu.memory_space<vmem_shared>> -> memref<10000x128xf32, #tpu.memory_space<vmem_shared>>
        tpu.wait_indirect_dma semaphore(%run_scoped3A : memref<!tpu.dma_semaphore, #tpu.memory_space<semaphore_mem>>) src(%dma_wait3A_173 : memref<80x128xf32, #tpu.memory_space<vmem>>) dst(%dma_wait3A_176 : memref<10000x128xf32, #tpu.memory_space<vmem_shared>>)
        tpu.yield
      }) : () -> ()
    }
    %scan3A_30 = arith.constant 62 : i32
    %add3A_31 = arith.constant 19840 : i32
    %add3A_32 = arith.addi %mul3A_6, %add3A_31 : i32
    %dma_wait3A = arith.constant 0 : i32
    %dma_wait3A_33 = arith.constant 0 : i32
    %dma_wait3A_34 = tpu.memref_slice %arg2[%arg0, %dma_wait3A, %dma_wait3A_33] : memref<2x320000x128xf32, #tpu.memory_space<hbm>> -> memref<1x320000x128xf32, #tpu.memory_space<hbm>>
    %dma_wait3A_35 = tpu.memref_squeeze %dma_wait3A_34 : memref<1x320000x128xf32, #tpu.memory_space<hbm>> -> memref<320000x128xf32, #tpu.memory_space<hbm>>
    %dma_wait3A_36 = arith.constant 0 : i32
    %dma_wait3A_37 = tpu.memref_slice %dma_wait3A_35[%add3A_32, %dma_wait3A_36] : memref<320000x128xf32, #tpu.memory_space<hbm>> -> memref<160x128xf32, #tpu.memory_space<hbm>>
    %dma_wait3A_38 = arith.constant 0 : i32
    %dma_wait3A_39 = arith.constant 0 : i32
    %dma_wait3A_40 = tpu.memref_slice %arg2[%arg0, %dma_wait3A_38, %dma_wait3A_39] : memref<2x320000x128xf32, #tpu.memory_space<hbm>> -> memref<1x320000x128xf32, #tpu.memory_space<hbm>>
    %dma_wait3A_41 = tpu.memref_squeeze %dma_wait3A_40 : memref<1x320000x128xf32, #tpu.memory_space<hbm>> -> memref<320000x128xf32, #tpu.memory_space<hbm>>
    %dma_wait3A_42 = arith.constant 0 : i32
    %dma_wait3A_43 = tpu.memref_slice %dma_wait3A_41[%add3A_32, %dma_wait3A_42] : memref<320000x128xf32, #tpu.memory_space<hbm>> -> memref<160x128xf32, #tpu.memory_space<hbm>>
    tpu.wait_dma2 semaphore(%arg13 : memref<!tpu.dma_semaphore, #tpu.memory_space<semaphore_mem>>) src(%dma_wait3A_43 : memref<160x128xf32, #tpu.memory_space<hbm>>) dst(%arg11 : memref<160x128xf32, #tpu.memory_space<vmem>>)
    %add3A_44 = arith.constant 0 : i32
    %add3A_45 = arith.addi %add3A_32, %add3A_44 : i32
    %dma_wait3A_46 = tpu.memref_slice %arg3[%add3A_45] : memref<320000xi32, #tpu.memory_space<hbm>> -> memref<80xi32, #tpu.memory_space<hbm>>
    %dma_wait3A_47 = tpu.memref_slice %arg3[%add3A_45] : memref<320000xi32, #tpu.memory_space<hbm>> -> memref<80xi32, #tpu.memory_space<hbm>>
    tpu.wait_dma2 semaphore(%arg13 : memref<!tpu.dma_semaphore, #tpu.memory_space<semaphore_mem>>) src(%dma_wait3A_47 : memref<80xi32, #tpu.memory_space<hbm>>) dst(%arg7 : memref<80xi32, #tpu.memory_space<vmem>>)
    %add3A_48 = arith.constant 80 : i32
    %add3A_49 = arith.addi %add3A_32, %add3A_48 : i32
    %dma_wait3A_50 = tpu.memref_slice %arg3[%add3A_49] : memref<320000xi32, #tpu.memory_space<hbm>> -> memref<80xi32, #tpu.memory_space<hbm>>
    %dma_wait3A_51 = tpu.memref_slice %arg3[%add3A_49] : memref<320000xi32, #tpu.memory_space<hbm>> -> memref<80xi32, #tpu.memory_space<hbm>>
    tpu.wait_dma2 semaphore(%arg13 : memref<!tpu.dma_semaphore, #tpu.memory_space<semaphore_mem>>) src(%dma_wait3A_51 : memref<80xi32, #tpu.memory_space<hbm>>) dst(%arg8 : memref<80xi32, #tpu.memory_space<vmem>>)
    "tpu.region"() ({
      %run_scoped3A = tpu.sem_alloc : memref<!tpu.dma_semaphore, #tpu.memory_space<semaphore_mem>>
      %dma_start3A_62 = arith.constant 0 : i32
      %dma_start3A_63 = arith.constant 0 : i32
      %dma_start3A_64 = tpu.memref_slice %arg11[%dma_start3A_62, %dma_start3A_63] : memref<160x128xf32, #tpu.memory_space<vmem>> -> memref<80x128xf32, #tpu.memory_space<vmem>>
      %dma_start3A_65 = arith.constant 0 : i32
      %dma_start3A_66 = arith.constant 0 : i32
      %dma_start3A_67 = tpu.memref_slice %arg6[%dma_start3A_65, %dma_start3A_66] : memref<10000x128xf32, #tpu.memory_space<vmem_shared>> -> memref<10000x128xf32, #tpu.memory_space<vmem_shared>>
      tpu.enqueue_indirect_dma source(%dma_start3A_64 : memref<80x128xf32, #tpu.memory_space<vmem>>) target(%dma_start3A_67 : memref<10000x128xf32, #tpu.memory_space<vmem_shared>>) offsets(%arg7 : memref<80xi32, #tpu.memory_space<vmem>>) semaphore(%run_scoped3A : memref<!tpu.dma_semaphore, #tpu.memory_space<semaphore_mem>>) {add = true}
      %dma_wait3A_68 = arith.constant 0 : i32
      %dma_wait3A_69 = arith.constant 0 : i32
      %dma_wait3A_70 = tpu.memref_slice %arg11[%dma_wait3A_68, %dma_wait3A_69] : memref<160x128xf32, #tpu.memory_space<vmem>> -> memref<80x128xf32, #tpu.memory_space<vmem>>
      %dma_wait3A_71 = arith.constant 0 : i32
      %dma_wait3A_72 = arith.constant 0 : i32
      %dma_wait3A_73 = tpu.memref_slice %arg6[%dma_wait3A_71, %dma_wait3A_72] : memref<10000x128xf32, #tpu.memory_space<vmem_shared>> -> memref<10000x128xf32, #tpu.memory_space<vmem_shared>>
      tpu.wait_indirect_dma semaphore(%run_scoped3A : memref<!tpu.dma_semaphore, #tpu.memory_space<semaphore_mem>>) src(%dma_wait3A_70 : memref<80x128xf32, #tpu.memory_space<vmem>>) dst(%dma_wait3A_73 : memref<10000x128xf32, #tpu.memory_space<vmem_shared>>)
      tpu.yield
    }) : () -> ()
    "tpu.region"() ({
      %run_scoped3A = tpu.sem_alloc : memref<!tpu.dma_semaphore, #tpu.memory_space<semaphore_mem>>
      %dma_start3A_62 = arith.constant 80 : i32
      %dma_start3A_63 = arith.constant 0 : i32
      %dma_start3A_64 = tpu.memref_slice %arg11[%dma_start3A_62, %dma_start3A_63] : memref<160x128xf32, #tpu.memory_space<vmem>> -> memref<80x128xf32, #tpu.memory_space<vmem>>
      %dma_start3A_65 = arith.constant 0 : i32
      %dma_start3A_66 = arith.constant 0 : i32
      %dma_start3A_67 = tpu.memref_slice %arg6[%dma_start3A_65, %dma_start3A_66] : memref<10000x128xf32, #tpu.memory_space<vmem_shared>> -> memref<10000x128xf32, #tpu.memory_space<vmem_shared>>
      tpu.enqueue_indirect_dma source(%dma_start3A_64 : memref<80x128xf32, #tpu.memory_space<vmem>>) target(%dma_start3A_67 : memref<10000x128xf32, #tpu.memory_space<vmem_shared>>) offsets(%arg8 : memref<80xi32, #tpu.memory_space<vmem>>) semaphore(%run_scoped3A : memref<!tpu.dma_semaphore, #tpu.memory_space<semaphore_mem>>) {add = true}
      %dma_wait3A_68 = arith.constant 80 : i32
      %dma_wait3A_69 = arith.constant 0 : i32
      %dma_wait3A_70 = tpu.memref_slice %arg11[%dma_wait3A_68, %dma_wait3A_69] : memref<160x128xf32, #tpu.memory_space<vmem>> -> memref<80x128xf32, #tpu.memory_space<vmem>>
      %dma_wait3A_71 = arith.constant 0 : i32
      %dma_wait3A_72 = arith.constant 0 : i32
      %dma_wait3A_73 = tpu.memref_slice %arg6[%dma_wait3A_71, %dma_wait3A_72] : memref<10000x128xf32, #tpu.memory_space<vmem_shared>> -> memref<10000x128xf32, #tpu.memory_space<vmem_shared>>
      tpu.wait_indirect_dma semaphore(%run_scoped3A : memref<!tpu.dma_semaphore, #tpu.memory_space<semaphore_mem>>) src(%dma_wait3A_70 : memref<80x128xf32, #tpu.memory_space<vmem>>) dst(%dma_wait3A_73 : memref<10000x128xf32, #tpu.memory_space<vmem_shared>>)
      tpu.yield
    }) : () -> ()
    %barrier3A_52 = arith.constant 0 : index
    tpu.barrier barrier_id(%barrier3A_52)
    %mul3A_53 = arith.constant 624 : i32
    %mul3A_54 = arith.muli %arg1, %mul3A_53 : i32
    %mul3A_55 = arith.constant 624 : i32
    %mul3A_56 = arith.muli %arg1, %mul3A_55 : i32
    "tpu.region"() ({
      %run_scoped3A = tpu.sem_alloc : memref<!tpu.dma_semaphore, #tpu.memory_space<semaphore_mem>>
      %dma_start3A_62 = arith.constant 0 : i32
      %dma_start3A_63 = arith.constant 0 : i32
      %dma_start3A_64 = tpu.memref_slice %arg5[%arg0, %dma_start3A_62, %dma_start3A_63] : memref<2x10000x128xf32, #tpu.memory_space<hbm>> -> memref<1x10000x128xf32, #tpu.memory_space<hbm>>
      %dma_start3A_65 = tpu.memref_squeeze %dma_start3A_64 : memref<1x10000x128xf32, #tpu.memory_space<hbm>> -> memref<10000x128xf32, #tpu.memory_space<hbm>>
      %dma_start3A_66 = arith.constant 0 : i32
      %dma_start3A_67 = tpu.memref_slice %dma_start3A_65[%mul3A_56, %dma_start3A_66] : memref<10000x128xf32, #tpu.memory_space<hbm>> -> memref<624x128xf32, #tpu.memory_space<hbm>>
      %dma_start3A_68 = arith.constant 0 : i32
      %dma_start3A_69 = tpu.memref_slice %arg6[%mul3A_54, %dma_start3A_68] : memref<10000x128xf32, #tpu.memory_space<vmem_shared>> -> memref<624x128xf32, #tpu.memory_space<vmem_shared>>
      tpu.enqueue_dma source(%dma_start3A_69 : memref<624x128xf32, #tpu.memory_space<vmem_shared>>) target(%dma_start3A_67 : memref<624x128xf32, #tpu.memory_space<hbm>>) target_semaphore(%run_scoped3A : memref<!tpu.dma_semaphore, #tpu.memory_space<semaphore_mem>>)
      %dma_wait3A_70 = arith.constant 0 : i32
      %dma_wait3A_71 = arith.constant 0 : i32
      %dma_wait3A_72 = tpu.memref_slice %arg5[%arg0, %dma_wait3A_70, %dma_wait3A_71] : memref<2x10000x128xf32, #tpu.memory_space<hbm>> -> memref<1x10000x128xf32, #tpu.memory_space<hbm>>
      %dma_wait3A_73 = tpu.memref_squeeze %dma_wait3A_72 : memref<1x10000x128xf32, #tpu.memory_space<hbm>> -> memref<10000x128xf32, #tpu.memory_space<hbm>>
      %dma_wait3A_74 = arith.constant 0 : i32
      %dma_wait3A_75 = tpu.memref_slice %dma_wait3A_73[%mul3A_56, %dma_wait3A_74] : memref<10000x128xf32, #tpu.memory_space<hbm>> -> memref<624x128xf32, #tpu.memory_space<hbm>>
      %dma_wait3A_76 = arith.constant 0 : i32
      %dma_wait3A_77 = tpu.memref_slice %arg6[%mul3A_54, %dma_wait3A_76] : memref<10000x128xf32, #tpu.memory_space<vmem_shared>> -> memref<624x128xf32, #tpu.memory_space<vmem_shared>>
      tpu.wait_dma2 semaphore(%run_scoped3A : memref<!tpu.dma_semaphore, #tpu.memory_space<semaphore_mem>>) src(%dma_wait3A_77 : memref<624x128xf32, #tpu.memory_space<vmem_shared>>) dst(%dma_wait3A_75 : memref<624x128xf32, #tpu.memory_space<hbm>>)
      tpu.yield
    }) : () -> ()
    %eq3A_57 = arith.constant 0 : i32
    %eq3A_58 = arith.cmpi eq, %arg1, %eq3A_57 : i32
    %convert_element_type3A_59 = arith.extui %eq3A_58 : i1 to i32
    %cond3A_60 = arith.constant 0 : i32
    %cond3A_61 = arith.cmpi ne, %convert_element_type3A_59, %cond3A_60 : i32
    scf.if %cond3A_61 {
      "tpu.region"() ({
        %run_scoped3A = tpu.sem_alloc : memref<!tpu.dma_semaphore, #tpu.memory_space<semaphore_mem>>
        %dma_start3A_62 = arith.constant 0 : i32
        %dma_start3A_63 = arith.constant 0 : i32
        %dma_start3A_64 = tpu.memref_slice %arg5[%arg0, %dma_start3A_62, %dma_start3A_63] : memref<2x10000x128xf32, #tpu.memory_space<hbm>> -> memref<1x10000x128xf32, #tpu.memory_space<hbm>>
        %dma_start3A_65 = tpu.memref_squeeze %dma_start3A_64 : memref<1x10000x128xf32, #tpu.memory_space<hbm>> -> memref<10000x128xf32, #tpu.memory_space<hbm>>
        %dma_start3A_66 = arith.constant 9984 : i32
        %dma_start3A_67 = arith.constant 0 : i32
        %dma_start3A_68 = tpu.memref_slice %dma_start3A_65[%dma_start3A_66, %dma_start3A_67] : memref<10000x128xf32, #tpu.memory_space<hbm>> -> memref<16x128xf32, #tpu.memory_space<hbm>>
        %dma_start3A_69 = arith.constant 9984 : i32
        %dma_start3A_70 = arith.constant 0 : i32
        %dma_start3A_71 = tpu.memref_slice %arg6[%dma_start3A_69, %dma_start3A_70] : memref<10000x128xf32, #tpu.memory_space<vmem_shared>> -> memref<16x128xf32, #tpu.memory_space<vmem_shared>>
        tpu.enqueue_dma source(%dma_start3A_71 : memref<16x128xf32, #tpu.memory_space<vmem_shared>>) target(%dma_start3A_68 : memref<16x128xf32, #tpu.memory_space<hbm>>) target_semaphore(%run_scoped3A : memref<!tpu.dma_semaphore, #tpu.memory_space<semaphore_mem>>)
        %dma_wait3A_72 = arith.constant 0 : i32
        %dma_wait3A_73 = arith.constant 0 : i32
        %dma_wait3A_74 = tpu.memref_slice %arg5[%arg0, %dma_wait3A_72, %dma_wait3A_73] : memref<2x10000x128xf32, #tpu.memory_space<hbm>> -> memref<1x10000x128xf32, #tpu.memory_space<hbm>>
        %dma_wait3A_75 = tpu.memref_squeeze %dma_wait3A_74 : memref<1x10000x128xf32, #tpu.memory_space<hbm>> -> memref<10000x128xf32, #tpu.memory_space<hbm>>
        %dma_wait3A_76 = arith.constant 9984 : i32
        %dma_wait3A_77 = arith.constant 0 : i32
        %dma_wait3A_78 = tpu.memref_slice %dma_wait3A_75[%dma_wait3A_76, %dma_wait3A_77] : memref<10000x128xf32, #tpu.memory_space<hbm>> -> memref<16x128xf32, #tpu.memory_space<hbm>>
        %dma_wait3A_79 = arith.constant 9984 : i32
        %dma_wait3A_80 = arith.constant 0 : i32
        %dma_wait3A_81 = tpu.memref_slice %arg6[%dma_wait3A_79, %dma_wait3A_80] : memref<10000x128xf32, #tpu.memory_space<vmem_shared>> -> memref<16x128xf32, #tpu.memory_space<vmem_shared>>
        tpu.wait_dma2 semaphore(%run_scoped3A : memref<!tpu.dma_semaphore, #tpu.memory_space<semaphore_mem>>) src(%dma_wait3A_81 : memref<16x128xf32, #tpu.memory_space<vmem_shared>>) dst(%dma_wait3A_78 : memref<16x128xf32, #tpu.memory_space<hbm>>)
        tpu.yield
      }) : () -> ()
    } else {
    }
    return
  }
}

#map = affine_map<(d0, d1) -> (0, 0)>
#map1 = affine_map<(d0, d1) -> (0)>
module attributes {stable_mosaic.version = 14 : i64} {
  func.func @k(%arg0: i32, %arg1: i32, %arg2: memref<10000x128xf32, #tpu.memory_space<hbm>>, %arg3: memref<320000xi32, #tpu.memory_space<hbm>>, %arg4: memref<320000x128xf32, #tpu.memory_space<hbm>>, %arg5: memref<400xi32, #tpu.memory_space<vmem>>, %arg6: memref<400xi32, #tpu.memory_space<vmem>>, %arg7: memref<400x128xf32, #tpu.memory_space<vmem>>, %arg8: memref<400x128xf32, #tpu.memory_space<vmem>>, %arg9: memref<!tpu.dma_semaphore, #tpu.memory_space<semaphore_mem>>, %arg10: memref<!tpu.dma_semaphore, #tpu.memory_space<semaphore_mem>>, %arg11: memref<!tpu.dma_semaphore, #tpu.memory_space<semaphore_mem>>, %arg12: memref<!tpu.dma_semaphore, #tpu.memory_space<semaphore_mem>>, %arg13: memref<!tpu.dma_semaphore, #tpu.memory_space<semaphore_mem>>, %arg14: memref<!tpu.dma_semaphore, #tpu.memory_space<semaphore_mem>>) attributes {dimension_semantics = [#tpu.dimension_semantics<core_parallel>, #tpu.dimension_semantics<subcore_parallel>], iteration_bounds = array<i64: 2, 16>, scalar_prefetch = 0 : i64, scratch_operands = 10 : i64, tpu.core_type = #tpu.core_type<sc_vector_subcore>, window_params = [{transform_indices = #map}, {transform_indices = #map1}, {transform_indices = #map}]} {
    %mul3A = arith.constant 2 : i32
    %mul3A_0 = arith.muli %arg1, %mul3A : i32
    %add3A = arith.addi %mul3A_0, %arg0 : i32
    %mul3A_1 = arith.constant 10000 : i32
    %mul3A_2 = arith.muli %add3A, %mul3A_1 : i32
    %add3A_3 = arith.constant 0 : i32
    %add3A_4 = arith.addi %mul3A_2, %add3A_3 : i32
    %dma_start3A = tpu.memref_slice %arg3[%add3A_4] : memref<320000xi32, #tpu.memory_space<hbm>> -> memref<400xi32, #tpu.memory_space<hbm>>
    %dma_start3A_5 = tpu.memref_slice %arg3[%add3A_4] : memref<320000xi32, #tpu.memory_space<hbm>> -> memref<400xi32, #tpu.memory_space<hbm>>
    tpu.enqueue_dma source(%dma_start3A_5 : memref<400xi32, #tpu.memory_space<hbm>>) target(%arg5 : memref<400xi32, #tpu.memory_space<vmem>>) target_semaphore(%arg9 : memref<!tpu.dma_semaphore, #tpu.memory_space<semaphore_mem>>)
    %scan3A = arith.constant 0 : i32
    %scan3A_6 = arith.constant 12 : i32
    %scan3A_7 = arith.addi %scan3A, %scan3A_6 : i32
    %scan3A_8 = arith.constant 1 : i32
    scf.for %scan3A_109 = %scan3A to %scan3A_7 step %scan3A_8  : i32 {
      %mul3A_110 = arith.constant 2 : i32
      %mul3A_111 = arith.muli %scan3A_109, %mul3A_110 : i32
      %add3A_112 = arith.constant 0 : i32
      %add3A_113 = arith.addi %add3A_112, %mul3A_111 : i32
      %add3A_114 = arith.constant 1 : i32
      %add3A_115 = arith.addi %add3A_113, %add3A_114 : i32
      %mul3A_116 = arith.constant 400 : i32
      %mul3A_117 = arith.muli %add3A_115, %mul3A_116 : i32
      %add3A_118 = arith.addi %mul3A_2, %mul3A_117 : i32
      %dma_start3A_119 = tpu.memref_slice %arg3[%add3A_118] : memref<320000xi32, #tpu.memory_space<hbm>> -> memref<400xi32, #tpu.memory_space<hbm>>
      %dma_start3A_120 = tpu.memref_slice %arg3[%add3A_118] : memref<320000xi32, #tpu.memory_space<hbm>> -> memref<400xi32, #tpu.memory_space<hbm>>
      tpu.enqueue_dma source(%dma_start3A_120 : memref<400xi32, #tpu.memory_space<hbm>>) target(%arg6 : memref<400xi32, #tpu.memory_space<vmem>>) target_semaphore(%arg10 : memref<!tpu.dma_semaphore, #tpu.memory_space<semaphore_mem>>)
      %mul3A_121 = arith.constant 400 : i32
      %mul3A_122 = arith.muli %add3A_113, %mul3A_121 : i32
      %add3A_123 = arith.addi %mul3A_2, %mul3A_122 : i32
      %dma_wait3A_124 = tpu.memref_slice %arg3[%add3A_123] : memref<320000xi32, #tpu.memory_space<hbm>> -> memref<400xi32, #tpu.memory_space<hbm>>
      %dma_wait3A_125 = tpu.memref_slice %arg3[%add3A_123] : memref<320000xi32, #tpu.memory_space<hbm>> -> memref<400xi32, #tpu.memory_space<hbm>>
      tpu.wait_dma2 semaphore(%arg9 : memref<!tpu.dma_semaphore, #tpu.memory_space<semaphore_mem>>) src(%dma_wait3A_125 : memref<400xi32, #tpu.memory_space<hbm>>) dst(%arg5 : memref<400xi32, #tpu.memory_space<vmem>>)
      %ge3A = arith.constant 2 : i32
      %ge3A_126 = arith.cmpi sge, %add3A_113, %ge3A : i32
      %convert_element_type3A = arith.extui %ge3A_126 : i1 to i32
      %cond3A = arith.constant 0 : i32
      %cond3A_127 = arith.cmpi ne, %convert_element_type3A, %cond3A : i32
      scf.if %cond3A_127 {
        %dma_wait3A_315 = arith.constant 0 : i32
        %dma_wait3A_316 = tpu.memref_slice %arg4[%add3A_123, %dma_wait3A_315] : memref<320000x128xf32, #tpu.memory_space<hbm>> -> memref<400x128xf32, #tpu.memory_space<hbm>>
        %dma_wait3A_317 = arith.constant 0 : i32
        %dma_wait3A_318 = tpu.memref_slice %arg4[%add3A_123, %dma_wait3A_317] : memref<320000x128xf32, #tpu.memory_space<hbm>> -> memref<400x128xf32, #tpu.memory_space<hbm>>
        tpu.wait_dma2 semaphore(%arg13 : memref<!tpu.dma_semaphore, #tpu.memory_space<semaphore_mem>>) src(%arg7 : memref<400x128xf32, #tpu.memory_space<vmem>>) dst(%dma_wait3A_318 : memref<400x128xf32, #tpu.memory_space<hbm>>)
      } else {
      }
      %dma_start3A_128 = arith.constant 0 : i32
      %dma_start3A_129 = arith.constant 0 : i32
      %dma_start3A_130 = tpu.memref_slice %arg7[%dma_start3A_128, %dma_start3A_129] : memref<400x128xf32, #tpu.memory_space<vmem>> -> memref<80x128xf32, #tpu.memory_space<vmem>>
      %dma_start3A_131 = arith.constant 0 : i32
      %dma_start3A_132 = tpu.memref_slice %arg5[%dma_start3A_131] : memref<400xi32, #tpu.memory_space<vmem>> -> memref<80xi32, #tpu.memory_space<vmem>>
      %dma_start3A_133 = arith.constant 0 : i32
      %dma_start3A_134 = arith.constant 0 : i32
      %dma_start3A_135 = tpu.memref_slice %arg2[%dma_start3A_133, %dma_start3A_134] : memref<10000x128xf32, #tpu.memory_space<hbm>> -> memref<10000x128xf32, #tpu.memory_space<hbm>>
      tpu.enqueue_indirect_dma source(%dma_start3A_135 : memref<10000x128xf32, #tpu.memory_space<hbm>>) target(%dma_start3A_130 : memref<80x128xf32, #tpu.memory_space<vmem>>) offsets(%dma_start3A_132 : memref<80xi32, #tpu.memory_space<vmem>>) semaphore(%arg11 : memref<!tpu.dma_semaphore, #tpu.memory_space<semaphore_mem>>)
      %dma_start3A_136 = arith.constant 80 : i32
      %dma_start3A_137 = arith.constant 0 : i32
      %dma_start3A_138 = tpu.memref_slice %arg7[%dma_start3A_136, %dma_start3A_137] : memref<400x128xf32, #tpu.memory_space<vmem>> -> memref<80x128xf32, #tpu.memory_space<vmem>>
      %dma_start3A_139 = arith.constant 80 : i32
      %dma_start3A_140 = tpu.memref_slice %arg5[%dma_start3A_139] : memref<400xi32, #tpu.memory_space<vmem>> -> memref<80xi32, #tpu.memory_space<vmem>>
      %dma_start3A_141 = arith.constant 0 : i32
      %dma_start3A_142 = arith.constant 0 : i32
      %dma_start3A_143 = tpu.memref_slice %arg2[%dma_start3A_141, %dma_start3A_142] : memref<10000x128xf32, #tpu.memory_space<hbm>> -> memref<10000x128xf32, #tpu.memory_space<hbm>>
      tpu.enqueue_indirect_dma source(%dma_start3A_143 : memref<10000x128xf32, #tpu.memory_space<hbm>>) target(%dma_start3A_138 : memref<80x128xf32, #tpu.memory_space<vmem>>) offsets(%dma_start3A_140 : memref<80xi32, #tpu.memory_space<vmem>>) semaphore(%arg11 : memref<!tpu.dma_semaphore, #tpu.memory_space<semaphore_mem>>)
      %dma_start3A_144 = arith.constant 160 : i32
      %dma_start3A_145 = arith.constant 0 : i32
      %dma_start3A_146 = tpu.memref_slice %arg7[%dma_start3A_144, %dma_start3A_145] : memref<400x128xf32, #tpu.memory_space<vmem>> -> memref<80x128xf32, #tpu.memory_space<vmem>>
      %dma_start3A_147 = arith.constant 160 : i32
      %dma_start3A_148 = tpu.memref_slice %arg5[%dma_start3A_147] : memref<400xi32, #tpu.memory_space<vmem>> -> memref<80xi32, #tpu.memory_space<vmem>>
      %dma_start3A_149 = arith.constant 0 : i32
      %dma_start3A_150 = arith.constant 0 : i32
      %dma_start3A_151 = tpu.memref_slice %arg2[%dma_start3A_149, %dma_start3A_150] : memref<10000x128xf32, #tpu.memory_space<hbm>> -> memref<10000x128xf32, #tpu.memory_space<hbm>>
      tpu.enqueue_indirect_dma source(%dma_start3A_151 : memref<10000x128xf32, #tpu.memory_space<hbm>>) target(%dma_start3A_146 : memref<80x128xf32, #tpu.memory_space<vmem>>) offsets(%dma_start3A_148 : memref<80xi32, #tpu.memory_space<vmem>>) semaphore(%arg11 : memref<!tpu.dma_semaphore, #tpu.memory_space<semaphore_mem>>)
      %dma_start3A_152 = arith.constant 240 : i32
      %dma_start3A_153 = arith.constant 0 : i32
      %dma_start3A_154 = tpu.memref_slice %arg7[%dma_start3A_152, %dma_start3A_153] : memref<400x128xf32, #tpu.memory_space<vmem>> -> memref<80x128xf32, #tpu.memory_space<vmem>>
      %dma_start3A_155 = arith.constant 240 : i32
      %dma_start3A_156 = tpu.memref_slice %arg5[%dma_start3A_155] : memref<400xi32, #tpu.memory_space<vmem>> -> memref<80xi32, #tpu.memory_space<vmem>>
      %dma_start3A_157 = arith.constant 0 : i32
      %dma_start3A_158 = arith.constant 0 : i32
      %dma_start3A_159 = tpu.memref_slice %arg2[%dma_start3A_157, %dma_start3A_158] : memref<10000x128xf32, #tpu.memory_space<hbm>> -> memref<10000x128xf32, #tpu.memory_space<hbm>>
      tpu.enqueue_indirect_dma source(%dma_start3A_159 : memref<10000x128xf32, #tpu.memory_space<hbm>>) target(%dma_start3A_154 : memref<80x128xf32, #tpu.memory_space<vmem>>) offsets(%dma_start3A_156 : memref<80xi32, #tpu.memory_space<vmem>>) semaphore(%arg11 : memref<!tpu.dma_semaphore, #tpu.memory_space<semaphore_mem>>)
      %dma_start3A_160 = arith.constant 320 : i32
      %dma_start3A_161 = arith.constant 0 : i32
      %dma_start3A_162 = tpu.memref_slice %arg7[%dma_start3A_160, %dma_start3A_161] : memref<400x128xf32, #tpu.memory_space<vmem>> -> memref<80x128xf32, #tpu.memory_space<vmem>>
      %dma_start3A_163 = arith.constant 320 : i32
      %dma_start3A_164 = tpu.memref_slice %arg5[%dma_start3A_163] : memref<400xi32, #tpu.memory_space<vmem>> -> memref<80xi32, #tpu.memory_space<vmem>>
      %dma_start3A_165 = arith.constant 0 : i32
      %dma_start3A_166 = arith.constant 0 : i32
      %dma_start3A_167 = tpu.memref_slice %arg2[%dma_start3A_165, %dma_start3A_166] : memref<10000x128xf32, #tpu.memory_space<hbm>> -> memref<10000x128xf32, #tpu.memory_space<hbm>>
      tpu.enqueue_indirect_dma source(%dma_start3A_167 : memref<10000x128xf32, #tpu.memory_space<hbm>>) target(%dma_start3A_162 : memref<80x128xf32, #tpu.memory_space<vmem>>) offsets(%dma_start3A_164 : memref<80xi32, #tpu.memory_space<vmem>>) semaphore(%arg11 : memref<!tpu.dma_semaphore, #tpu.memory_space<semaphore_mem>>)
      %dma_wait3A_168 = arith.constant 0 : i32
      %dma_wait3A_169 = arith.constant 0 : i32
      %dma_wait3A_170 = tpu.memref_slice %arg7[%dma_wait3A_168, %dma_wait3A_169] : memref<400x128xf32, #tpu.memory_space<vmem>> -> memref<80x128xf32, #tpu.memory_space<vmem>>
      %dma_wait3A_171 = arith.constant 0 : i32
      %dma_wait3A_172 = tpu.memref_slice %arg5[%dma_wait3A_171] : memref<400xi32, #tpu.memory_space<vmem>> -> memref<80xi32, #tpu.memory_space<vmem>>
      %dma_wait3A_173 = arith.constant 0 : i32
      %dma_wait3A_174 = arith.constant 0 : i32
      %dma_wait3A_175 = tpu.memref_slice %arg2[%dma_wait3A_173, %dma_wait3A_174] : memref<10000x128xf32, #tpu.memory_space<hbm>> -> memref<10000x128xf32, #tpu.memory_space<hbm>>
      tpu.wait_indirect_dma semaphore(%arg11 : memref<!tpu.dma_semaphore, #tpu.memory_space<semaphore_mem>>) src(%dma_wait3A_175 : memref<10000x128xf32, #tpu.memory_space<hbm>>) dst(%dma_wait3A_170 : memref<80x128xf32, #tpu.memory_space<vmem>>)
      %dma_wait3A_176 = arith.constant 80 : i32
      %dma_wait3A_177 = arith.constant 0 : i32
      %dma_wait3A_178 = tpu.memref_slice %arg7[%dma_wait3A_176, %dma_wait3A_177] : memref<400x128xf32, #tpu.memory_space<vmem>> -> memref<80x128xf32, #tpu.memory_space<vmem>>
      %dma_wait3A_179 = arith.constant 80 : i32
      %dma_wait3A_180 = tpu.memref_slice %arg5[%dma_wait3A_179] : memref<400xi32, #tpu.memory_space<vmem>> -> memref<80xi32, #tpu.memory_space<vmem>>
      %dma_wait3A_181 = arith.constant 0 : i32
      %dma_wait3A_182 = arith.constant 0 : i32
      %dma_wait3A_183 = tpu.memref_slice %arg2[%dma_wait3A_181, %dma_wait3A_182] : memref<10000x128xf32, #tpu.memory_space<hbm>> -> memref<10000x128xf32, #tpu.memory_space<hbm>>
      tpu.wait_indirect_dma semaphore(%arg11 : memref<!tpu.dma_semaphore, #tpu.memory_space<semaphore_mem>>) src(%dma_wait3A_183 : memref<10000x128xf32, #tpu.memory_space<hbm>>) dst(%dma_wait3A_178 : memref<80x128xf32, #tpu.memory_space<vmem>>)
      %dma_wait3A_184 = arith.constant 160 : i32
      %dma_wait3A_185 = arith.constant 0 : i32
      %dma_wait3A_186 = tpu.memref_slice %arg7[%dma_wait3A_184, %dma_wait3A_185] : memref<400x128xf32, #tpu.memory_space<vmem>> -> memref<80x128xf32, #tpu.memory_space<vmem>>
      %dma_wait3A_187 = arith.constant 160 : i32
      %dma_wait3A_188 = tpu.memref_slice %arg5[%dma_wait3A_187] : memref<400xi32, #tpu.memory_space<vmem>> -> memref<80xi32, #tpu.memory_space<vmem>>
      %dma_wait3A_189 = arith.constant 0 : i32
      %dma_wait3A_190 = arith.constant 0 : i32
      %dma_wait3A_191 = tpu.memref_slice %arg2[%dma_wait3A_189, %dma_wait3A_190] : memref<10000x128xf32, #tpu.memory_space<hbm>> -> memref<10000x128xf32, #tpu.memory_space<hbm>>
      tpu.wait_indirect_dma semaphore(%arg11 : memref<!tpu.dma_semaphore, #tpu.memory_space<semaphore_mem>>) src(%dma_wait3A_191 : memref<10000x128xf32, #tpu.memory_space<hbm>>) dst(%dma_wait3A_186 : memref<80x128xf32, #tpu.memory_space<vmem>>)
      %dma_wait3A_192 = arith.constant 240 : i32
      %dma_wait3A_193 = arith.constant 0 : i32
      %dma_wait3A_194 = tpu.memref_slice %arg7[%dma_wait3A_192, %dma_wait3A_193] : memref<400x128xf32, #tpu.memory_space<vmem>> -> memref<80x128xf32, #tpu.memory_space<vmem>>
      %dma_wait3A_195 = arith.constant 240 : i32
      %dma_wait3A_196 = tpu.memref_slice %arg5[%dma_wait3A_195] : memref<400xi32, #tpu.memory_space<vmem>> -> memref<80xi32, #tpu.memory_space<vmem>>
      %dma_wait3A_197 = arith.constant 0 : i32
      %dma_wait3A_198 = arith.constant 0 : i32
      %dma_wait3A_199 = tpu.memref_slice %arg2[%dma_wait3A_197, %dma_wait3A_198] : memref<10000x128xf32, #tpu.memory_space<hbm>> -> memref<10000x128xf32, #tpu.memory_space<hbm>>
      tpu.wait_indirect_dma semaphore(%arg11 : memref<!tpu.dma_semaphore, #tpu.memory_space<semaphore_mem>>) src(%dma_wait3A_199 : memref<10000x128xf32, #tpu.memory_space<hbm>>) dst(%dma_wait3A_194 : memref<80x128xf32, #tpu.memory_space<vmem>>)
      %dma_wait3A_200 = arith.constant 320 : i32
      %dma_wait3A_201 = arith.constant 0 : i32
      %dma_wait3A_202 = tpu.memref_slice %arg7[%dma_wait3A_200, %dma_wait3A_201] : memref<400x128xf32, #tpu.memory_space<vmem>> -> memref<80x128xf32, #tpu.memory_space<vmem>>
      %dma_wait3A_203 = arith.constant 320 : i32
      %dma_wait3A_204 = tpu.memref_slice %arg5[%dma_wait3A_203] : memref<400xi32, #tpu.memory_space<vmem>> -> memref<80xi32, #tpu.memory_space<vmem>>
      %dma_wait3A_205 = arith.constant 0 : i32
      %dma_wait3A_206 = arith.constant 0 : i32
      %dma_wait3A_207 = tpu.memref_slice %arg2[%dma_wait3A_205, %dma_wait3A_206] : memref<10000x128xf32, #tpu.memory_space<hbm>> -> memref<10000x128xf32, #tpu.memory_space<hbm>>
      tpu.wait_indirect_dma semaphore(%arg11 : memref<!tpu.dma_semaphore, #tpu.memory_space<semaphore_mem>>) src(%dma_wait3A_207 : memref<10000x128xf32, #tpu.memory_space<hbm>>) dst(%dma_wait3A_202 : memref<80x128xf32, #tpu.memory_space<vmem>>)
      %dma_start3A_208 = arith.constant 0 : i32
      %dma_start3A_209 = tpu.memref_slice %arg4[%add3A_123, %dma_start3A_208] : memref<320000x128xf32, #tpu.memory_space<hbm>> -> memref<400x128xf32, #tpu.memory_space<hbm>>
      %dma_start3A_210 = arith.constant 0 : i32
      %dma_start3A_211 = tpu.memref_slice %arg4[%add3A_123, %dma_start3A_210] : memref<320000x128xf32, #tpu.memory_space<hbm>> -> memref<400x128xf32, #tpu.memory_space<hbm>>
      tpu.enqueue_dma source(%arg7 : memref<400x128xf32, #tpu.memory_space<vmem>>) target(%dma_start3A_211 : memref<400x128xf32, #tpu.memory_space<hbm>>) target_semaphore(%arg13 : memref<!tpu.dma_semaphore, #tpu.memory_space<semaphore_mem>>)
      %add3A_212 = arith.constant 2 : i32
      %add3A_213 = arith.addi %add3A_113, %add3A_212 : i32
      %mul3A_214 = arith.constant 400 : i32
      %mul3A_215 = arith.muli %add3A_213, %mul3A_214 : i32
      %add3A_216 = arith.addi %mul3A_2, %mul3A_215 : i32
      %dma_start3A_217 = tpu.memref_slice %arg3[%add3A_216] : memref<320000xi32, #tpu.memory_space<hbm>> -> memref<400xi32, #tpu.memory_space<hbm>>
      %dma_start3A_218 = tpu.memref_slice %arg3[%add3A_216] : memref<320000xi32, #tpu.memory_space<hbm>> -> memref<400xi32, #tpu.memory_space<hbm>>
      tpu.enqueue_dma source(%dma_start3A_218 : memref<400xi32, #tpu.memory_space<hbm>>) target(%arg5 : memref<400xi32, #tpu.memory_space<vmem>>) target_semaphore(%arg9 : memref<!tpu.dma_semaphore, #tpu.memory_space<semaphore_mem>>)
      %add3A_219 = arith.constant 1 : i32
      %add3A_220 = arith.addi %add3A_113, %add3A_219 : i32
      %mul3A_221 = arith.constant 400 : i32
      %mul3A_222 = arith.muli %add3A_220, %mul3A_221 : i32
      %add3A_223 = arith.addi %mul3A_2, %mul3A_222 : i32
      %dma_wait3A_224 = tpu.memref_slice %arg3[%add3A_223] : memref<320000xi32, #tpu.memory_space<hbm>> -> memref<400xi32, #tpu.memory_space<hbm>>
      %dma_wait3A_225 = tpu.memref_slice %arg3[%add3A_223] : memref<320000xi32, #tpu.memory_space<hbm>> -> memref<400xi32, #tpu.memory_space<hbm>>
      tpu.wait_dma2 semaphore(%arg10 : memref<!tpu.dma_semaphore, #tpu.memory_space<semaphore_mem>>) src(%dma_wait3A_225 : memref<400xi32, #tpu.memory_space<hbm>>) dst(%arg6 : memref<400xi32, #tpu.memory_space<vmem>>)
      %ge3A_226 = arith.constant 2 : i32
      %ge3A_227 = arith.cmpi sge, %add3A_220, %ge3A_226 : i32
      %convert_element_type3A_228 = arith.extui %ge3A_227 : i1 to i32
      %cond3A_229 = arith.constant 0 : i32
      %cond3A_230 = arith.cmpi ne, %convert_element_type3A_228, %cond3A_229 : i32
      scf.if %cond3A_230 {
        %dma_wait3A_315 = arith.constant 0 : i32
        %dma_wait3A_316 = tpu.memref_slice %arg4[%add3A_223, %dma_wait3A_315] : memref<320000x128xf32, #tpu.memory_space<hbm>> -> memref<400x128xf32, #tpu.memory_space<hbm>>
        %dma_wait3A_317 = arith.constant 0 : i32
        %dma_wait3A_318 = tpu.memref_slice %arg4[%add3A_223, %dma_wait3A_317] : memref<320000x128xf32, #tpu.memory_space<hbm>> -> memref<400x128xf32, #tpu.memory_space<hbm>>
        tpu.wait_dma2 semaphore(%arg14 : memref<!tpu.dma_semaphore, #tpu.memory_space<semaphore_mem>>) src(%arg8 : memref<400x128xf32, #tpu.memory_space<vmem>>) dst(%dma_wait3A_318 : memref<400x128xf32, #tpu.memory_space<hbm>>)
      } else {
      }
      %dma_start3A_231 = arith.constant 0 : i32
      %dma_start3A_232 = arith.constant 0 : i32
      %dma_start3A_233 = tpu.memref_slice %arg8[%dma_start3A_231, %dma_start3A_232] : memref<400x128xf32, #tpu.memory_space<vmem>> -> memref<80x128xf32, #tpu.memory_space<vmem>>
      %dma_start3A_234 = arith.constant 0 : i32
      %dma_start3A_235 = tpu.memref_slice %arg6[%dma_start3A_234] : memref<400xi32, #tpu.memory_space<vmem>> -> memref<80xi32, #tpu.memory_space<vmem>>
      %dma_start3A_236 = arith.constant 0 : i32
      %dma_start3A_237 = arith.constant 0 : i32
      %dma_start3A_238 = tpu.memref_slice %arg2[%dma_start3A_236, %dma_start3A_237] : memref<10000x128xf32, #tpu.memory_space<hbm>> -> memref<10000x128xf32, #tpu.memory_space<hbm>>
      tpu.enqueue_indirect_dma source(%dma_start3A_238 : memref<10000x128xf32, #tpu.memory_space<hbm>>) target(%dma_start3A_233 : memref<80x128xf32, #tpu.memory_space<vmem>>) offsets(%dma_start3A_235 : memref<80xi32, #tpu.memory_space<vmem>>) semaphore(%arg12 : memref<!tpu.dma_semaphore, #tpu.memory_space<semaphore_mem>>)
      %dma_start3A_239 = arith.constant 80 : i32
      %dma_start3A_240 = arith.constant 0 : i32
      %dma_start3A_241 = tpu.memref_slice %arg8[%dma_start3A_239, %dma_start3A_240] : memref<400x128xf32, #tpu.memory_space<vmem>> -> memref<80x128xf32, #tpu.memory_space<vmem>>
      %dma_start3A_242 = arith.constant 80 : i32
      %dma_start3A_243 = tpu.memref_slice %arg6[%dma_start3A_242] : memref<400xi32, #tpu.memory_space<vmem>> -> memref<80xi32, #tpu.memory_space<vmem>>
      %dma_start3A_244 = arith.constant 0 : i32
      %dma_start3A_245 = arith.constant 0 : i32
      %dma_start3A_246 = tpu.memref_slice %arg2[%dma_start3A_244, %dma_start3A_245] : memref<10000x128xf32, #tpu.memory_space<hbm>> -> memref<10000x128xf32, #tpu.memory_space<hbm>>
      tpu.enqueue_indirect_dma source(%dma_start3A_246 : memref<10000x128xf32, #tpu.memory_space<hbm>>) target(%dma_start3A_241 : memref<80x128xf32, #tpu.memory_space<vmem>>) offsets(%dma_start3A_243 : memref<80xi32, #tpu.memory_space<vmem>>) semaphore(%arg12 : memref<!tpu.dma_semaphore, #tpu.memory_space<semaphore_mem>>)
      %dma_start3A_247 = arith.constant 160 : i32
      %dma_start3A_248 = arith.constant 0 : i32
      %dma_start3A_249 = tpu.memref_slice %arg8[%dma_start3A_247, %dma_start3A_248] : memref<400x128xf32, #tpu.memory_space<vmem>> -> memref<80x128xf32, #tpu.memory_space<vmem>>
      %dma_start3A_250 = arith.constant 160 : i32
      %dma_start3A_251 = tpu.memref_slice %arg6[%dma_start3A_250] : memref<400xi32, #tpu.memory_space<vmem>> -> memref<80xi32, #tpu.memory_space<vmem>>
      %dma_start3A_252 = arith.constant 0 : i32
      %dma_start3A_253 = arith.constant 0 : i32
      %dma_start3A_254 = tpu.memref_slice %arg2[%dma_start3A_252, %dma_start3A_253] : memref<10000x128xf32, #tpu.memory_space<hbm>> -> memref<10000x128xf32, #tpu.memory_space<hbm>>
      tpu.enqueue_indirect_dma source(%dma_start3A_254 : memref<10000x128xf32, #tpu.memory_space<hbm>>) target(%dma_start3A_249 : memref<80x128xf32, #tpu.memory_space<vmem>>) offsets(%dma_start3A_251 : memref<80xi32, #tpu.memory_space<vmem>>) semaphore(%arg12 : memref<!tpu.dma_semaphore, #tpu.memory_space<semaphore_mem>>)
      %dma_start3A_255 = arith.constant 240 : i32
      %dma_start3A_256 = arith.constant 0 : i32
      %dma_start3A_257 = tpu.memref_slice %arg8[%dma_start3A_255, %dma_start3A_256] : memref<400x128xf32, #tpu.memory_space<vmem>> -> memref<80x128xf32, #tpu.memory_space<vmem>>
      %dma_start3A_258 = arith.constant 240 : i32
      %dma_start3A_259 = tpu.memref_slice %arg6[%dma_start3A_258] : memref<400xi32, #tpu.memory_space<vmem>> -> memref<80xi32, #tpu.memory_space<vmem>>
      %dma_start3A_260 = arith.constant 0 : i32
      %dma_start3A_261 = arith.constant 0 : i32
      %dma_start3A_262 = tpu.memref_slice %arg2[%dma_start3A_260, %dma_start3A_261] : memref<10000x128xf32, #tpu.memory_space<hbm>> -> memref<10000x128xf32, #tpu.memory_space<hbm>>
      tpu.enqueue_indirect_dma source(%dma_start3A_262 : memref<10000x128xf32, #tpu.memory_space<hbm>>) target(%dma_start3A_257 : memref<80x128xf32, #tpu.memory_space<vmem>>) offsets(%dma_start3A_259 : memref<80xi32, #tpu.memory_space<vmem>>) semaphore(%arg12 : memref<!tpu.dma_semaphore, #tpu.memory_space<semaphore_mem>>)
      %dma_start3A_263 = arith.constant 320 : i32
      %dma_start3A_264 = arith.constant 0 : i32
      %dma_start3A_265 = tpu.memref_slice %arg8[%dma_start3A_263, %dma_start3A_264] : memref<400x128xf32, #tpu.memory_space<vmem>> -> memref<80x128xf32, #tpu.memory_space<vmem>>
      %dma_start3A_266 = arith.constant 320 : i32
      %dma_start3A_267 = tpu.memref_slice %arg6[%dma_start3A_266] : memref<400xi32, #tpu.memory_space<vmem>> -> memref<80xi32, #tpu.memory_space<vmem>>
      %dma_start3A_268 = arith.constant 0 : i32
      %dma_start3A_269 = arith.constant 0 : i32
      %dma_start3A_270 = tpu.memref_slice %arg2[%dma_start3A_268, %dma_start3A_269] : memref<10000x128xf32, #tpu.memory_space<hbm>> -> memref<10000x128xf32, #tpu.memory_space<hbm>>
      tpu.enqueue_indirect_dma source(%dma_start3A_270 : memref<10000x128xf32, #tpu.memory_space<hbm>>) target(%dma_start3A_265 : memref<80x128xf32, #tpu.memory_space<vmem>>) offsets(%dma_start3A_267 : memref<80xi32, #tpu.memory_space<vmem>>) semaphore(%arg12 : memref<!tpu.dma_semaphore, #tpu.memory_space<semaphore_mem>>)
      %dma_wait3A_271 = arith.constant 0 : i32
      %dma_wait3A_272 = arith.constant 0 : i32
      %dma_wait3A_273 = tpu.memref_slice %arg8[%dma_wait3A_271, %dma_wait3A_272] : memref<400x128xf32, #tpu.memory_space<vmem>> -> memref<80x128xf32, #tpu.memory_space<vmem>>
      %dma_wait3A_274 = arith.constant 0 : i32
      %dma_wait3A_275 = tpu.memref_slice %arg6[%dma_wait3A_274] : memref<400xi32, #tpu.memory_space<vmem>> -> memref<80xi32, #tpu.memory_space<vmem>>
      %dma_wait3A_276 = arith.constant 0 : i32
      %dma_wait3A_277 = arith.constant 0 : i32
      %dma_wait3A_278 = tpu.memref_slice %arg2[%dma_wait3A_276, %dma_wait3A_277] : memref<10000x128xf32, #tpu.memory_space<hbm>> -> memref<10000x128xf32, #tpu.memory_space<hbm>>
      tpu.wait_indirect_dma semaphore(%arg12 : memref<!tpu.dma_semaphore, #tpu.memory_space<semaphore_mem>>) src(%dma_wait3A_278 : memref<10000x128xf32, #tpu.memory_space<hbm>>) dst(%dma_wait3A_273 : memref<80x128xf32, #tpu.memory_space<vmem>>)
      %dma_wait3A_279 = arith.constant 80 : i32
      %dma_wait3A_280 = arith.constant 0 : i32
      %dma_wait3A_281 = tpu.memref_slice %arg8[%dma_wait3A_279, %dma_wait3A_280] : memref<400x128xf32, #tpu.memory_space<vmem>> -> memref<80x128xf32, #tpu.memory_space<vmem>>
      %dma_wait3A_282 = arith.constant 80 : i32
      %dma_wait3A_283 = tpu.memref_slice %arg6[%dma_wait3A_282] : memref<400xi32, #tpu.memory_space<vmem>> -> memref<80xi32, #tpu.memory_space<vmem>>
      %dma_wait3A_284 = arith.constant 0 : i32
      %dma_wait3A_285 = arith.constant 0 : i32
      %dma_wait3A_286 = tpu.memref_slice %arg2[%dma_wait3A_284, %dma_wait3A_285] : memref<10000x128xf32, #tpu.memory_space<hbm>> -> memref<10000x128xf32, #tpu.memory_space<hbm>>
      tpu.wait_indirect_dma semaphore(%arg12 : memref<!tpu.dma_semaphore, #tpu.memory_space<semaphore_mem>>) src(%dma_wait3A_286 : memref<10000x128xf32, #tpu.memory_space<hbm>>) dst(%dma_wait3A_281 : memref<80x128xf32, #tpu.memory_space<vmem>>)
      %dma_wait3A_287 = arith.constant 160 : i32
      %dma_wait3A_288 = arith.constant 0 : i32
      %dma_wait3A_289 = tpu.memref_slice %arg8[%dma_wait3A_287, %dma_wait3A_288] : memref<400x128xf32, #tpu.memory_space<vmem>> -> memref<80x128xf32, #tpu.memory_space<vmem>>
      %dma_wait3A_290 = arith.constant 160 : i32
      %dma_wait3A_291 = tpu.memref_slice %arg6[%dma_wait3A_290] : memref<400xi32, #tpu.memory_space<vmem>> -> memref<80xi32, #tpu.memory_space<vmem>>
      %dma_wait3A_292 = arith.constant 0 : i32
      %dma_wait3A_293 = arith.constant 0 : i32
      %dma_wait3A_294 = tpu.memref_slice %arg2[%dma_wait3A_292, %dma_wait3A_293] : memref<10000x128xf32, #tpu.memory_space<hbm>> -> memref<10000x128xf32, #tpu.memory_space<hbm>>
      tpu.wait_indirect_dma semaphore(%arg12 : memref<!tpu.dma_semaphore, #tpu.memory_space<semaphore_mem>>) src(%dma_wait3A_294 : memref<10000x128xf32, #tpu.memory_space<hbm>>) dst(%dma_wait3A_289 : memref<80x128xf32, #tpu.memory_space<vmem>>)
      %dma_wait3A_295 = arith.constant 240 : i32
      %dma_wait3A_296 = arith.constant 0 : i32
      %dma_wait3A_297 = tpu.memref_slice %arg8[%dma_wait3A_295, %dma_wait3A_296] : memref<400x128xf32, #tpu.memory_space<vmem>> -> memref<80x128xf32, #tpu.memory_space<vmem>>
      %dma_wait3A_298 = arith.constant 240 : i32
      %dma_wait3A_299 = tpu.memref_slice %arg6[%dma_wait3A_298] : memref<400xi32, #tpu.memory_space<vmem>> -> memref<80xi32, #tpu.memory_space<vmem>>
      %dma_wait3A_300 = arith.constant 0 : i32
      %dma_wait3A_301 = arith.constant 0 : i32
      %dma_wait3A_302 = tpu.memref_slice %arg2[%dma_wait3A_300, %dma_wait3A_301] : memref<10000x128xf32, #tpu.memory_space<hbm>> -> memref<10000x128xf32, #tpu.memory_space<hbm>>
      tpu.wait_indirect_dma semaphore(%arg12 : memref<!tpu.dma_semaphore, #tpu.memory_space<semaphore_mem>>) src(%dma_wait3A_302 : memref<10000x128xf32, #tpu.memory_space<hbm>>) dst(%dma_wait3A_297 : memref<80x128xf32, #tpu.memory_space<vmem>>)
      %dma_wait3A_303 = arith.constant 320 : i32
      %dma_wait3A_304 = arith.constant 0 : i32
      %dma_wait3A_305 = tpu.memref_slice %arg8[%dma_wait3A_303, %dma_wait3A_304] : memref<400x128xf32, #tpu.memory_space<vmem>> -> memref<80x128xf32, #tpu.memory_space<vmem>>
      %dma_wait3A_306 = arith.constant 320 : i32
      %dma_wait3A_307 = tpu.memref_slice %arg6[%dma_wait3A_306] : memref<400xi32, #tpu.memory_space<vmem>> -> memref<80xi32, #tpu.memory_space<vmem>>
      %dma_wait3A_308 = arith.constant 0 : i32
      %dma_wait3A_309 = arith.constant 0 : i32
      %dma_wait3A_310 = tpu.memref_slice %arg2[%dma_wait3A_308, %dma_wait3A_309] : memref<10000x128xf32, #tpu.memory_space<hbm>> -> memref<10000x128xf32, #tpu.memory_space<hbm>>
      tpu.wait_indirect_dma semaphore(%arg12 : memref<!tpu.dma_semaphore, #tpu.memory_space<semaphore_mem>>) src(%dma_wait3A_310 : memref<10000x128xf32, #tpu.memory_space<hbm>>) dst(%dma_wait3A_305 : memref<80x128xf32, #tpu.memory_space<vmem>>)
      %dma_start3A_311 = arith.constant 0 : i32
      %dma_start3A_312 = tpu.memref_slice %arg4[%add3A_223, %dma_start3A_311] : memref<320000x128xf32, #tpu.memory_space<hbm>> -> memref<400x128xf32, #tpu.memory_space<hbm>>
      %dma_start3A_313 = arith.constant 0 : i32
      %dma_start3A_314 = tpu.memref_slice %arg4[%add3A_223, %dma_start3A_313] : memref<320000x128xf32, #tpu.memory_space<hbm>> -> memref<400x128xf32, #tpu.memory_space<hbm>>
      tpu.enqueue_dma source(%arg8 : memref<400x128xf32, #tpu.memory_space<vmem>>) target(%dma_start3A_314 : memref<400x128xf32, #tpu.memory_space<hbm>>) target_semaphore(%arg14 : memref<!tpu.dma_semaphore, #tpu.memory_space<semaphore_mem>>)
    }
    %scan3A_9 = arith.constant 12 : i32
    %add3A_10 = arith.constant 9600 : i32
    %add3A_11 = arith.addi %mul3A_2, %add3A_10 : i32
    %dma_wait3A = tpu.memref_slice %arg3[%add3A_11] : memref<320000xi32, #tpu.memory_space<hbm>> -> memref<400xi32, #tpu.memory_space<hbm>>
    %dma_wait3A_12 = tpu.memref_slice %arg3[%add3A_11] : memref<320000xi32, #tpu.memory_space<hbm>> -> memref<400xi32, #tpu.memory_space<hbm>>
    tpu.wait_dma2 semaphore(%arg9 : memref<!tpu.dma_semaphore, #tpu.memory_space<semaphore_mem>>) src(%dma_wait3A_12 : memref<400xi32, #tpu.memory_space<hbm>>) dst(%arg5 : memref<400xi32, #tpu.memory_space<vmem>>)
    %dma_wait3A_13 = arith.constant 0 : i32
    %dma_wait3A_14 = tpu.memref_slice %arg4[%add3A_11, %dma_wait3A_13] : memref<320000x128xf32, #tpu.memory_space<hbm>> -> memref<400x128xf32, #tpu.memory_space<hbm>>
    %dma_wait3A_15 = arith.constant 0 : i32
    %dma_wait3A_16 = tpu.memref_slice %arg4[%add3A_11, %dma_wait3A_15] : memref<320000x128xf32, #tpu.memory_space<hbm>> -> memref<400x128xf32, #tpu.memory_space<hbm>>
    tpu.wait_dma2 semaphore(%arg13 : memref<!tpu.dma_semaphore, #tpu.memory_space<semaphore_mem>>) src(%arg7 : memref<400x128xf32, #tpu.memory_space<vmem>>) dst(%dma_wait3A_16 : memref<400x128xf32, #tpu.memory_space<hbm>>)
    %dma_start3A_17 = arith.constant 0 : i32
    %dma_start3A_18 = arith.constant 0 : i32
    %dma_start3A_19 = tpu.memref_slice %arg7[%dma_start3A_17, %dma_start3A_18] : memref<400x128xf32, #tpu.memory_space<vmem>> -> memref<80x128xf32, #tpu.memory_space<vmem>>
    %dma_start3A_20 = arith.constant 0 : i32
    %dma_start3A_21 = tpu.memref_slice %arg5[%dma_start3A_20] : memref<400xi32, #tpu.memory_space<vmem>> -> memref<80xi32, #tpu.memory_space<vmem>>
    %dma_start3A_22 = arith.constant 0 : i32
    %dma_start3A_23 = arith.constant 0 : i32
    %dma_start3A_24 = tpu.memref_slice %arg2[%dma_start3A_22, %dma_start3A_23] : memref<10000x128xf32, #tpu.memory_space<hbm>> -> memref<10000x128xf32, #tpu.memory_space<hbm>>
    tpu.enqueue_indirect_dma source(%dma_start3A_24 : memref<10000x128xf32, #tpu.memory_space<hbm>>) target(%dma_start3A_19 : memref<80x128xf32, #tpu.memory_space<vmem>>) offsets(%dma_start3A_21 : memref<80xi32, #tpu.memory_space<vmem>>) semaphore(%arg11 : memref<!tpu.dma_semaphore, #tpu.memory_space<semaphore_mem>>)
    %dma_start3A_25 = arith.constant 80 : i32
    %dma_start3A_26 = arith.constant 0 : i32
    %dma_start3A_27 = tpu.memref_slice %arg7[%dma_start3A_25, %dma_start3A_26] : memref<400x128xf32, #tpu.memory_space<vmem>> -> memref<80x128xf32, #tpu.memory_space<vmem>>
    %dma_start3A_28 = arith.constant 80 : i32
    %dma_start3A_29 = tpu.memref_slice %arg5[%dma_start3A_28] : memref<400xi32, #tpu.memory_space<vmem>> -> memref<80xi32, #tpu.memory_space<vmem>>
    %dma_start3A_30 = arith.constant 0 : i32
    %dma_start3A_31 = arith.constant 0 : i32
    %dma_start3A_32 = tpu.memref_slice %arg2[%dma_start3A_30, %dma_start3A_31] : memref<10000x128xf32, #tpu.memory_space<hbm>> -> memref<10000x128xf32, #tpu.memory_space<hbm>>
    tpu.enqueue_indirect_dma source(%dma_start3A_32 : memref<10000x128xf32, #tpu.memory_space<hbm>>) target(%dma_start3A_27 : memref<80x128xf32, #tpu.memory_space<vmem>>) offsets(%dma_start3A_29 : memref<80xi32, #tpu.memory_space<vmem>>) semaphore(%arg11 : memref<!tpu.dma_semaphore, #tpu.memory_space<semaphore_mem>>)
    %dma_start3A_33 = arith.constant 160 : i32
    %dma_start3A_34 = arith.constant 0 : i32
    %dma_start3A_35 = tpu.memref_slice %arg7[%dma_start3A_33, %dma_start3A_34] : memref<400x128xf32, #tpu.memory_space<vmem>> -> memref<80x128xf32, #tpu.memory_space<vmem>>
    %dma_start3A_36 = arith.constant 160 : i32
    %dma_start3A_37 = tpu.memref_slice %arg5[%dma_start3A_36] : memref<400xi32, #tpu.memory_space<vmem>> -> memref<80xi32, #tpu.memory_space<vmem>>
    %dma_start3A_38 = arith.constant 0 : i32
    %dma_start3A_39 = arith.constant 0 : i32
    %dma_start3A_40 = tpu.memref_slice %arg2[%dma_start3A_38, %dma_start3A_39] : memref<10000x128xf32, #tpu.memory_space<hbm>> -> memref<10000x128xf32, #tpu.memory_space<hbm>>
    tpu.enqueue_indirect_dma source(%dma_start3A_40 : memref<10000x128xf32, #tpu.memory_space<hbm>>) target(%dma_start3A_35 : memref<80x128xf32, #tpu.memory_space<vmem>>) offsets(%dma_start3A_37 : memref<80xi32, #tpu.memory_space<vmem>>) semaphore(%arg11 : memref<!tpu.dma_semaphore, #tpu.memory_space<semaphore_mem>>)
    %dma_start3A_41 = arith.constant 240 : i32
    %dma_start3A_42 = arith.constant 0 : i32
    %dma_start3A_43 = tpu.memref_slice %arg7[%dma_start3A_41, %dma_start3A_42] : memref<400x128xf32, #tpu.memory_space<vmem>> -> memref<80x128xf32, #tpu.memory_space<vmem>>
    %dma_start3A_44 = arith.constant 240 : i32
    %dma_start3A_45 = tpu.memref_slice %arg5[%dma_start3A_44] : memref<400xi32, #tpu.memory_space<vmem>> -> memref<80xi32, #tpu.memory_space<vmem>>
    %dma_start3A_46 = arith.constant 0 : i32
    %dma_start3A_47 = arith.constant 0 : i32
    %dma_start3A_48 = tpu.memref_slice %arg2[%dma_start3A_46, %dma_start3A_47] : memref<10000x128xf32, #tpu.memory_space<hbm>> -> memref<10000x128xf32, #tpu.memory_space<hbm>>
    tpu.enqueue_indirect_dma source(%dma_start3A_48 : memref<10000x128xf32, #tpu.memory_space<hbm>>) target(%dma_start3A_43 : memref<80x128xf32, #tpu.memory_space<vmem>>) offsets(%dma_start3A_45 : memref<80xi32, #tpu.memory_space<vmem>>) semaphore(%arg11 : memref<!tpu.dma_semaphore, #tpu.memory_space<semaphore_mem>>)
    %dma_start3A_49 = arith.constant 320 : i32
    %dma_start3A_50 = arith.constant 0 : i32
    %dma_start3A_51 = tpu.memref_slice %arg7[%dma_start3A_49, %dma_start3A_50] : memref<400x128xf32, #tpu.memory_space<vmem>> -> memref<80x128xf32, #tpu.memory_space<vmem>>
    %dma_start3A_52 = arith.constant 320 : i32
    %dma_start3A_53 = tpu.memref_slice %arg5[%dma_start3A_52] : memref<400xi32, #tpu.memory_space<vmem>> -> memref<80xi32, #tpu.memory_space<vmem>>
    %dma_start3A_54 = arith.constant 0 : i32
    %dma_start3A_55 = arith.constant 0 : i32
    %dma_start3A_56 = tpu.memref_slice %arg2[%dma_start3A_54, %dma_start3A_55] : memref<10000x128xf32, #tpu.memory_space<hbm>> -> memref<10000x128xf32, #tpu.memory_space<hbm>>
    tpu.enqueue_indirect_dma source(%dma_start3A_56 : memref<10000x128xf32, #tpu.memory_space<hbm>>) target(%dma_start3A_51 : memref<80x128xf32, #tpu.memory_space<vmem>>) offsets(%dma_start3A_53 : memref<80xi32, #tpu.memory_space<vmem>>) semaphore(%arg11 : memref<!tpu.dma_semaphore, #tpu.memory_space<semaphore_mem>>)
    %dma_wait3A_57 = arith.constant 0 : i32
    %dma_wait3A_58 = arith.constant 0 : i32
    %dma_wait3A_59 = tpu.memref_slice %arg7[%dma_wait3A_57, %dma_wait3A_58] : memref<400x128xf32, #tpu.memory_space<vmem>> -> memref<80x128xf32, #tpu.memory_space<vmem>>
    %dma_wait3A_60 = arith.constant 0 : i32
    %dma_wait3A_61 = tpu.memref_slice %arg5[%dma_wait3A_60] : memref<400xi32, #tpu.memory_space<vmem>> -> memref<80xi32, #tpu.memory_space<vmem>>
    %dma_wait3A_62 = arith.constant 0 : i32
    %dma_wait3A_63 = arith.constant 0 : i32
    %dma_wait3A_64 = tpu.memref_slice %arg2[%dma_wait3A_62, %dma_wait3A_63] : memref<10000x128xf32, #tpu.memory_space<hbm>> -> memref<10000x128xf32, #tpu.memory_space<hbm>>
    tpu.wait_indirect_dma semaphore(%arg11 : memref<!tpu.dma_semaphore, #tpu.memory_space<semaphore_mem>>) src(%dma_wait3A_64 : memref<10000x128xf32, #tpu.memory_space<hbm>>) dst(%dma_wait3A_59 : memref<80x128xf32, #tpu.memory_space<vmem>>)
    %dma_wait3A_65 = arith.constant 80 : i32
    %dma_wait3A_66 = arith.constant 0 : i32
    %dma_wait3A_67 = tpu.memref_slice %arg7[%dma_wait3A_65, %dma_wait3A_66] : memref<400x128xf32, #tpu.memory_space<vmem>> -> memref<80x128xf32, #tpu.memory_space<vmem>>
    %dma_wait3A_68 = arith.constant 80 : i32
    %dma_wait3A_69 = tpu.memref_slice %arg5[%dma_wait3A_68] : memref<400xi32, #tpu.memory_space<vmem>> -> memref<80xi32, #tpu.memory_space<vmem>>
    %dma_wait3A_70 = arith.constant 0 : i32
    %dma_wait3A_71 = arith.constant 0 : i32
    %dma_wait3A_72 = tpu.memref_slice %arg2[%dma_wait3A_70, %dma_wait3A_71] : memref<10000x128xf32, #tpu.memory_space<hbm>> -> memref<10000x128xf32, #tpu.memory_space<hbm>>
    tpu.wait_indirect_dma semaphore(%arg11 : memref<!tpu.dma_semaphore, #tpu.memory_space<semaphore_mem>>) src(%dma_wait3A_72 : memref<10000x128xf32, #tpu.memory_space<hbm>>) dst(%dma_wait3A_67 : memref<80x128xf32, #tpu.memory_space<vmem>>)
    %dma_wait3A_73 = arith.constant 160 : i32
    %dma_wait3A_74 = arith.constant 0 : i32
    %dma_wait3A_75 = tpu.memref_slice %arg7[%dma_wait3A_73, %dma_wait3A_74] : memref<400x128xf32, #tpu.memory_space<vmem>> -> memref<80x128xf32, #tpu.memory_space<vmem>>
    %dma_wait3A_76 = arith.constant 160 : i32
    %dma_wait3A_77 = tpu.memref_slice %arg5[%dma_wait3A_76] : memref<400xi32, #tpu.memory_space<vmem>> -> memref<80xi32, #tpu.memory_space<vmem>>
    %dma_wait3A_78 = arith.constant 0 : i32
    %dma_wait3A_79 = arith.constant 0 : i32
    %dma_wait3A_80 = tpu.memref_slice %arg2[%dma_wait3A_78, %dma_wait3A_79] : memref<10000x128xf32, #tpu.memory_space<hbm>> -> memref<10000x128xf32, #tpu.memory_space<hbm>>
    tpu.wait_indirect_dma semaphore(%arg11 : memref<!tpu.dma_semaphore, #tpu.memory_space<semaphore_mem>>) src(%dma_wait3A_80 : memref<10000x128xf32, #tpu.memory_space<hbm>>) dst(%dma_wait3A_75 : memref<80x128xf32, #tpu.memory_space<vmem>>)
    %dma_wait3A_81 = arith.constant 240 : i32
    %dma_wait3A_82 = arith.constant 0 : i32
    %dma_wait3A_83 = tpu.memref_slice %arg7[%dma_wait3A_81, %dma_wait3A_82] : memref<400x128xf32, #tpu.memory_space<vmem>> -> memref<80x128xf32, #tpu.memory_space<vmem>>
    %dma_wait3A_84 = arith.constant 240 : i32
    %dma_wait3A_85 = tpu.memref_slice %arg5[%dma_wait3A_84] : memref<400xi32, #tpu.memory_space<vmem>> -> memref<80xi32, #tpu.memory_space<vmem>>
    %dma_wait3A_86 = arith.constant 0 : i32
    %dma_wait3A_87 = arith.constant 0 : i32
    %dma_wait3A_88 = tpu.memref_slice %arg2[%dma_wait3A_86, %dma_wait3A_87] : memref<10000x128xf32, #tpu.memory_space<hbm>> -> memref<10000x128xf32, #tpu.memory_space<hbm>>
    tpu.wait_indirect_dma semaphore(%arg11 : memref<!tpu.dma_semaphore, #tpu.memory_space<semaphore_mem>>) src(%dma_wait3A_88 : memref<10000x128xf32, #tpu.memory_space<hbm>>) dst(%dma_wait3A_83 : memref<80x128xf32, #tpu.memory_space<vmem>>)
    %dma_wait3A_89 = arith.constant 320 : i32
    %dma_wait3A_90 = arith.constant 0 : i32
    %dma_wait3A_91 = tpu.memref_slice %arg7[%dma_wait3A_89, %dma_wait3A_90] : memref<400x128xf32, #tpu.memory_space<vmem>> -> memref<80x128xf32, #tpu.memory_space<vmem>>
    %dma_wait3A_92 = arith.constant 320 : i32
    %dma_wait3A_93 = tpu.memref_slice %arg5[%dma_wait3A_92] : memref<400xi32, #tpu.memory_space<vmem>> -> memref<80xi32, #tpu.memory_space<vmem>>
    %dma_wait3A_94 = arith.constant 0 : i32
    %dma_wait3A_95 = arith.constant 0 : i32
    %dma_wait3A_96 = tpu.memref_slice %arg2[%dma_wait3A_94, %dma_wait3A_95] : memref<10000x128xf32, #tpu.memory_space<hbm>> -> memref<10000x128xf32, #tpu.memory_space<hbm>>
    tpu.wait_indirect_dma semaphore(%arg11 : memref<!tpu.dma_semaphore, #tpu.memory_space<semaphore_mem>>) src(%dma_wait3A_96 : memref<10000x128xf32, #tpu.memory_space<hbm>>) dst(%dma_wait3A_91 : memref<80x128xf32, #tpu.memory_space<vmem>>)
    %dma_start3A_97 = arith.constant 0 : i32
    %dma_start3A_98 = tpu.memref_slice %arg4[%add3A_11, %dma_start3A_97] : memref<320000x128xf32, #tpu.memory_space<hbm>> -> memref<400x128xf32, #tpu.memory_space<hbm>>
    %dma_start3A_99 = arith.constant 0 : i32
    %dma_start3A_100 = tpu.memref_slice %arg4[%add3A_11, %dma_start3A_99] : memref<320000x128xf32, #tpu.memory_space<hbm>> -> memref<400x128xf32, #tpu.memory_space<hbm>>
    tpu.enqueue_dma source(%arg7 : memref<400x128xf32, #tpu.memory_space<vmem>>) target(%dma_start3A_100 : memref<400x128xf32, #tpu.memory_space<hbm>>) target_semaphore(%arg13 : memref<!tpu.dma_semaphore, #tpu.memory_space<semaphore_mem>>)
    %dma_wait3A_101 = arith.constant 0 : i32
    %dma_wait3A_102 = tpu.memref_slice %arg4[%mul3A_2, %dma_wait3A_101] : memref<320000x128xf32, #tpu.memory_space<hbm>> -> memref<400x128xf32, #tpu.memory_space<hbm>>
    %dma_wait3A_103 = arith.constant 0 : i32
    %dma_wait3A_104 = tpu.memref_slice %arg4[%mul3A_2, %dma_wait3A_103] : memref<320000x128xf32, #tpu.memory_space<hbm>> -> memref<400x128xf32, #tpu.memory_space<hbm>>
    tpu.wait_dma2 semaphore(%arg13 : memref<!tpu.dma_semaphore, #tpu.memory_space<semaphore_mem>>) src(%arg7 : memref<400x128xf32, #tpu.memory_space<vmem>>) dst(%dma_wait3A_104 : memref<400x128xf32, #tpu.memory_space<hbm>>)
    %dma_wait3A_105 = arith.constant 0 : i32
    %dma_wait3A_106 = tpu.memref_slice %arg4[%mul3A_2, %dma_wait3A_105] : memref<320000x128xf32, #tpu.memory_space<hbm>> -> memref<400x128xf32, #tpu.memory_space<hbm>>
    %dma_wait3A_107 = arith.constant 0 : i32
    %dma_wait3A_108 = tpu.memref_slice %arg4[%mul3A_2, %dma_wait3A_107] : memref<320000x128xf32, #tpu.memory_space<hbm>> -> memref<400x128xf32, #tpu.memory_space<hbm>>
    tpu.wait_dma2 semaphore(%arg14 : memref<!tpu.dma_semaphore, #tpu.memory_space<semaphore_mem>>) src(%arg8 : memref<400x128xf32, #tpu.memory_space<vmem>>) dst(%dma_wait3A_108 : memref<400x128xf32, #tpu.memory_space<hbm>>)
    return
  }
}

#map = affine_map<(d0, d1) -> (0, 0, 0)>
#map1 = affine_map<(d0, d1) -> (0)>
#map2 = affine_map<(d0, d1) -> (0, 0)>
module attributes {stable_mosaic.version = 14 : i64} {
  func.func @k(%arg0: i32, %arg1: i32, %arg2: memref<2x320000x128xf32, #tpu.memory_space<hbm>>, %arg3: memref<320000xi32, #tpu.memory_space<hbm>>, %arg4: memref<10000x128xf32, #tpu.memory_space<hbm>>, %arg5: memref<2x10000x128xf32, #tpu.memory_space<hbm>>, %arg6: memref<10000x128xf32, #tpu.memory_space<vmem_shared>>, %arg7: memref<80xi32, #tpu.memory_space<vmem>>, %arg8: memref<80xi32, #tpu.memory_space<vmem>>, %arg9: memref<80xi32, #tpu.memory_space<vmem>>, %arg10: memref<80xi32, #tpu.memory_space<vmem>>, %arg11: memref<160x128xf32, #tpu.memory_space<vmem>>, %arg12: memref<160x128xf32, #tpu.memory_space<vmem>>, %arg13: memref<!tpu.dma_semaphore, #tpu.memory_space<semaphore_mem>>, %arg14: memref<!tpu.dma_semaphore, #tpu.memory_space<semaphore_mem>>) attributes {dimension_semantics = [#tpu.dimension_semantics<core_parallel>, #tpu.dimension_semantics<subcore_parallel>], iteration_bounds = array<i64: 2, 16>, scalar_prefetch = 0 : i64, scratch_operands = 9 : i64, tpu.core_type = #tpu.core_type<sc_vector_subcore>, window_params = [{transform_indices = #map}, {transform_indices = #map1}, {transform_indices = #map2}, {transform_indices = #map}]} {
    %mul3A = arith.constant 624 : i32
    %mul3A_0 = arith.muli %arg1, %mul3A : i32
    %mul3A_1 = arith.constant 624 : i32
    %mul3A_2 = arith.muli %arg1, %mul3A_1 : i32
    "tpu.region"() ({
      %run_scoped3A = tpu.sem_alloc : memref<!tpu.dma_semaphore, #tpu.memory_space<semaphore_mem>>
      %dma_start3A_62 = arith.constant 0 : i32
      %dma_start3A_63 = tpu.memref_slice %arg6[%mul3A_2, %dma_start3A_62] : memref<10000x128xf32, #tpu.memory_space<vmem_shared>> -> memref<624x128xf32, #tpu.memory_space<vmem_shared>>
      %dma_start3A_64 = arith.constant 0 : i32
      %dma_start3A_65 = tpu.memref_slice %arg4[%mul3A_0, %dma_start3A_64] : memref<10000x128xf32, #tpu.memory_space<hbm>> -> memref<624x128xf32, #tpu.memory_space<hbm>>
      tpu.enqueue_dma source(%dma_start3A_65 : memref<624x128xf32, #tpu.memory_space<hbm>>) target(%dma_start3A_63 : memref<624x128xf32, #tpu.memory_space<vmem_shared>>) target_semaphore(%run_scoped3A : memref<!tpu.dma_semaphore, #tpu.memory_space<semaphore_mem>>)
      %dma_wait3A_66 = arith.constant 0 : i32
      %dma_wait3A_67 = tpu.memref_slice %arg6[%mul3A_2, %dma_wait3A_66] : memref<10000x128xf32, #tpu.memory_space<vmem_shared>> -> memref<624x128xf32, #tpu.memory_space<vmem_shared>>
      %dma_wait3A_68 = arith.constant 0 : i32
      %dma_wait3A_69 = tpu.memref_slice %arg4[%mul3A_0, %dma_wait3A_68] : memref<10000x128xf32, #tpu.memory_space<hbm>> -> memref<624x128xf32, #tpu.memory_space<hbm>>
      tpu.wait_dma2 semaphore(%run_scoped3A : memref<!tpu.dma_semaphore, #tpu.memory_space<semaphore_mem>>) src(%dma_wait3A_69 : memref<624x128xf32, #tpu.memory_space<hbm>>) dst(%dma_wait3A_67 : memref<624x128xf32, #tpu.memory_space<vmem_shared>>)
      tpu.yield
    }) : () -> ()
    %eq3A = arith.constant 0 : i32
    %eq3A_3 = arith.cmpi eq, %arg1, %eq3A : i32
    %convert_element_type3A = arith.extui %eq3A_3 : i1 to i32
    %cond3A = arith.constant 0 : i32
    %cond3A_4 = arith.cmpi ne, %convert_element_type3A, %cond3A : i32
    scf.if %cond3A_4 {
      "tpu.region"() ({
        %run_scoped3A = tpu.sem_alloc : memref<!tpu.dma_semaphore, #tpu.memory_space<semaphore_mem>>
        %dma_start3A_62 = arith.constant 9984 : i32
        %dma_start3A_63 = arith.constant 0 : i32
        %dma_start3A_64 = tpu.memref_slice %arg6[%dma_start3A_62, %dma_start3A_63] : memref<10000x128xf32, #tpu.memory_space<vmem_shared>> -> memref<16x128xf32, #tpu.memory_space<vmem_shared>>
        %dma_start3A_65 = arith.constant 9984 : i32
        %dma_start3A_66 = arith.constant 0 : i32
        %dma_start3A_67 = tpu.memref_slice %arg4[%dma_start3A_65, %dma_start3A_66] : memref<10000x128xf32, #tpu.memory_space<hbm>> -> memref<16x128xf32, #tpu.memory_space<hbm>>
        tpu.enqueue_dma source(%dma_start3A_67 : memref<16x128xf32, #tpu.memory_space<hbm>>) target(%dma_start3A_64 : memref<16x128xf32, #tpu.memory_space<vmem_shared>>) target_semaphore(%run_scoped3A : memref<!tpu.dma_semaphore, #tpu.memory_space<semaphore_mem>>)
        %dma_wait3A_68 = arith.constant 9984 : i32
        %dma_wait3A_69 = arith.constant 0 : i32
        %dma_wait3A_70 = tpu.memref_slice %arg6[%dma_wait3A_68, %dma_wait3A_69] : memref<10000x128xf32, #tpu.memory_space<vmem_shared>> -> memref<16x128xf32, #tpu.memory_space<vmem_shared>>
        %dma_wait3A_71 = arith.constant 9984 : i32
        %dma_wait3A_72 = arith.constant 0 : i32
        %dma_wait3A_73 = tpu.memref_slice %arg4[%dma_wait3A_71, %dma_wait3A_72] : memref<10000x128xf32, #tpu.memory_space<hbm>> -> memref<16x128xf32, #tpu.memory_space<hbm>>
        tpu.wait_dma2 semaphore(%run_scoped3A : memref<!tpu.dma_semaphore, #tpu.memory_space<semaphore_mem>>) src(%dma_wait3A_73 : memref<16x128xf32, #tpu.memory_space<hbm>>) dst(%dma_wait3A_70 : memref<16x128xf32, #tpu.memory_space<vmem_shared>>)
        tpu.yield
      }) : () -> ()
    } else {
    }
    %barrier3A = arith.constant 0 : index
    tpu.barrier barrier_id(%barrier3A)
    %mul3A_5 = arith.constant 20000 : i32
    %mul3A_6 = arith.muli %arg1, %mul3A_5 : i32
    %add3A = arith.constant 0 : i32
    %add3A_7 = arith.addi %mul3A_6, %add3A : i32
    %dma_start3A = arith.constant 0 : i32
    %dma_start3A_8 = arith.constant 0 : i32
    %dma_start3A_9 = tpu.memref_slice %arg2[%arg0, %dma_start3A, %dma_start3A_8] : memref<2x320000x128xf32, #tpu.memory_space<hbm>> -> memref<1x320000x128xf32, #tpu.memory_space<hbm>>
    %dma_start3A_10 = tpu.memref_squeeze %dma_start3A_9 : memref<1x320000x128xf32, #tpu.memory_space<hbm>> -> memref<320000x128xf32, #tpu.memory_space<hbm>>
    %dma_start3A_11 = arith.constant 0 : i32
    %dma_start3A_12 = tpu.memref_slice %dma_start3A_10[%add3A_7, %dma_start3A_11] : memref<320000x128xf32, #tpu.memory_space<hbm>> -> memref<160x128xf32, #tpu.memory_space<hbm>>
    %dma_start3A_13 = arith.constant 0 : i32
    %dma_start3A_14 = arith.constant 0 : i32
    %dma_start3A_15 = tpu.memref_slice %arg2[%arg0, %dma_start3A_13, %dma_start3A_14] : memref<2x320000x128xf32, #tpu.memory_space<hbm>> -> memref<1x320000x128xf32, #tpu.memory_space<hbm>>
    %dma_start3A_16 = tpu.memref_squeeze %dma_start3A_15 : memref<1x320000x128xf32, #tpu.memory_space<hbm>> -> memref<320000x128xf32, #tpu.memory_space<hbm>>
    %dma_start3A_17 = arith.constant 0 : i32
    %dma_start3A_18 = tpu.memref_slice %dma_start3A_16[%add3A_7, %dma_start3A_17] : memref<320000x128xf32, #tpu.memory_space<hbm>> -> memref<160x128xf32, #tpu.memory_space<hbm>>
    tpu.enqueue_dma source(%dma_start3A_18 : memref<160x128xf32, #tpu.memory_space<hbm>>) target(%arg11 : memref<160x128xf32, #tpu.memory_space<vmem>>) target_semaphore(%arg13 : memref<!tpu.dma_semaphore, #tpu.memory_space<semaphore_mem>>)
    %add3A_19 = arith.constant 0 : i32
    %add3A_20 = arith.addi %add3A_7, %add3A_19 : i32
    %dma_start3A_21 = tpu.memref_slice %arg3[%add3A_20] : memref<320000xi32, #tpu.memory_space<hbm>> -> memref<80xi32, #tpu.memory_space<hbm>>
    %dma_start3A_22 = tpu.memref_slice %arg3[%add3A_20] : memref<320000xi32, #tpu.memory_space<hbm>> -> memref<80xi32, #tpu.memory_space<hbm>>
    tpu.enqueue_dma source(%dma_start3A_22 : memref<80xi32, #tpu.memory_space<hbm>>) target(%arg7 : memref<80xi32, #tpu.memory_space<vmem>>) target_semaphore(%arg13 : memref<!tpu.dma_semaphore, #tpu.memory_space<semaphore_mem>>)
    %add3A_23 = arith.constant 80 : i32
    %add3A_24 = arith.addi %add3A_7, %add3A_23 : i32
    %dma_start3A_25 = tpu.memref_slice %arg3[%add3A_24] : memref<320000xi32, #tpu.memory_space<hbm>> -> memref<80xi32, #tpu.memory_space<hbm>>
    %dma_start3A_26 = tpu.memref_slice %arg3[%add3A_24] : memref<320000xi32, #tpu.memory_space<hbm>> -> memref<80xi32, #tpu.memory_space<hbm>>
    tpu.enqueue_dma source(%dma_start3A_26 : memref<80xi32, #tpu.memory_space<hbm>>) target(%arg8 : memref<80xi32, #tpu.memory_space<vmem>>) target_semaphore(%arg13 : memref<!tpu.dma_semaphore, #tpu.memory_space<semaphore_mem>>)
    %scan3A = arith.constant 0 : i32
    %scan3A_27 = arith.constant 62 : i32
    %scan3A_28 = arith.addi %scan3A, %scan3A_27 : i32
    %scan3A_29 = arith.constant 1 : i32
    scf.for %scan3A_62 = %scan3A to %scan3A_28 step %scan3A_29  : i32 {
      %mul3A_63 = arith.constant 2 : i32
      %mul3A_64 = arith.muli %scan3A_62, %mul3A_63 : i32
      %add3A_65 = arith.constant 0 : i32
      %add3A_66 = arith.addi %add3A_65, %mul3A_64 : i32
      %add3A_67 = arith.constant 1 : i32
      %add3A_68 = arith.addi %add3A_66, %add3A_67 : i32
      %mul3A_69 = arith.constant 160 : i32
      %mul3A_70 = arith.muli %add3A_68, %mul3A_69 : i32
      %add3A_71 = arith.addi %mul3A_6, %mul3A_70 : i32
      %dma_start3A_72 = arith.constant 0 : i32
      %dma_start3A_73 = arith.constant 0 : i32
      %dma_start3A_74 = tpu.memref_slice %arg2[%arg0, %dma_start3A_72, %dma_start3A_73] : memref<2x320000x128xf32, #tpu.memory_space<hbm>> -> memref<1x320000x128xf32, #tpu.memory_space<hbm>>
      %dma_start3A_75 = tpu.memref_squeeze %dma_start3A_74 : memref<1x320000x128xf32, #tpu.memory_space<hbm>> -> memref<320000x128xf32, #tpu.memory_space<hbm>>
      %dma_start3A_76 = arith.constant 0 : i32
      %dma_start3A_77 = tpu.memref_slice %dma_start3A_75[%add3A_71, %dma_start3A_76] : memref<320000x128xf32, #tpu.memory_space<hbm>> -> memref<160x128xf32, #tpu.memory_space<hbm>>
      %dma_start3A_78 = arith.constant 0 : i32
      %dma_start3A_79 = arith.constant 0 : i32
      %dma_start3A_80 = tpu.memref_slice %arg2[%arg0, %dma_start3A_78, %dma_start3A_79] : memref<2x320000x128xf32, #tpu.memory_space<hbm>> -> memref<1x320000x128xf32, #tpu.memory_space<hbm>>
      %dma_start3A_81 = tpu.memref_squeeze %dma_start3A_80 : memref<1x320000x128xf32, #tpu.memory_space<hbm>> -> memref<320000x128xf32, #tpu.memory_space<hbm>>
      %dma_start3A_82 = arith.constant 0 : i32
      %dma_start3A_83 = tpu.memref_slice %dma_start3A_81[%add3A_71, %dma_start3A_82] : memref<320000x128xf32, #tpu.memory_space<hbm>> -> memref<160x128xf32, #tpu.memory_space<hbm>>
      tpu.enqueue_dma source(%dma_start3A_83 : memref<160x128xf32, #tpu.memory_space<hbm>>) target(%arg12 : memref<160x128xf32, #tpu.memory_space<vmem>>) target_semaphore(%arg14 : memref<!tpu.dma_semaphore, #tpu.memory_space<semaphore_mem>>)
      %add3A_84 = arith.constant 0 : i32
      %add3A_85 = arith.addi %add3A_71, %add3A_84 : i32
      %dma_start3A_86 = tpu.memref_slice %arg3[%add3A_85] : memref<320000xi32, #tpu.memory_space<hbm>> -> memref<80xi32, #tpu.memory_space<hbm>>
      %dma_start3A_87 = tpu.memref_slice %arg3[%add3A_85] : memref<320000xi32, #tpu.memory_space<hbm>> -> memref<80xi32, #tpu.memory_space<hbm>>
      tpu.enqueue_dma source(%dma_start3A_87 : memref<80xi32, #tpu.memory_space<hbm>>) target(%arg9 : memref<80xi32, #tpu.memory_space<vmem>>) target_semaphore(%arg14 : memref<!tpu.dma_semaphore, #tpu.memory_space<semaphore_mem>>)
      %add3A_88 = arith.constant 80 : i32
      %add3A_89 = arith.addi %add3A_71, %add3A_88 : i32
      %dma_start3A_90 = tpu.memref_slice %arg3[%add3A_89] : memref<320000xi32, #tpu.memory_space<hbm>> -> memref<80xi32, #tpu.memory_space<hbm>>
      %dma_start3A_91 = tpu.memref_slice %arg3[%add3A_89] : memref<320000xi32, #tpu.memory_space<hbm>> -> memref<80xi32, #tpu.memory_space<hbm>>
      tpu.enqueue_dma source(%dma_start3A_91 : memref<80xi32, #tpu.memory_space<hbm>>) target(%arg10 : memref<80xi32, #tpu.memory_space<vmem>>) target_semaphore(%arg14 : memref<!tpu.dma_semaphore, #tpu.memory_space<semaphore_mem>>)
      %mul3A_92 = arith.constant 160 : i32
      %mul3A_93 = arith.muli %add3A_66, %mul3A_92 : i32
      %add3A_94 = arith.addi %mul3A_6, %mul3A_93 : i32
      %dma_wait3A_95 = arith.constant 0 : i32
      %dma_wait3A_96 = arith.constant 0 : i32
      %dma_wait3A_97 = tpu.memref_slice %arg2[%arg0, %dma_wait3A_95, %dma_wait3A_96] : memref<2x320000x128xf32, #tpu.memory_space<hbm>> -> memref<1x320000x128xf32, #tpu.memory_space<hbm>>
      %dma_wait3A_98 = tpu.memref_squeeze %dma_wait3A_97 : memref<1x320000x128xf32, #tpu.memory_space<hbm>> -> memref<320000x128xf32, #tpu.memory_space<hbm>>
      %dma_wait3A_99 = arith.constant 0 : i32
      %dma_wait3A_100 = tpu.memref_slice %dma_wait3A_98[%add3A_94, %dma_wait3A_99] : memref<320000x128xf32, #tpu.memory_space<hbm>> -> memref<160x128xf32, #tpu.memory_space<hbm>>
      %dma_wait3A_101 = arith.constant 0 : i32
      %dma_wait3A_102 = arith.constant 0 : i32
      %dma_wait3A_103 = tpu.memref_slice %arg2[%arg0, %dma_wait3A_101, %dma_wait3A_102] : memref<2x320000x128xf32, #tpu.memory_space<hbm>> -> memref<1x320000x128xf32, #tpu.memory_space<hbm>>
      %dma_wait3A_104 = tpu.memref_squeeze %dma_wait3A_103 : memref<1x320000x128xf32, #tpu.memory_space<hbm>> -> memref<320000x128xf32, #tpu.memory_space<hbm>>
      %dma_wait3A_105 = arith.constant 0 : i32
      %dma_wait3A_106 = tpu.memref_slice %dma_wait3A_104[%add3A_94, %dma_wait3A_105] : memref<320000x128xf32, #tpu.memory_space<hbm>> -> memref<160x128xf32, #tpu.memory_space<hbm>>
      tpu.wait_dma2 semaphore(%arg13 : memref<!tpu.dma_semaphore, #tpu.memory_space<semaphore_mem>>) src(%dma_wait3A_106 : memref<160x128xf32, #tpu.memory_space<hbm>>) dst(%arg11 : memref<160x128xf32, #tpu.memory_space<vmem>>)
      %add3A_107 = arith.constant 0 : i32
      %add3A_108 = arith.addi %add3A_94, %add3A_107 : i32
      %dma_wait3A_109 = tpu.memref_slice %arg3[%add3A_108] : memref<320000xi32, #tpu.memory_space<hbm>> -> memref<80xi32, #tpu.memory_space<hbm>>
      %dma_wait3A_110 = tpu.memref_slice %arg3[%add3A_108] : memref<320000xi32, #tpu.memory_space<hbm>> -> memref<80xi32, #tpu.memory_space<hbm>>
      tpu.wait_dma2 semaphore(%arg13 : memref<!tpu.dma_semaphore, #tpu.memory_space<semaphore_mem>>) src(%dma_wait3A_110 : memref<80xi32, #tpu.memory_space<hbm>>) dst(%arg7 : memref<80xi32, #tpu.memory_space<vmem>>)
      %add3A_111 = arith.constant 80 : i32
      %add3A_112 = arith.addi %add3A_94, %add3A_111 : i32
      %dma_wait3A_113 = tpu.memref_slice %arg3[%add3A_112] : memref<320000xi32, #tpu.memory_space<hbm>> -> memref<80xi32, #tpu.memory_space<hbm>>
      %dma_wait3A_114 = tpu.memref_slice %arg3[%add3A_112] : memref<320000xi32, #tpu.memory_space<hbm>> -> memref<80xi32, #tpu.memory_space<hbm>>
      tpu.wait_dma2 semaphore(%arg13 : memref<!tpu.dma_semaphore, #tpu.memory_space<semaphore_mem>>) src(%dma_wait3A_114 : memref<80xi32, #tpu.memory_space<hbm>>) dst(%arg8 : memref<80xi32, #tpu.memory_space<vmem>>)
      "tpu.region"() ({
        %run_scoped3A = tpu.sem_alloc : memref<!tpu.dma_semaphore, #tpu.memory_space<semaphore_mem>>
        %dma_start3A_165 = arith.constant 0 : i32
        %dma_start3A_166 = arith.constant 0 : i32
        %dma_start3A_167 = tpu.memref_slice %arg11[%dma_start3A_165, %dma_start3A_166] : memref<160x128xf32, #tpu.memory_space<vmem>> -> memref<80x128xf32, #tpu.memory_space<vmem>>
        %dma_start3A_168 = arith.constant 0 : i32
        %dma_start3A_169 = arith.constant 0 : i32
        %dma_start3A_170 = tpu.memref_slice %arg6[%dma_start3A_168, %dma_start3A_169] : memref<10000x128xf32, #tpu.memory_space<vmem_shared>> -> memref<10000x128xf32, #tpu.memory_space<vmem_shared>>
        tpu.enqueue_indirect_dma source(%dma_start3A_167 : memref<80x128xf32, #tpu.memory_space<vmem>>) target(%dma_start3A_170 : memref<10000x128xf32, #tpu.memory_space<vmem_shared>>) offsets(%arg7 : memref<80xi32, #tpu.memory_space<vmem>>) semaphore(%run_scoped3A : memref<!tpu.dma_semaphore, #tpu.memory_space<semaphore_mem>>) {add = true}
        %dma_wait3A_171 = arith.constant 0 : i32
        %dma_wait3A_172 = arith.constant 0 : i32
        %dma_wait3A_173 = tpu.memref_slice %arg11[%dma_wait3A_171, %dma_wait3A_172] : memref<160x128xf32, #tpu.memory_space<vmem>> -> memref<80x128xf32, #tpu.memory_space<vmem>>
        %dma_wait3A_174 = arith.constant 0 : i32
        %dma_wait3A_175 = arith.constant 0 : i32
        %dma_wait3A_176 = tpu.memref_slice %arg6[%dma_wait3A_174, %dma_wait3A_175] : memref<10000x128xf32, #tpu.memory_space<vmem_shared>> -> memref<10000x128xf32, #tpu.memory_space<vmem_shared>>
        tpu.wait_indirect_dma semaphore(%run_scoped3A : memref<!tpu.dma_semaphore, #tpu.memory_space<semaphore_mem>>) src(%dma_wait3A_173 : memref<80x128xf32, #tpu.memory_space<vmem>>) dst(%dma_wait3A_176 : memref<10000x128xf32, #tpu.memory_space<vmem_shared>>)
        tpu.yield
      }) : () -> ()
      "tpu.region"() ({
        %run_scoped3A = tpu.sem_alloc : memref<!tpu.dma_semaphore, #tpu.memory_space<semaphore_mem>>
        %dma_start3A_165 = arith.constant 80 : i32
        %dma_start3A_166 = arith.constant 0 : i32
        %dma_start3A_167 = tpu.memref_slice %arg11[%dma_start3A_165, %dma_start3A_166] : memref<160x128xf32, #tpu.memory_space<vmem>> -> memref<80x128xf32, #tpu.memory_space<vmem>>
        %dma_start3A_168 = arith.constant 0 : i32
        %dma_start3A_169 = arith.constant 0 : i32
        %dma_start3A_170 = tpu.memref_slice %arg6[%dma_start3A_168, %dma_start3A_169] : memref<10000x128xf32, #tpu.memory_space<vmem_shared>> -> memref<10000x128xf32, #tpu.memory_space<vmem_shared>>
        tpu.enqueue_indirect_dma source(%dma_start3A_167 : memref<80x128xf32, #tpu.memory_space<vmem>>) target(%dma_start3A_170 : memref<10000x128xf32, #tpu.memory_space<vmem_shared>>) offsets(%arg8 : memref<80xi32, #tpu.memory_space<vmem>>) semaphore(%run_scoped3A : memref<!tpu.dma_semaphore, #tpu.memory_space<semaphore_mem>>) {add = true}
        %dma_wait3A_171 = arith.constant 80 : i32
        %dma_wait3A_172 = arith.constant 0 : i32
        %dma_wait3A_173 = tpu.memref_slice %arg11[%dma_wait3A_171, %dma_wait3A_172] : memref<160x128xf32, #tpu.memory_space<vmem>> -> memref<80x128xf32, #tpu.memory_space<vmem>>
        %dma_wait3A_174 = arith.constant 0 : i32
        %dma_wait3A_175 = arith.constant 0 : i32
        %dma_wait3A_176 = tpu.memref_slice %arg6[%dma_wait3A_174, %dma_wait3A_175] : memref<10000x128xf32, #tpu.memory_space<vmem_shared>> -> memref<10000x128xf32, #tpu.memory_space<vmem_shared>>
        tpu.wait_indirect_dma semaphore(%run_scoped3A : memref<!tpu.dma_semaphore, #tpu.memory_space<semaphore_mem>>) src(%dma_wait3A_173 : memref<80x128xf32, #tpu.memory_space<vmem>>) dst(%dma_wait3A_176 : memref<10000x128xf32, #tpu.memory_space<vmem_shared>>)
        tpu.yield
      }) : () -> ()
      %add3A_115 = arith.constant 2 : i32
      %add3A_116 = arith.addi %add3A_66, %add3A_115 : i32
      %mul3A_117 = arith.constant 160 : i32
      %mul3A_118 = arith.muli %add3A_116, %mul3A_117 : i32
      %add3A_119 = arith.addi %mul3A_6, %mul3A_118 : i32
      %dma_start3A_120 = arith.constant 0 : i32
      %dma_start3A_121 = arith.constant 0 : i32
      %dma_start3A_122 = tpu.memref_slice %arg2[%arg0, %dma_start3A_120, %dma_start3A_121] : memref<2x320000x128xf32, #tpu.memory_space<hbm>> -> memref<1x320000x128xf32, #tpu.memory_space<hbm>>
      %dma_start3A_123 = tpu.memref_squeeze %dma_start3A_122 : memref<1x320000x128xf32, #tpu.memory_space<hbm>> -> memref<320000x128xf32, #tpu.memory_space<hbm>>
      %dma_start3A_124 = arith.constant 0 : i32
      %dma_start3A_125 = tpu.memref_slice %dma_start3A_123[%add3A_119, %dma_start3A_124] : memref<320000x128xf32, #tpu.memory_space<hbm>> -> memref<160x128xf32, #tpu.memory_space<hbm>>
      %dma_start3A_126 = arith.constant 0 : i32
      %dma_start3A_127 = arith.constant 0 : i32
      %dma_start3A_128 = tpu.memref_slice %arg2[%arg0, %dma_start3A_126, %dma_start3A_127] : memref<2x320000x128xf32, #tpu.memory_space<hbm>> -> memref<1x320000x128xf32, #tpu.memory_space<hbm>>
      %dma_start3A_129 = tpu.memref_squeeze %dma_start3A_128 : memref<1x320000x128xf32, #tpu.memory_space<hbm>> -> memref<320000x128xf32, #tpu.memory_space<hbm>>
      %dma_start3A_130 = arith.constant 0 : i32
      %dma_start3A_131 = tpu.memref_slice %dma_start3A_129[%add3A_119, %dma_start3A_130] : memref<320000x128xf32, #tpu.memory_space<hbm>> -> memref<160x128xf32, #tpu.memory_space<hbm>>
      tpu.enqueue_dma source(%dma_start3A_131 : memref<160x128xf32, #tpu.memory_space<hbm>>) target(%arg11 : memref<160x128xf32, #tpu.memory_space<vmem>>) target_semaphore(%arg13 : memref<!tpu.dma_semaphore, #tpu.memory_space<semaphore_mem>>)
      %add3A_132 = arith.constant 0 : i32
      %add3A_133 = arith.addi %add3A_119, %add3A_132 : i32
      %dma_start3A_134 = tpu.memref_slice %arg3[%add3A_133] : memref<320000xi32, #tpu.memory_space<hbm>> -> memref<80xi32, #tpu.memory_space<hbm>>
      %dma_start3A_135 = tpu.memref_slice %arg3[%add3A_133] : memref<320000xi32, #tpu.memory_space<hbm>> -> memref<80xi32, #tpu.memory_space<hbm>>
      tpu.enqueue_dma source(%dma_start3A_135 : memref<80xi32, #tpu.memory_space<hbm>>) target(%arg7 : memref<80xi32, #tpu.memory_space<vmem>>) target_semaphore(%arg13 : memref<!tpu.dma_semaphore, #tpu.memory_space<semaphore_mem>>)
      %add3A_136 = arith.constant 80 : i32
      %add3A_137 = arith.addi %add3A_119, %add3A_136 : i32
      %dma_start3A_138 = tpu.memref_slice %arg3[%add3A_137] : memref<320000xi32, #tpu.memory_space<hbm>> -> memref<80xi32, #tpu.memory_space<hbm>>
      %dma_start3A_139 = tpu.memref_slice %arg3[%add3A_137] : memref<320000xi32, #tpu.memory_space<hbm>> -> memref<80xi32, #tpu.memory_space<hbm>>
      tpu.enqueue_dma source(%dma_start3A_139 : memref<80xi32, #tpu.memory_space<hbm>>) target(%arg8 : memref<80xi32, #tpu.memory_space<vmem>>) target_semaphore(%arg13 : memref<!tpu.dma_semaphore, #tpu.memory_space<semaphore_mem>>)
      %add3A_140 = arith.constant 1 : i32
      %add3A_141 = arith.addi %add3A_66, %add3A_140 : i32
      %mul3A_142 = arith.constant 160 : i32
      %mul3A_143 = arith.muli %add3A_141, %mul3A_142 : i32
      %add3A_144 = arith.addi %mul3A_6, %mul3A_143 : i32
      %dma_wait3A_145 = arith.constant 0 : i32
      %dma_wait3A_146 = arith.constant 0 : i32
      %dma_wait3A_147 = tpu.memref_slice %arg2[%arg0, %dma_wait3A_145, %dma_wait3A_146] : memref<2x320000x128xf32, #tpu.memory_space<hbm>> -> memref<1x320000x128xf32, #tpu.memory_space<hbm>>
      %dma_wait3A_148 = tpu.memref_squeeze %dma_wait3A_147 : memref<1x320000x128xf32, #tpu.memory_space<hbm>> -> memref<320000x128xf32, #tpu.memory_space<hbm>>
      %dma_wait3A_149 = arith.constant 0 : i32
      %dma_wait3A_150 = tpu.memref_slice %dma_wait3A_148[%add3A_144, %dma_wait3A_149] : memref<320000x128xf32, #tpu.memory_space<hbm>> -> memref<160x128xf32, #tpu.memory_space<hbm>>
      %dma_wait3A_151 = arith.constant 0 : i32
      %dma_wait3A_152 = arith.constant 0 : i32
      %dma_wait3A_153 = tpu.memref_slice %arg2[%arg0, %dma_wait3A_151, %dma_wait3A_152] : memref<2x320000x128xf32, #tpu.memory_space<hbm>> -> memref<1x320000x128xf32, #tpu.memory_space<hbm>>
      %dma_wait3A_154 = tpu.memref_squeeze %dma_wait3A_153 : memref<1x320000x128xf32, #tpu.memory_space<hbm>> -> memref<320000x128xf32, #tpu.memory_space<hbm>>
      %dma_wait3A_155 = arith.constant 0 : i32
      %dma_wait3A_156 = tpu.memref_slice %dma_wait3A_154[%add3A_144, %dma_wait3A_155] : memref<320000x128xf32, #tpu.memory_space<hbm>> -> memref<160x128xf32, #tpu.memory_space<hbm>>
      tpu.wait_dma2 semaphore(%arg14 : memref<!tpu.dma_semaphore, #tpu.memory_space<semaphore_mem>>) src(%dma_wait3A_156 : memref<160x128xf32, #tpu.memory_space<hbm>>) dst(%arg12 : memref<160x128xf32, #tpu.memory_space<vmem>>)
      %add3A_157 = arith.constant 0 : i32
      %add3A_158 = arith.addi %add3A_144, %add3A_157 : i32
      %dma_wait3A_159 = tpu.memref_slice %arg3[%add3A_158] : memref<320000xi32, #tpu.memory_space<hbm>> -> memref<80xi32, #tpu.memory_space<hbm>>
      %dma_wait3A_160 = tpu.memref_slice %arg3[%add3A_158] : memref<320000xi32, #tpu.memory_space<hbm>> -> memref<80xi32, #tpu.memory_space<hbm>>
      tpu.wait_dma2 semaphore(%arg14 : memref<!tpu.dma_semaphore, #tpu.memory_space<semaphore_mem>>) src(%dma_wait3A_160 : memref<80xi32, #tpu.memory_space<hbm>>) dst(%arg9 : memref<80xi32, #tpu.memory_space<vmem>>)
      %add3A_161 = arith.constant 80 : i32
      %add3A_162 = arith.addi %add3A_144, %add3A_161 : i32
      %dma_wait3A_163 = tpu.memref_slice %arg3[%add3A_162] : memref<320000xi32, #tpu.memory_space<hbm>> -> memref<80xi32, #tpu.memory_space<hbm>>
      %dma_wait3A_164 = tpu.memref_slice %arg3[%add3A_162] : memref<320000xi32, #tpu.memory_space<hbm>> -> memref<80xi32, #tpu.memory_space<hbm>>
      tpu.wait_dma2 semaphore(%arg14 : memref<!tpu.dma_semaphore, #tpu.memory_space<semaphore_mem>>) src(%dma_wait3A_164 : memref<80xi32, #tpu.memory_space<hbm>>) dst(%arg10 : memref<80xi32, #tpu.memory_space<vmem>>)
      "tpu.region"() ({
        %run_scoped3A = tpu.sem_alloc : memref<!tpu.dma_semaphore, #tpu.memory_space<semaphore_mem>>
        %dma_start3A_165 = arith.constant 0 : i32
        %dma_start3A_166 = arith.constant 0 : i32
        %dma_start3A_167 = tpu.memref_slice %arg12[%dma_start3A_165, %dma_start3A_166] : memref<160x128xf32, #tpu.memory_space<vmem>> -> memref<80x128xf32, #tpu.memory_space<vmem>>
        %dma_start3A_168 = arith.constant 0 : i32
        %dma_start3A_169 = arith.constant 0 : i32
        %dma_start3A_170 = tpu.memref_slice %arg6[%dma_start3A_168, %dma_start3A_169] : memref<10000x128xf32, #tpu.memory_space<vmem_shared>> -> memref<10000x128xf32, #tpu.memory_space<vmem_shared>>
        tpu.enqueue_indirect_dma source(%dma_start3A_167 : memref<80x128xf32, #tpu.memory_space<vmem>>) target(%dma_start3A_170 : memref<10000x128xf32, #tpu.memory_space<vmem_shared>>) offsets(%arg9 : memref<80xi32, #tpu.memory_space<vmem>>) semaphore(%run_scoped3A : memref<!tpu.dma_semaphore, #tpu.memory_space<semaphore_mem>>) {add = true}
        %dma_wait3A_171 = arith.constant 0 : i32
        %dma_wait3A_172 = arith.constant 0 : i32
        %dma_wait3A_173 = tpu.memref_slice %arg12[%dma_wait3A_171, %dma_wait3A_172] : memref<160x128xf32, #tpu.memory_space<vmem>> -> memref<80x128xf32, #tpu.memory_space<vmem>>
        %dma_wait3A_174 = arith.constant 0 : i32
        %dma_wait3A_175 = arith.constant 0 : i32
        %dma_wait3A_176 = tpu.memref_slice %arg6[%dma_wait3A_174, %dma_wait3A_175] : memref<10000x128xf32, #tpu.memory_space<vmem_shared>> -> memref<10000x128xf32, #tpu.memory_space<vmem_shared>>
        tpu.wait_indirect_dma semaphore(%run_scoped3A : memref<!tpu.dma_semaphore, #tpu.memory_space<semaphore_mem>>) src(%dma_wait3A_173 : memref<80x128xf32, #tpu.memory_space<vmem>>) dst(%dma_wait3A_176 : memref<10000x128xf32, #tpu.memory_space<vmem_shared>>)
        tpu.yield
      }) : () -> ()
      "tpu.region"() ({
        %run_scoped3A = tpu.sem_alloc : memref<!tpu.dma_semaphore, #tpu.memory_space<semaphore_mem>>
        %dma_start3A_165 = arith.constant 80 : i32
        %dma_start3A_166 = arith.constant 0 : i32
        %dma_start3A_167 = tpu.memref_slice %arg12[%dma_start3A_165, %dma_start3A_166] : memref<160x128xf32, #tpu.memory_space<vmem>> -> memref<80x128xf32, #tpu.memory_space<vmem>>
        %dma_start3A_168 = arith.constant 0 : i32
        %dma_start3A_169 = arith.constant 0 : i32
        %dma_start3A_170 = tpu.memref_slice %arg6[%dma_start3A_168, %dma_start3A_169] : memref<10000x128xf32, #tpu.memory_space<vmem_shared>> -> memref<10000x128xf32, #tpu.memory_space<vmem_shared>>
        tpu.enqueue_indirect_dma source(%dma_start3A_167 : memref<80x128xf32, #tpu.memory_space<vmem>>) target(%dma_start3A_170 : memref<10000x128xf32, #tpu.memory_space<vmem_shared>>) offsets(%arg10 : memref<80xi32, #tpu.memory_space<vmem>>) semaphore(%run_scoped3A : memref<!tpu.dma_semaphore, #tpu.memory_space<semaphore_mem>>) {add = true}
        %dma_wait3A_171 = arith.constant 80 : i32
        %dma_wait3A_172 = arith.constant 0 : i32
        %dma_wait3A_173 = tpu.memref_slice %arg12[%dma_wait3A_171, %dma_wait3A_172] : memref<160x128xf32, #tpu.memory_space<vmem>> -> memref<80x128xf32, #tpu.memory_space<vmem>>
        %dma_wait3A_174 = arith.constant 0 : i32
        %dma_wait3A_175 = arith.constant 0 : i32
        %dma_wait3A_176 = tpu.memref_slice %arg6[%dma_wait3A_174, %dma_wait3A_175] : memref<10000x128xf32, #tpu.memory_space<vmem_shared>> -> memref<10000x128xf32, #tpu.memory_space<vmem_shared>>
        tpu.wait_indirect_dma semaphore(%run_scoped3A : memref<!tpu.dma_semaphore, #tpu.memory_space<semaphore_mem>>) src(%dma_wait3A_173 : memref<80x128xf32, #tpu.memory_space<vmem>>) dst(%dma_wait3A_176 : memref<10000x128xf32, #tpu.memory_space<vmem_shared>>)
        tpu.yield
      }) : () -> ()
    }
    %scan3A_30 = arith.constant 62 : i32
    %add3A_31 = arith.constant 19840 : i32
    %add3A_32 = arith.addi %mul3A_6, %add3A_31 : i32
    %dma_wait3A = arith.constant 0 : i32
    %dma_wait3A_33 = arith.constant 0 : i32
    %dma_wait3A_34 = tpu.memref_slice %arg2[%arg0, %dma_wait3A, %dma_wait3A_33] : memref<2x320000x128xf32, #tpu.memory_space<hbm>> -> memref<1x320000x128xf32, #tpu.memory_space<hbm>>
    %dma_wait3A_35 = tpu.memref_squeeze %dma_wait3A_34 : memref<1x320000x128xf32, #tpu.memory_space<hbm>> -> memref<320000x128xf32, #tpu.memory_space<hbm>>
    %dma_wait3A_36 = arith.constant 0 : i32
    %dma_wait3A_37 = tpu.memref_slice %dma_wait3A_35[%add3A_32, %dma_wait3A_36] : memref<320000x128xf32, #tpu.memory_space<hbm>> -> memref<160x128xf32, #tpu.memory_space<hbm>>
    %dma_wait3A_38 = arith.constant 0 : i32
    %dma_wait3A_39 = arith.constant 0 : i32
    %dma_wait3A_40 = tpu.memref_slice %arg2[%arg0, %dma_wait3A_38, %dma_wait3A_39] : memref<2x320000x128xf32, #tpu.memory_space<hbm>> -> memref<1x320000x128xf32, #tpu.memory_space<hbm>>
    %dma_wait3A_41 = tpu.memref_squeeze %dma_wait3A_40 : memref<1x320000x128xf32, #tpu.memory_space<hbm>> -> memref<320000x128xf32, #tpu.memory_space<hbm>>
    %dma_wait3A_42 = arith.constant 0 : i32
    %dma_wait3A_43 = tpu.memref_slice %dma_wait3A_41[%add3A_32, %dma_wait3A_42] : memref<320000x128xf32, #tpu.memory_space<hbm>> -> memref<160x128xf32, #tpu.memory_space<hbm>>
    tpu.wait_dma2 semaphore(%arg13 : memref<!tpu.dma_semaphore, #tpu.memory_space<semaphore_mem>>) src(%dma_wait3A_43 : memref<160x128xf32, #tpu.memory_space<hbm>>) dst(%arg11 : memref<160x128xf32, #tpu.memory_space<vmem>>)
    %add3A_44 = arith.constant 0 : i32
    %add3A_45 = arith.addi %add3A_32, %add3A_44 : i32
    %dma_wait3A_46 = tpu.memref_slice %arg3[%add3A_45] : memref<320000xi32, #tpu.memory_space<hbm>> -> memref<80xi32, #tpu.memory_space<hbm>>
    %dma_wait3A_47 = tpu.memref_slice %arg3[%add3A_45] : memref<320000xi32, #tpu.memory_space<hbm>> -> memref<80xi32, #tpu.memory_space<hbm>>
    tpu.wait_dma2 semaphore(%arg13 : memref<!tpu.dma_semaphore, #tpu.memory_space<semaphore_mem>>) src(%dma_wait3A_47 : memref<80xi32, #tpu.memory_space<hbm>>) dst(%arg7 : memref<80xi32, #tpu.memory_space<vmem>>)
    %add3A_48 = arith.constant 80 : i32
    %add3A_49 = arith.addi %add3A_32, %add3A_48 : i32
    %dma_wait3A_50 = tpu.memref_slice %arg3[%add3A_49] : memref<320000xi32, #tpu.memory_space<hbm>> -> memref<80xi32, #tpu.memory_space<hbm>>
    %dma_wait3A_51 = tpu.memref_slice %arg3[%add3A_49] : memref<320000xi32, #tpu.memory_space<hbm>> -> memref<80xi32, #tpu.memory_space<hbm>>
    tpu.wait_dma2 semaphore(%arg13 : memref<!tpu.dma_semaphore, #tpu.memory_space<semaphore_mem>>) src(%dma_wait3A_51 : memref<80xi32, #tpu.memory_space<hbm>>) dst(%arg8 : memref<80xi32, #tpu.memory_space<vmem>>)
    "tpu.region"() ({
      %run_scoped3A = tpu.sem_alloc : memref<!tpu.dma_semaphore, #tpu.memory_space<semaphore_mem>>
      %dma_start3A_62 = arith.constant 0 : i32
      %dma_start3A_63 = arith.constant 0 : i32
      %dma_start3A_64 = tpu.memref_slice %arg11[%dma_start3A_62, %dma_start3A_63] : memref<160x128xf32, #tpu.memory_space<vmem>> -> memref<80x128xf32, #tpu.memory_space<vmem>>
      %dma_start3A_65 = arith.constant 0 : i32
      %dma_start3A_66 = arith.constant 0 : i32
      %dma_start3A_67 = tpu.memref_slice %arg6[%dma_start3A_65, %dma_start3A_66] : memref<10000x128xf32, #tpu.memory_space<vmem_shared>> -> memref<10000x128xf32, #tpu.memory_space<vmem_shared>>
      tpu.enqueue_indirect_dma source(%dma_start3A_64 : memref<80x128xf32, #tpu.memory_space<vmem>>) target(%dma_start3A_67 : memref<10000x128xf32, #tpu.memory_space<vmem_shared>>) offsets(%arg7 : memref<80xi32, #tpu.memory_space<vmem>>) semaphore(%run_scoped3A : memref<!tpu.dma_semaphore, #tpu.memory_space<semaphore_mem>>) {add = true}
      %dma_wait3A_68 = arith.constant 0 : i32
      %dma_wait3A_69 = arith.constant 0 : i32
      %dma_wait3A_70 = tpu.memref_slice %arg11[%dma_wait3A_68, %dma_wait3A_69] : memref<160x128xf32, #tpu.memory_space<vmem>> -> memref<80x128xf32, #tpu.memory_space<vmem>>
      %dma_wait3A_71 = arith.constant 0 : i32
      %dma_wait3A_72 = arith.constant 0 : i32
      %dma_wait3A_73 = tpu.memref_slice %arg6[%dma_wait3A_71, %dma_wait3A_72] : memref<10000x128xf32, #tpu.memory_space<vmem_shared>> -> memref<10000x128xf32, #tpu.memory_space<vmem_shared>>
      tpu.wait_indirect_dma semaphore(%run_scoped3A : memref<!tpu.dma_semaphore, #tpu.memory_space<semaphore_mem>>) src(%dma_wait3A_70 : memref<80x128xf32, #tpu.memory_space<vmem>>) dst(%dma_wait3A_73 : memref<10000x128xf32, #tpu.memory_space<vmem_shared>>)
      tpu.yield
    }) : () -> ()
    "tpu.region"() ({
      %run_scoped3A = tpu.sem_alloc : memref<!tpu.dma_semaphore, #tpu.memory_space<semaphore_mem>>
      %dma_start3A_62 = arith.constant 80 : i32
      %dma_start3A_63 = arith.constant 0 : i32
      %dma_start3A_64 = tpu.memref_slice %arg11[%dma_start3A_62, %dma_start3A_63] : memref<160x128xf32, #tpu.memory_space<vmem>> -> memref<80x128xf32, #tpu.memory_space<vmem>>
      %dma_start3A_65 = arith.constant 0 : i32
      %dma_start3A_66 = arith.constant 0 : i32
      %dma_start3A_67 = tpu.memref_slice %arg6[%dma_start3A_65, %dma_start3A_66] : memref<10000x128xf32, #tpu.memory_space<vmem_shared>> -> memref<10000x128xf32, #tpu.memory_space<vmem_shared>>
      tpu.enqueue_indirect_dma source(%dma_start3A_64 : memref<80x128xf32, #tpu.memory_space<vmem>>) target(%dma_start3A_67 : memref<10000x128xf32, #tpu.memory_space<vmem_shared>>) offsets(%arg8 : memref<80xi32, #tpu.memory_space<vmem>>) semaphore(%run_scoped3A : memref<!tpu.dma_semaphore, #tpu.memory_space<semaphore_mem>>) {add = true}
      %dma_wait3A_68 = arith.constant 80 : i32
      %dma_wait3A_69 = arith.constant 0 : i32
      %dma_wait3A_70 = tpu.memref_slice %arg11[%dma_wait3A_68, %dma_wait3A_69] : memref<160x128xf32, #tpu.memory_space<vmem>> -> memref<80x128xf32, #tpu.memory_space<vmem>>
      %dma_wait3A_71 = arith.constant 0 : i32
      %dma_wait3A_72 = arith.constant 0 : i32
      %dma_wait3A_73 = tpu.memref_slice %arg6[%dma_wait3A_71, %dma_wait3A_72] : memref<10000x128xf32, #tpu.memory_space<vmem_shared>> -> memref<10000x128xf32, #tpu.memory_space<vmem_shared>>
      tpu.wait_indirect_dma semaphore(%run_scoped3A : memref<!tpu.dma_semaphore, #tpu.memory_space<semaphore_mem>>) src(%dma_wait3A_70 : memref<80x128xf32, #tpu.memory_space<vmem>>) dst(%dma_wait3A_73 : memref<10000x128xf32, #tpu.memory_space<vmem_shared>>)
      tpu.yield
    }) : () -> ()
    %barrier3A_52 = arith.constant 0 : index
    tpu.barrier barrier_id(%barrier3A_52)
    %mul3A_53 = arith.constant 624 : i32
    %mul3A_54 = arith.muli %arg1, %mul3A_53 : i32
    %mul3A_55 = arith.constant 624 : i32
    %mul3A_56 = arith.muli %arg1, %mul3A_55 : i32
    "tpu.region"() ({
      %run_scoped3A = tpu.sem_alloc : memref<!tpu.dma_semaphore, #tpu.memory_space<semaphore_mem>>
      %dma_start3A_62 = arith.constant 0 : i32
      %dma_start3A_63 = arith.constant 0 : i32
      %dma_start3A_64 = tpu.memref_slice %arg5[%arg0, %dma_start3A_62, %dma_start3A_63] : memref<2x10000x128xf32, #tpu.memory_space<hbm>> -> memref<1x10000x128xf32, #tpu.memory_space<hbm>>
      %dma_start3A_65 = tpu.memref_squeeze %dma_start3A_64 : memref<1x10000x128xf32, #tpu.memory_space<hbm>> -> memref<10000x128xf32, #tpu.memory_space<hbm>>
      %dma_start3A_66 = arith.constant 0 : i32
      %dma_start3A_67 = tpu.memref_slice %dma_start3A_65[%mul3A_56, %dma_start3A_66] : memref<10000x128xf32, #tpu.memory_space<hbm>> -> memref<624x128xf32, #tpu.memory_space<hbm>>
      %dma_start3A_68 = arith.constant 0 : i32
      %dma_start3A_69 = tpu.memref_slice %arg6[%mul3A_54, %dma_start3A_68] : memref<10000x128xf32, #tpu.memory_space<vmem_shared>> -> memref<624x128xf32, #tpu.memory_space<vmem_shared>>
      tpu.enqueue_dma source(%dma_start3A_69 : memref<624x128xf32, #tpu.memory_space<vmem_shared>>) target(%dma_start3A_67 : memref<624x128xf32, #tpu.memory_space<hbm>>) target_semaphore(%run_scoped3A : memref<!tpu.dma_semaphore, #tpu.memory_space<semaphore_mem>>)
      %dma_wait3A_70 = arith.constant 0 : i32
      %dma_wait3A_71 = arith.constant 0 : i32
      %dma_wait3A_72 = tpu.memref_slice %arg5[%arg0, %dma_wait3A_70, %dma_wait3A_71] : memref<2x10000x128xf32, #tpu.memory_space<hbm>> -> memref<1x10000x128xf32, #tpu.memory_space<hbm>>
      %dma_wait3A_73 = tpu.memref_squeeze %dma_wait3A_72 : memref<1x10000x128xf32, #tpu.memory_space<hbm>> -> memref<10000x128xf32, #tpu.memory_space<hbm>>
      %dma_wait3A_74 = arith.constant 0 : i32
      %dma_wait3A_75 = tpu.memref_slice %dma_wait3A_73[%mul3A_56, %dma_wait3A_74] : memref<10000x128xf32, #tpu.memory_space<hbm>> -> memref<624x128xf32, #tpu.memory_space<hbm>>
      %dma_wait3A_76 = arith.constant 0 : i32
      %dma_wait3A_77 = tpu.memref_slice %arg6[%mul3A_54, %dma_wait3A_76] : memref<10000x128xf32, #tpu.memory_space<vmem_shared>> -> memref<624x128xf32, #tpu.memory_space<vmem_shared>>
      tpu.wait_dma2 semaphore(%run_scoped3A : memref<!tpu.dma_semaphore, #tpu.memory_space<semaphore_mem>>) src(%dma_wait3A_77 : memref<624x128xf32, #tpu.memory_space<vmem_shared>>) dst(%dma_wait3A_75 : memref<624x128xf32, #tpu.memory_space<hbm>>)
      tpu.yield
    }) : () -> ()
    %eq3A_57 = arith.constant 0 : i32
    %eq3A_58 = arith.cmpi eq, %arg1, %eq3A_57 : i32
    %convert_element_type3A_59 = arith.extui %eq3A_58 : i1 to i32
    %cond3A_60 = arith.constant 0 : i32
    %cond3A_61 = arith.cmpi ne, %convert_element_type3A_59, %cond3A_60 : i32
    scf.if %cond3A_61 {
      "tpu.region"() ({
        %run_scoped3A = tpu.sem_alloc : memref<!tpu.dma_semaphore, #tpu.memory_space<semaphore_mem>>
        %dma_start3A_62 = arith.constant 0 : i32
        %dma_start3A_63 = arith.constant 0 : i32
        %dma_start3A_64 = tpu.memref_slice %arg5[%arg0, %dma_start3A_62, %dma_start3A_63] : memref<2x10000x128xf32, #tpu.memory_space<hbm>> -> memref<1x10000x128xf32, #tpu.memory_space<hbm>>
        %dma_start3A_65 = tpu.memref_squeeze %dma_start3A_64 : memref<1x10000x128xf32, #tpu.memory_space<hbm>> -> memref<10000x128xf32, #tpu.memory_space<hbm>>
        %dma_start3A_66 = arith.constant 9984 : i32
        %dma_start3A_67 = arith.constant 0 : i32
        %dma_start3A_68 = tpu.memref_slice %dma_start3A_65[%dma_start3A_66, %dma_start3A_67] : memref<10000x128xf32, #tpu.memory_space<hbm>> -> memref<16x128xf32, #tpu.memory_space<hbm>>
        %dma_start3A_69 = arith.constant 9984 : i32
        %dma_start3A_70 = arith.constant 0 : i32
        %dma_start3A_71 = tpu.memref_slice %arg6[%dma_start3A_69, %dma_start3A_70] : memref<10000x128xf32, #tpu.memory_space<vmem_shared>> -> memref<16x128xf32, #tpu.memory_space<vmem_shared>>
        tpu.enqueue_dma source(%dma_start3A_71 : memref<16x128xf32, #tpu.memory_space<vmem_shared>>) target(%dma_start3A_68 : memref<16x128xf32, #tpu.memory_space<hbm>>) target_semaphore(%run_scoped3A : memref<!tpu.dma_semaphore, #tpu.memory_space<semaphore_mem>>)
        %dma_wait3A_72 = arith.constant 0 : i32
        %dma_wait3A_73 = arith.constant 0 : i32
        %dma_wait3A_74 = tpu.memref_slice %arg5[%arg0, %dma_wait3A_72, %dma_wait3A_73] : memref<2x10000x128xf32, #tpu.memory_space<hbm>> -> memref<1x10000x128xf32, #tpu.memory_space<hbm>>
        %dma_wait3A_75 = tpu.memref_squeeze %dma_wait3A_74 : memref<1x10000x128xf32, #tpu.memory_space<hbm>> -> memref<10000x128xf32, #tpu.memory_space<hbm>>
        %dma_wait3A_76 = arith.constant 9984 : i32
        %dma_wait3A_77 = arith.constant 0 : i32
        %dma_wait3A_78 = tpu.memref_slice %dma_wait3A_75[%dma_wait3A_76, %dma_wait3A_77] : memref<10000x128xf32, #tpu.memory_space<hbm>> -> memref<16x128xf32, #tpu.memory_space<hbm>>
        %dma_wait3A_79 = arith.constant 9984 : i32
        %dma_wait3A_80 = arith.constant 0 : i32
        %dma_wait3A_81 = tpu.memref_slice %arg6[%dma_wait3A_79, %dma_wait3A_80] : memref<10000x128xf32, #tpu.memory_space<vmem_shared>> -> memref<16x128xf32, #tpu.memory_space<vmem_shared>>
        tpu.wait_dma2 semaphore(%run_scoped3A : memref<!tpu.dma_semaphore, #tpu.memory_space<semaphore_mem>>) src(%dma_wait3A_81 : memref<16x128xf32, #tpu.memory_space<vmem_shared>>) dst(%dma_wait3A_78 : memref<16x128xf32, #tpu.memory_space<hbm>>)
        tpu.yield
      }) : () -> ()
    } else {
    }
    return
  }
}

#map = affine_map<(d0, d1) -> (0, 0)>
#map1 = affine_map<(d0, d1) -> (0)>
module attributes {stable_mosaic.version = 14 : i64} {
  func.func @k(%arg0: i32, %arg1: i32, %arg2: memref<10000x128xf32, #tpu.memory_space<hbm>>, %arg3: memref<320000xi32, #tpu.memory_space<hbm>>, %arg4: memref<320000x128xf32, #tpu.memory_space<hbm>>, %arg5: memref<400xi32, #tpu.memory_space<vmem>>, %arg6: memref<400xi32, #tpu.memory_space<vmem>>, %arg7: memref<400x128xf32, #tpu.memory_space<vmem>>, %arg8: memref<400x128xf32, #tpu.memory_space<vmem>>, %arg9: memref<!tpu.dma_semaphore, #tpu.memory_space<semaphore_mem>>, %arg10: memref<!tpu.dma_semaphore, #tpu.memory_space<semaphore_mem>>, %arg11: memref<!tpu.dma_semaphore, #tpu.memory_space<semaphore_mem>>, %arg12: memref<!tpu.dma_semaphore, #tpu.memory_space<semaphore_mem>>, %arg13: memref<!tpu.dma_semaphore, #tpu.memory_space<semaphore_mem>>, %arg14: memref<!tpu.dma_semaphore, #tpu.memory_space<semaphore_mem>>) attributes {dimension_semantics = [#tpu.dimension_semantics<core_parallel>, #tpu.dimension_semantics<subcore_parallel>], iteration_bounds = array<i64: 2, 16>, scalar_prefetch = 0 : i64, scratch_operands = 10 : i64, tpu.core_type = #tpu.core_type<sc_vector_subcore>, window_params = [{transform_indices = #map}, {transform_indices = #map1}, {transform_indices = #map}]} {
    %mul3A = arith.constant 2 : i32
    %mul3A_0 = arith.muli %arg1, %mul3A : i32
    %add3A = arith.addi %mul3A_0, %arg0 : i32
    %mul3A_1 = arith.constant 10000 : i32
    %mul3A_2 = arith.muli %add3A, %mul3A_1 : i32
    %add3A_3 = arith.constant 0 : i32
    %add3A_4 = arith.addi %mul3A_2, %add3A_3 : i32
    %dma_start3A = tpu.memref_slice %arg3[%add3A_4] : memref<320000xi32, #tpu.memory_space<hbm>> -> memref<400xi32, #tpu.memory_space<hbm>>
    %dma_start3A_5 = tpu.memref_slice %arg3[%add3A_4] : memref<320000xi32, #tpu.memory_space<hbm>> -> memref<400xi32, #tpu.memory_space<hbm>>
    tpu.enqueue_dma source(%dma_start3A_5 : memref<400xi32, #tpu.memory_space<hbm>>) target(%arg5 : memref<400xi32, #tpu.memory_space<vmem>>) target_semaphore(%arg9 : memref<!tpu.dma_semaphore, #tpu.memory_space<semaphore_mem>>)
    %scan3A = arith.constant 0 : i32
    %scan3A_6 = arith.constant 12 : i32
    %scan3A_7 = arith.addi %scan3A, %scan3A_6 : i32
    %scan3A_8 = arith.constant 1 : i32
    scf.for %scan3A_109 = %scan3A to %scan3A_7 step %scan3A_8  : i32 {
      %mul3A_110 = arith.constant 2 : i32
      %mul3A_111 = arith.muli %scan3A_109, %mul3A_110 : i32
      %add3A_112 = arith.constant 0 : i32
      %add3A_113 = arith.addi %add3A_112, %mul3A_111 : i32
      %add3A_114 = arith.constant 1 : i32
      %add3A_115 = arith.addi %add3A_113, %add3A_114 : i32
      %mul3A_116 = arith.constant 400 : i32
      %mul3A_117 = arith.muli %add3A_115, %mul3A_116 : i32
      %add3A_118 = arith.addi %mul3A_2, %mul3A_117 : i32
      %dma_start3A_119 = tpu.memref_slice %arg3[%add3A_118] : memref<320000xi32, #tpu.memory_space<hbm>> -> memref<400xi32, #tpu.memory_space<hbm>>
      %dma_start3A_120 = tpu.memref_slice %arg3[%add3A_118] : memref<320000xi32, #tpu.memory_space<hbm>> -> memref<400xi32, #tpu.memory_space<hbm>>
      tpu.enqueue_dma source(%dma_start3A_120 : memref<400xi32, #tpu.memory_space<hbm>>) target(%arg6 : memref<400xi32, #tpu.memory_space<vmem>>) target_semaphore(%arg10 : memref<!tpu.dma_semaphore, #tpu.memory_space<semaphore_mem>>)
      %mul3A_121 = arith.constant 400 : i32
      %mul3A_122 = arith.muli %add3A_113, %mul3A_121 : i32
      %add3A_123 = arith.addi %mul3A_2, %mul3A_122 : i32
      %dma_wait3A_124 = tpu.memref_slice %arg3[%add3A_123] : memref<320000xi32, #tpu.memory_space<hbm>> -> memref<400xi32, #tpu.memory_space<hbm>>
      %dma_wait3A_125 = tpu.memref_slice %arg3[%add3A_123] : memref<320000xi32, #tpu.memory_space<hbm>> -> memref<400xi32, #tpu.memory_space<hbm>>
      tpu.wait_dma2 semaphore(%arg9 : memref<!tpu.dma_semaphore, #tpu.memory_space<semaphore_mem>>) src(%dma_wait3A_125 : memref<400xi32, #tpu.memory_space<hbm>>) dst(%arg5 : memref<400xi32, #tpu.memory_space<vmem>>)
      %ge3A = arith.constant 2 : i32
      %ge3A_126 = arith.cmpi sge, %add3A_113, %ge3A : i32
      %convert_element_type3A = arith.extui %ge3A_126 : i1 to i32
      %cond3A = arith.constant 0 : i32
      %cond3A_127 = arith.cmpi ne, %convert_element_type3A, %cond3A : i32
      scf.if %cond3A_127 {
        %dma_wait3A_315 = arith.constant 0 : i32
        %dma_wait3A_316 = tpu.memref_slice %arg4[%add3A_123, %dma_wait3A_315] : memref<320000x128xf32, #tpu.memory_space<hbm>> -> memref<400x128xf32, #tpu.memory_space<hbm>>
        %dma_wait3A_317 = arith.constant 0 : i32
        %dma_wait3A_318 = tpu.memref_slice %arg4[%add3A_123, %dma_wait3A_317] : memref<320000x128xf32, #tpu.memory_space<hbm>> -> memref<400x128xf32, #tpu.memory_space<hbm>>
        tpu.wait_dma2 semaphore(%arg13 : memref<!tpu.dma_semaphore, #tpu.memory_space<semaphore_mem>>) src(%arg7 : memref<400x128xf32, #tpu.memory_space<vmem>>) dst(%dma_wait3A_318 : memref<400x128xf32, #tpu.memory_space<hbm>>)
      } else {
      }
      %dma_start3A_128 = arith.constant 0 : i32
      %dma_start3A_129 = arith.constant 0 : i32
      %dma_start3A_130 = tpu.memref_slice %arg7[%dma_start3A_128, %dma_start3A_129] : memref<400x128xf32, #tpu.memory_space<vmem>> -> memref<80x128xf32, #tpu.memory_space<vmem>>
      %dma_start3A_131 = arith.constant 0 : i32
      %dma_start3A_132 = tpu.memref_slice %arg5[%dma_start3A_131] : memref<400xi32, #tpu.memory_space<vmem>> -> memref<80xi32, #tpu.memory_space<vmem>>
      %dma_start3A_133 = arith.constant 0 : i32
      %dma_start3A_134 = arith.constant 0 : i32
      %dma_start3A_135 = tpu.memref_slice %arg2[%dma_start3A_133, %dma_start3A_134] : memref<10000x128xf32, #tpu.memory_space<hbm>> -> memref<10000x128xf32, #tpu.memory_space<hbm>>
      tpu.enqueue_indirect_dma source(%dma_start3A_135 : memref<10000x128xf32, #tpu.memory_space<hbm>>) target(%dma_start3A_130 : memref<80x128xf32, #tpu.memory_space<vmem>>) offsets(%dma_start3A_132 : memref<80xi32, #tpu.memory_space<vmem>>) semaphore(%arg11 : memref<!tpu.dma_semaphore, #tpu.memory_space<semaphore_mem>>)
      %dma_start3A_136 = arith.constant 80 : i32
      %dma_start3A_137 = arith.constant 0 : i32
      %dma_start3A_138 = tpu.memref_slice %arg7[%dma_start3A_136, %dma_start3A_137] : memref<400x128xf32, #tpu.memory_space<vmem>> -> memref<80x128xf32, #tpu.memory_space<vmem>>
      %dma_start3A_139 = arith.constant 80 : i32
      %dma_start3A_140 = tpu.memref_slice %arg5[%dma_start3A_139] : memref<400xi32, #tpu.memory_space<vmem>> -> memref<80xi32, #tpu.memory_space<vmem>>
      %dma_start3A_141 = arith.constant 0 : i32
      %dma_start3A_142 = arith.constant 0 : i32
      %dma_start3A_143 = tpu.memref_slice %arg2[%dma_start3A_141, %dma_start3A_142] : memref<10000x128xf32, #tpu.memory_space<hbm>> -> memref<10000x128xf32, #tpu.memory_space<hbm>>
      tpu.enqueue_indirect_dma source(%dma_start3A_143 : memref<10000x128xf32, #tpu.memory_space<hbm>>) target(%dma_start3A_138 : memref<80x128xf32, #tpu.memory_space<vmem>>) offsets(%dma_start3A_140 : memref<80xi32, #tpu.memory_space<vmem>>) semaphore(%arg11 : memref<!tpu.dma_semaphore, #tpu.memory_space<semaphore_mem>>)
      %dma_start3A_144 = arith.constant 160 : i32
      %dma_start3A_145 = arith.constant 0 : i32
      %dma_start3A_146 = tpu.memref_slice %arg7[%dma_start3A_144, %dma_start3A_145] : memref<400x128xf32, #tpu.memory_space<vmem>> -> memref<80x128xf32, #tpu.memory_space<vmem>>
      %dma_start3A_147 = arith.constant 160 : i32
      %dma_start3A_148 = tpu.memref_slice %arg5[%dma_start3A_147] : memref<400xi32, #tpu.memory_space<vmem>> -> memref<80xi32, #tpu.memory_space<vmem>>
      %dma_start3A_149 = arith.constant 0 : i32
      %dma_start3A_150 = arith.constant 0 : i32
      %dma_start3A_151 = tpu.memref_slice %arg2[%dma_start3A_149, %dma_start3A_150] : memref<10000x128xf32, #tpu.memory_space<hbm>> -> memref<10000x128xf32, #tpu.memory_space<hbm>>
      tpu.enqueue_indirect_dma source(%dma_start3A_151 : memref<10000x128xf32, #tpu.memory_space<hbm>>) target(%dma_start3A_146 : memref<80x128xf32, #tpu.memory_space<vmem>>) offsets(%dma_start3A_148 : memref<80xi32, #tpu.memory_space<vmem>>) semaphore(%arg11 : memref<!tpu.dma_semaphore, #tpu.memory_space<semaphore_mem>>)
      %dma_start3A_152 = arith.constant 240 : i32
      %dma_start3A_153 = arith.constant 0 : i32
      %dma_start3A_154 = tpu.memref_slice %arg7[%dma_start3A_152, %dma_start3A_153] : memref<400x128xf32, #tpu.memory_space<vmem>> -> memref<80x128xf32, #tpu.memory_space<vmem>>
      %dma_start3A_155 = arith.constant 240 : i32
      %dma_start3A_156 = tpu.memref_slice %arg5[%dma_start3A_155] : memref<400xi32, #tpu.memory_space<vmem>> -> memref<80xi32, #tpu.memory_space<vmem>>
      %dma_start3A_157 = arith.constant 0 : i32
      %dma_start3A_158 = arith.constant 0 : i32
      %dma_start3A_159 = tpu.memref_slice %arg2[%dma_start3A_157, %dma_start3A_158] : memref<10000x128xf32, #tpu.memory_space<hbm>> -> memref<10000x128xf32, #tpu.memory_space<hbm>>
      tpu.enqueue_indirect_dma source(%dma_start3A_159 : memref<10000x128xf32, #tpu.memory_space<hbm>>) target(%dma_start3A_154 : memref<80x128xf32, #tpu.memory_space<vmem>>) offsets(%dma_start3A_156 : memref<80xi32, #tpu.memory_space<vmem>>) semaphore(%arg11 : memref<!tpu.dma_semaphore, #tpu.memory_space<semaphore_mem>>)
      %dma_start3A_160 = arith.constant 320 : i32
      %dma_start3A_161 = arith.constant 0 : i32
      %dma_start3A_162 = tpu.memref_slice %arg7[%dma_start3A_160, %dma_start3A_161] : memref<400x128xf32, #tpu.memory_space<vmem>> -> memref<80x128xf32, #tpu.memory_space<vmem>>
      %dma_start3A_163 = arith.constant 320 : i32
      %dma_start3A_164 = tpu.memref_slice %arg5[%dma_start3A_163] : memref<400xi32, #tpu.memory_space<vmem>> -> memref<80xi32, #tpu.memory_space<vmem>>
      %dma_start3A_165 = arith.constant 0 : i32
      %dma_start3A_166 = arith.constant 0 : i32
      %dma_start3A_167 = tpu.memref_slice %arg2[%dma_start3A_165, %dma_start3A_166] : memref<10000x128xf32, #tpu.memory_space<hbm>> -> memref<10000x128xf32, #tpu.memory_space<hbm>>
      tpu.enqueue_indirect_dma source(%dma_start3A_167 : memref<10000x128xf32, #tpu.memory_space<hbm>>) target(%dma_start3A_162 : memref<80x128xf32, #tpu.memory_space<vmem>>) offsets(%dma_start3A_164 : memref<80xi32, #tpu.memory_space<vmem>>) semaphore(%arg11 : memref<!tpu.dma_semaphore, #tpu.memory_space<semaphore_mem>>)
      %dma_wait3A_168 = arith.constant 0 : i32
      %dma_wait3A_169 = arith.constant 0 : i32
      %dma_wait3A_170 = tpu.memref_slice %arg7[%dma_wait3A_168, %dma_wait3A_169] : memref<400x128xf32, #tpu.memory_space<vmem>> -> memref<80x128xf32, #tpu.memory_space<vmem>>
      %dma_wait3A_171 = arith.constant 0 : i32
      %dma_wait3A_172 = tpu.memref_slice %arg5[%dma_wait3A_171] : memref<400xi32, #tpu.memory_space<vmem>> -> memref<80xi32, #tpu.memory_space<vmem>>
      %dma_wait3A_173 = arith.constant 0 : i32
      %dma_wait3A_174 = arith.constant 0 : i32
      %dma_wait3A_175 = tpu.memref_slice %arg2[%dma_wait3A_173, %dma_wait3A_174] : memref<10000x128xf32, #tpu.memory_space<hbm>> -> memref<10000x128xf32, #tpu.memory_space<hbm>>
      tpu.wait_indirect_dma semaphore(%arg11 : memref<!tpu.dma_semaphore, #tpu.memory_space<semaphore_mem>>) src(%dma_wait3A_175 : memref<10000x128xf32, #tpu.memory_space<hbm>>) dst(%dma_wait3A_170 : memref<80x128xf32, #tpu.memory_space<vmem>>)
      %dma_wait3A_176 = arith.constant 80 : i32
      %dma_wait3A_177 = arith.constant 0 : i32
      %dma_wait3A_178 = tpu.memref_slice %arg7[%dma_wait3A_176, %dma_wait3A_177] : memref<400x128xf32, #tpu.memory_space<vmem>> -> memref<80x128xf32, #tpu.memory_space<vmem>>
      %dma_wait3A_179 = arith.constant 80 : i32
      %dma_wait3A_180 = tpu.memref_slice %arg5[%dma_wait3A_179] : memref<400xi32, #tpu.memory_space<vmem>> -> memref<80xi32, #tpu.memory_space<vmem>>
      %dma_wait3A_181 = arith.constant 0 : i32
      %dma_wait3A_182 = arith.constant 0 : i32
      %dma_wait3A_183 = tpu.memref_slice %arg2[%dma_wait3A_181, %dma_wait3A_182] : memref<10000x128xf32, #tpu.memory_space<hbm>> -> memref<10000x128xf32, #tpu.memory_space<hbm>>
      tpu.wait_indirect_dma semaphore(%arg11 : memref<!tpu.dma_semaphore, #tpu.memory_space<semaphore_mem>>) src(%dma_wait3A_183 : memref<10000x128xf32, #tpu.memory_space<hbm>>) dst(%dma_wait3A_178 : memref<80x128xf32, #tpu.memory_space<vmem>>)
      %dma_wait3A_184 = arith.constant 160 : i32
      %dma_wait3A_185 = arith.constant 0 : i32
      %dma_wait3A_186 = tpu.memref_slice %arg7[%dma_wait3A_184, %dma_wait3A_185] : memref<400x128xf32, #tpu.memory_space<vmem>> -> memref<80x128xf32, #tpu.memory_space<vmem>>
      %dma_wait3A_187 = arith.constant 160 : i32
      %dma_wait3A_188 = tpu.memref_slice %arg5[%dma_wait3A_187] : memref<400xi32, #tpu.memory_space<vmem>> -> memref<80xi32, #tpu.memory_space<vmem>>
      %dma_wait3A_189 = arith.constant 0 : i32
      %dma_wait3A_190 = arith.constant 0 : i32
      %dma_wait3A_191 = tpu.memref_slice %arg2[%dma_wait3A_189, %dma_wait3A_190] : memref<10000x128xf32, #tpu.memory_space<hbm>> -> memref<10000x128xf32, #tpu.memory_space<hbm>>
      tpu.wait_indirect_dma semaphore(%arg11 : memref<!tpu.dma_semaphore, #tpu.memory_space<semaphore_mem>>) src(%dma_wait3A_191 : memref<10000x128xf32, #tpu.memory_space<hbm>>) dst(%dma_wait3A_186 : memref<80x128xf32, #tpu.memory_space<vmem>>)
      %dma_wait3A_192 = arith.constant 240 : i32
      %dma_wait3A_193 = arith.constant 0 : i32
      %dma_wait3A_194 = tpu.memref_slice %arg7[%dma_wait3A_192, %dma_wait3A_193] : memref<400x128xf32, #tpu.memory_space<vmem>> -> memref<80x128xf32, #tpu.memory_space<vmem>>
      %dma_wait3A_195 = arith.constant 240 : i32
      %dma_wait3A_196 = tpu.memref_slice %arg5[%dma_wait3A_195] : memref<400xi32, #tpu.memory_space<vmem>> -> memref<80xi32, #tpu.memory_space<vmem>>
      %dma_wait3A_197 = arith.constant 0 : i32
      %dma_wait3A_198 = arith.constant 0 : i32
      %dma_wait3A_199 = tpu.memref_slice %arg2[%dma_wait3A_197, %dma_wait3A_198] : memref<10000x128xf32, #tpu.memory_space<hbm>> -> memref<10000x128xf32, #tpu.memory_space<hbm>>
      tpu.wait_indirect_dma semaphore(%arg11 : memref<!tpu.dma_semaphore, #tpu.memory_space<semaphore_mem>>) src(%dma_wait3A_199 : memref<10000x128xf32, #tpu.memory_space<hbm>>) dst(%dma_wait3A_194 : memref<80x128xf32, #tpu.memory_space<vmem>>)
      %dma_wait3A_200 = arith.constant 320 : i32
      %dma_wait3A_201 = arith.constant 0 : i32
      %dma_wait3A_202 = tpu.memref_slice %arg7[%dma_wait3A_200, %dma_wait3A_201] : memref<400x128xf32, #tpu.memory_space<vmem>> -> memref<80x128xf32, #tpu.memory_space<vmem>>
      %dma_wait3A_203 = arith.constant 320 : i32
      %dma_wait3A_204 = tpu.memref_slice %arg5[%dma_wait3A_203] : memref<400xi32, #tpu.memory_space<vmem>> -> memref<80xi32, #tpu.memory_space<vmem>>
      %dma_wait3A_205 = arith.constant 0 : i32
      %dma_wait3A_206 = arith.constant 0 : i32
      %dma_wait3A_207 = tpu.memref_slice %arg2[%dma_wait3A_205, %dma_wait3A_206] : memref<10000x128xf32, #tpu.memory_space<hbm>> -> memref<10000x128xf32, #tpu.memory_space<hbm>>
      tpu.wait_indirect_dma semaphore(%arg11 : memref<!tpu.dma_semaphore, #tpu.memory_space<semaphore_mem>>) src(%dma_wait3A_207 : memref<10000x128xf32, #tpu.memory_space<hbm>>) dst(%dma_wait3A_202 : memref<80x128xf32, #tpu.memory_space<vmem>>)
      %dma_start3A_208 = arith.constant 0 : i32
      %dma_start3A_209 = tpu.memref_slice %arg4[%add3A_123, %dma_start3A_208] : memref<320000x128xf32, #tpu.memory_space<hbm>> -> memref<400x128xf32, #tpu.memory_space<hbm>>
      %dma_start3A_210 = arith.constant 0 : i32
      %dma_start3A_211 = tpu.memref_slice %arg4[%add3A_123, %dma_start3A_210] : memref<320000x128xf32, #tpu.memory_space<hbm>> -> memref<400x128xf32, #tpu.memory_space<hbm>>
      tpu.enqueue_dma source(%arg7 : memref<400x128xf32, #tpu.memory_space<vmem>>) target(%dma_start3A_211 : memref<400x128xf32, #tpu.memory_space<hbm>>) target_semaphore(%arg13 : memref<!tpu.dma_semaphore, #tpu.memory_space<semaphore_mem>>)
      %add3A_212 = arith.constant 2 : i32
      %add3A_213 = arith.addi %add3A_113, %add3A_212 : i32
      %mul3A_214 = arith.constant 400 : i32
      %mul3A_215 = arith.muli %add3A_213, %mul3A_214 : i32
      %add3A_216 = arith.addi %mul3A_2, %mul3A_215 : i32
      %dma_start3A_217 = tpu.memref_slice %arg3[%add3A_216] : memref<320000xi32, #tpu.memory_space<hbm>> -> memref<400xi32, #tpu.memory_space<hbm>>
      %dma_start3A_218 = tpu.memref_slice %arg3[%add3A_216] : memref<320000xi32, #tpu.memory_space<hbm>> -> memref<400xi32, #tpu.memory_space<hbm>>
      tpu.enqueue_dma source(%dma_start3A_218 : memref<400xi32, #tpu.memory_space<hbm>>) target(%arg5 : memref<400xi32, #tpu.memory_space<vmem>>) target_semaphore(%arg9 : memref<!tpu.dma_semaphore, #tpu.memory_space<semaphore_mem>>)
      %add3A_219 = arith.constant 1 : i32
      %add3A_220 = arith.addi %add3A_113, %add3A_219 : i32
      %mul3A_221 = arith.constant 400 : i32
      %mul3A_222 = arith.muli %add3A_220, %mul3A_221 : i32
      %add3A_223 = arith.addi %mul3A_2, %mul3A_222 : i32
      %dma_wait3A_224 = tpu.memref_slice %arg3[%add3A_223] : memref<320000xi32, #tpu.memory_space<hbm>> -> memref<400xi32, #tpu.memory_space<hbm>>
      %dma_wait3A_225 = tpu.memref_slice %arg3[%add3A_223] : memref<320000xi32, #tpu.memory_space<hbm>> -> memref<400xi32, #tpu.memory_space<hbm>>
      tpu.wait_dma2 semaphore(%arg10 : memref<!tpu.dma_semaphore, #tpu.memory_space<semaphore_mem>>) src(%dma_wait3A_225 : memref<400xi32, #tpu.memory_space<hbm>>) dst(%arg6 : memref<400xi32, #tpu.memory_space<vmem>>)
      %ge3A_226 = arith.constant 2 : i32
      %ge3A_227 = arith.cmpi sge, %add3A_220, %ge3A_226 : i32
      %convert_element_type3A_228 = arith.extui %ge3A_227 : i1 to i32
      %cond3A_229 = arith.constant 0 : i32
      %cond3A_230 = arith.cmpi ne, %convert_element_type3A_228, %cond3A_229 : i32
      scf.if %cond3A_230 {
        %dma_wait3A_315 = arith.constant 0 : i32
        %dma_wait3A_316 = tpu.memref_slice %arg4[%add3A_223, %dma_wait3A_315] : memref<320000x128xf32, #tpu.memory_space<hbm>> -> memref<400x128xf32, #tpu.memory_space<hbm>>
        %dma_wait3A_317 = arith.constant 0 : i32
        %dma_wait3A_318 = tpu.memref_slice %arg4[%add3A_223, %dma_wait3A_317] : memref<320000x128xf32, #tpu.memory_space<hbm>> -> memref<400x128xf32, #tpu.memory_space<hbm>>
        tpu.wait_dma2 semaphore(%arg14 : memref<!tpu.dma_semaphore, #tpu.memory_space<semaphore_mem>>) src(%arg8 : memref<400x128xf32, #tpu.memory_space<vmem>>) dst(%dma_wait3A_318 : memref<400x128xf32, #tpu.memory_space<hbm>>)
      } else {
      }
      %dma_start3A_231 = arith.constant 0 : i32
      %dma_start3A_232 = arith.constant 0 : i32
      %dma_start3A_233 = tpu.memref_slice %arg8[%dma_start3A_231, %dma_start3A_232] : memref<400x128xf32, #tpu.memory_space<vmem>> -> memref<80x128xf32, #tpu.memory_space<vmem>>
      %dma_start3A_234 = arith.constant 0 : i32
      %dma_start3A_235 = tpu.memref_slice %arg6[%dma_start3A_234] : memref<400xi32, #tpu.memory_space<vmem>> -> memref<80xi32, #tpu.memory_space<vmem>>
      %dma_start3A_236 = arith.constant 0 : i32
      %dma_start3A_237 = arith.constant 0 : i32
      %dma_start3A_238 = tpu.memref_slice %arg2[%dma_start3A_236, %dma_start3A_237] : memref<10000x128xf32, #tpu.memory_space<hbm>> -> memref<10000x128xf32, #tpu.memory_space<hbm>>
      tpu.enqueue_indirect_dma source(%dma_start3A_238 : memref<10000x128xf32, #tpu.memory_space<hbm>>) target(%dma_start3A_233 : memref<80x128xf32, #tpu.memory_space<vmem>>) offsets(%dma_start3A_235 : memref<80xi32, #tpu.memory_space<vmem>>) semaphore(%arg12 : memref<!tpu.dma_semaphore, #tpu.memory_space<semaphore_mem>>)
      %dma_start3A_239 = arith.constant 80 : i32
      %dma_start3A_240 = arith.constant 0 : i32
      %dma_start3A_241 = tpu.memref_slice %arg8[%dma_start3A_239, %dma_start3A_240] : memref<400x128xf32, #tpu.memory_space<vmem>> -> memref<80x128xf32, #tpu.memory_space<vmem>>
      %dma_start3A_242 = arith.constant 80 : i32
      %dma_start3A_243 = tpu.memref_slice %arg6[%dma_start3A_242] : memref<400xi32, #tpu.memory_space<vmem>> -> memref<80xi32, #tpu.memory_space<vmem>>
      %dma_start3A_244 = arith.constant 0 : i32
      %dma_start3A_245 = arith.constant 0 : i32
      %dma_start3A_246 = tpu.memref_slice %arg2[%dma_start3A_244, %dma_start3A_245] : memref<10000x128xf32, #tpu.memory_space<hbm>> -> memref<10000x128xf32, #tpu.memory_space<hbm>>
      tpu.enqueue_indirect_dma source(%dma_start3A_246 : memref<10000x128xf32, #tpu.memory_space<hbm>>) target(%dma_start3A_241 : memref<80x128xf32, #tpu.memory_space<vmem>>) offsets(%dma_start3A_243 : memref<80xi32, #tpu.memory_space<vmem>>) semaphore(%arg12 : memref<!tpu.dma_semaphore, #tpu.memory_space<semaphore_mem>>)
      %dma_start3A_247 = arith.constant 160 : i32
      %dma_start3A_248 = arith.constant 0 : i32
      %dma_start3A_249 = tpu.memref_slice %arg8[%dma_start3A_247, %dma_start3A_248] : memref<400x128xf32, #tpu.memory_space<vmem>> -> memref<80x128xf32, #tpu.memory_space<vmem>>
      %dma_start3A_250 = arith.constant 160 : i32
      %dma_start3A_251 = tpu.memref_slice %arg6[%dma_start3A_250] : memref<400xi32, #tpu.memory_space<vmem>> -> memref<80xi32, #tpu.memory_space<vmem>>
      %dma_start3A_252 = arith.constant 0 : i32
      %dma_start3A_253 = arith.constant 0 : i32
      %dma_start3A_254 = tpu.memref_slice %arg2[%dma_start3A_252, %dma_start3A_253] : memref<10000x128xf32, #tpu.memory_space<hbm>> -> memref<10000x128xf32, #tpu.memory_space<hbm>>
      tpu.enqueue_indirect_dma source(%dma_start3A_254 : memref<10000x128xf32, #tpu.memory_space<hbm>>) target(%dma_start3A_249 : memref<80x128xf32, #tpu.memory_space<vmem>>) offsets(%dma_start3A_251 : memref<80xi32, #tpu.memory_space<vmem>>) semaphore(%arg12 : memref<!tpu.dma_semaphore, #tpu.memory_space<semaphore_mem>>)
      %dma_start3A_255 = arith.constant 240 : i32
      %dma_start3A_256 = arith.constant 0 : i32
      %dma_start3A_257 = tpu.memref_slice %arg8[%dma_start3A_255, %dma_start3A_256] : memref<400x128xf32, #tpu.memory_space<vmem>> -> memref<80x128xf32, #tpu.memory_space<vmem>>
      %dma_start3A_258 = arith.constant 240 : i32
      %dma_start3A_259 = tpu.memref_slice %arg6[%dma_start3A_258] : memref<400xi32, #tpu.memory_space<vmem>> -> memref<80xi32, #tpu.memory_space<vmem>>
      %dma_start3A_260 = arith.constant 0 : i32
      %dma_start3A_261 = arith.constant 0 : i32
      %dma_start3A_262 = tpu.memref_slice %arg2[%dma_start3A_260, %dma_start3A_261] : memref<10000x128xf32, #tpu.memory_space<hbm>> -> memref<10000x128xf32, #tpu.memory_space<hbm>>
      tpu.enqueue_indirect_dma source(%dma_start3A_262 : memref<10000x128xf32, #tpu.memory_space<hbm>>) target(%dma_start3A_257 : memref<80x128xf32, #tpu.memory_space<vmem>>) offsets(%dma_start3A_259 : memref<80xi32, #tpu.memory_space<vmem>>) semaphore(%arg12 : memref<!tpu.dma_semaphore, #tpu.memory_space<semaphore_mem>>)
      %dma_start3A_263 = arith.constant 320 : i32
      %dma_start3A_264 = arith.constant 0 : i32
      %dma_start3A_265 = tpu.memref_slice %arg8[%dma_start3A_263, %dma_start3A_264] : memref<400x128xf32, #tpu.memory_space<vmem>> -> memref<80x128xf32, #tpu.memory_space<vmem>>
      %dma_start3A_266 = arith.constant 320 : i32
      %dma_start3A_267 = tpu.memref_slice %arg6[%dma_start3A_266] : memref<400xi32, #tpu.memory_space<vmem>> -> memref<80xi32, #tpu.memory_space<vmem>>
      %dma_start3A_268 = arith.constant 0 : i32
      %dma_start3A_269 = arith.constant 0 : i32
      %dma_start3A_270 = tpu.memref_slice %arg2[%dma_start3A_268, %dma_start3A_269] : memref<10000x128xf32, #tpu.memory_space<hbm>> -> memref<10000x128xf32, #tpu.memory_space<hbm>>
      tpu.enqueue_indirect_dma source(%dma_start3A_270 : memref<10000x128xf32, #tpu.memory_space<hbm>>) target(%dma_start3A_265 : memref<80x128xf32, #tpu.memory_space<vmem>>) offsets(%dma_start3A_267 : memref<80xi32, #tpu.memory_space<vmem>>) semaphore(%arg12 : memref<!tpu.dma_semaphore, #tpu.memory_space<semaphore_mem>>)
      %dma_wait3A_271 = arith.constant 0 : i32
      %dma_wait3A_272 = arith.constant 0 : i32
      %dma_wait3A_273 = tpu.memref_slice %arg8[%dma_wait3A_271, %dma_wait3A_272] : memref<400x128xf32, #tpu.memory_space<vmem>> -> memref<80x128xf32, #tpu.memory_space<vmem>>
      %dma_wait3A_274 = arith.constant 0 : i32
      %dma_wait3A_275 = tpu.memref_slice %arg6[%dma_wait3A_274] : memref<400xi32, #tpu.memory_space<vmem>> -> memref<80xi32, #tpu.memory_space<vmem>>
      %dma_wait3A_276 = arith.constant 0 : i32
      %dma_wait3A_277 = arith.constant 0 : i32
      %dma_wait3A_278 = tpu.memref_slice %arg2[%dma_wait3A_276, %dma_wait3A_277] : memref<10000x128xf32, #tpu.memory_space<hbm>> -> memref<10000x128xf32, #tpu.memory_space<hbm>>
      tpu.wait_indirect_dma semaphore(%arg12 : memref<!tpu.dma_semaphore, #tpu.memory_space<semaphore_mem>>) src(%dma_wait3A_278 : memref<10000x128xf32, #tpu.memory_space<hbm>>) dst(%dma_wait3A_273 : memref<80x128xf32, #tpu.memory_space<vmem>>)
      %dma_wait3A_279 = arith.constant 80 : i32
      %dma_wait3A_280 = arith.constant 0 : i32
      %dma_wait3A_281 = tpu.memref_slice %arg8[%dma_wait3A_279, %dma_wait3A_280] : memref<400x128xf32, #tpu.memory_space<vmem>> -> memref<80x128xf32, #tpu.memory_space<vmem>>
      %dma_wait3A_282 = arith.constant 80 : i32
      %dma_wait3A_283 = tpu.memref_slice %arg6[%dma_wait3A_282] : memref<400xi32, #tpu.memory_space<vmem>> -> memref<80xi32, #tpu.memory_space<vmem>>
      %dma_wait3A_284 = arith.constant 0 : i32
      %dma_wait3A_285 = arith.constant 0 : i32
      %dma_wait3A_286 = tpu.memref_slice %arg2[%dma_wait3A_284, %dma_wait3A_285] : memref<10000x128xf32, #tpu.memory_space<hbm>> -> memref<10000x128xf32, #tpu.memory_space<hbm>>
      tpu.wait_indirect_dma semaphore(%arg12 : memref<!tpu.dma_semaphore, #tpu.memory_space<semaphore_mem>>) src(%dma_wait3A_286 : memref<10000x128xf32, #tpu.memory_space<hbm>>) dst(%dma_wait3A_281 : memref<80x128xf32, #tpu.memory_space<vmem>>)
      %dma_wait3A_287 = arith.constant 160 : i32
      %dma_wait3A_288 = arith.constant 0 : i32
      %dma_wait3A_289 = tpu.memref_slice %arg8[%dma_wait3A_287, %dma_wait3A_288] : memref<400x128xf32, #tpu.memory_space<vmem>> -> memref<80x128xf32, #tpu.memory_space<vmem>>
      %dma_wait3A_290 = arith.constant 160 : i32
      %dma_wait3A_291 = tpu.memref_slice %arg6[%dma_wait3A_290] : memref<400xi32, #tpu.memory_space<vmem>> -> memref<80xi32, #tpu.memory_space<vmem>>
      %dma_wait3A_292 = arith.constant 0 : i32
      %dma_wait3A_293 = arith.constant 0 : i32
      %dma_wait3A_294 = tpu.memref_slice %arg2[%dma_wait3A_292, %dma_wait3A_293] : memref<10000x128xf32, #tpu.memory_space<hbm>> -> memref<10000x128xf32, #tpu.memory_space<hbm>>
      tpu.wait_indirect_dma semaphore(%arg12 : memref<!tpu.dma_semaphore, #tpu.memory_space<semaphore_mem>>) src(%dma_wait3A_294 : memref<10000x128xf32, #tpu.memory_space<hbm>>) dst(%dma_wait3A_289 : memref<80x128xf32, #tpu.memory_space<vmem>>)
      %dma_wait3A_295 = arith.constant 240 : i32
      %dma_wait3A_296 = arith.constant 0 : i32
      %dma_wait3A_297 = tpu.memref_slice %arg8[%dma_wait3A_295, %dma_wait3A_296] : memref<400x128xf32, #tpu.memory_space<vmem>> -> memref<80x128xf32, #tpu.memory_space<vmem>>
      %dma_wait3A_298 = arith.constant 240 : i32
      %dma_wait3A_299 = tpu.memref_slice %arg6[%dma_wait3A_298] : memref<400xi32, #tpu.memory_space<vmem>> -> memref<80xi32, #tpu.memory_space<vmem>>
      %dma_wait3A_300 = arith.constant 0 : i32
      %dma_wait3A_301 = arith.constant 0 : i32
      %dma_wait3A_302 = tpu.memref_slice %arg2[%dma_wait3A_300, %dma_wait3A_301] : memref<10000x128xf32, #tpu.memory_space<hbm>> -> memref<10000x128xf32, #tpu.memory_space<hbm>>
      tpu.wait_indirect_dma semaphore(%arg12 : memref<!tpu.dma_semaphore, #tpu.memory_space<semaphore_mem>>) src(%dma_wait3A_302 : memref<10000x128xf32, #tpu.memory_space<hbm>>) dst(%dma_wait3A_297 : memref<80x128xf32, #tpu.memory_space<vmem>>)
      %dma_wait3A_303 = arith.constant 320 : i32
      %dma_wait3A_304 = arith.constant 0 : i32
      %dma_wait3A_305 = tpu.memref_slice %arg8[%dma_wait3A_303, %dma_wait3A_304] : memref<400x128xf32, #tpu.memory_space<vmem>> -> memref<80x128xf32, #tpu.memory_space<vmem>>
      %dma_wait3A_306 = arith.constant 320 : i32
      %dma_wait3A_307 = tpu.memref_slice %arg6[%dma_wait3A_306] : memref<400xi32, #tpu.memory_space<vmem>> -> memref<80xi32, #tpu.memory_space<vmem>>
      %dma_wait3A_308 = arith.constant 0 : i32
      %dma_wait3A_309 = arith.constant 0 : i32
      %dma_wait3A_310 = tpu.memref_slice %arg2[%dma_wait3A_308, %dma_wait3A_309] : memref<10000x128xf32, #tpu.memory_space<hbm>> -> memref<10000x128xf32, #tpu.memory_space<hbm>>
      tpu.wait_indirect_dma semaphore(%arg12 : memref<!tpu.dma_semaphore, #tpu.memory_space<semaphore_mem>>) src(%dma_wait3A_310 : memref<10000x128xf32, #tpu.memory_space<hbm>>) dst(%dma_wait3A_305 : memref<80x128xf32, #tpu.memory_space<vmem>>)
      %dma_start3A_311 = arith.constant 0 : i32
      %dma_start3A_312 = tpu.memref_slice %arg4[%add3A_223, %dma_start3A_311] : memref<320000x128xf32, #tpu.memory_space<hbm>> -> memref<400x128xf32, #tpu.memory_space<hbm>>
      %dma_start3A_313 = arith.constant 0 : i32
      %dma_start3A_314 = tpu.memref_slice %arg4[%add3A_223, %dma_start3A_313] : memref<320000x128xf32, #tpu.memory_space<hbm>> -> memref<400x128xf32, #tpu.memory_space<hbm>>
      tpu.enqueue_dma source(%arg8 : memref<400x128xf32, #tpu.memory_space<vmem>>) target(%dma_start3A_314 : memref<400x128xf32, #tpu.memory_space<hbm>>) target_semaphore(%arg14 : memref<!tpu.dma_semaphore, #tpu.memory_space<semaphore_mem>>)
    }
    %scan3A_9 = arith.constant 12 : i32
    %add3A_10 = arith.constant 9600 : i32
    %add3A_11 = arith.addi %mul3A_2, %add3A_10 : i32
    %dma_wait3A = tpu.memref_slice %arg3[%add3A_11] : memref<320000xi32, #tpu.memory_space<hbm>> -> memref<400xi32, #tpu.memory_space<hbm>>
    %dma_wait3A_12 = tpu.memref_slice %arg3[%add3A_11] : memref<320000xi32, #tpu.memory_space<hbm>> -> memref<400xi32, #tpu.memory_space<hbm>>
    tpu.wait_dma2 semaphore(%arg9 : memref<!tpu.dma_semaphore, #tpu.memory_space<semaphore_mem>>) src(%dma_wait3A_12 : memref<400xi32, #tpu.memory_space<hbm>>) dst(%arg5 : memref<400xi32, #tpu.memory_space<vmem>>)
    %dma_wait3A_13 = arith.constant 0 : i32
    %dma_wait3A_14 = tpu.memref_slice %arg4[%add3A_11, %dma_wait3A_13] : memref<320000x128xf32, #tpu.memory_space<hbm>> -> memref<400x128xf32, #tpu.memory_space<hbm>>
    %dma_wait3A_15 = arith.constant 0 : i32
    %dma_wait3A_16 = tpu.memref_slice %arg4[%add3A_11, %dma_wait3A_15] : memref<320000x128xf32, #tpu.memory_space<hbm>> -> memref<400x128xf32, #tpu.memory_space<hbm>>
    tpu.wait_dma2 semaphore(%arg13 : memref<!tpu.dma_semaphore, #tpu.memory_space<semaphore_mem>>) src(%arg7 : memref<400x128xf32, #tpu.memory_space<vmem>>) dst(%dma_wait3A_16 : memref<400x128xf32, #tpu.memory_space<hbm>>)
    %dma_start3A_17 = arith.constant 0 : i32
    %dma_start3A_18 = arith.constant 0 : i32
    %dma_start3A_19 = tpu.memref_slice %arg7[%dma_start3A_17, %dma_start3A_18] : memref<400x128xf32, #tpu.memory_space<vmem>> -> memref<80x128xf32, #tpu.memory_space<vmem>>
    %dma_start3A_20 = arith.constant 0 : i32
    %dma_start3A_21 = tpu.memref_slice %arg5[%dma_start3A_20] : memref<400xi32, #tpu.memory_space<vmem>> -> memref<80xi32, #tpu.memory_space<vmem>>
    %dma_start3A_22 = arith.constant 0 : i32
    %dma_start3A_23 = arith.constant 0 : i32
    %dma_start3A_24 = tpu.memref_slice %arg2[%dma_start3A_22, %dma_start3A_23] : memref<10000x128xf32, #tpu.memory_space<hbm>> -> memref<10000x128xf32, #tpu.memory_space<hbm>>
    tpu.enqueue_indirect_dma source(%dma_start3A_24 : memref<10000x128xf32, #tpu.memory_space<hbm>>) target(%dma_start3A_19 : memref<80x128xf32, #tpu.memory_space<vmem>>) offsets(%dma_start3A_21 : memref<80xi32, #tpu.memory_space<vmem>>) semaphore(%arg11 : memref<!tpu.dma_semaphore, #tpu.memory_space<semaphore_mem>>)
    %dma_start3A_25 = arith.constant 80 : i32
    %dma_start3A_26 = arith.constant 0 : i32
    %dma_start3A_27 = tpu.memref_slice %arg7[%dma_start3A_25, %dma_start3A_26] : memref<400x128xf32, #tpu.memory_space<vmem>> -> memref<80x128xf32, #tpu.memory_space<vmem>>
    %dma_start3A_28 = arith.constant 80 : i32
    %dma_start3A_29 = tpu.memref_slice %arg5[%dma_start3A_28] : memref<400xi32, #tpu.memory_space<vmem>> -> memref<80xi32, #tpu.memory_space<vmem>>
    %dma_start3A_30 = arith.constant 0 : i32
    %dma_start3A_31 = arith.constant 0 : i32
    %dma_start3A_32 = tpu.memref_slice %arg2[%dma_start3A_30, %dma_start3A_31] : memref<10000x128xf32, #tpu.memory_space<hbm>> -> memref<10000x128xf32, #tpu.memory_space<hbm>>
    tpu.enqueue_indirect_dma source(%dma_start3A_32 : memref<10000x128xf32, #tpu.memory_space<hbm>>) target(%dma_start3A_27 : memref<80x128xf32, #tpu.memory_space<vmem>>) offsets(%dma_start3A_29 : memref<80xi32, #tpu.memory_space<vmem>>) semaphore(%arg11 : memref<!tpu.dma_semaphore, #tpu.memory_space<semaphore_mem>>)
    %dma_start3A_33 = arith.constant 160 : i32
    %dma_start3A_34 = arith.constant 0 : i32
    %dma_start3A_35 = tpu.memref_slice %arg7[%dma_start3A_33, %dma_start3A_34] : memref<400x128xf32, #tpu.memory_space<vmem>> -> memref<80x128xf32, #tpu.memory_space<vmem>>
    %dma_start3A_36 = arith.constant 160 : i32
    %dma_start3A_37 = tpu.memref_slice %arg5[%dma_start3A_36] : memref<400xi32, #tpu.memory_space<vmem>> -> memref<80xi32, #tpu.memory_space<vmem>>
    %dma_start3A_38 = arith.constant 0 : i32
    %dma_start3A_39 = arith.constant 0 : i32
    %dma_start3A_40 = tpu.memref_slice %arg2[%dma_start3A_38, %dma_start3A_39] : memref<10000x128xf32, #tpu.memory_space<hbm>> -> memref<10000x128xf32, #tpu.memory_space<hbm>>
    tpu.enqueue_indirect_dma source(%dma_start3A_40 : memref<10000x128xf32, #tpu.memory_space<hbm>>) target(%dma_start3A_35 : memref<80x128xf32, #tpu.memory_space<vmem>>) offsets(%dma_start3A_37 : memref<80xi32, #tpu.memory_space<vmem>>) semaphore(%arg11 : memref<!tpu.dma_semaphore, #tpu.memory_space<semaphore_mem>>)
    %dma_start3A_41 = arith.constant 240 : i32
    %dma_start3A_42 = arith.constant 0 : i32
    %dma_start3A_43 = tpu.memref_slice %arg7[%dma_start3A_41, %dma_start3A_42] : memref<400x128xf32, #tpu.memory_space<vmem>> -> memref<80x128xf32, #tpu.memory_space<vmem>>
    %dma_start3A_44 = arith.constant 240 : i32
    %dma_start3A_45 = tpu.memref_slice %arg5[%dma_start3A_44] : memref<400xi32, #tpu.memory_space<vmem>> -> memref<80xi32, #tpu.memory_space<vmem>>
    %dma_start3A_46 = arith.constant 0 : i32
    %dma_start3A_47 = arith.constant 0 : i32
    %dma_start3A_48 = tpu.memref_slice %arg2[%dma_start3A_46, %dma_start3A_47] : memref<10000x128xf32, #tpu.memory_space<hbm>> -> memref<10000x128xf32, #tpu.memory_space<hbm>>
    tpu.enqueue_indirect_dma source(%dma_start3A_48 : memref<10000x128xf32, #tpu.memory_space<hbm>>) target(%dma_start3A_43 : memref<80x128xf32, #tpu.memory_space<vmem>>) offsets(%dma_start3A_45 : memref<80xi32, #tpu.memory_space<vmem>>) semaphore(%arg11 : memref<!tpu.dma_semaphore, #tpu.memory_space<semaphore_mem>>)
    %dma_start3A_49 = arith.constant 320 : i32
    %dma_start3A_50 = arith.constant 0 : i32
    %dma_start3A_51 = tpu.memref_slice %arg7[%dma_start3A_49, %dma_start3A_50] : memref<400x128xf32, #tpu.memory_space<vmem>> -> memref<80x128xf32, #tpu.memory_space<vmem>>
    %dma_start3A_52 = arith.constant 320 : i32
    %dma_start3A_53 = tpu.memref_slice %arg5[%dma_start3A_52] : memref<400xi32, #tpu.memory_space<vmem>> -> memref<80xi32, #tpu.memory_space<vmem>>
    %dma_start3A_54 = arith.constant 0 : i32
    %dma_start3A_55 = arith.constant 0 : i32
    %dma_start3A_56 = tpu.memref_slice %arg2[%dma_start3A_54, %dma_start3A_55] : memref<10000x128xf32, #tpu.memory_space<hbm>> -> memref<10000x128xf32, #tpu.memory_space<hbm>>
    tpu.enqueue_indirect_dma source(%dma_start3A_56 : memref<10000x128xf32, #tpu.memory_space<hbm>>) target(%dma_start3A_51 : memref<80x128xf32, #tpu.memory_space<vmem>>) offsets(%dma_start3A_53 : memref<80xi32, #tpu.memory_space<vmem>>) semaphore(%arg11 : memref<!tpu.dma_semaphore, #tpu.memory_space<semaphore_mem>>)
    %dma_wait3A_57 = arith.constant 0 : i32
    %dma_wait3A_58 = arith.constant 0 : i32
    %dma_wait3A_59 = tpu.memref_slice %arg7[%dma_wait3A_57, %dma_wait3A_58] : memref<400x128xf32, #tpu.memory_space<vmem>> -> memref<80x128xf32, #tpu.memory_space<vmem>>
    %dma_wait3A_60 = arith.constant 0 : i32
    %dma_wait3A_61 = tpu.memref_slice %arg5[%dma_wait3A_60] : memref<400xi32, #tpu.memory_space<vmem>> -> memref<80xi32, #tpu.memory_space<vmem>>
    %dma_wait3A_62 = arith.constant 0 : i32
    %dma_wait3A_63 = arith.constant 0 : i32
    %dma_wait3A_64 = tpu.memref_slice %arg2[%dma_wait3A_62, %dma_wait3A_63] : memref<10000x128xf32, #tpu.memory_space<hbm>> -> memref<10000x128xf32, #tpu.memory_space<hbm>>
    tpu.wait_indirect_dma semaphore(%arg11 : memref<!tpu.dma_semaphore, #tpu.memory_space<semaphore_mem>>) src(%dma_wait3A_64 : memref<10000x128xf32, #tpu.memory_space<hbm>>) dst(%dma_wait3A_59 : memref<80x128xf32, #tpu.memory_space<vmem>>)
    %dma_wait3A_65 = arith.constant 80 : i32
    %dma_wait3A_66 = arith.constant 0 : i32
    %dma_wait3A_67 = tpu.memref_slice %arg7[%dma_wait3A_65, %dma_wait3A_66] : memref<400x128xf32, #tpu.memory_space<vmem>> -> memref<80x128xf32, #tpu.memory_space<vmem>>
    %dma_wait3A_68 = arith.constant 80 : i32
    %dma_wait3A_69 = tpu.memref_slice %arg5[%dma_wait3A_68] : memref<400xi32, #tpu.memory_space<vmem>> -> memref<80xi32, #tpu.memory_space<vmem>>
    %dma_wait3A_70 = arith.constant 0 : i32
    %dma_wait3A_71 = arith.constant 0 : i32
    %dma_wait3A_72 = tpu.memref_slice %arg2[%dma_wait3A_70, %dma_wait3A_71] : memref<10000x128xf32, #tpu.memory_space<hbm>> -> memref<10000x128xf32, #tpu.memory_space<hbm>>
    tpu.wait_indirect_dma semaphore(%arg11 : memref<!tpu.dma_semaphore, #tpu.memory_space<semaphore_mem>>) src(%dma_wait3A_72 : memref<10000x128xf32, #tpu.memory_space<hbm>>) dst(%dma_wait3A_67 : memref<80x128xf32, #tpu.memory_space<vmem>>)
    %dma_wait3A_73 = arith.constant 160 : i32
    %dma_wait3A_74 = arith.constant 0 : i32
    %dma_wait3A_75 = tpu.memref_slice %arg7[%dma_wait3A_73, %dma_wait3A_74] : memref<400x128xf32, #tpu.memory_space<vmem>> -> memref<80x128xf32, #tpu.memory_space<vmem>>
    %dma_wait3A_76 = arith.constant 160 : i32
    %dma_wait3A_77 = tpu.memref_slice %arg5[%dma_wait3A_76] : memref<400xi32, #tpu.memory_space<vmem>> -> memref<80xi32, #tpu.memory_space<vmem>>
    %dma_wait3A_78 = arith.constant 0 : i32
    %dma_wait3A_79 = arith.constant 0 : i32
    %dma_wait3A_80 = tpu.memref_slice %arg2[%dma_wait3A_78, %dma_wait3A_79] : memref<10000x128xf32, #tpu.memory_space<hbm>> -> memref<10000x128xf32, #tpu.memory_space<hbm>>
    tpu.wait_indirect_dma semaphore(%arg11 : memref<!tpu.dma_semaphore, #tpu.memory_space<semaphore_mem>>) src(%dma_wait3A_80 : memref<10000x128xf32, #tpu.memory_space<hbm>>) dst(%dma_wait3A_75 : memref<80x128xf32, #tpu.memory_space<vmem>>)
    %dma_wait3A_81 = arith.constant 240 : i32
    %dma_wait3A_82 = arith.constant 0 : i32
    %dma_wait3A_83 = tpu.memref_slice %arg7[%dma_wait3A_81, %dma_wait3A_82] : memref<400x128xf32, #tpu.memory_space<vmem>> -> memref<80x128xf32, #tpu.memory_space<vmem>>
    %dma_wait3A_84 = arith.constant 240 : i32
    %dma_wait3A_85 = tpu.memref_slice %arg5[%dma_wait3A_84] : memref<400xi32, #tpu.memory_space<vmem>> -> memref<80xi32, #tpu.memory_space<vmem>>
    %dma_wait3A_86 = arith.constant 0 : i32
    %dma_wait3A_87 = arith.constant 0 : i32
    %dma_wait3A_88 = tpu.memref_slice %arg2[%dma_wait3A_86, %dma_wait3A_87] : memref<10000x128xf32, #tpu.memory_space<hbm>> -> memref<10000x128xf32, #tpu.memory_space<hbm>>
    tpu.wait_indirect_dma semaphore(%arg11 : memref<!tpu.dma_semaphore, #tpu.memory_space<semaphore_mem>>) src(%dma_wait3A_88 : memref<10000x128xf32, #tpu.memory_space<hbm>>) dst(%dma_wait3A_83 : memref<80x128xf32, #tpu.memory_space<vmem>>)
    %dma_wait3A_89 = arith.constant 320 : i32
    %dma_wait3A_90 = arith.constant 0 : i32
    %dma_wait3A_91 = tpu.memref_slice %arg7[%dma_wait3A_89, %dma_wait3A_90] : memref<400x128xf32, #tpu.memory_space<vmem>> -> memref<80x128xf32, #tpu.memory_space<vmem>>
    %dma_wait3A_92 = arith.constant 320 : i32
    %dma_wait3A_93 = tpu.memref_slice %arg5[%dma_wait3A_92] : memref<400xi32, #tpu.memory_space<vmem>> -> memref<80xi32, #tpu.memory_space<vmem>>
    %dma_wait3A_94 = arith.constant 0 : i32
    %dma_wait3A_95 = arith.constant 0 : i32
    %dma_wait3A_96 = tpu.memref_slice %arg2[%dma_wait3A_94, %dma_wait3A_95] : memref<10000x128xf32, #tpu.memory_space<hbm>> -> memref<10000x128xf32, #tpu.memory_space<hbm>>
    tpu.wait_indirect_dma semaphore(%arg11 : memref<!tpu.dma_semaphore, #tpu.memory_space<semaphore_mem>>) src(%dma_wait3A_96 : memref<10000x128xf32, #tpu.memory_space<hbm>>) dst(%dma_wait3A_91 : memref<80x128xf32, #tpu.memory_space<vmem>>)
    %dma_start3A_97 = arith.constant 0 : i32
    %dma_start3A_98 = tpu.memref_slice %arg4[%add3A_11, %dma_start3A_97] : memref<320000x128xf32, #tpu.memory_space<hbm>> -> memref<400x128xf32, #tpu.memory_space<hbm>>
    %dma_start3A_99 = arith.constant 0 : i32
    %dma_start3A_100 = tpu.memref_slice %arg4[%add3A_11, %dma_start3A_99] : memref<320000x128xf32, #tpu.memory_space<hbm>> -> memref<400x128xf32, #tpu.memory_space<hbm>>
    tpu.enqueue_dma source(%arg7 : memref<400x128xf32, #tpu.memory_space<vmem>>) target(%dma_start3A_100 : memref<400x128xf32, #tpu.memory_space<hbm>>) target_semaphore(%arg13 : memref<!tpu.dma_semaphore, #tpu.memory_space<semaphore_mem>>)
    %dma_wait3A_101 = arith.constant 0 : i32
    %dma_wait3A_102 = tpu.memref_slice %arg4[%mul3A_2, %dma_wait3A_101] : memref<320000x128xf32, #tpu.memory_space<hbm>> -> memref<400x128xf32, #tpu.memory_space<hbm>>
    %dma_wait3A_103 = arith.constant 0 : i32
    %dma_wait3A_104 = tpu.memref_slice %arg4[%mul3A_2, %dma_wait3A_103] : memref<320000x128xf32, #tpu.memory_space<hbm>> -> memref<400x128xf32, #tpu.memory_space<hbm>>
    tpu.wait_dma2 semaphore(%arg13 : memref<!tpu.dma_semaphore, #tpu.memory_space<semaphore_mem>>) src(%arg7 : memref<400x128xf32, #tpu.memory_space<vmem>>) dst(%dma_wait3A_104 : memref<400x128xf32, #tpu.memory_space<hbm>>)
    %dma_wait3A_105 = arith.constant 0 : i32
    %dma_wait3A_106 = tpu.memref_slice %arg4[%mul3A_2, %dma_wait3A_105] : memref<320000x128xf32, #tpu.memory_space<hbm>> -> memref<400x128xf32, #tpu.memory_space<hbm>>
    %dma_wait3A_107 = arith.constant 0 : i32
    %dma_wait3A_108 = tpu.memref_slice %arg4[%mul3A_2, %dma_wait3A_107] : memref<320000x128xf32, #tpu.memory_space<hbm>> -> memref<400x128xf32, #tpu.memory_space<hbm>>
    tpu.wait_dma2 semaphore(%arg14 : memref<!tpu.dma_semaphore, #tpu.memory_space<semaphore_mem>>) src(%arg8 : memref<400x128xf32, #tpu.memory_space<vmem>>) dst(%dma_wait3A_108 : memref<400x128xf32, #tpu.memory_space<hbm>>)
    return
  }
}

module attributes {stable_mosaic.version = 14 : i64} {
  func.func @_fcin_body(%arg0: i32, %arg1: memref<1000x128xf32, #tpu.memory_space<vmem>>, %arg2: memref<128x128xf32, #tpu.memory_space<vmem>>, %arg3: memref<1x128xf32, #tpu.memory_space<vmem>>, %arg4: memref<1x128xf32, #tpu.memory_space<vmem>>, %arg5: memref<1x128xf32, #tpu.memory_space<vmem>>, %arg6: memref<1000x128xf32, #tpu.memory_space<vmem>>, %arg7: memref<1000x128xf32, #tpu.memory_space<vmem>>) attributes {dimension_semantics = [#tpu.dimension_semantics<arbitrary>], iteration_bounds = array<i64: 10>, scalar_prefetch = 0 : i64, scratch_operands = 0 : i64, tpu.core_type = #tpu.core_type<tc>, window_params = [{transform_indices = @transform_0, window_bounds = array<i64: 1000, 128>}, {pipeline_mode = #tpu.pipeline_mode<synchronous>, transform_indices = @transform_1, window_bounds = array<i64: 128, 128>}, {pipeline_mode = #tpu.pipeline_mode<synchronous>, transform_indices = @transform_2, window_bounds = array<i64: 1, 128>}, {pipeline_mode = #tpu.pipeline_mode<synchronous>, transform_indices = @transform_3, window_bounds = array<i64: 1, 128>}, {pipeline_mode = #tpu.pipeline_mode<synchronous>, transform_indices = @transform_4, window_bounds = array<i64: 1, 128>}, {transform_indices = @transform_5, window_bounds = array<i64: 1000, 128>}, {transform_indices = @transform_6, window_bounds = array<i64: 1000, 128>}]} {
    %get3A = arith.constant 0 : index
    %get3A_0 = arith.constant 0 : index
    %get3A_1 = vector.load %arg1[%get3A, %get3A_0] : memref<1000x128xf32, #tpu.memory_space<vmem>>, vector<1000x128xf32>
    %get3A_2 = arith.constant 0 : index
    %get3A_3 = arith.constant 0 : index
    %get3A_4 = vector.load %arg2[%get3A_2, %get3A_3] : memref<128x128xf32, #tpu.memory_space<vmem>>, vector<128x128xf32>
    %dot_general3A = arith.constant dense<0.000000e+00> : vector<1000x128xf32>
    %dot_general3A_5 = tpu.matmul %get3A_1, %get3A_4, %dot_general3A {dimension_numbers = #tpu.dot_dimension_numbers<[1], [0], [0], [1], [0, 0, 1, 1], [], []>, transpose_lhs_hint = false} : vector<1000x128xf32>, vector<128x128xf32>, vector<1000x128xf32> -> vector<1000x128xf32>
    %get3A_6 = arith.constant 0 : index
    %get3A_7 = arith.constant 0 : index
    %get3A_8 = vector.load %arg3[%get3A_6, %get3A_7] : memref<1x128xf32, #tpu.memory_space<vmem>>, vector<1x128xf32>
    %add3A = vector.broadcast %get3A_8 : vector<1x128xf32> to vector<1000x128xf32>
    %add3A_9 = arith.addf %dot_general3A_5, %add3A : vector<1000x128xf32>
    %swap3A = arith.constant 0 : index
    %swap3A_10 = arith.constant 0 : index
    %swap3A_11 = vector.load %arg6[%swap3A, %swap3A_10] : memref<1000x128xf32, #tpu.memory_space<vmem>>, vector<1000x128xf32>
    tpu.vector_store %arg6[%swap3A, %swap3A_10], %add3A_9 {strides = array<i32>} : memref<1000x128xf32, #tpu.memory_space<vmem>>, vector<1000x128xf32>,
    %reduce_sum3A = arith.constant dense<0.000000e+00> : vector<1000xf32>
    %reduce_sum3A_12 = vector.multi_reduction <add>, %add3A_9, %reduce_sum3A [1] : vector<1000x128xf32> to vector<1000xf32>
    %broadcast_in_dim3A = vector.shape_cast %reduce_sum3A_12 : vector<1000xf32> to vector<1000x1xf32>
    %div3A = arith.constant 1.280000e+02 : f32
    %div3A_13 = vector.broadcast %div3A : f32 to vector<1000x1xf32>
    %div3A_14 = arith.divf %broadcast_in_dim3A, %div3A_13 : vector<1000x1xf32>
    %sub3A = vector.broadcast %div3A_14 : vector<1000x1xf32> to vector<1000x128xf32>
    %sub3A_15 = arith.subf %add3A_9, %sub3A : vector<1000x128xf32>
    %integer_pow3A = arith.mulf %sub3A_15, %sub3A_15 : vector<1000x128xf32>
    %reduce_sum3A_16 = arith.constant dense<0.000000e+00> : vector<1000xf32>
    %reduce_sum3A_17 = vector.multi_reduction <add>, %integer_pow3A, %reduce_sum3A_16 [1] : vector<1000x128xf32> to vector<1000xf32>
    %broadcast_in_dim3A_18 = vector.shape_cast %reduce_sum3A_17 : vector<1000xf32> to vector<1000x1xf32>
    %div3A_19 = arith.constant 1.280000e+02 : f32
    %div3A_20 = vector.broadcast %div3A_19 : f32 to vector<1000x1xf32>
    %div3A_21 = arith.divf %broadcast_in_dim3A_18, %div3A_20 : vector<1000x1xf32>
    %sub3A_22 = vector.broadcast %div3A_14 : vector<1000x1xf32> to vector<1000x128xf32>
    %sub3A_23 = arith.subf %add3A_9, %sub3A_22 : vector<1000x128xf32>
    %add3A_24 = arith.constant 9.99999974E-6 : f32
    %add3A_25 = vector.broadcast %add3A_24 : f32 to vector<1000x1xf32>
    %add3A_26 = arith.addf %div3A_21, %add3A_25 : vector<1000x1xf32>
    %rsqrt3A = math.rsqrt %add3A_26 : vector<1000x1xf32>
    %mul3A = vector.broadcast %rsqrt3A : vector<1000x1xf32> to vector<1000x128xf32>
    %mul3A_27 = arith.mulf %sub3A_23, %mul3A : vector<1000x128xf32>
    %get3A_28 = arith.constant 0 : index
    %get3A_29 = arith.constant 0 : index
    %get3A_30 = vector.load %arg4[%get3A_28, %get3A_29] : memref<1x128xf32, #tpu.memory_space<vmem>>, vector<1x128xf32>
    %mul3A_31 = vector.broadcast %get3A_30 : vector<1x128xf32> to vector<1000x128xf32>
    %mul3A_32 = arith.mulf %mul3A_27, %mul3A_31 : vector<1000x128xf32>
    %get3A_33 = arith.constant 0 : index
    %get3A_34 = arith.constant 0 : index
    %get3A_35 = vector.load %arg5[%get3A_33, %get3A_34] : memref<1x128xf32, #tpu.memory_space<vmem>>, vector<1x128xf32>
    %add3A_36 = vector.broadcast %get3A_35 : vector<1x128xf32> to vector<1000x128xf32>
    %add3A_37 = arith.addf %mul3A_32, %add3A_36 : vector<1000x128xf32>
    %max3A = arith.constant 0.000000e+00 : f32
    %max3A_38 = vector.broadcast %max3A : f32 to vector<1000x128xf32>
    %max3A_39 = arith.maximumf %add3A_37, %max3A_38 : vector<1000x128xf32>
    %swap3A_40 = arith.constant 0 : index
    %swap3A_41 = arith.constant 0 : index
    %swap3A_42 = vector.load %arg7[%swap3A_40, %swap3A_41] : memref<1000x128xf32, #tpu.memory_space<vmem>>, vector<1000x128xf32>
    tpu.vector_store %arg7[%swap3A_40, %swap3A_41], %max3A_39 {strides = array<i32>} : memref<1000x128xf32, #tpu.memory_space<vmem>>, vector<1000x128xf32>,
    return
  }
  func.func @transform_0(%arg0: i32) -> (i32, i32) {
    %c0_i32 = arith.constant 0 : i32
    %c0_i32_0 = arith.constant 0 : i32
    return %arg0, %c0_i32 : i32, i32
  }
  func.func @transform_1(%arg0: i32) -> (i32, i32) {
    %c0_i32 = arith.constant 0 : i32
    %c0_i32_0 = arith.constant 0 : i32
    %c0_i32_1 = arith.constant 0 : i32
    return %c0_i32, %c0_i32_0 : i32, i32
  }
  func.func @transform_2(%arg0: i32) -> (i32, i32) {
    %c0_i32 = arith.constant 0 : i32
    %c0_i32_0 = arith.constant 0 : i32
    %c0_i32_1 = arith.constant 0 : i32
    return %c0_i32, %c0_i32_0 : i32, i32
  }
  func.func @transform_3(%arg0: i32) -> (i32, i32) {
    %c0_i32 = arith.constant 0 : i32
    %c0_i32_0 = arith.constant 0 : i32
    %c0_i32_1 = arith.constant 0 : i32
    return %c0_i32, %c0_i32_0 : i32, i32
  }
  func.func @transform_4(%arg0: i32) -> (i32, i32) {
    %c0_i32 = arith.constant 0 : i32
    %c0_i32_0 = arith.constant 0 : i32
    %c0_i32_1 = arith.constant 0 : i32
    return %c0_i32, %c0_i32_0 : i32, i32
  }
  func.func @transform_5(%arg0: i32) -> (i32, i32) {
    %c0_i32 = arith.constant 0 : i32
    %c0_i32_0 = arith.constant 0 : i32
    return %arg0, %c0_i32 : i32, i32
  }
  func.func @transform_6(%arg0: i32) -> (i32, i32) {
    %c0_i32 = arith.constant 0 : i32
    %c0_i32_0 = arith.constant 0 : i32
    return %arg0, %c0_i32 : i32, i32
  }
}

module attributes {stable_mosaic.version = 14 : i64} {
  func.func @_absmax_body(%arg0: i32, %arg1: memref<4000x16xf32, #tpu.memory_space<vmem>>, %arg2: memref<1x1xf32, #tpu.memory_space<smem>>) attributes {dimension_semantics = [#tpu.dimension_semantics<arbitrary>], iteration_bounds = array<i64: 80>, scalar_prefetch = 0 : i64, scratch_operands = 0 : i64, tpu.core_type = #tpu.core_type<tc>, window_params = [{transform_indices = @transform_0, window_bounds = array<i64: 4000, 16>}, {transform_indices = @transform_1, window_bounds = array<i64: 1, 1>}]} {
    %eq3A = arith.constant 0 : i32
    %eq3A_0 = arith.cmpi eq, %arg0, %eq3A : i32
    %convert_element_type3A = arith.extui %eq3A_0 : i1 to i32
    %cond3A = arith.constant 0 : i32
    %cond3A_1 = arith.cmpi ne, %convert_element_type3A, %cond3A : i32
    scf.if %cond3A_1 {
      %swap3A_13 = arith.constant 0.000000e+00 : f32
      %swap3A_14 = arith.constant 0 : index
      %swap3A_15 = arith.constant 0 : index
      %swap3A_16 = memref.load %arg2[%swap3A_14, %swap3A_15] : memref<1x1xf32, #tpu.memory_space<smem>>
      memref.store %swap3A_13, %arg2[%swap3A_14, %swap3A_15] : memref<1x1xf32, #tpu.memory_space<smem>>
    } else {
    }
    %get3A = arith.constant 0 : index
    %get3A_2 = arith.constant 0 : index
    %get3A_3 = memref.load %arg2[%get3A, %get3A_2] : memref<1x1xf32, #tpu.memory_space<smem>>
    %get3A_4 = arith.constant 0 : index
    %get3A_5 = arith.constant 0 : index
    %get3A_6 = vector.load %arg1[%get3A_4, %get3A_5] : memref<4000x16xf32, #tpu.memory_space<vmem>>, vector<4000x16xf32>
    %abs3A = math.absf %get3A_6 : vector<4000x16xf32>
    %reduce_max3A = vector.shape_cast %abs3A : vector<4000x16xf32> to vector<1x4000x16xf32>
    %reduce_max3A_7 = arith.constant dense<0xFF800000> : vector<1xf32>
    %reduce_max3A_8 = vector.multi_reduction <maximumf>, %reduce_max3A, %reduce_max3A_7 [1, 2] : vector<1x4000x16xf32> to vector<1xf32>
    %reduce_max3A_9 = vector.shape_cast %reduce_max3A_8 : vector<1xf32> to vector<1x1x1xf32>
    %reduce_max3A_10 = vector.extract %reduce_max3A_9[0, 0, 0] : f32 from vector<1x1x1xf32>
    %max3A = arith.maximumf %get3A_3, %reduce_max3A_10 : f32
    %swap3A = arith.constant 0 : index
    %swap3A_11 = arith.constant 0 : index
    %swap3A_12 = memref.load %arg2[%swap3A, %swap3A_11] : memref<1x1xf32, #tpu.memory_space<smem>>
    memref.store %max3A, %arg2[%swap3A, %swap3A_11] : memref<1x1xf32, #tpu.memory_space<smem>>
    return
  }
  func.func @transform_0(%arg0: i32) -> (i32, i32) {
    %c0_i32 = arith.constant 0 : i32
    %c0_i32_0 = arith.constant 0 : i32
    return %arg0, %c0_i32 : i32, i32
  }
  func.func @transform_1(%arg0: i32) -> (i32, i32) {
    %c0_i32 = arith.constant 0 : i32
    %c0_i32_0 = arith.constant 0 : i32
    %c0_i32_1 = arith.constant 0 : i32
    return %c0_i32, %c0_i32_0 : i32, i32
  }
}

module attributes {stable_mosaic.version = 14 : i64} {
  func.func @_mid_body(%arg0: i32, %arg1: memref<1x1xf32, #tpu.memory_space<smem>>, %arg2: memref<1x1xf32, #tpu.memory_space<smem>>, %arg3: memref<2000x128xf32, #tpu.memory_space<vmem>>, %arg4: memref<2000x16xf32, #tpu.memory_space<vmem>>, %arg5: memref<16x128xf32, #tpu.memory_space<vmem>>, %arg6: memref<1x128xf32, #tpu.memory_space<vmem>>, %arg7: memref<2x2000x128xf32, #tpu.memory_space<vmem>>) attributes {dimension_semantics = [#tpu.dimension_semantics<arbitrary>], iteration_bounds = array<i64: 160>, scalar_prefetch = 0 : i64, scratch_operands = 0 : i64, tpu.core_type = #tpu.core_type<tc>, window_params = [{transform_indices = @transform_0, window_bounds = array<i64: 1, 1>}, {transform_indices = @transform_1, window_bounds = array<i64: 1, 1>}, {transform_indices = @transform_2, window_bounds = array<i64: 2000, 128>}, {transform_indices = @transform_3, window_bounds = array<i64: 2000, 16>}, {pipeline_mode = #tpu.pipeline_mode<synchronous>, transform_indices = @transform_4, window_bounds = array<i64: 16, 128>}, {pipeline_mode = #tpu.pipeline_mode<synchronous>, transform_indices = @transform_5, window_bounds = array<i64: 1, 128>}, {transform_indices = @transform_6, window_bounds = array<i64: 2, 2000, 128>}]} {
    %get3A = arith.constant 0 : index
    %get3A_0 = arith.constant 0 : index
    %get3A_1 = vector.load %arg4[%get3A, %get3A_0] : memref<2000x16xf32, #tpu.memory_space<vmem>>, vector<2000x16xf32>
    %get3A_2 = arith.constant 0 : index
    %get3A_3 = arith.constant 0 : index
    %get3A_4 = vector.load %arg5[%get3A_2, %get3A_3] : memref<16x128xf32, #tpu.memory_space<vmem>>, vector<16x128xf32>
    %dot_general3A = arith.constant dense<0.000000e+00> : vector<2000x128xf32>
    %dot_general3A_5 = tpu.matmul %get3A_1, %get3A_4, %dot_general3A {dimension_numbers = #tpu.dot_dimension_numbers<[1], [0], [0], [1], [0, 0, 1, 1], [], []>, transpose_lhs_hint = false} : vector<2000x16xf32>, vector<16x128xf32>, vector<2000x128xf32> -> vector<2000x128xf32>
    %get3A_6 = arith.constant 0 : index
    %get3A_7 = arith.constant 0 : index
    %get3A_8 = vector.load %arg6[%get3A_6, %get3A_7] : memref<1x128xf32, #tpu.memory_space<vmem>>, vector<1x128xf32>
    %add3A = vector.broadcast %get3A_8 : vector<1x128xf32> to vector<2000x128xf32>
    %add3A_9 = arith.addf %dot_general3A_5, %add3A : vector<2000x128xf32>
    %get3A_10 = arith.constant 0 : index
    %get3A_11 = arith.constant 0 : index
    %get3A_12 = vector.load %arg3[%get3A_10, %get3A_11] : memref<2000x128xf32, #tpu.memory_space<vmem>>, vector<2000x128xf32>
    %add3A_13 = arith.addf %get3A_12, %add3A_9 : vector<2000x128xf32>
    %max3A = arith.constant 0.000000e+00 : f32
    %max3A_14 = vector.broadcast %max3A : f32 to vector<2000x128xf32>
    %max3A_15 = arith.maximumf %add3A_13, %max3A_14 : vector<2000x128xf32>
    %add3A_16 = arith.constant 1.000000e-07 : f32
    %add3A_17 = vector.broadcast %add3A_16 : f32 to vector<2000x128xf32>
    %add3A_18 = arith.addf %max3A_15, %add3A_17 : vector<2000x128xf32>
    %get3A_19 = arith.constant 0 : index
    %get3A_20 = arith.constant 0 : index
    %get3A_21 = memref.load %arg1[%get3A_19, %get3A_20] : memref<1x1xf32, #tpu.memory_space<smem>>
    %mul3A = vector.broadcast %get3A_21 : f32 to vector<2000x128xf32>
    %mul3A_22 = arith.mulf %add3A_18, %mul3A : vector<2000x128xf32>
    %get3A_23 = arith.constant 0 : index
    %get3A_24 = arith.constant 0 : index
    %get3A_25 = memref.load %arg2[%get3A_23, %get3A_24] : memref<1x1xf32, #tpu.memory_space<smem>>
    %sub3A = vector.broadcast %get3A_25 : f32 to vector<2000x128xf32>
    %sub3A_26 = arith.subf %mul3A_22, %sub3A : vector<2000x128xf32>
    %exp3A = math.exp %sub3A_26 : vector<2000x128xf32>
    %mul3A_27 = arith.mulf %add3A_18, %exp3A : vector<2000x128xf32>
    %swap3A = arith.constant 0 : index
    %swap3A_28 = arith.constant 0 : index
    %swap3A_29 = arith.constant 0 : index
    %swap3A_30 = vector.load %arg7[%swap3A, %swap3A_28, %swap3A_29] : memref<2x2000x128xf32, #tpu.memory_space<vmem>>, vector<1x2000x128xf32>
    %swap3A_31 = vector.shape_cast %swap3A_30 : vector<1x2000x128xf32> to vector<2000x128xf32>
    %swap3A_32 = vector.shape_cast %mul3A_27 : vector<2000x128xf32> to vector<1x2000x128xf32>
    tpu.vector_store %arg7[%swap3A, %swap3A_28, %swap3A_29], %swap3A_32 {strides = array<i32>} : memref<2x2000x128xf32, #tpu.memory_space<vmem>>, vector<1x2000x128xf32>,
    %swap3A_33 = arith.constant 1 : index
    %swap3A_34 = arith.constant 0 : index
    %swap3A_35 = arith.constant 0 : index
    %swap3A_36 = vector.load %arg7[%swap3A_33, %swap3A_34, %swap3A_35] : memref<2x2000x128xf32, #tpu.memory_space<vmem>>, vector<1x2000x128xf32>
    %swap3A_37 = vector.shape_cast %swap3A_36 : vector<1x2000x128xf32> to vector<2000x128xf32>
    %swap3A_38 = vector.shape_cast %exp3A : vector<2000x128xf32> to vector<1x2000x128xf32>
    tpu.vector_store %arg7[%swap3A_33, %swap3A_34, %swap3A_35], %swap3A_38 {strides = array<i32>} : memref<2x2000x128xf32, #tpu.memory_space<vmem>>, vector<1x2000x128xf32>,
    return
  }
  func.func @transform_0(%arg0: i32) -> (i32, i32) {
    %c0_i32 = arith.constant 0 : i32
    %c0_i32_0 = arith.constant 0 : i32
    %c0_i32_1 = arith.constant 0 : i32
    return %c0_i32, %c0_i32_0 : i32, i32
  }
  func.func @transform_1(%arg0: i32) -> (i32, i32) {
    %c0_i32 = arith.constant 0 : i32
    %c0_i32_0 = arith.constant 0 : i32
    %c0_i32_1 = arith.constant 0 : i32
    return %c0_i32, %c0_i32_0 : i32, i32
  }
  func.func @transform_2(%arg0: i32) -> (i32, i32) {
    %c0_i32 = arith.constant 0 : i32
    %c0_i32_0 = arith.constant 0 : i32
    return %arg0, %c0_i32 : i32, i32
  }
  func.func @transform_3(%arg0: i32) -> (i32, i32) {
    %c0_i32 = arith.constant 0 : i32
    %c0_i32_0 = arith.constant 0 : i32
    return %arg0, %c0_i32 : i32, i32
  }
  func.func @transform_4(%arg0: i32) -> (i32, i32) {
    %c0_i32 = arith.constant 0 : i32
    %c0_i32_0 = arith.constant 0 : i32
    %c0_i32_1 = arith.constant 0 : i32
    return %c0_i32, %c0_i32_0 : i32, i32
  }
  func.func @transform_5(%arg0: i32) -> (i32, i32) {
    %c0_i32 = arith.constant 0 : i32
    %c0_i32_0 = arith.constant 0 : i32
    %c0_i32_1 = arith.constant 0 : i32
    return %c0_i32, %c0_i32_0 : i32, i32
  }
  func.func @transform_6(%arg0: i32) -> (i32, i32, i32) {
    %c0_i32 = arith.constant 0 : i32
    %c0_i32_0 = arith.constant 0 : i32
    %c0_i32_1 = arith.constant 0 : i32
    return %c0_i32, %arg0, %c0_i32_0 : i32, i32, i32
  }
}

module attributes {stable_mosaic.version = 14 : i64} {
  func.func @body(%arg0: i32, %arg1: memref<1000x128xf32, #tpu.memory_space<vmem>>, %arg2: memref<1000x128xf32, #tpu.memory_space<vmem>>, %arg3: memref<1000x128xf32, #tpu.memory_space<vmem>>, %arg4: memref<1000x128xf32, #tpu.memory_space<vmem>>, %arg5: memref<128x256xf32, #tpu.memory_space<vmem>>, %arg6: memref<1x256xf32, #tpu.memory_space<vmem>>, %arg7: memref<1x256xf32, #tpu.memory_space<vmem>>, %arg8: memref<256x128xf32, #tpu.memory_space<vmem>>, %arg9: memref<1x128xf32, #tpu.memory_space<vmem>>, %arg10: memref<1x128xf32, #tpu.memory_space<vmem>>, %arg11: memref<1x128xf32, #tpu.memory_space<vmem>>, %arg12: memref<1000x128xf32, #tpu.memory_space<vmem>>, %arg13: memref<1000x128xf32, #tpu.memory_space<vmem>>) attributes {dimension_semantics = [#tpu.dimension_semantics<arbitrary>], iteration_bounds = array<i64: 10>, scalar_prefetch = 0 : i64, scratch_operands = 0 : i64, tpu.core_type = #tpu.core_type<tc>, window_params = [{transform_indices = @transform_0, window_bounds = array<i64: 1000, 128>}, {transform_indices = @transform_1, window_bounds = array<i64: 1000, 128>}, {transform_indices = @transform_2, window_bounds = array<i64: 1000, 128>}, {transform_indices = @transform_3, window_bounds = array<i64: 1000, 128>}, {pipeline_mode = #tpu.pipeline_mode<synchronous>, transform_indices = @transform_4, window_bounds = array<i64: 128, 256>}, {pipeline_mode = #tpu.pipeline_mode<synchronous>, transform_indices = @transform_5, window_bounds = array<i64: 1, 256>}, {pipeline_mode = #tpu.pipeline_mode<synchronous>, transform_indices = @transform_6, window_bounds = array<i64: 1, 256>}, {pipeline_mode = #tpu.pipeline_mode<synchronous>, transform_indices = @transform_7, window_bounds = array<i64: 256, 128>}, {pipeline_mode = #tpu.pipeline_mode<synchronous>, transform_indices = @transform_8, window_bounds = array<i64: 1, 128>}, {pipeline_mode = #tpu.pipeline_mode<synchronous>, transform_indices = @transform_9, window_bounds = array<i64: 1, 128>}, {pipeline_mode = #tpu.pipeline_mode<synchronous>, transform_indices = @transform_10, window_bounds = array<i64: 1, 128>}, {transform_indices = @transform_11, window_bounds = array<i64: 1000, 128>}, {transform_indices = @transform_12, window_bounds = array<i64: 1000, 128>}]} {
    %get3A = arith.constant 0 : index
    %get3A_0 = arith.constant 0 : index
    %get3A_1 = vector.load %arg4[%get3A, %get3A_0] : memref<1000x128xf32, #tpu.memory_space<vmem>>, vector<1000x128xf32>
    %gt3A = arith.constant 0.000000e+00 : f32
    %gt3A_2 = vector.broadcast %gt3A : f32 to vector<1000x128xf32>
    %gt3A_3 = arith.cmpf ogt, %get3A_1, %gt3A_2 : vector<1000x128xf32>
    %jit3A = arith.constant 1.000000e+00 : f32
    %broadcast_in_dim3A = vector.broadcast %jit3A : f32 to vector<1000x128xf32>
    %select_n3A = arith.select %gt3A_3, %get3A_1, %broadcast_in_dim3A : vector<1000x128xi1>, vector<1000x128xf32>
    %gt3A_4 = arith.constant 0.000000e+00 : f32
    %gt3A_5 = vector.broadcast %gt3A_4 : f32 to vector<1000x128xf32>
    %gt3A_6 = arith.cmpf ogt, %get3A_1, %gt3A_5 : vector<1000x128xf32>
    %get3A_7 = arith.constant 0 : index
    %get3A_8 = arith.constant 0 : index
    %get3A_9 = vector.load %arg3[%get3A_7, %get3A_8] : memref<1000x128xf32, #tpu.memory_space<vmem>>, vector<1000x128xf32>
    %div3A = arith.divf %get3A_9, %select_n3A : vector<1000x128xf32>
    %jit3A_10 = arith.constant 0.000000e+00 : f32
    %broadcast_in_dim3A_11 = vector.broadcast %jit3A_10 : f32 to vector<1000x128xf32>
    %select_n3A_12 = arith.select %gt3A_6, %div3A, %broadcast_in_dim3A_11 : vector<1000x128xi1>, vector<1000x128xf32>
    %get3A_13 = arith.constant 0 : index
    %get3A_14 = arith.constant 0 : index
    %get3A_15 = vector.load %arg2[%get3A_13, %get3A_14] : memref<1000x128xf32, #tpu.memory_space<vmem>>, vector<1000x128xf32>
    %add3A = arith.addf %select_n3A_12, %get3A_15 : vector<1000x128xf32>
    %get3A_16 = arith.constant 0 : index
    %get3A_17 = arith.constant 0 : index
    %get3A_18 = vector.load %arg5[%get3A_16, %get3A_17] : memref<128x256xf32, #tpu.memory_space<vmem>>, vector<128x256xf32>
    %dot_general3A = arith.constant dense<0.000000e+00> : vector<1000x256xf32>
    %dot_general3A_19 = tpu.matmul %add3A, %get3A_18, %dot_general3A {dimension_numbers = #tpu.dot_dimension_numbers<[1], [0], [0], [1], [0, 0, 1, 1], [], []>, transpose_lhs_hint = false} : vector<1000x128xf32>, vector<128x256xf32>, vector<1000x256xf32> -> vector<1000x256xf32>
    %get3A_20 = arith.constant 0 : index
    %get3A_21 = arith.constant 0 : index
    %get3A_22 = vector.load %arg6[%get3A_20, %get3A_21] : memref<1x256xf32, #tpu.memory_space<vmem>>, vector<1x256xf32>
    %mul3A = vector.broadcast %get3A_22 : vector<1x256xf32> to vector<1000x256xf32>
    %mul3A_23 = arith.mulf %dot_general3A_19, %mul3A : vector<1000x256xf32>
    %get3A_24 = arith.constant 0 : index
    %get3A_25 = arith.constant 0 : index
    %get3A_26 = vector.load %arg7[%get3A_24, %get3A_25] : memref<1x256xf32, #tpu.memory_space<vmem>>, vector<1x256xf32>
    %add3A_27 = vector.broadcast %get3A_26 : vector<1x256xf32> to vector<1000x256xf32>
    %add3A_28 = arith.addf %mul3A_23, %add3A_27 : vector<1000x256xf32>
    %max3A = arith.constant 0.000000e+00 : f32
    %max3A_29 = vector.broadcast %max3A : f32 to vector<1000x256xf32>
    %max3A_30 = arith.maximumf %add3A_28, %max3A_29 : vector<1000x256xf32>
    %get3A_31 = arith.constant 0 : index
    %get3A_32 = arith.constant 0 : index
    %get3A_33 = vector.load %arg8[%get3A_31, %get3A_32] : memref<256x128xf32, #tpu.memory_space<vmem>>, vector<256x128xf32>
    %dot_general3A_34 = arith.constant dense<0.000000e+00> : vector<1000x128xf32>
    %dot_general3A_35 = tpu.matmul %max3A_30, %get3A_33, %dot_general3A_34 {dimension_numbers = #tpu.dot_dimension_numbers<[1], [0], [0], [1], [0, 0, 1, 1], [], []>, transpose_lhs_hint = false} : vector<1000x256xf32>, vector<256x128xf32>, vector<1000x128xf32> -> vector<1000x128xf32>
    %get3A_36 = arith.constant 0 : index
    %get3A_37 = arith.constant 0 : index
    %get3A_38 = vector.load %arg1[%get3A_36, %get3A_37] : memref<1000x128xf32, #tpu.memory_space<vmem>>, vector<1000x128xf32>
    %add3A_39 = arith.addf %get3A_38, %dot_general3A_35 : vector<1000x128xf32>
    %get3A_40 = arith.constant 0 : index
    %get3A_41 = arith.constant 0 : index
    %get3A_42 = vector.load %arg9[%get3A_40, %get3A_41] : memref<1x128xf32, #tpu.memory_space<vmem>>, vector<1x128xf32>
    %add3A_43 = vector.broadcast %get3A_42 : vector<1x128xf32> to vector<1000x128xf32>
    %add3A_44 = arith.addf %add3A_39, %add3A_43 : vector<1000x128xf32>
    %swap3A = arith.constant 0 : index
    %swap3A_45 = arith.constant 0 : index
    %swap3A_46 = vector.load %arg12[%swap3A, %swap3A_45] : memref<1000x128xf32, #tpu.memory_space<vmem>>, vector<1000x128xf32>
    tpu.vector_store %arg12[%swap3A, %swap3A_45], %add3A_44 {strides = array<i32>} : memref<1000x128xf32, #tpu.memory_space<vmem>>, vector<1000x128xf32>,
    %reduce_sum3A = arith.constant dense<0.000000e+00> : vector<1000xf32>
    %reduce_sum3A_47 = vector.multi_reduction <add>, %add3A_44, %reduce_sum3A [1] : vector<1000x128xf32> to vector<1000xf32>
    %broadcast_in_dim3A_48 = vector.shape_cast %reduce_sum3A_47 : vector<1000xf32> to vector<1000x1xf32>
    %div3A_49 = arith.constant 1.280000e+02 : f32
    %div3A_50 = vector.broadcast %div3A_49 : f32 to vector<1000x1xf32>
    %div3A_51 = arith.divf %broadcast_in_dim3A_48, %div3A_50 : vector<1000x1xf32>
    %sub3A = vector.broadcast %div3A_51 : vector<1000x1xf32> to vector<1000x128xf32>
    %sub3A_52 = arith.subf %add3A_44, %sub3A : vector<1000x128xf32>
    %integer_pow3A = arith.mulf %sub3A_52, %sub3A_52 : vector<1000x128xf32>
    %reduce_sum3A_53 = arith.constant dense<0.000000e+00> : vector<1000xf32>
    %reduce_sum3A_54 = vector.multi_reduction <add>, %integer_pow3A, %reduce_sum3A_53 [1] : vector<1000x128xf32> to vector<1000xf32>
    %broadcast_in_dim3A_55 = vector.shape_cast %reduce_sum3A_54 : vector<1000xf32> to vector<1000x1xf32>
    %div3A_56 = arith.constant 1.280000e+02 : f32
    %div3A_57 = vector.broadcast %div3A_56 : f32 to vector<1000x1xf32>
    %div3A_58 = arith.divf %broadcast_in_dim3A_55, %div3A_57 : vector<1000x1xf32>
    %sub3A_59 = vector.broadcast %div3A_51 : vector<1000x1xf32> to vector<1000x128xf32>
    %sub3A_60 = arith.subf %add3A_44, %sub3A_59 : vector<1000x128xf32>
    %add3A_61 = arith.constant 9.99999974E-6 : f32
    %add3A_62 = vector.broadcast %add3A_61 : f32 to vector<1000x1xf32>
    %add3A_63 = arith.addf %div3A_58, %add3A_62 : vector<1000x1xf32>
    %rsqrt3A = math.rsqrt %add3A_63 : vector<1000x1xf32>
    %mul3A_64 = vector.broadcast %rsqrt3A : vector<1000x1xf32> to vector<1000x128xf32>
    %mul3A_65 = arith.mulf %sub3A_60, %mul3A_64 : vector<1000x128xf32>
    %get3A_66 = arith.constant 0 : index
    %get3A_67 = arith.constant 0 : index
    %get3A_68 = vector.load %arg10[%get3A_66, %get3A_67] : memref<1x128xf32, #tpu.memory_space<vmem>>, vector<1x128xf32>
    %mul3A_69 = vector.broadcast %get3A_68 : vector<1x128xf32> to vector<1000x128xf32>
    %mul3A_70 = arith.mulf %mul3A_65, %mul3A_69 : vector<1000x128xf32>
    %get3A_71 = arith.constant 0 : index
    %get3A_72 = arith.constant 0 : index
    %get3A_73 = vector.load %arg11[%get3A_71, %get3A_72] : memref<1x128xf32, #tpu.memory_space<vmem>>, vector<1x128xf32>
    %add3A_74 = vector.broadcast %get3A_73 : vector<1x128xf32> to vector<1000x128xf32>
    %add3A_75 = arith.addf %mul3A_70, %add3A_74 : vector<1000x128xf32>
    %max3A_76 = arith.constant 0.000000e+00 : f32
    %max3A_77 = vector.broadcast %max3A_76 : f32 to vector<1000x128xf32>
    %max3A_78 = arith.maximumf %add3A_75, %max3A_77 : vector<1000x128xf32>
    %swap3A_79 = arith.constant 0 : index
    %swap3A_80 = arith.constant 0 : index
    %swap3A_81 = vector.load %arg13[%swap3A_79, %swap3A_80] : memref<1000x128xf32, #tpu.memory_space<vmem>>, vector<1000x128xf32>
    tpu.vector_store %arg13[%swap3A_79, %swap3A_80], %max3A_78 {strides = array<i32>} : memref<1000x128xf32, #tpu.memory_space<vmem>>, vector<1000x128xf32>,
    return
  }
  func.func @transform_0(%arg0: i32) -> (i32, i32) {
    %c0_i32 = arith.constant 0 : i32
    %c0_i32_0 = arith.constant 0 : i32
    return %arg0, %c0_i32 : i32, i32
  }
  func.func @transform_1(%arg0: i32) -> (i32, i32) {
    %c0_i32 = arith.constant 0 : i32
    %c0_i32_0 = arith.constant 0 : i32
    return %arg0, %c0_i32 : i32, i32
  }
  func.func @transform_2(%arg0: i32) -> (i32, i32) {
    %c0_i32 = arith.constant 0 : i32
    %c0_i32_0 = arith.constant 0 : i32
    return %arg0, %c0_i32 : i32, i32
  }
  func.func @transform_3(%arg0: i32) -> (i32, i32) {
    %c0_i32 = arith.constant 0 : i32
    %c0_i32_0 = arith.constant 0 : i32
    return %arg0, %c0_i32 : i32, i32
  }
  func.func @transform_4(%arg0: i32) -> (i32, i32) {
    %c0_i32 = arith.constant 0 : i32
    %c0_i32_0 = arith.constant 0 : i32
    %c0_i32_1 = arith.constant 0 : i32
    return %c0_i32, %c0_i32_0 : i32, i32
  }
  func.func @transform_5(%arg0: i32) -> (i32, i32) {
    %c0_i32 = arith.constant 0 : i32
    %c0_i32_0 = arith.constant 0 : i32
    %c0_i32_1 = arith.constant 0 : i32
    return %c0_i32, %c0_i32_0 : i32, i32
  }
  func.func @transform_6(%arg0: i32) -> (i32, i32) {
    %c0_i32 = arith.constant 0 : i32
    %c0_i32_0 = arith.constant 0 : i32
    %c0_i32_1 = arith.constant 0 : i32
    return %c0_i32, %c0_i32_0 : i32, i32
  }
  func.func @transform_7(%arg0: i32) -> (i32, i32) {
    %c0_i32 = arith.constant 0 : i32
    %c0_i32_0 = arith.constant 0 : i32
    %c0_i32_1 = arith.constant 0 : i32
    return %c0_i32, %c0_i32_0 : i32, i32
  }
  func.func @transform_8(%arg0: i32) -> (i32, i32) {
    %c0_i32 = arith.constant 0 : i32
    %c0_i32_0 = arith.constant 0 : i32
    %c0_i32_1 = arith.constant 0 : i32
    return %c0_i32, %c0_i32_0 : i32, i32
  }
  func.func @transform_9(%arg0: i32) -> (i32, i32) {
    %c0_i32 = arith.constant 0 : i32
    %c0_i32_0 = arith.constant 0 : i32
    %c0_i32_1 = arith.constant 0 : i32
    return %c0_i32, %c0_i32_0 : i32, i32
  }
  func.func @transform_10(%arg0: i32) -> (i32, i32) {
    %c0_i32 = arith.constant 0 : i32
    %c0_i32_0 = arith.constant 0 : i32
    %c0_i32_1 = arith.constant 0 : i32
    return %c0_i32, %c0_i32_0 : i32, i32
  }
  func.func @transform_11(%arg0: i32) -> (i32, i32) {
    %c0_i32 = arith.constant 0 : i32
    %c0_i32_0 = arith.constant 0 : i32
    return %arg0, %c0_i32 : i32, i32
  }
  func.func @transform_12(%arg0: i32) -> (i32, i32) {
    %c0_i32 = arith.constant 0 : i32
    %c0_i32_0 = arith.constant 0 : i32
    return %arg0, %c0_i32 : i32, i32
  }
}

module attributes {stable_mosaic.version = 14 : i64} {
  func.func @body(%arg0: i32, %arg1: memref<1000x128xf32, #tpu.memory_space<vmem>>, %arg2: memref<1000x128xf32, #tpu.memory_space<vmem>>, %arg3: memref<1000x128xf32, #tpu.memory_space<vmem>>, %arg4: memref<1000x128xf32, #tpu.memory_space<vmem>>, %arg5: memref<128x256xf32, #tpu.memory_space<vmem>>, %arg6: memref<1x256xf32, #tpu.memory_space<vmem>>, %arg7: memref<1x256xf32, #tpu.memory_space<vmem>>, %arg8: memref<256x128xf32, #tpu.memory_space<vmem>>, %arg9: memref<1x128xf32, #tpu.memory_space<vmem>>, %arg10: memref<1x128xf32, #tpu.memory_space<vmem>>, %arg11: memref<1x128xf32, #tpu.memory_space<vmem>>, %arg12: memref<1000x128xf32, #tpu.memory_space<vmem>>) attributes {dimension_semantics = [#tpu.dimension_semantics<arbitrary>], iteration_bounds = array<i64: 10>, scalar_prefetch = 0 : i64, scratch_operands = 0 : i64, tpu.core_type = #tpu.core_type<tc>, window_params = [{transform_indices = @transform_0, window_bounds = array<i64: 1000, 128>}, {transform_indices = @transform_1, window_bounds = array<i64: 1000, 128>}, {transform_indices = @transform_2, window_bounds = array<i64: 1000, 128>}, {transform_indices = @transform_3, window_bounds = array<i64: 1000, 128>}, {pipeline_mode = #tpu.pipeline_mode<synchronous>, transform_indices = @transform_4, window_bounds = array<i64: 128, 256>}, {pipeline_mode = #tpu.pipeline_mode<synchronous>, transform_indices = @transform_5, window_bounds = array<i64: 1, 256>}, {pipeline_mode = #tpu.pipeline_mode<synchronous>, transform_indices = @transform_6, window_bounds = array<i64: 1, 256>}, {pipeline_mode = #tpu.pipeline_mode<synchronous>, transform_indices = @transform_7, window_bounds = array<i64: 256, 128>}, {pipeline_mode = #tpu.pipeline_mode<synchronous>, transform_indices = @transform_8, window_bounds = array<i64: 1, 128>}, {pipeline_mode = #tpu.pipeline_mode<synchronous>, transform_indices = @transform_9, window_bounds = array<i64: 1, 128>}, {pipeline_mode = #tpu.pipeline_mode<synchronous>, transform_indices = @transform_10, window_bounds = array<i64: 1, 128>}, {transform_indices = @transform_11, window_bounds = array<i64: 1000, 128>}]} {
    %get3A = arith.constant 0 : index
    %get3A_0 = arith.constant 0 : index
    %get3A_1 = vector.load %arg4[%get3A, %get3A_0] : memref<1000x128xf32, #tpu.memory_space<vmem>>, vector<1000x128xf32>
    %gt3A = arith.constant 0.000000e+00 : f32
    %gt3A_2 = vector.broadcast %gt3A : f32 to vector<1000x128xf32>
    %gt3A_3 = arith.cmpf ogt, %get3A_1, %gt3A_2 : vector<1000x128xf32>
    %jit3A = arith.constant 1.000000e+00 : f32
    %broadcast_in_dim3A = vector.broadcast %jit3A : f32 to vector<1000x128xf32>
    %select_n3A = arith.select %gt3A_3, %get3A_1, %broadcast_in_dim3A : vector<1000x128xi1>, vector<1000x128xf32>
    %gt3A_4 = arith.constant 0.000000e+00 : f32
    %gt3A_5 = vector.broadcast %gt3A_4 : f32 to vector<1000x128xf32>
    %gt3A_6 = arith.cmpf ogt, %get3A_1, %gt3A_5 : vector<1000x128xf32>
    %get3A_7 = arith.constant 0 : index
    %get3A_8 = arith.constant 0 : index
    %get3A_9 = vector.load %arg3[%get3A_7, %get3A_8] : memref<1000x128xf32, #tpu.memory_space<vmem>>, vector<1000x128xf32>
    %div3A = arith.divf %get3A_9, %select_n3A : vector<1000x128xf32>
    %jit3A_10 = arith.constant 0.000000e+00 : f32
    %broadcast_in_dim3A_11 = vector.broadcast %jit3A_10 : f32 to vector<1000x128xf32>
    %select_n3A_12 = arith.select %gt3A_6, %div3A, %broadcast_in_dim3A_11 : vector<1000x128xi1>, vector<1000x128xf32>
    %get3A_13 = arith.constant 0 : index
    %get3A_14 = arith.constant 0 : index
    %get3A_15 = vector.load %arg2[%get3A_13, %get3A_14] : memref<1000x128xf32, #tpu.memory_space<vmem>>, vector<1000x128xf32>
    %add3A = arith.addf %select_n3A_12, %get3A_15 : vector<1000x128xf32>
    %get3A_16 = arith.constant 0 : index
    %get3A_17 = arith.constant 0 : index
    %get3A_18 = vector.load %arg5[%get3A_16, %get3A_17] : memref<128x256xf32, #tpu.memory_space<vmem>>, vector<128x256xf32>
    %dot_general3A = arith.constant dense<0.000000e+00> : vector<1000x256xf32>
    %dot_general3A_19 = tpu.matmul %add3A, %get3A_18, %dot_general3A {dimension_numbers = #tpu.dot_dimension_numbers<[1], [0], [0], [1], [0, 0, 1, 1], [], []>, transpose_lhs_hint = false} : vector<1000x128xf32>, vector<128x256xf32>, vector<1000x256xf32> -> vector<1000x256xf32>
    %get3A_20 = arith.constant 0 : index
    %get3A_21 = arith.constant 0 : index
    %get3A_22 = vector.load %arg6[%get3A_20, %get3A_21] : memref<1x256xf32, #tpu.memory_space<vmem>>, vector<1x256xf32>
    %mul3A = vector.broadcast %get3A_22 : vector<1x256xf32> to vector<1000x256xf32>
    %mul3A_23 = arith.mulf %dot_general3A_19, %mul3A : vector<1000x256xf32>
    %get3A_24 = arith.constant 0 : index
    %get3A_25 = arith.constant 0 : index
    %get3A_26 = vector.load %arg7[%get3A_24, %get3A_25] : memref<1x256xf32, #tpu.memory_space<vmem>>, vector<1x256xf32>
    %add3A_27 = vector.broadcast %get3A_26 : vector<1x256xf32> to vector<1000x256xf32>
    %add3A_28 = arith.addf %mul3A_23, %add3A_27 : vector<1000x256xf32>
    %max3A = arith.constant 0.000000e+00 : f32
    %max3A_29 = vector.broadcast %max3A : f32 to vector<1000x256xf32>
    %max3A_30 = arith.maximumf %add3A_28, %max3A_29 : vector<1000x256xf32>
    %get3A_31 = arith.constant 0 : index
    %get3A_32 = arith.constant 0 : index
    %get3A_33 = vector.load %arg8[%get3A_31, %get3A_32] : memref<256x128xf32, #tpu.memory_space<vmem>>, vector<256x128xf32>
    %dot_general3A_34 = arith.constant dense<0.000000e+00> : vector<1000x128xf32>
    %dot_general3A_35 = tpu.matmul %max3A_30, %get3A_33, %dot_general3A_34 {dimension_numbers = #tpu.dot_dimension_numbers<[1], [0], [0], [1], [0, 0, 1, 1], [], []>, transpose_lhs_hint = false} : vector<1000x256xf32>, vector<256x128xf32>, vector<1000x128xf32> -> vector<1000x128xf32>
    %get3A_36 = arith.constant 0 : index
    %get3A_37 = arith.constant 0 : index
    %get3A_38 = vector.load %arg1[%get3A_36, %get3A_37] : memref<1000x128xf32, #tpu.memory_space<vmem>>, vector<1000x128xf32>
    %add3A_39 = arith.addf %get3A_38, %dot_general3A_35 : vector<1000x128xf32>
    %get3A_40 = arith.constant 0 : index
    %get3A_41 = arith.constant 0 : index
    %get3A_42 = vector.load %arg9[%get3A_40, %get3A_41] : memref<1x128xf32, #tpu.memory_space<vmem>>, vector<1x128xf32>
    %add3A_43 = vector.broadcast %get3A_42 : vector<1x128xf32> to vector<1000x128xf32>
    %add3A_44 = arith.addf %add3A_39, %add3A_43 : vector<1000x128xf32>
    %swap3A = arith.constant 0 : index
    %swap3A_45 = arith.constant 0 : index
    %swap3A_46 = vector.load %arg12[%swap3A, %swap3A_45] : memref<1000x128xf32, #tpu.memory_space<vmem>>, vector<1000x128xf32>
    tpu.vector_store %arg12[%swap3A, %swap3A_45], %add3A_44 {strides = array<i32>} : memref<1000x128xf32, #tpu.memory_space<vmem>>, vector<1000x128xf32>,
    return
  }
  func.func @transform_0(%arg0: i32) -> (i32, i32) {
    %c0_i32 = arith.constant 0 : i32
    %c0_i32_0 = arith.constant 0 : i32
    return %arg0, %c0_i32 : i32, i32
  }
  func.func @transform_1(%arg0: i32) -> (i32, i32) {
    %c0_i32 = arith.constant 0 : i32
    %c0_i32_0 = arith.constant 0 : i32
    return %arg0, %c0_i32 : i32, i32
  }
  func.func @transform_2(%arg0: i32) -> (i32, i32) {
    %c0_i32 = arith.constant 0 : i32
    %c0_i32_0 = arith.constant 0 : i32
    return %arg0, %c0_i32 : i32, i32
  }
  func.func @transform_3(%arg0: i32) -> (i32, i32) {
    %c0_i32 = arith.constant 0 : i32
    %c0_i32_0 = arith.constant 0 : i32
    return %arg0, %c0_i32 : i32, i32
  }
  func.func @transform_4(%arg0: i32) -> (i32, i32) {
    %c0_i32 = arith.constant 0 : i32
    %c0_i32_0 = arith.constant 0 : i32
    %c0_i32_1 = arith.constant 0 : i32
    return %c0_i32, %c0_i32_0 : i32, i32
  }
  func.func @transform_5(%arg0: i32) -> (i32, i32) {
    %c0_i32 = arith.constant 0 : i32
    %c0_i32_0 = arith.constant 0 : i32
    %c0_i32_1 = arith.constant 0 : i32
    return %c0_i32, %c0_i32_0 : i32, i32
  }
  func.func @transform_6(%arg0: i32) -> (i32, i32) {
    %c0_i32 = arith.constant 0 : i32
    %c0_i32_0 = arith.constant 0 : i32
    %c0_i32_1 = arith.constant 0 : i32
    return %c0_i32, %c0_i32_0 : i32, i32
  }
  func.func @transform_7(%arg0: i32) -> (i32, i32) {
    %c0_i32 = arith.constant 0 : i32
    %c0_i32_0 = arith.constant 0 : i32
    %c0_i32_1 = arith.constant 0 : i32
    return %c0_i32, %c0_i32_0 : i32, i32
  }
  func.func @transform_8(%arg0: i32) -> (i32, i32) {
    %c0_i32 = arith.constant 0 : i32
    %c0_i32_0 = arith.constant 0 : i32
    %c0_i32_1 = arith.constant 0 : i32
    return %c0_i32, %c0_i32_0 : i32, i32
  }
  func.func @transform_9(%arg0: i32) -> (i32, i32) {
    %c0_i32 = arith.constant 0 : i32
    %c0_i32_0 = arith.constant 0 : i32
    %c0_i32_1 = arith.constant 0 : i32
    return %c0_i32, %c0_i32_0 : i32, i32
  }
  func.func @transform_10(%arg0: i32) -> (i32, i32) {
    %c0_i32 = arith.constant 0 : i32
    %c0_i32_0 = arith.constant 0 : i32
    %c0_i32_1 = arith.constant 0 : i32
    return %c0_i32, %c0_i32_0 : i32, i32
  }
  func.func @transform_11(%arg0: i32) -> (i32, i32) {
    %c0_i32 = arith.constant 0 : i32
    %c0_i32_0 = arith.constant 0 : i32
    return %arg0, %c0_i32 : i32, i32
  }
}

module attributes {stable_mosaic.version = 14 : i64} {
  func.func @_pool_body(%arg0: i32, %arg1: memref<1x1x1000xi32, #tpu.memory_space<vmem>>, %arg2: memref<1000x128xf32, #tpu.memory_space<vmem>>, %arg3: memref<128x128xf32, #tpu.memory_space<vmem>>, %arg4: memref<1x128xf32, #tpu.memory_space<vmem>>, %arg5: memref<16x128xf32, #tpu.memory_space<vmem>>, %arg6: memref<16x128xf32, #tpu.memory_space<vmem>>, %arg7: memref<16x128xf32, #tpu.memory_space<vmem>>) attributes {dimension_semantics = [#tpu.dimension_semantics<arbitrary>], iteration_bounds = array<i64: 10>, scalar_prefetch = 0 : i64, scratch_operands = 2 : i64, tpu.core_type = #tpu.core_type<tc>, window_params = [{transform_indices = @transform_0, window_bounds = array<i64: 1, 1, 1000>}, {transform_indices = @transform_1, window_bounds = array<i64: 1000, 128>}, {pipeline_mode = #tpu.pipeline_mode<synchronous>, transform_indices = @transform_2, window_bounds = array<i64: 128, 128>}, {pipeline_mode = #tpu.pipeline_mode<synchronous>, transform_indices = @transform_3, window_bounds = array<i64: 1, 128>}, {pipeline_mode = #tpu.pipeline_mode<synchronous>, transform_indices = @transform_4, window_bounds = array<i64: 16, 128>}]} {
    %eq3A = arith.constant 0 : i32
    %eq3A_0 = arith.cmpi eq, %arg0, %eq3A : i32
    %convert_element_type3A = arith.extui %eq3A_0 : i1 to i32
    %cond3A = arith.constant 0 : i32
    %cond3A_1 = arith.cmpi ne, %convert_element_type3A, %cond3A : i32
    scf.if %cond3A_1 {
      %broadcast_in_dim3A_33 = arith.constant 0.000000e+00 : f32
      %broadcast_in_dim3A_34 = vector.broadcast %broadcast_in_dim3A_33 : f32 to vector<16x128xf32>
      %swap3A_35 = arith.constant 0 : index
      %swap3A_36 = arith.constant 0 : index
      %swap3A_37 = vector.load %arg6[%swap3A_35, %swap3A_36] : memref<16x128xf32, #tpu.memory_space<vmem>>, vector<16x128xf32>
      tpu.vector_store %arg6[%swap3A_35, %swap3A_36], %broadcast_in_dim3A_34 {strides = array<i32>} : memref<16x128xf32, #tpu.memory_space<vmem>>, vector<16x128xf32>,
      %broadcast_in_dim3A_38 = arith.constant 0.000000e+00 : f32
      %broadcast_in_dim3A_39 = vector.broadcast %broadcast_in_dim3A_38 : f32 to vector<16x128xf32>
      %swap3A_40 = arith.constant 0 : index
      %swap3A_41 = arith.constant 0 : index
      %swap3A_42 = vector.load %arg7[%swap3A_40, %swap3A_41] : memref<16x128xf32, #tpu.memory_space<vmem>>, vector<16x128xf32>
      tpu.vector_store %arg7[%swap3A_40, %swap3A_41], %broadcast_in_dim3A_39 {strides = array<i32>} : memref<16x128xf32, #tpu.memory_space<vmem>>, vector<16x128xf32>,
    } else {
    }
    %get3A = arith.constant 0 : index
    %get3A_2 = arith.constant 0 : index
    %get3A_3 = arith.constant 0 : index
    %get3A_4 = vector.load %arg1[%get3A, %get3A_2, %get3A_3] : memref<1x1x1000xi32, #tpu.memory_space<vmem>>, vector<1x1x1000xi32>
    %get3A_5 = vector.shape_cast %get3A_4 : vector<1x1x1000xi32> to vector<1x1000xi32>
    %iota3A = tpu.iota {dimensions = array<i32: 0>} : vector<16x1000xi32>
    %eq3A_6 = vector.broadcast %get3A_5 : vector<1x1000xi32> to vector<16x1000xi32>
    %eq3A_7 = arith.cmpi eq, %iota3A, %eq3A_6 : vector<16x1000xi32>
    %convert_element_type3A_8 = arith.extui %eq3A_7 : vector<16x1000xi1> to vector<16x1000xi32>
    %convert_element_type3A_9 = arith.sitofp %convert_element_type3A_8 : vector<16x1000xi32> to vector<16x1000xf32>
    %get3A_10 = arith.constant 0 : index
    %get3A_11 = arith.constant 0 : index
    %get3A_12 = vector.load %arg6[%get3A_10, %get3A_11] : memref<16x128xf32, #tpu.memory_space<vmem>>, vector<16x128xf32>
    %get3A_13 = arith.constant 0 : index
    %get3A_14 = arith.constant 0 : index
    %get3A_15 = vector.load %arg2[%get3A_13, %get3A_14] : memref<1000x128xf32, #tpu.memory_space<vmem>>, vector<1000x128xf32>
    %dot_general3A = arith.constant dense<0.000000e+00> : vector<16x128xf32>
    %dot_general3A_16 = tpu.matmul %convert_element_type3A_9, %get3A_15, %dot_general3A {dimension_numbers = #tpu.dot_dimension_numbers<[1], [0], [0], [1], [0, 0, 1, 1], [], []>, transpose_lhs_hint = false} : vector<16x1000xf32>, vector<1000x128xf32>, vector<16x128xf32> -> vector<16x128xf32>
    %add3A = arith.addf %get3A_12, %dot_general3A_16 : vector<16x128xf32>
    %swap3A = arith.constant 0 : index
    %swap3A_17 = arith.constant 0 : index
    %swap3A_18 = vector.load %arg6[%swap3A, %swap3A_17] : memref<16x128xf32, #tpu.memory_space<vmem>>, vector<16x128xf32>
    tpu.vector_store %arg6[%swap3A, %swap3A_17], %add3A {strides = array<i32>} : memref<16x128xf32, #tpu.memory_space<vmem>>, vector<16x128xf32>,
    %get3A_19 = arith.constant 0 : index
    %get3A_20 = arith.constant 0 : index
    %get3A_21 = vector.load %arg7[%get3A_19, %get3A_20] : memref<16x128xf32, #tpu.memory_space<vmem>>, vector<16x128xf32>
    %reduce_sum3A = arith.constant dense<0.000000e+00> : vector<16xf32>
    %reduce_sum3A_22 = vector.multi_reduction <add>, %convert_element_type3A_9, %reduce_sum3A [1] : vector<16x1000xf32> to vector<16xf32>
    %broadcast_in_dim3A = vector.shape_cast %reduce_sum3A_22 : vector<16xf32> to vector<16x1xf32>
    %add3A_23 = vector.broadcast %broadcast_in_dim3A : vector<16x1xf32> to vector<16x128xf32>
    %add3A_24 = arith.addf %get3A_21, %add3A_23 : vector<16x128xf32>
    %swap3A_25 = arith.constant 0 : index
    %swap3A_26 = arith.constant 0 : index
    %swap3A_27 = vector.load %arg7[%swap3A_25, %swap3A_26] : memref<16x128xf32, #tpu.memory_space<vmem>>, vector<16x128xf32>
    tpu.vector_store %arg7[%swap3A_25, %swap3A_26], %add3A_24 {strides = array<i32>} : memref<16x128xf32, #tpu.memory_space<vmem>>, vector<16x128xf32>,
    %eq3A_28 = arith.constant 9 : i32
    %eq3A_29 = arith.cmpi eq, %arg0, %eq3A_28 : i32
    %convert_element_type3A_30 = arith.extui %eq3A_29 : i1 to i32
    %cond3A_31 = arith.constant 0 : i32
    %cond3A_32 = arith.cmpi ne, %convert_element_type3A_30, %cond3A_31 : i32
    scf.if %cond3A_32 {
      %get3A_33 = arith.constant 0 : index
      %get3A_34 = arith.constant 0 : index
      %get3A_35 = vector.load %arg6[%get3A_33, %get3A_34] : memref<16x128xf32, #tpu.memory_space<vmem>>, vector<16x128xf32>
      %get3A_36 = arith.constant 0 : index
      %get3A_37 = arith.constant 0 : index
      %get3A_38 = vector.load %arg7[%get3A_36, %get3A_37] : memref<16x128xf32, #tpu.memory_space<vmem>>, vector<16x128xf32>
      %max3A = arith.constant 1.000000e+00 : f32
      %max3A_39 = vector.broadcast %max3A : f32 to vector<16x128xf32>
      %max3A_40 = arith.maximumf %get3A_38, %max3A_39 : vector<16x128xf32>
      %div3A = arith.divf %get3A_35, %max3A_40 : vector<16x128xf32>
      %max3A_41 = arith.constant 0.000000e+00 : f32
      %max3A_42 = vector.broadcast %max3A_41 : f32 to vector<16x128xf32>
      %max3A_43 = arith.maximumf %div3A, %max3A_42 : vector<16x128xf32>
      %get3A_44 = arith.constant 0 : index
      %get3A_45 = arith.constant 0 : index
      %get3A_46 = vector.load %arg3[%get3A_44, %get3A_45] : memref<128x128xf32, #tpu.memory_space<vmem>>, vector<128x128xf32>
      %dot_general3A_47 = arith.constant dense<0.000000e+00> : vector<16x128xf32>
      %dot_general3A_48 = tpu.matmul %max3A_43, %get3A_46, %dot_general3A_47 {dimension_numbers = #tpu.dot_dimension_numbers<[1], [0], [0], [1], [0, 0, 1, 1], [], []>, transpose_lhs_hint = false} : vector<16x128xf32>, vector<128x128xf32>, vector<16x128xf32> -> vector<16x128xf32>
      %get3A_49 = arith.constant 0 : index
      %get3A_50 = arith.constant 0 : index
      %get3A_51 = vector.load %arg4[%get3A_49, %get3A_50] : memref<1x128xf32, #tpu.memory_space<vmem>>, vector<1x128xf32>
      %add3A_52 = vector.broadcast %get3A_51 : vector<1x128xf32> to vector<16x128xf32>
      %add3A_53 = arith.addf %dot_general3A_48, %add3A_52 : vector<16x128xf32>
      %swap3A_54 = arith.constant 0 : index
      %swap3A_55 = arith.constant 0 : index
      %swap3A_56 = vector.load %arg5[%swap3A_54, %swap3A_55] : memref<16x128xf32, #tpu.memory_space<vmem>>, vector<16x128xf32>
      tpu.vector_store %arg5[%swap3A_54, %swap3A_55], %add3A_53 {strides = array<i32>} : memref<16x128xf32, #tpu.memory_space<vmem>>, vector<16x128xf32>,
    } else {
    }
    return
  }
  func.func @transform_0(%arg0: i32) -> (i32, i32, i32) {
    %c0_i32 = arith.constant 0 : i32
    %c0_i32_0 = arith.constant 0 : i32
    %c0_i32_1 = arith.constant 0 : i32
    return %arg0, %c0_i32, %c0_i32_0 : i32, i32, i32
  }
  func.func @transform_1(%arg0: i32) -> (i32, i32) {
    %c0_i32 = arith.constant 0 : i32
    %c0_i32_0 = arith.constant 0 : i32
    return %arg0, %c0_i32 : i32, i32
  }
  func.func @transform_2(%arg0: i32) -> (i32, i32) {
    %c0_i32 = arith.constant 0 : i32
    %c0_i32_0 = arith.constant 0 : i32
    %c0_i32_1 = arith.constant 0 : i32
    return %c0_i32, %c0_i32_0 : i32, i32
  }
  func.func @transform_3(%arg0: i32) -> (i32, i32) {
    %c0_i32 = arith.constant 0 : i32
    %c0_i32_0 = arith.constant 0 : i32
    %c0_i32_1 = arith.constant 0 : i32
    return %c0_i32, %c0_i32_0 : i32, i32
  }
  func.func @transform_4(%arg0: i32) -> (i32, i32) {
    %c0_i32 = arith.constant 0 : i32
    %c0_i32_0 = arith.constant 0 : i32
    %c0_i32_1 = arith.constant 0 : i32
    return %c0_i32, %c0_i32_0 : i32, i32
  }
}

</mosaic_0001>

<sc_bundles>
// kernel: kernel.13.cloned.1.call-start
scs
__scs_entry_jumppad:
0x0: {  	(pc) =	sbr.rel $0x88, $3  }
0x1: {  	(tag) =	ssettag $0x0;
	lr =	simm.s32 $0x1  }
0x2: {  	[smem:$0x3F7F] =	sst lr;
	_ =	strace $0xD0000000  }
0x3: {  	_ = 	snop  }
0x4: {  	_ = 	snop  }
0x5: {  	_ = 	snop  }
0x6: {  	_ = 	snop  }
0x7: {  	_ = 	snop  }
__scs_overlays_trampoline_lowered:
0x8: {  	[smem:$0x3F8E] =	sst s0  }
0x9: {  	[smem:$0x3F8F] =	sst s1  }
0xa: {  	[smem:$0x3F90] =	sst s2  }
0xb: {  	[smem:$0x3F91] =	sst s3  }
0xc: {  	[smem:$0x3F92] =	sst s4  }
0xd: {  	[smem:$0x3F93] =	sst s5  }
0xe: {  	[smem:$0x3F94] =	sst s6  }
0xf: {  	[smem:$0x3F95] =	sst s7  }
0x10: {  	[smem:$0x3F96] =	sst s8  }
0x11: {  	[smem:$0x3F97] =	sst s9;
	s0 =	simm.s32 @!p0 $0x0  }
0x12: {  	s1 =	sld [smem:$0x3F7D];
	s0 =	simm.s32 @p0 $0x1  }
0x13: {  	[smem:$0x3F98] =	sst s0;
	s0 =	simm.s32 @!p1 $0x0  }
0x14: {  	s2 =	sld [smem:$0x3F7C];
	s0 =	simm.s32 @p1 $0x1  }
0x15: {  	[smem:$0x3F99] =	sst s0;
	s0 =	simm.s32 @!p2 $0x0  }
0x16: {  	s3 =	sld [smem:$0x3FDB];
	s0 =	simm.s32 @p2 $0x1  }
0x17: {  	s4 =	simm.s32 $0x1BF5;
	[smem:$0x3F9B] =	sst s0  }
0x18: {  	s0 =	sld [smem:$0x3F7E];
	_ =	swait.ge [sflag:s4], $0x0  }
0x19: {  	s7 =	sld [smem:$0x3F7F]  }
0x1a: {  	s8 =	sadd.s32 $0xFFFFE003, lr  }
0x1b: {  	s9 =	sadd.s32 $0xFFFFFEF7, lr;
	s5 =	simm.s32 $0xFFFFFFFF;
	p2 =	slt.u32 s8, $0xFFFFF086  }
0x1c: {  	p1 =	slt.u32 s9, $0xF7A;
	s5 =	simm.s32 @!p2 $0x0  }
0x1d: {  	s5 =	simm.s32 @p1 $0x1;
	p0 =	seq.s32 s7, s2  }
0x1e: {  	s7 =	smul.u32 @!p0 $0xF7A, s2;
	p2 =	seq.s32 @!p0 s5, $0x0  }
0x1f: {  	s9 =	smul.u32 $0xF7A, s1;
	s8 =	simm.s32 @!p0 $0x1BF5;
	p2 =	por !p2, p0  }
0x20: {  	[sflag:s8] =	ssyncset.s32 @!p0 $0xFFFFF086;
	s6 =	sadd.s32 @!p0 s3, s7;
	s7 =	simm.s32 @!p0 $0x108  }
0x21: {  	s3 =	sadd.s32 s3, s9;
	s6 =	sadd.s32 @!p0 $0x88, s6;
	s7 =	simm.s32 @p2 $0x1082  }
0x22: {  	[simem:s7], [sflag:s8] =	dma.local @!p0 [hbm:s6], $0xF7A  }
0x23: {  	s9 =	sor.u32 $0xD0000000, s2;
	s6 =	simm.s32 $0x108;
	_ =	swait.ge @!p0 [sflag:s8], $0x0  }
0x24: {  	s3 =	sadd.s32 $0x88, s3;
	s6 =	simm.s32 @!p1 $0x1082;
	[sflag:s4] =	ssyncset.s32 $0xFFFFF086  }
0x25: {  	[simem:s6], [sflag:s4] =	dma.local [hbm:s3], $0xF7A  }
0x26: {  	[smem:$0x3F7F] =	sst s1;
	(tag) =	ssettag s2;
	_ =	strace s9  }
0x27: {  	s1 =	sld [smem:$0x3F8F]  }
0x28: {  	s2 =	sld [smem:$0x3F90]  }
0x29: {  	s4 =	sld [smem:$0x3F92]  }
0x2a: {  	p0 =	seq.s32 s5, $0x0;
	s5 =	sld [smem:$0x3F93]  }
0x2b: {  	s6 =	sld [smem:$0x3F94]  }
0x2c: {  	s7 =	sld [smem:$0x3F95]  }
0x2d: {  	s3 =	simm.s32 $0x108;
	s8 =	sld [smem:$0x3F96]  }
0x2e: {  	s3 =	simm.s32 @!p0 $0x1082;
	s9 =	sld [smem:$0x3F97]  }
0x2f: {  	lr =	sadd.s32 s0, s3;
	s0 =	sld [smem:$0x3F8E]  }
0x30: {  	s3 =	sld [smem:$0x3F91]  }
0x31: {  	[smem:$0x3F9A] =	sst s10  }
0x32: {  	s10 =	sld [smem:$0x3F98];
	_ =	sdelay $0x3  }
0x33: {  	p0 =	seq.s32 s10, $0x1;
	s10 =	sld [smem:$0x3F9A];
	_ =	sdelay $0x3  }
0x34: {  	[smem:$0x3F9A] =	sst s10  }
0x35: {  	s10 =	sld [smem:$0x3F99];
	_ =	sdelay $0x3  }
0x36: {  	p1 =	seq.s32 s10, $0x1;
	s10 =	sld [smem:$0x3F9A];
	_ =	sdelay $0x3  }
0x37: {  	[smem:$0x3F9A] =	sst s10  }
0x38: {  	s10 =	sld [smem:$0x3F9B]  }
0x39: {  	_ = 	snop;
	(pc) =	sbr.ind lr, $3  }
0x3a: {  	_ = 	snop  }
0x3b: {  	_ = 	snop  }
0x3c: {  	p2 =	seq.s32 s10, $0x1;
	s10 =	sld [smem:$0x3F9A]  }
0x3d: {  	_ =	shalt  }
0x3e: {  	_ =	shalt  }
0x3f: {  	_ =	shalt  }
0x40: {  	_ =	shalt  }
0x41: {  	_ =	shalt  }
0x42: {  	_ =	shalt  }
0x43: {  	_ =	shalt  }
0x44: {  	_ =	shalt  }
0x45: {  	_ =	shalt  }
0x46: {  	_ =	shalt  }
0x47: {  	_ =	shalt  }
0x48: {  	_ =	shalt  }
0x49: {  	_ =	shalt  }
0x4a: {  	_ =	shalt  }
0x4b: {  	_ =	shalt  }
0x4c: {  	_ =	shalt  }
0x4d: {  	_ =	shalt  }
0x4e: {  	_ =	shalt  }
0x4f: {  	_ =	shalt  }
0x50: {  	_ =	shalt  }
0x51: {  	_ =	shalt  }
0x52: {  	_ =	shalt  }
0x53: {  	_ =	shalt  }
0x54: {  	_ =	shalt  }
0x55: {  	_ =	shalt  }
0x56: {  	_ =	shalt  }
0x57: {  	_ =	shalt  }
0x58: {  	_ =	shalt  }
0x59: {  	_ =	shalt  }
0x5a: {  	_ =	shalt  }
0x5b: {  	_ =	shalt  }
0x5c: {  	_ =	shalt  }
0x5d: {  	_ =	shalt  }
0x5e: {  	_ =	shalt  }
0x5f: {  	_ =	shalt  }
0x60: {  	_ =	shalt  }
0x61: {  	_ =	shalt  }
0x62: {  	_ =	shalt  }
0x63: {  	_ =	shalt  }
0x64: {  	_ =	shalt  }
0x65: {  	_ =	shalt  }
0x66: {  	_ =	shalt  }
0x67: {  	_ =	shalt  }
0x68: {  	_ =	shalt  }
0x69: {  	_ =	shalt  }
0x6a: {  	_ =	shalt  }
0x6b: {  	_ =	shalt  }
0x6c: {  	_ =	shalt  }
0x6d: {  	_ =	shalt  }
0x6e: {  	_ =	shalt  }
0x6f: {  	_ =	shalt  }
0x70: {  	_ =	shalt  }
0x71: {  	_ =	shalt  }
0x72: {  	_ =	shalt  }
0x73: {  	_ =	shalt  }
0x74: {  	_ =	shalt  }
0x75: {  	_ =	shalt  }
0x76: {  	_ =	shalt  }
0x77: {  	_ =	shalt  }
0x78: {  	_ =	shalt  }
0x79: {  	_ =	shalt  }
0x7a: {  	_ =	shalt  }
0x7b: {  	_ =	shalt  }
0x7c: {  	_ =	shalt  }
0x7d: {  	_ =	shalt  }
0x7e: {  	_ =	shalt  }
0x7f: {  	_ =	shalt  }
0x80: {  	_ =	shalt  }
0x81: {  	_ =	shalt  }
0x82: {  	_ =	shalt  }
0x83: {  	_ =	shalt  }
0x84: {  	_ =	shalt  }
0x85: {  	_ =	shalt  }
0x86: {  	_ =	shalt  }
0x87: {  	_ =	shalt  }
.Lfunc_end0:
.L_simem_size_0:
called_computation_lowered:
.L_overlay_start_0:
0x88: {  	s2 =	sld [smem:$0x3FD9]  }
0x89: {  	s3 =	sld [smem:$0x3FFE];
	_ =	sdelay $0x1  }
0x8a: {  	s1 =	srdreg.scid  }
0x8b: {  	s0 =	sand.u32 $0x1, s1  }
0x8c: {  	s16 =	sshll.u32 s0, $0xA;
	s2 =	sadd.s32 s3, s2  }
0x8d: {  	s2 =	sadd.s32 s2, s16  }
0x8e: {  	[smem:$0x3FA6] =	sst s2  }
0x8f: {  	_ = 	snop  }
0x90: {  	(tm) =	ssettm $0x1  }
0x91: {  	s17 =	sld [smem:$0x3FFB];
	_ =	sdelay $0x3  }
0x92: {  	_ =	strace s17  }
0x93: {  	s2 =	sld [smem:$0x3FFC];
	_ =	sdelay $0x3  }
0x94: {  	_ =	strace s2  }
0x95: {  	s2 =	sld [smem:$0x3FFD];
	_ =	sdelay $0x3  }
0x96: {  	_ =	strace s2  }
0x97: {  	_ =	strace $0x8FFFFFFF  }
0x98: {  	s18 =	sld [smem:$0x3FDB];
	_ =	sdelay $0x1  }
0x99: {  	s19 =	simm.s32 $_scs_section_size  }
0x9a: {  	s4 =	simm.s32 $_size__tile_overlayer_lowered;
	s5 =	simm.s32 $_tile_overlayer_lowered  }
0x9b: {  	s22 =	simm.s32 $0x1BFF;
	s21 =	sshll.u32 s5, $0x1;
	s2 =	sadd.s32 s19, s18  }
0x9c: {  	s6 =	simm.s32 $0x0;
	s20 =	sshll.u32 s4, $0x1;
	s4 =	sadd.s32 s21, s2  }
0x9d: {  	[timem:s6], [sflag:s22] =	dma.local [hbm:s4], s20  }
0x9e: {  	_ =	swait.ge [sflag:s22], s20  }
0x9f: {  	s3 =	ssub.s32 $0x0, s20;
	[sflag:s22] =	ssyncset.done $0x0  }
0xa0: {  	[sflag:s22] =	ssyncadd.s32 s3;
	_ =	sdelay $0x1  }
0xa1: {  	s23 =	simm.s32 $0x1B8B  }
0xa2: {  	_ =	swait.ge [sflag:s23], $0x1  }
0xa3: {  	[sflag:s23] =	ssyncset.done $0x0  }
0xa4: {  	s25 =	simm.s32 $0x1B8E;
	s24 =	sld [smem:$0x3FFE];
	[sflag:s23] =	ssyncadd.s32 $0xFFFFFFFF  }
0xa5: {  	s26 =	simm.s32 $execute0_lowered;
	[smem:$0x3FD2] =	sst s25  }
0xa6: {  	s4 =	sshll.u32 s26, $0x1;
	_ =	strace $0x80000046;
	[dreg:$0x1] =	wrdreg $0xFFFFFFFF  }
0xa7: {  	s28 =	simm.s32 $_size_execute0_lowered;
	s2 =	sadd.s32 s2, s4;
	[dreg:$0x0] =	wrdreg $0x0  }
0xa8: {  	s4 =	sshll.u32 s28, $0x1;
	[dreg:$0x2] =	wrdreg s2  }
0xa9: {  	[dreg:$0x3] =	wrdreg s4  }
0xaa: {  	[dreg:$0x4] =	wrdreg $0xC0  }
0xab: {  	_ =	task [dreg:s6], $0x5FFFF  }
0xac: {  	[dreg:$0x1] =	wrdreg $0xFFFFFFFF  }
0xad: {  	[dreg:$0x0] =	wrdreg $0x60  }
0xae: {  	[dreg:$0x2] =	wrdreg s24  }
0xaf: {  	[dreg:$0x3] =	wrdreg $0x9  }
0xb0: {  	_ =	task.clear_ibuf [dreg:s6], $0x4FFFF;
	_ =	strace $0x90000046  }
0xb1: {  	s29 =	simm.s32 $0x9;
	_ =	strace $0x80000048  }
0xb2: {  	_ =	swait.ge [sflag:s29], $0x1  }
0xb3: {  	[sflag:s29] =	ssyncadd.s32 $0xFFFFFFFF  }
0xb4: {  	_ =	strace $0x90000048  }
0xb5: {  	_ =	sfence  }
0xb6: {  	s30 =	sld [smem:$0x0];
	_ =	sdelay $0x2  }
0xb7: {  	s31 =	sshll.u32 s1, $0xD;
	s1 =	sshrl.u32 s1, $0x2  }
0xb8: {  	s3 =	sand.u32 $0x4000, s31;
	s1 =	sadd.s32 s1, s30  }
0xb9: {  	s0 =	sor.u32 s3, s0;
	s1 =	sshll.u32 s1, $0x11  }
0xba: {  	s0 =	sor.u32 s1, s0  }
0xbb: {  	s0 =	sadd.s32 $0x8F2B, s0  }
0xbc: {  	[sflag:s0] =	ssyncadd.remote.s32 $0x1  }
0xbd: {  	_ =	sfence.sel $0xFFFF  }
0xbe: {  	[dreg:$0x0] =	wrdreg $0xFFFFFFFF;
	(pc) =	sbr.abs _section_cstart, $3  }
0xbf: {  	[dreg:$0x1] =	wrdreg $0xFFFFFFFF  }
0xc0: {  	_ =	task.clear_ibuf [dreg:s6], $0x2FFFF;
	_ =	strace $0x9FFFFFFF  }
0xc1: {  	(tm) =	ssettm $0x7FFFFFFF  }
tec
execute0_lowered:
.L_overlay_start_1:
0x0: {  	(tag) =	ssettag $0x1  }
0x1: {  	s0 =	rddreg [dreg:$0x0];
	s1 =	srdreg.scid  }
0x2: {  	s10 =	stileid.u32;
	s2 =	simm.s32 $0x0;
	s11 =	simm.s32 $0x1  }
0x3: {  	s12 =	simm.s32 $0x50;
	s13 =	simm.s32 $0x400;
	s14 =	simm.s32 $0x2C00  }
0x4: {  	s15 =	simm.s32 $0xA0;
	s16 =	simm.s32 $0x5400;
	s23 =	simm.s32 $0x250  }
0x5: {  	s24 =	simm.s32 $0xF400;
	s25 =	simm.s32 $0x2A0;
	s26 =	simm.s32 $0x11C00  }
0x6: {  	s29 =	simm.s32 $0x2F0;
	s31 =	simm.s32 $0x14400;
	s28 =	simm.s32 $0x5  }
0x7: {  	s30 =	simm.s32 $0x0;
	s1 =	sand.u32 $0x1, s1;
	[smem:$0x7FF] =	sst s2  }
0x8: {  	s9 =	smul.u32 $0x4E20, s10;
	_ =	strace $0x80000047;
	[dreg:$0x3] =	wrdreg s23  }
0x9: {  	s3 =	sshll.u32 s10, $0x1;
	s10 =	smul.u32 $0x4E200, s10;
	[dreg:$0x4] =	wrdreg s24  }
0xa: {  	s4 =	sor.u32 s1, s3;
	s3 =	sadd.s32 $0x18200, s0;
	[dreg:$0x5] =	wrdreg s25  }
0xb: {  	s6 =	ssub.s32 $0x2, s1;
	s17 =	smul.u32 $0x2710, s1;
	[dreg:$0x6] =	wrdreg s26  }
0xc: {  	s1 =	smul.u32 $0x27100, s1;
	[dreg:$0x7] =	wrdreg s29;
	s23 =	simm.s32 $0xCC00  }
0xd: {  	[dreg:$0x8] =	wrdreg s31;
	s24 =	simm.s32 $0x340;
	s5 =	smul.u32 $0x2710, s4  }
0xe: {  	s25 =	simm.s32 $0x16C00;
	s26 =	simm.s32 $0x4;
	s7 =	smul.u32 $0x138800, s4  }
0xf: {  	s4 =	sadd.s32 $0x4600, s0;
	s8 =	sshrl.u32 s6, $0x1;
	s0 =	sadd.s32 $0x66600, s0  }
0x10: {  	s6 =	ssub.s32 s6, s8;
	s19 =	sadd.s32 s17, s9;
	s17 =	simm.s32 $0xF0  }
0x11: {  	s5 =	sshrl.u32 s5, $0x3;
	s7 =	sshrl.u32 s7, $0x3;
	s6 =	smax.u32 s6, $0x1  }
0x12: {  	s20 =	sadd.s32 $0x190, s19;
	s21 =	sadd.s32 $0x320, s19;
	s19 =	simm.s32 $0x140  }
0x13: {  	s5 =	sadd.s32 s4, s5;
	s18 =	sadd.s32 s0, s7;
	[dreg:$0xb] =	wrdreg s6  }
0x14: {  	s0 =	sadd.s32 s10, s0;
	[dreg:$0xc] =	wrdreg s21;
	s22 =	sshrl.u32 s20, $0x3  }
0x15: {  	s10 =	simm.s32 $0x200;
	[dreg:$0x9] =	wrdreg s5;
	s5 =	sadd.s32 $0x25800, s18  }
0x16: {  	s20 =	simm.s32 $0xA400;
	s0 =	sadd.s32 s1, s0;
	[dreg:$0xa] =	wrdreg s5  }
0x17: {  	s21 =	simm.s32 $0x3;
	[dreg:$0x2] =	wrdreg s0;
	s0 =	sadd.s32 s22, s4  }
0x18: {  	s18 =	simm.s32 $0x7C00;
	s22 =	simm.s32 $0x2;
	[dreg:$0xd] =	wrdreg s0  }
.LBB2_1:
0x19: {  	s0 =	rddreg [dreg:$0x9]  }
0x1a: {  	[tilespmem:s2], [sflag:$0x1] =	stream.linear.gather [hbm4b:s0+s2], $0x190, $0x38;
	[tilespmem:$0x19400] =	vst v63  }
0x1b: {  	s7 =	rddreg [dreg:$0xd]  }
0x1c: {  	[tilespmem:s10], [sflag:$0x2] =	stream.linear.gather [hbm4b:s7+s2], $0x190, $0x38;
	[tilespmem:$0x19400] =	vst v63  }
0x1d: {  	_ =	swait.ge [sflag:s11], $0x190  }
0x1e: {  	p0 =	por $0x1, $0x1;
	[sflag:s11] =	ssyncset.done $0x0  }
0x1f: {  	s0 =	simm.s32 @!p0 $0x5;
	[sflag:s11] =	ssyncadd.s32 $0xFFFFFE70  }
0x20: {  	_ =	swait.ge @!p0 [sflag:s0], $0xC800  }
0x21: {  	[sflag:s0] =	ssyncset.done @!p0 $0x0  }
0x22: {  	[sflag:s0] =	ssyncadd.s32 @!p0 $0xFFFF3800  }
0x23: {  	[tilespmem:s13], [sflag:$0x3] =	stream.indirect.gather [hbm4b:s3+s12], $0x80, s2, s12, $0xb8;
	[tilespmem:$0x19400] =	vst v63  }
0x24: {  	_ = 	snop  }
0x25: {  	[tilespmem:s14], [sflag:$0x3] =	stream.indirect.gather [hbm4b:s3+s12], $0x80, s12, s12, $0xb8;
	[tilespmem:$0x19400] =	vst v63  }
0x26: {  	_ = 	snop  }
0x27: {  	[tilespmem:s16], [sflag:$0x3] =	stream.indirect.gather [hbm4b:s3+s12], $0x80, s15, s12, $0xb8;
	[tilespmem:$0x19400] =	vst v63  }
0x28: {  	_ = 	snop  }
0x29: {  	[tilespmem:s18], [sflag:$0x3] =	stream.indirect.gather [hbm4b:s3+s12], $0x80, s17, s12, $0xb8;
	[tilespmem:$0x19400] =	vst v63  }
0x2a: {  	_ = 	snop  }
0x2b: {  	[tilespmem:s20], [sflag:$0x3] =	stream.indirect.gather [hbm4b:s3+s12], $0x80, s19, s12, $0xb8;
	[tilespmem:$0x19400] =	vst v63  }
0x2c: {  	_ =	swait.ge [sflag:s21], $0x2800  }
0x2d: {  	[sflag:s21] =	ssyncset.done $0x0  }
0x2e: {  	[sflag:s21] =	ssyncadd.s32 $0xFFFFD800  }
0x2f: {  	_ =	swait.ge [sflag:s21], $0x2800  }
0x30: {  	[sflag:s21] =	ssyncset.done $0x0  }
0x31: {  	[sflag:s21] =	ssyncadd.s32 $0xFFFFD800  }
0x32: {  	_ =	swait.ge [sflag:s21], $0x2800  }
0x33: {  	[sflag:s21] =	ssyncset.done $0x0  }
0x34: {  	[sflag:s21] =	ssyncadd.s32 $0xFFFFD800  }
0x35: {  	_ =	swait.ge [sflag:s21], $0x2800  }
0x36: {  	[sflag:s21] =	ssyncset.done $0x0  }
0x37: {  	[sflag:s21] =	ssyncadd.s32 $0xFFFFD800  }
0x38: {  	_ =	swait.ge [sflag:s21], $0x2800  }
0x39: {  	s8 =	rddreg [dreg:$0x2]  }
0x3a: {  	[sflag:s21] =	ssyncset.done $0x0;
	s1 =	rddreg [dreg:$0xc]  }
0x3b: {  	[sflag:s21] =	ssyncadd.s32 $0xFFFFD800;
	s5 =	sadd.s32 $0x0, s8;
	s9 =	sshrl.u32 s1, $0x3  }
0x3c: {  	[hbm4b:s5+s2] =	stream.linear.scatter [tilespmem:s13], [sflag:$0x5], $0xC800, $0x38;
	[tilespmem:$0x19400] =	vst v63  }
0x3d: {  	s0 =	sadd.s32 s4, s9  }
0x3e: {  	[tilespmem:s2], [sflag:$0x1] =	stream.linear.gather [hbm4b:s0+s2], $0x190, $0x38;
	[tilespmem:$0x19400] =	vst v63  }
0x3f: {  	_ =	swait.ge [sflag:s22], $0x190  }
0x40: {  	[sflag:s22] =	ssyncset.done $0x0  }
0x41: {  	s0 =	simm.s32 @!p0 $0x6;
	[sflag:s22] =	ssyncadd.s32 $0xFFFFFE70  }
0x42: {  	_ =	swait.ge @!p0 [sflag:s0], $0xC800  }
0x43: {  	s6 =	rddreg [dreg:$0x5]  }
0x44: {  	[sflag:s0] =	ssyncset.done @!p0 $0x0;
	s8 =	rddreg [dreg:$0x3]  }
0x45: {  	s29 =	rddreg [dreg:$0x4];
	[sflag:s0] =	ssyncadd.s32 @!p0 $0xFFFF3800  }
0x46: {  	[tilespmem:s23], [sflag:$0x4] =	stream.indirect.gather [hbm4b:s3+s12], $0x80, s10, s12, $0xb8;
	[tilespmem:$0x19400] =	vst v63  }
0x47: {  	s31 =	rddreg [dreg:$0x6]  }
0x48: {  	[tilespmem:s29], [sflag:$0x4] =	stream.indirect.gather [hbm4b:s3+s12], $0x80, s8, s12, $0xb8;
	[tilespmem:$0x19400] =	vst v63  }
0x49: {  	s9 =	rddreg [dreg:$0x7]  }
0x4a: {  	[tilespmem:s31], [sflag:$0x4] =	stream.indirect.gather [hbm4b:s3+s12], $0x80, s6, s12, $0xb8;
	[tilespmem:$0x19400] =	vst v63  }
0x4b: {  	s29 =	rddreg [dreg:$0x8]  }
0x4c: {  	[tilespmem:s29], [sflag:$0x4] =	stream.indirect.gather [hbm4b:s3+s12], $0x80, s9, s12, $0xb8;
	[tilespmem:$0x19400] =	vst v63  }
0x4d: {  	_ = 	snop  }
0x4e: {  	[tilespmem:s25], [sflag:$0x4] =	stream.indirect.gather [hbm4b:s3+s12], $0x80, s24, s12, $0xb8;
	[tilespmem:$0x19400] =	vst v63  }
0x4f: {  	_ =	swait.ge [sflag:s26], $0x2800  }
0x50: {  	[sflag:s26] =	ssyncset.done $0x0  }
0x51: {  	[sflag:s26] =	ssyncadd.s32 $0xFFFFD800  }
0x52: {  	_ =	swait.ge [sflag:s26], $0x2800  }
0x53: {  	[sflag:s26] =	ssyncset.done $0x0  }
0x54: {  	[sflag:s26] =	ssyncadd.s32 $0xFFFFD800  }
0x55: {  	_ =	swait.ge [sflag:s26], $0x2800  }
0x56: {  	[sflag:s26] =	ssyncset.done $0x0  }
0x57: {  	[sflag:s26] =	ssyncadd.s32 $0xFFFFD800  }
0x58: {  	_ =	swait.ge [sflag:s26], $0x2800  }
0x59: {  	[sflag:s26] =	ssyncset.done $0x0  }
0x5a: {  	s0 =	sadd.s32 $0x64, s7;
	[sflag:s26] =	ssyncadd.s32 $0xFFFFD800  }
0x5b: {  	s8 =	smov.u32 s1;
	s31 =	simm.s32 $0x3200;
	_ =	swait.ge [sflag:s26], $0x2800  }
.LBB2_2:
0x5c: {  	[sflag:s26] =	ssyncset.done $0x0  }
0x5d: {  	s5 =	sadd.s32 $0x1900, s5;
	[sflag:s26] =	ssyncadd.s32 $0xFFFFD800  }
0x5e: {  	[hbm4b:s5+s2] =	stream.linear.scatter [tilespmem:s23], [sflag:$0x6], $0xC800, $0x38;
	[tilespmem:$0x19400] =	vst v63  }
0x5f: {  	_ = 	snop  }
0x60: {  	[tilespmem:s10], [sflag:$0x2] =	stream.linear.gather [hbm4b:s0+s2], $0x190, $0x38;
	[tilespmem:$0x19400] =	vst v63  }
0x61: {  	s6 =	smov.u32 s31;
	_ =	swait.ge [sflag:s11], $0x190  }
0x62: {  	p1 =	seq.s32 s6, $0x0;
	[sflag:s11] =	ssyncset.done $0x0  }
0x63: {  	s5 =	simm.s32 @!p1 $0x5;
	[sflag:s11] =	ssyncadd.s32 $0xFFFFFE70  }
0x64: {  	_ =	swait.ge @!p1 [sflag:s5], $0xC800  }
0x65: {  	[sflag:s5] =	ssyncset.done @!p1 $0x0  }
0x66: {  	[sflag:s5] =	ssyncadd.s32 @!p1 $0xFFFF3800  }
0x67: {  	[tilespmem:s13], [sflag:$0x3] =	stream.indirect.gather [hbm4b:s3+s12], $0x80, s2, s12, $0xb8;
	[tilespmem:$0x19400] =	vst v63  }
0x68: {  	_ = 	snop  }
0x69: {  	[tilespmem:s14], [sflag:$0x3] =	stream.indirect.gather [hbm4b:s3+s12], $0x80, s12, s12, $0xb8;
	[tilespmem:$0x19400] =	vst v63  }
0x6a: {  	_ = 	snop  }
0x6b: {  	[tilespmem:s16], [sflag:$0x3] =	stream.indirect.gather [hbm4b:s3+s12], $0x80, s15, s12, $0xb8;
	[tilespmem:$0x19400] =	vst v63  }
0x6c: {  	_ = 	snop  }
0x6d: {  	[tilespmem:s18], [sflag:$0x3] =	stream.indirect.gather [hbm4b:s3+s12], $0x80, s17, s12, $0xb8;
	[tilespmem:$0x19400] =	vst v63  }
0x6e: {  	_ = 	snop  }
0x6f: {  	[tilespmem:s20], [sflag:$0x3] =	stream.indirect.gather [hbm4b:s3+s12], $0x80, s19, s12, $0xb8;
	[tilespmem:$0x19400] =	vst v63  }
0x70: {  	_ =	swait.ge [sflag:s21], $0x2800  }
0x71: {  	[sflag:s21] =	ssyncset.done $0x0  }
0x72: {  	[sflag:s21] =	ssyncadd.s32 $0xFFFFD800  }
0x73: {  	_ =	swait.ge [sflag:s21], $0x2800  }
0x74: {  	[sflag:s21] =	ssyncset.done $0x0  }
0x75: {  	[sflag:s21] =	ssyncadd.s32 $0xFFFFD800  }
0x76: {  	_ =	swait.ge [sflag:s21], $0x2800  }
0x77: {  	[sflag:s21] =	ssyncset.done $0x0  }
0x78: {  	[sflag:s21] =	ssyncadd.s32 $0xFFFFD800  }
0x79: {  	_ =	swait.ge [sflag:s21], $0x2800  }
0x7a: {  	[sflag:s21] =	ssyncset.done $0x0  }
0x7b: {  	[sflag:s21] =	ssyncadd.s32 $0xFFFFD800  }
0x7c: {  	_ =	swait.ge [sflag:s21], $0x2800  }
0x7d: {  	s8 =	sadd.s32 $0x320, s8;
	s7 =	rddreg [dreg:$0x2];
	[sflag:s21] =	ssyncset.done $0x0  }
0x7e: {  	s9 =	sshrl.u32 s8, $0x3;
	[sflag:s21] =	ssyncadd.s32 $0xFFFFD800;
	s5 =	sadd.s32 s6, s7  }
0x7f: {  	[hbm4b:s5+s2] =	stream.linear.scatter [tilespmem:s13], [sflag:$0x5], $0xC800, $0x38;
	[tilespmem:$0x19400] =	vst v63  }
0x80: {  	s6 =	sadd.s32 s4, s9  }
0x81: {  	[tilespmem:s2], [sflag:$0x1] =	stream.linear.gather [hbm4b:s6+s2], $0x190, $0x38;
	[tilespmem:$0x19400] =	vst v63  }
0x82: {  	_ =	swait.ge [sflag:s22], $0x190  }
0x83: {  	[sflag:s22] =	ssyncset.done $0x0  }
0x84: {  	s6 =	simm.s32 @!p1 $0x6;
	[sflag:s22] =	ssyncadd.s32 $0xFFFFFE70  }
0x85: {  	_ =	swait.ge @!p1 [sflag:s6], $0xC800  }
0x86: {  	s7 =	rddreg [dreg:$0x7]  }
0x87: {  	[sflag:s6] =	ssyncset.done @!p1 $0x0;
	s29 =	rddreg [dreg:$0x3]  }
0x88: {  	s9 =	rddreg [dreg:$0x4];
	[sflag:s6] =	ssyncadd.s32 @!p1 $0xFFFF3800  }
0x89: {  	[tilespmem:s23], [sflag:$0x4] =	stream.indirect.gather [hbm4b:s3+s12], $0x80, s10, s12, $0xb8;
	[tilespmem:$0x19400] =	vst v63  }
0x8a: {  	s1 =	rddreg [dreg:$0x6]  }
0x8b: {  	[tilespmem:s9], [sflag:$0x4] =	stream.indirect.gather [hbm4b:s3+s12], $0x80, s29, s12, $0xb8;
	[tilespmem:$0x19400] =	vst v63  }
0x8c: {  	s6 =	rddreg [dreg:$0x5]  }
0x8d: {  	[tilespmem:s1], [sflag:$0x4] =	stream.indirect.gather [hbm4b:s3+s12], $0x80, s6, s12, $0xb8;
	[tilespmem:$0x19400] =	vst v63  }
0x8e: {  	s29 =	rddreg [dreg:$0x8]  }
0x8f: {  	[tilespmem:s29], [sflag:$0x4] =	stream.indirect.gather [hbm4b:s3+s12], $0x80, s7, s12, $0xb8;
	[tilespmem:$0x19400] =	vst v63  }
0x90: {  	_ = 	snop  }
0x91: {  	[tilespmem:s25], [sflag:$0x4] =	stream.indirect.gather [hbm4b:s3+s12], $0x80, s24, s12, $0xb8;
	[tilespmem:$0x19400] =	vst v63  }
0x92: {  	_ =	swait.ge [sflag:s26], $0x2800  }
0x93: {  	[sflag:s26] =	ssyncset.done $0x0  }
0x94: {  	[sflag:s26] =	ssyncadd.s32 $0xFFFFD800  }
0x95: {  	_ =	swait.ge [sflag:s26], $0x2800  }
0x96: {  	[sflag:s26] =	ssyncset.done $0x0  }
0x97: {  	[sflag:s26] =	ssyncadd.s32 $0xFFFFD800  }
0x98: {  	s31 =	sadd.s32 $0x3200, s31;
	_ =	swait.ge [sflag:s26], $0x2800  }
0x99: {  	p0 =	sne.s32 s31, $0x25800;
	[sflag:s26] =	ssyncset.done $0x0  }
.Ltmp0:
0x9a: {  	[sflag:s26] =	ssyncadd.s32 $0xFFFFD800;
	(pc) =	sbr.rel @p0 .LBB2_2-.Ltmp0, $4  }
0x9b: {  	_ =	swait.ge [sflag:s26], $0x2800  }
0x9c: {  	[sflag:s26] =	ssyncset.done $0x0  }
0x9d: {  	[sflag:s26] =	ssyncadd.s32 $0xFFFFD800  }
0x9e: {  	s0 =	sadd.s32 $0x64, s0;
	_ =	swait.ge [sflag:s26], $0x2800  }
0x9f: {  	[sflag:s26] =	ssyncset.done $0x0  }
0xa0: {  	s0 =	sadd.s32 $0x1900, s5;
	[sflag:s26] =	ssyncadd.s32 $0xFFFFD800  }
0xa1: {  	[hbm4b:s0+s2] =	stream.linear.scatter [tilespmem:s23], [sflag:$0x6], $0xC800, $0x38;
	[tilespmem:$0x19400] =	vst v63  }
0xa2: {  	_ =	swait.ge [sflag:s11], $0x190  }
0xa3: {  	[sflag:s11] =	ssyncset.done $0x0  }
0xa4: {  	[sflag:s11] =	ssyncadd.s32 $0xFFFFFE70  }
0xa5: {  	_ =	swait.ge [sflag:s28], $0xC800  }
0xa6: {  	[sflag:s28] =	ssyncset.done $0x0  }
0xa7: {  	[sflag:s28] =	ssyncadd.s32 $0xFFFF3800  }
0xa8: {  	[tilespmem:s13], [sflag:$0x3] =	stream.indirect.gather [hbm4b:s3+s12], $0x80, s2, s12, $0xb8;
	[tilespmem:$0x19400] =	vst v63  }
0xa9: {  	_ = 	snop  }
0xaa: {  	[tilespmem:s14], [sflag:$0x3] =	stream.indirect.gather [hbm4b:s3+s12], $0x80, s12, s12, $0xb8;
	[tilespmem:$0x19400] =	vst v63  }
0xab: {  	_ = 	snop  }
0xac: {  	[tilespmem:s16], [sflag:$0x3] =	stream.indirect.gather [hbm4b:s3+s12], $0x80, s15, s12, $0xb8;
	[tilespmem:$0x19400] =	vst v63  }
0xad: {  	_ = 	snop  }
0xae: {  	[tilespmem:s18], [sflag:$0x3] =	stream.indirect.gather [hbm4b:s3+s12], $0x80, s17, s12, $0xb8;
	[tilespmem:$0x19400] =	vst v63  }
0xaf: {  	_ = 	snop  }
0xb0: {  	[tilespmem:s20], [sflag:$0x3] =	stream.indirect.gather [hbm4b:s3+s12], $0x80, s19, s12, $0xb8;
	[tilespmem:$0x19400] =	vst v63  }
0xb1: {  	_ =	swait.ge [sflag:s21], $0x2800  }
0xb2: {  	[sflag:s21] =	ssyncset.done $0x0  }
0xb3: {  	[sflag:s21] =	ssyncadd.s32 $0xFFFFD800  }
0xb4: {  	_ =	swait.ge [sflag:s21], $0x2800  }
0xb5: {  	[sflag:s21] =	ssyncset.done $0x0  }
0xb6: {  	[sflag:s21] =	ssyncadd.s32 $0xFFFFD800  }
0xb7: {  	_ =	swait.ge [sflag:s21], $0x2800  }
0xb8: {  	[sflag:s21] =	ssyncset.done $0x0  }
0xb9: {  	[sflag:s21] =	ssyncadd.s32 $0xFFFFD800  }
0xba: {  	_ =	swait.ge [sflag:s21], $0x2800  }
0xbb: {  	[sflag:s21] =	ssyncset.done $0x0  }
0xbc: {  	[sflag:s21] =	ssyncadd.s32 $0xFFFFD800  }
0xbd: {  	_ =	swait.ge [sflag:s21], $0x2800  }
0xbe: {  	[sflag:s21] =	ssyncset.done $0x0  }
0xbf: {  	s29 =	rddreg [dreg:$0xa];
	[sflag:s21] =	ssyncadd.s32 $0xFFFFD800  }
0xc0: {  	[hbm4b:s29+s2] =	stream.linear.scatter [tilespmem:s13], [sflag:$0x5], $0xC800, $0x38;
	[tilespmem:$0x19400] =	vst v63  }
0xc1: {  	_ =	swait.ge [sflag:s28], $0xC800  }
0xc2: {  	[sflag:s28] =	ssyncset.done $0x0  }
0xc3: {  	s1 =	simm.s32 $0x6;
	[sflag:s28] =	ssyncadd.s32 $0xFFFF3800  }
0xc4: {  	_ =	swait.ge [sflag:s1], $0xC800  }
0xc5: {  	s30 =	sadd.s32 $0x1, s30;
	s31 =	rddreg [dreg:$0xb]  }
0xc6: {  	p0 =	sne.s32 s30, s31  }
.Ltmp1:
0xc7: {  	_ = 	snop;
	(pc) =	sbr.rel @p0 .LBB2_1-.Ltmp1, $3  }
0xc8: {  	_ =	sdelay $0x1  }
0xc9: {  	[sflag:s1] =	ssyncset.done $0x0  }
0xca: {  	[sflag:s1] =	ssyncadd.s32 $0xFFFF3800  }
0xcb: {  	_ =	sfence.sel $0x180000  }
0xcc: {  	[bflag:$0x0] =	sbarrier.arrive $0xFFFF  }
0xcd: {  	_ =	strace $0x90000047  }
0xce: {  	s0 =	stileid.u32;
	[bflag:$0x2] =	sbarrier.arrive $0xFFFF  }
0xcf: {  	p0 =	sne.s32 s0, $0x0;
	s0 =	rddreg [dreg:$0x1]  }
0xd0: {  	s0 =	sadd.s32 @!p0 $0x100000, s0  }
0xd1: {  	[sflag:s0] =	ssyncadd.tile.s32 @!p0 $0x1;
	_ =	shalt  }
.Lfunc_end2:
_tile_overlayer_lowered:
.L_overlay_start_2:
0xd2: {  	(tag) =	ssettag $0x2  }
0xd3: {  	s0 =	rddreg [dreg:$0x0];
	s2 =	stileid.u32  }
0xd4: {  	s1 =	rddreg [dreg:$0x1];
	p0 =	sne.s32 s2, $0x0  }
0xd5: {  	s3 =	rddreg [dreg:$0x2];
	[bflag:$0x3] =	sbarrier.arrive $0xFFFF;
	s2 =	simm.s32 @!p0 $0x1C07  }
0xd6: {  	[timem:s3], [sflag:s2] =	dma.local @!p0 [hbm:s0], s1  }
0xd7: {  	s0 =	simm.s32 @!p0 $0x7  }
0xd8: {  	_ =	swait.ge @!p0 [sflag:s0], s1  }
0xd9: {  	s1 =	ssub.s32 @!p0 $0x0, s1;
	[sflag:s0] =	ssyncset.done @!p0 $0x0  }
0xda: {  	[sflag:s0] =	ssyncadd.s32 @!p0 s1  }
0xdb: {  	[bflag:$0x3] =	sbarrier.arrive $0xFFFF  }
0xdc: {  	_ =	shalt  }

// kernel: kernel.16.cloned.1.call-start
scs
__scs_entry_jumppad:
0x0: {  	(pc) =	sbr.rel $0x88, $3  }
0x1: {  	(tag) =	ssettag $0x0;
	lr =	simm.s32 $0x1  }
0x2: {  	[smem:$0x3F7F] =	sst lr;
	_ =	strace $0xD0000000  }
0x3: {  	_ = 	snop  }
0x4: {  	_ = 	snop  }
0x5: {  	_ = 	snop  }
0x6: {  	_ = 	snop  }
0x7: {  	_ = 	snop  }
__scs_overlays_trampoline_lowered:
0x8: {  	[smem:$0x3F8E] =	sst s0  }
0x9: {  	[smem:$0x3F8F] =	sst s1  }
0xa: {  	[smem:$0x3F90] =	sst s2  }
0xb: {  	[smem:$0x3F91] =	sst s3  }
0xc: {  	[smem:$0x3F92] =	sst s4  }
0xd: {  	[smem:$0x3F93] =	sst s5  }
0xe: {  	[smem:$0x3F94] =	sst s6  }
0xf: {  	[smem:$0x3F95] =	sst s7  }
0x10: {  	[smem:$0x3F96] =	sst s8  }
0x11: {  	[smem:$0x3F97] =	sst s9;
	s0 =	simm.s32 @!p0 $0x0  }
0x12: {  	s1 =	sld [smem:$0x3F7D];
	s0 =	simm.s32 @p0 $0x1  }
0x13: {  	[smem:$0x3F98] =	sst s0;
	s0 =	simm.s32 @!p1 $0x0  }
0x14: {  	s2 =	sld [smem:$0x3F7C];
	s0 =	simm.s32 @p1 $0x1  }
0x15: {  	[smem:$0x3F99] =	sst s0;
	s0 =	simm.s32 @!p2 $0x0  }
0x16: {  	s3 =	sld [smem:$0x3FDB];
	s0 =	simm.s32 @p2 $0x1  }
0x17: {  	s4 =	simm.s32 $0x1BF5;
	[smem:$0x3F9B] =	sst s0  }
0x18: {  	s0 =	sld [smem:$0x3F7E];
	_ =	swait.ge [sflag:s4], $0x0  }
0x19: {  	s7 =	sld [smem:$0x3F7F]  }
0x1a: {  	s8 =	sadd.s32 $0xFFFFE003, lr  }
0x1b: {  	s9 =	sadd.s32 $0xFFFFFEF7, lr;
	s5 =	simm.s32 $0xFFFFFFFF;
	p2 =	slt.u32 s8, $0xFFFFF086  }
0x1c: {  	p1 =	slt.u32 s9, $0xF7A;
	s5 =	simm.s32 @!p2 $0x0  }
0x1d: {  	s5 =	simm.s32 @p1 $0x1;
	p0 =	seq.s32 s7, s2  }
0x1e: {  	s7 =	smul.u32 @!p0 $0xF7A, s2;
	p2 =	seq.s32 @!p0 s5, $0x0  }
0x1f: {  	s9 =	smul.u32 $0xF7A, s1;
	s8 =	simm.s32 @!p0 $0x1BF5;
	p2 =	por !p2, p0  }
0x20: {  	[sflag:s8] =	ssyncset.s32 @!p0 $0xFFFFF086;
	s6 =	sadd.s32 @!p0 s3, s7;
	s7 =	simm.s32 @!p0 $0x108  }
0x21: {  	s3 =	sadd.s32 s3, s9;
	s6 =	sadd.s32 @!p0 $0x88, s6;
	s7 =	simm.s32 @p2 $0x1082  }
0x22: {  	[simem:s7], [sflag:s8] =	dma.local @!p0 [hbm:s6], $0xF7A  }
0x23: {  	s9 =	sor.u32 $0xD0000000, s2;
	s6 =	simm.s32 $0x108;
	_ =	swait.ge @!p0 [sflag:s8], $0x0  }
0x24: {  	s3 =	sadd.s32 $0x88, s3;
	s6 =	simm.s32 @!p1 $0x1082;
	[sflag:s4] =	ssyncset.s32 $0xFFFFF086  }
0x25: {  	[simem:s6], [sflag:s4] =	dma.local [hbm:s3], $0xF7A  }
0x26: {  	[smem:$0x3F7F] =	sst s1;
	(tag) =	ssettag s2;
	_ =	strace s9  }
0x27: {  	s1 =	sld [smem:$0x3F8F]  }
0x28: {  	s2 =	sld [smem:$0x3F90]  }
0x29: {  	s4 =	sld [smem:$0x3F92]  }
0x2a: {  	p0 =	seq.s32 s5, $0x0;
	s5 =	sld [smem:$0x3F93]  }
0x2b: {  	s6 =	sld [smem:$0x3F94]  }
0x2c: {  	s7 =	sld [smem:$0x3F95]  }
0x2d: {  	s3 =	simm.s32 $0x108;
	s8 =	sld [smem:$0x3F96]  }
0x2e: {  	s3 =	simm.s32 @!p0 $0x1082;
	s9 =	sld [smem:$0x3F97]  }
0x2f: {  	lr =	sadd.s32 s0, s3;
	s0 =	sld [smem:$0x3F8E]  }
0x30: {  	s3 =	sld [smem:$0x3F91]  }
0x31: {  	[smem:$0x3F9A] =	sst s10  }
0x32: {  	s10 =	sld [smem:$0x3F98];
	_ =	sdelay $0x3  }
0x33: {  	p0 =	seq.s32 s10, $0x1;
	s10 =	sld [smem:$0x3F9A];
	_ =	sdelay $0x3  }
0x34: {  	[smem:$0x3F9A] =	sst s10  }
0x35: {  	s10 =	sld [smem:$0x3F99];
	_ =	sdelay $0x3  }
0x36: {  	p1 =	seq.s32 s10, $0x1;
	s10 =	sld [smem:$0x3F9A];
	_ =	sdelay $0x3  }
0x37: {  	[smem:$0x3F9A] =	sst s10  }
0x38: {  	s10 =	sld [smem:$0x3F9B]  }
0x39: {  	_ = 	snop;
	(pc) =	sbr.ind lr, $3  }
0x3a: {  	_ = 	snop  }
0x3b: {  	_ = 	snop  }
0x3c: {  	p2 =	seq.s32 s10, $0x1;
	s10 =	sld [smem:$0x3F9A]  }
0x3d: {  	_ =	shalt  }
0x3e: {  	_ =	shalt  }
0x3f: {  	_ =	shalt  }
0x40: {  	_ =	shalt  }
0x41: {  	_ =	shalt  }
0x42: {  	_ =	shalt  }
0x43: {  	_ =	shalt  }
0x44: {  	_ =	shalt  }
0x45: {  	_ =	shalt  }
0x46: {  	_ =	shalt  }
0x47: {  	_ =	shalt  }
0x48: {  	_ =	shalt  }
0x49: {  	_ =	shalt  }
0x4a: {  	_ =	shalt  }
0x4b: {  	_ =	shalt  }
0x4c: {  	_ =	shalt  }
0x4d: {  	_ =	shalt  }
0x4e: {  	_ =	shalt  }
0x4f: {  	_ =	shalt  }
0x50: {  	_ =	shalt  }
0x51: {  	_ =	shalt  }
0x52: {  	_ =	shalt  }
0x53: {  	_ =	shalt  }
0x54: {  	_ =	shalt  }
0x55: {  	_ =	shalt  }
0x56: {  	_ =	shalt  }
0x57: {  	_ =	shalt  }
0x58: {  	_ =	shalt  }
0x59: {  	_ =	shalt  }
0x5a: {  	_ =	shalt  }
0x5b: {  	_ =	shalt  }
0x5c: {  	_ =	shalt  }
0x5d: {  	_ =	shalt  }
0x5e: {  	_ =	shalt  }
0x5f: {  	_ =	shalt  }
0x60: {  	_ =	shalt  }
0x61: {  	_ =	shalt  }
0x62: {  	_ =	shalt  }
0x63: {  	_ =	shalt  }
0x64: {  	_ =	shalt  }
0x65: {  	_ =	shalt  }
0x66: {  	_ =	shalt  }
0x67: {  	_ =	shalt  }
0x68: {  	_ =	shalt  }
0x69: {  	_ =	shalt  }
0x6a: {  	_ =	shalt  }
0x6b: {  	_ =	shalt  }
0x6c: {  	_ =	shalt  }
0x6d: {  	_ =	shalt  }
0x6e: {  	_ =	shalt  }
0x6f: {  	_ =	shalt  }
0x70: {  	_ =	shalt  }
0x71: {  	_ =	shalt  }
0x72: {  	_ =	shalt  }
0x73: {  	_ =	shalt  }
0x74: {  	_ =	shalt  }
0x75: {  	_ =	shalt  }
0x76: {  	_ =	shalt  }
0x77: {  	_ =	shalt  }
0x78: {  	_ =	shalt  }
0x79: {  	_ =	shalt  }
0x7a: {  	_ =	shalt  }
0x7b: {  	_ =	shalt  }
0x7c: {  	_ =	shalt  }
0x7d: {  	_ =	shalt  }
0x7e: {  	_ =	shalt  }
0x7f: {  	_ =	shalt  }
0x80: {  	_ =	shalt  }
0x81: {  	_ =	shalt  }
0x82: {  	_ =	shalt  }
0x83: {  	_ =	shalt  }
0x84: {  	_ =	shalt  }
0x85: {  	_ =	shalt  }
0x86: {  	_ =	shalt  }
0x87: {  	_ =	shalt  }
.Lfunc_end0:
.L_simem_size_0:
called_computation.1_lowered:
.L_overlay_start_0:
0x88: {  	s2 =	sld [smem:$0x3FD9]  }
0x89: {  	s3 =	sld [smem:$0x3FFE];
	_ =	sdelay $0x1  }
0x8a: {  	s1 =	srdreg.scid  }
0x8b: {  	s0 =	sand.u32 $0x1, s1  }
0x8c: {  	s16 =	sshll.u32 s0, $0xA;
	s2 =	sadd.s32 s3, s2  }
0x8d: {  	s2 =	sadd.s32 s2, s16  }
0x8e: {  	[smem:$0x3FA6] =	sst s2  }
0x8f: {  	_ = 	snop  }
0x90: {  	(tm) =	ssettm $0x1  }
0x91: {  	s17 =	sld [smem:$0x3FFB];
	_ =	sdelay $0x3  }
0x92: {  	_ =	strace s17  }
0x93: {  	s2 =	sld [smem:$0x3FFC];
	_ =	sdelay $0x3  }
0x94: {  	_ =	strace s2  }
0x95: {  	s2 =	sld [smem:$0x3FFD];
	_ =	sdelay $0x3  }
0x96: {  	_ =	strace s2  }
0x97: {  	_ =	strace $0x8FFFFFFF  }
0x98: {  	s18 =	sld [smem:$0x3FDB];
	_ =	sdelay $0x1  }
0x99: {  	s19 =	simm.s32 $_scs_section_size  }
0x9a: {  	s4 =	simm.s32 $_size__tile_overlayer_lowered;
	s5 =	simm.s32 $_tile_overlayer_lowered  }
0x9b: {  	s22 =	simm.s32 $0x1BFF;
	s21 =	sshll.u32 s5, $0x1;
	s2 =	sadd.s32 s19, s18  }
0x9c: {  	s6 =	simm.s32 $0x0;
	s20 =	sshll.u32 s4, $0x1;
	s4 =	sadd.s32 s21, s2  }
0x9d: {  	[timem:s6], [sflag:s22] =	dma.local [hbm:s4], s20  }
0x9e: {  	_ =	swait.ge [sflag:s22], s20  }
0x9f: {  	s3 =	ssub.s32 $0x0, s20;
	[sflag:s22] =	ssyncset.done $0x0  }
0xa0: {  	[sflag:s22] =	ssyncadd.s32 s3;
	_ =	sdelay $0x1  }
0xa1: {  	s23 =	simm.s32 $0x1B8B  }
0xa2: {  	_ =	swait.ge [sflag:s23], $0x1  }
0xa3: {  	[sflag:s23] =	ssyncset.done $0x0  }
0xa4: {  	s25 =	simm.s32 $0x1B8E;
	s24 =	sld [smem:$0x3FFE];
	[sflag:s23] =	ssyncadd.s32 $0xFFFFFFFF  }
0xa5: {  	s26 =	simm.s32 $execute0_lowered;
	[smem:$0x3FD2] =	sst s25  }
0xa6: {  	s4 =	sshll.u32 s26, $0x1;
	_ =	strace $0x80000049;
	[dreg:$0x1] =	wrdreg $0xFFFFFFFF  }
0xa7: {  	s28 =	simm.s32 $_size_execute0_lowered;
	s2 =	sadd.s32 s2, s4;
	[dreg:$0x0] =	wrdreg $0x0  }
0xa8: {  	s4 =	sshll.u32 s28, $0x1;
	[dreg:$0x2] =	wrdreg s2  }
0xa9: {  	[dreg:$0x3] =	wrdreg s4  }
0xaa: {  	[dreg:$0x4] =	wrdreg $0xC0  }
0xab: {  	_ =	task [dreg:s6], $0x5FFFF  }
0xac: {  	[dreg:$0x1] =	wrdreg $0xFFFFFFFF  }
0xad: {  	[dreg:$0x0] =	wrdreg $0x60  }
0xae: {  	[dreg:$0x2] =	wrdreg s24  }
0xaf: {  	[dreg:$0x3] =	wrdreg $0x0  }
0xb0: {  	[dreg:$0x4] =	wrdreg $0x9  }
0xb1: {  	_ =	task.clear_ibuf [dreg:s6], $0x5FFFF;
	_ =	strace $0x90000049  }
0xb2: {  	s29 =	simm.s32 $0x9;
	_ =	strace $0x8000004B  }
0xb3: {  	_ =	swait.ge [sflag:s29], $0x1  }
0xb4: {  	[sflag:s29] =	ssyncadd.s32 $0xFFFFFFFF  }
0xb5: {  	_ =	strace $0x9000004B  }
0xb6: {  	_ =	sfence  }
0xb7: {  	s30 =	sld [smem:$0x0];
	_ =	sdelay $0x2  }
0xb8: {  	s31 =	sshll.u32 s1, $0xD;
	s1 =	sshrl.u32 s1, $0x2  }
0xb9: {  	s3 =	sand.u32 $0x4000, s31;
	s1 =	sadd.s32 s1, s30  }
0xba: {  	s0 =	sor.u32 s3, s0;
	s1 =	sshll.u32 s1, $0x11  }
0xbb: {  	s0 =	sor.u32 s1, s0  }
0xbc: {  	s0 =	sadd.s32 $0x8F2B, s0  }
0xbd: {  	[sflag:s0] =	ssyncadd.remote.s32 $0x1  }
0xbe: {  	_ =	sfence.sel $0xFFFF  }
0xbf: {  	[dreg:$0x0] =	wrdreg $0xFFFFFFFF;
	(pc) =	sbr.abs _section_cstart, $3  }
0xc0: {  	[dreg:$0x1] =	wrdreg $0xFFFFFFFF  }
0xc1: {  	_ =	task.clear_ibuf [dreg:s6], $0x2FFFF;
	_ =	strace $0x9FFFFFFF  }
0xc2: {  	(tm) =	ssettm $0x7FFFFFFF  }
0xc3: {  	_ =	shalt  }
tec
execute0_lowered:
.L_overlay_start_1:
0x0: {  	(tag) =	ssettag $0x1  }
0x1: {  	s0 =	rddreg [dreg:$0x0]  }
0x2: {  	s1 =	rddreg [dreg:$0x1];
	s12 =	stileid.u32  }
0x3: {  	s2 =	simm.s32 $0x0;
	s3 =	srdreg.scid;
	s22 =	smul.u32 $0x2700, s12  }
0x4: {  	s17 =	simm.s32 $0x13880;
	s18 =	simm.s32 $0x13900;
	s7 =	smul.u32 $0x4E000, s12  }
0x5: {  	s21 =	simm.s32 $0x13980;
	s28 =	simm.s32 $0x1B280;
	s26 =	smul.u32 $0x4E20, s12  }
0x6: {  	s29 =	simm.s32 $0x0;
	[smem:$0x7FF] =	sst s2;
	s16 =	smul.u32 $0x4E200, s12  }
0x7: {  	s4 =	sand.u32 $0x1, s3;
	s11 =	sadd.s32 $0xE400, s0;
	s31 =	smul.u32 $0x9C4, s12  }
0x8: {  	s25 =	sshll.u32 s12, $0x6;
	s15 =	sadd.s32 $0x138000, s1;
	s5 =	smul.u32 $0x4E2000, s4  }
0x9: {  	p0 =	sne.s32 s12, $0x0;
	s23 =	smul.u32 $0x27100, s4;
	s4 =	ssub.s32 $0x2, s4  }
0xa: {  	_ =	strace $0x8000004A;
	s6 =	sshrl.u32 s4, $0x1;
	[dreg:$0x3] =	wrdreg s22  }
0xb: {  	s9 =	sadd.s32 s22, s0;
	s24 =	sshrl.u32 s7, $0x2;
	s30 =	sshrl.u32 s26, $0x3  }
0xc: {  	s20 =	sadd.s32 $0x1400, s16;
	s22 =	simm.s32 $0x13A00;
	s26 =	simm.s32 $0x2  }
0xd: {  	s8 =	sadd.s32 s5, s0;
	s10 =	sadd.s32 s23, s0;
	s13 =	ssub.s32 s4, s6  }
0xe: {  	s14 =	sadd.s32 s24, s1;
	s3 =	sadd.s32 $0x66600, s9;
	s5 =	sor.u32 $0x1C03, s25  }
0xf: {  	s6 =	sadd.s32 $0x8D600, s0;
	s7 =	sadd.s32 s11, s30;
	s11 =	sadd.s32 s31, s11  }
0x10: {  	s23 =	simm.s32 $0x1;
	s24 =	simm.s32 $0x50;
	s25 =	simm.s32 $0x16280  }
0x11: {  	[dreg:$0x4] =	wrdreg s3;
	s19 =	sadd.s32 $0xA2AA00, s8;
	s8 =	sadd.s32 $0xA, s7  }
0x12: {  	s9 =	sadd.s32 $0x8D800, s10;
	s10 =	smax.u32 s13, $0x1;
	s12 =	sshrl.u32 s14, $0x3  }
0x13: {  	s13 =	simm.s32 $0x3;
	s14 =	sshrl.u32 @!p0 s15, $0x3;
	s15 =	sadd.s32 s16, s19  }
0x14: {  	s16 =	simm.s32 $0x13A80;
	s19 =	sadd.s32 s19, s20;
	s20 =	simm.s32 $0x18A80  }
.LBB2_1:
0x15: {  	s0 =	rddreg [dreg:$0x4]  }
0x16: {  	[spmem:s12], [sflag:s5] =	dma.local [hbm:s0], $0x2700  }
0x17: {  	_ =	swait.ge [sflag:s13], $0x2700  }
0x18: {  	[sflag:s13] =	ssyncset.done $0x0  }
0x19: {  	s0 =	simm.s32 @!p0 $0x3;
	[sflag:s13] =	ssyncadd.s32 $0xFFFFD900  }
0x1a: {  	[spmem:s14], [sflag:s5] =	dma.local @!p0 [hbm:s6], $0x100  }
0x1b: {  	_ =	swait.ge @!p0 [sflag:s0], $0x100  }
0x1c: {  	[sflag:s0] =	ssyncset.done @!p0 $0x0  }
0x1d: {  	[sflag:s0] =	ssyncadd.s32 @!p0 $0xFFFFFF00  }
0x1e: {  	[bflag:$0x0] =	sbarrier.arrive $0xFFFF  }
0x1f: {  	[tilespmem:s16], [sflag:$0x1] =	stream.linear.gather [hbm4b:s15+s2], $0x5000, $0x38;
	[tilespmem:$0x1DA80] =	vst v63  }
0x20: {  	_ = 	snop  }
0x21: {  	[tilespmem:s17], [sflag:$0x1] =	stream.linear.gather [hbm4b:s7+s2], $0x50, $0x38;
	[tilespmem:$0x1DA80] =	vst v63  }
0x22: {  	_ = 	snop  }
0x23: {  	[tilespmem:s18], [sflag:$0x1] =	stream.linear.gather [hbm4b:s8+s2], $0x50, $0x38;
	[tilespmem:$0x1DA80] =	vst v63  }
0x24: {  	s4 =	sadd.s32 $0xFFFFF600, s19;
	s30 =	sadd.s32 $0x0, s11  }
0x25: {  	[tilespmem:s20], [sflag:$0x2] =	stream.linear.gather [hbm4b:s4+s2], $0x5000, $0x38;
	[tilespmem:$0x1DA80] =	vst v63  }
0x26: {  	s3 =	sadd.s32 $0x14, s30  }
0x27: {  	[tilespmem:s21], [sflag:$0x2] =	stream.linear.gather [hbm4b:s3+s2], $0x50, $0x38;
	[tilespmem:$0x1DA80] =	vst v63  }
0x28: {  	s4 =	sadd.s32 $0x1E, s30  }
0x29: {  	[tilespmem:s22], [sflag:$0x2] =	stream.linear.gather [hbm4b:s4+s2], $0x50, $0x38;
	[tilespmem:$0x1DA80] =	vst v63  }
0x2a: {  	_ =	swait.ge [sflag:s23], $0x5000  }
0x2b: {  	[sflag:s23] =	ssyncset.done $0x0  }
0x2c: {  	[sflag:s23] =	ssyncadd.s32 $0xFFFFB000  }
0x2d: {  	_ =	swait.ge [sflag:s23], $0x50  }
0x2e: {  	[sflag:s23] =	ssyncset.done $0x0  }
0x2f: {  	[sflag:s23] =	ssyncadd.s32 $0xFFFFFFB0  }
0x30: {  	_ =	swait.ge [sflag:s23], $0x50  }
0x31: {  	[sflag:s23] =	ssyncset.done $0x0  }
0x32: {  	[sflag:s23] =	ssyncadd.s32 $0xFFFFFFB0  }
0x33: {  	[spmem:s1] =	stream.indirect.scatter.add.f32 [tilespmem:s16], [sflag:$0x3], $0x80, s17, s24, $0xb8;
	[tilespmem:$0x1DA80] =	vst v63  }
0x34: {  	_ =	swait.ge [sflag:s13], $0x2800  }
0x35: {  	[sflag:s13] =	ssyncset.done $0x0  }
0x36: {  	[sflag:s13] =	ssyncadd.s32 $0xFFFFD800  }
0x37: {  	[spmem:s1] =	stream.indirect.scatter.add.f32 [tilespmem:s25], [sflag:$0x3], $0x80, s18, s24, $0xb8;
	[tilespmem:$0x1DA80] =	vst v63  }
0x38: {  	_ =	swait.ge [sflag:s13], $0x2800  }
0x39: {  	[sflag:s13] =	ssyncset.done $0x0  }
0x3a: {  	[sflag:s13] =	ssyncadd.s32 $0xFFFFD800  }
0x3b: {  	[tilespmem:s16], [sflag:$0x1] =	stream.linear.gather [hbm4b:s19+s2], $0x5000, $0x38;
	[tilespmem:$0x1DA80] =	vst v63  }
0x3c: {  	s3 =	sadd.s32 $0x28, s30  }
0x3d: {  	[tilespmem:s17], [sflag:$0x1] =	stream.linear.gather [hbm4b:s3+s2], $0x50, $0x38;
	[tilespmem:$0x1DA80] =	vst v63  }
0x3e: {  	s4 =	sadd.s32 $0x32, s30  }
0x3f: {  	[tilespmem:s18], [sflag:$0x1] =	stream.linear.gather [hbm4b:s4+s2], $0x50, $0x38;
	[tilespmem:$0x1DA80] =	vst v63  }
0x40: {  	_ =	swait.ge [sflag:s26], $0x5000  }
0x41: {  	[sflag:s26] =	ssyncset.done $0x0  }
0x42: {  	[sflag:s26] =	ssyncadd.s32 $0xFFFFB000  }
0x43: {  	_ =	swait.ge [sflag:s26], $0x50  }
0x44: {  	[sflag:s26] =	ssyncset.done $0x0  }
0x45: {  	[sflag:s26] =	ssyncadd.s32 $0xFFFFFFB0  }
0x46: {  	_ =	swait.ge [sflag:s26], $0x50  }
0x47: {  	[sflag:s26] =	ssyncset.done $0x0  }
0x48: {  	[sflag:s26] =	ssyncadd.s32 $0xFFFFFFB0  }
0x49: {  	[spmem:s1] =	stream.indirect.scatter.add.f32 [tilespmem:s20], [sflag:$0x3], $0x80, s21, s24, $0xb8;
	[tilespmem:$0x1DA80] =	vst v63  }
0x4a: {  	_ =	swait.ge [sflag:s13], $0x2800  }
0x4b: {  	[sflag:s13] =	ssyncset.done $0x0  }
0x4c: {  	[sflag:s13] =	ssyncadd.s32 $0xFFFFD800  }
0x4d: {  	[spmem:s1] =	stream.indirect.scatter.add.f32 [tilespmem:s28], [sflag:$0x3], $0x80, s22, s24, $0xb8;
	[tilespmem:$0x1DA80] =	vst v63  }
0x4e: {  	s31 =	simm.s32 $0x28;
	_ =	swait.ge [sflag:s13], $0x2800  }
0x4f: {  	s0 =	simm.s32 $0x50;
	s30 =	sadd.s32 $0x1400, s19;
	[sflag:s13] =	ssyncset.done $0x0  }
.LBB2_2:
0x50: {  	s3 =	sadd.s32 $0xFFFFF600, s30  }
0x51: {  	s4 =	sadd.s32 s31, s11;
	[sflag:s13] =	ssyncadd.s32 $0xFFFFD800;
	s31 =	smov.u32 s0  }
0x52: {  	[tilespmem:s20], [sflag:$0x2] =	stream.linear.gather [hbm4b:s3+s2], $0x5000, $0x38;
	[tilespmem:$0x1DA80] =	vst v63  }
0x53: {  	p1 =	sne.s32 s0, $0x988;
	s0 =	sadd.s32 $0x28, s0;
	s3 =	sadd.s32 $0x14, s4  }
0x54: {  	[tilespmem:s21], [sflag:$0x2] =	stream.linear.gather [hbm4b:s3+s2], $0x50, $0x38;
	[tilespmem:$0x1DA80] =	vst v63  }
0x55: {  	s3 =	sadd.s32 $0x1E, s4  }
0x56: {  	[tilespmem:s22], [sflag:$0x2] =	stream.linear.gather [hbm4b:s3+s2], $0x50, $0x38;
	[tilespmem:$0x1DA80] =	vst v63  }
0x57: {  	_ =	swait.ge [sflag:s23], $0x5000  }
0x58: {  	[sflag:s23] =	ssyncset.done $0x0  }
0x59: {  	[sflag:s23] =	ssyncadd.s32 $0xFFFFB000  }
0x5a: {  	_ =	swait.ge [sflag:s23], $0x50  }
0x5b: {  	[sflag:s23] =	ssyncset.done $0x0  }
0x5c: {  	[sflag:s23] =	ssyncadd.s32 $0xFFFFFFB0  }
0x5d: {  	_ =	swait.ge [sflag:s23], $0x50  }
0x5e: {  	[sflag:s23] =	ssyncset.done $0x0  }
0x5f: {  	[sflag:s23] =	ssyncadd.s32 $0xFFFFFFB0  }
0x60: {  	[spmem:s1] =	stream.indirect.scatter.add.f32 [tilespmem:s16], [sflag:$0x3], $0x80, s17, s24, $0xb8;
	[tilespmem:$0x1DA80] =	vst v63  }
0x61: {  	_ =	swait.ge [sflag:s13], $0x2800  }
0x62: {  	[sflag:s13] =	ssyncset.done $0x0  }
0x63: {  	[sflag:s13] =	ssyncadd.s32 $0xFFFFD800  }
0x64: {  	[spmem:s1] =	stream.indirect.scatter.add.f32 [tilespmem:s25], [sflag:$0x3], $0x80, s18, s24, $0xb8;
	[tilespmem:$0x1DA80] =	vst v63  }
0x65: {  	_ =	swait.ge [sflag:s13], $0x2800  }
0x66: {  	[sflag:s13] =	ssyncset.done $0x0  }
0x67: {  	[sflag:s13] =	ssyncadd.s32 $0xFFFFD800  }
0x68: {  	[tilespmem:s16], [sflag:$0x1] =	stream.linear.gather [hbm4b:s30+s2], $0x5000, $0x38;
	[tilespmem:$0x1DA80] =	vst v63  }
0x69: {  	s3 =	sadd.s32 $0x28, s4  }
0x6a: {  	[tilespmem:s17], [sflag:$0x1] =	stream.linear.gather [hbm4b:s3+s2], $0x50, $0x38;
	[tilespmem:$0x1DA80] =	vst v63  }
0x6b: {  	s3 =	sadd.s32 $0x32, s4  }
0x6c: {  	[tilespmem:s18], [sflag:$0x1] =	stream.linear.gather [hbm4b:s3+s2], $0x50, $0x38;
	[tilespmem:$0x1DA80] =	vst v63  }
0x6d: {  	_ =	swait.ge [sflag:s26], $0x5000  }
0x6e: {  	[sflag:s26] =	ssyncset.done $0x0  }
0x6f: {  	[sflag:s26] =	ssyncadd.s32 $0xFFFFB000  }
0x70: {  	_ =	swait.ge [sflag:s26], $0x50  }
0x71: {  	[sflag:s26] =	ssyncset.done $0x0  }
0x72: {  	[sflag:s26] =	ssyncadd.s32 $0xFFFFFFB0  }
0x73: {  	_ =	swait.ge [sflag:s26], $0x50  }
0x74: {  	[sflag:s26] =	ssyncset.done $0x0  }
0x75: {  	[sflag:s26] =	ssyncadd.s32 $0xFFFFFFB0  }
0x76: {  	[spmem:s1] =	stream.indirect.scatter.add.f32 [tilespmem:s20], [sflag:$0x3], $0x80, s21, s24, $0xb8;
	[tilespmem:$0x1DA80] =	vst v63  }
0x77: {  	_ =	swait.ge [sflag:s13], $0x2800  }
.Ltmp0:
0x78: {  	[sflag:s13] =	ssyncset.done $0x0;
	(pc) =	sbr.rel @p1 .LBB2_2-.Ltmp0, $4  }
0x79: {  	[sflag:s13] =	ssyncadd.s32 $0xFFFFD800  }
0x7a: {  	[spmem:s1] =	stream.indirect.scatter.add.f32 [tilespmem:s28], [sflag:$0x3], $0x80, s22, s24, $0xb8;
	[tilespmem:$0x1DA80] =	vst v63  }
0x7b: {  	_ =	swait.ge [sflag:s13], $0x2800  }
0x7c: {  	s30 =	sadd.s32 $0x1400, s30;
	[sflag:s13] =	ssyncset.done $0x0  }
0x7d: {  	s0 =	sadd.s32 $0xFFFFF600, s30;
	s3 =	sadd.s32 s31, s11;
	[sflag:s13] =	ssyncadd.s32 $0xFFFFD800  }
0x7e: {  	[tilespmem:s20], [sflag:$0x2] =	stream.linear.gather [hbm4b:s0+s2], $0x5000, $0x38;
	[tilespmem:$0x1DA80] =	vst v63  }
0x7f: {  	s4 =	sadd.s32 $0x14, s3  }
0x80: {  	[tilespmem:s21], [sflag:$0x2] =	stream.linear.gather [hbm4b:s4+s2], $0x50, $0x38;
	[tilespmem:$0x1DA80] =	vst v63  }
0x81: {  	s31 =	sadd.s32 $0x1E, s3  }
0x82: {  	[tilespmem:s22], [sflag:$0x2] =	stream.linear.gather [hbm4b:s31+s2], $0x50, $0x38;
	[tilespmem:$0x1DA80] =	vst v63  }
0x83: {  	_ =	swait.ge [sflag:s23], $0x5000  }
0x84: {  	[sflag:s23] =	ssyncset.done $0x0  }
0x85: {  	[sflag:s23] =	ssyncadd.s32 $0xFFFFB000  }
0x86: {  	_ =	swait.ge [sflag:s23], $0x50  }
0x87: {  	[sflag:s23] =	ssyncset.done $0x0  }
0x88: {  	[sflag:s23] =	ssyncadd.s32 $0xFFFFFFB0  }
0x89: {  	_ =	swait.ge [sflag:s23], $0x50  }
0x8a: {  	[sflag:s23] =	ssyncset.done $0x0  }
0x8b: {  	[sflag:s23] =	ssyncadd.s32 $0xFFFFFFB0  }
0x8c: {  	[spmem:s1] =	stream.indirect.scatter.add.f32 [tilespmem:s16], [sflag:$0x3], $0x80, s17, s24, $0xb8;
	[tilespmem:$0x1DA80] =	vst v63  }
0x8d: {  	_ =	swait.ge [sflag:s13], $0x2800  }
0x8e: {  	[sflag:s13] =	ssyncset.done $0x0  }
0x8f: {  	[sflag:s13] =	ssyncadd.s32 $0xFFFFD800  }
0x90: {  	[spmem:s1] =	stream.indirect.scatter.add.f32 [tilespmem:s25], [sflag:$0x3], $0x80, s18, s24, $0xb8;
	[tilespmem:$0x1DA80] =	vst v63  }
0x91: {  	_ =	swait.ge [sflag:s13], $0x2800  }
0x92: {  	[sflag:s13] =	ssyncset.done $0x0  }
0x93: {  	[sflag:s13] =	ssyncadd.s32 $0xFFFFD800  }
0x94: {  	[tilespmem:s16], [sflag:$0x1] =	stream.linear.gather [hbm4b:s30+s2], $0x5000, $0x38;
	[tilespmem:$0x1DA80] =	vst v63  }
0x95: {  	s4 =	sadd.s32 $0x28, s3  }
0x96: {  	[tilespmem:s17], [sflag:$0x1] =	stream.linear.gather [hbm4b:s4+s2], $0x50, $0x38;
	[tilespmem:$0x1DA80] =	vst v63  }
0x97: {  	s30 =	sadd.s32 $0x32, s3  }
0x98: {  	[tilespmem:s18], [sflag:$0x1] =	stream.linear.gather [hbm4b:s30+s2], $0x50, $0x38;
	[tilespmem:$0x1DA80] =	vst v63  }
0x99: {  	_ =	swait.ge [sflag:s26], $0x5000  }
0x9a: {  	[sflag:s26] =	ssyncset.done $0x0  }
0x9b: {  	[sflag:s26] =	ssyncadd.s32 $0xFFFFB000  }
0x9c: {  	_ =	swait.ge [sflag:s26], $0x50  }
0x9d: {  	[sflag:s26] =	ssyncset.done $0x0  }
0x9e: {  	[sflag:s26] =	ssyncadd.s32 $0xFFFFFFB0  }
0x9f: {  	_ =	swait.ge [sflag:s26], $0x50  }
0xa0: {  	[sflag:s26] =	ssyncset.done $0x0  }
0xa1: {  	[sflag:s26] =	ssyncadd.s32 $0xFFFFFFB0  }
0xa2: {  	[spmem:s1] =	stream.indirect.scatter.add.f32 [tilespmem:s20], [sflag:$0x3], $0x80, s21, s24, $0xb8;
	[tilespmem:$0x1DA80] =	vst v63  }
0xa3: {  	_ =	swait.ge [sflag:s13], $0x2800  }
0xa4: {  	[sflag:s13] =	ssyncset.done $0x0  }
0xa5: {  	[sflag:s13] =	ssyncadd.s32 $0xFFFFD800  }
0xa6: {  	[spmem:s1] =	stream.indirect.scatter.add.f32 [tilespmem:s28], [sflag:$0x3], $0x80, s22, s24, $0xb8;
	[tilespmem:$0x1DA80] =	vst v63  }
0xa7: {  	_ =	swait.ge [sflag:s13], $0x2800  }
0xa8: {  	[sflag:s13] =	ssyncset.done $0x0  }
0xa9: {  	[sflag:s13] =	ssyncadd.s32 $0xFFFFD800  }
0xaa: {  	_ =	swait.ge [sflag:s23], $0x5000  }
0xab: {  	[sflag:s23] =	ssyncset.done $0x0  }
0xac: {  	[sflag:s23] =	ssyncadd.s32 $0xFFFFB000  }
0xad: {  	_ =	swait.ge [sflag:s23], $0x50  }
0xae: {  	[sflag:s23] =	ssyncset.done $0x0  }
0xaf: {  	[sflag:s23] =	ssyncadd.s32 $0xFFFFFFB0  }
0xb0: {  	_ =	swait.ge [sflag:s23], $0x50  }
0xb1: {  	[sflag:s23] =	ssyncset.done $0x0  }
0xb2: {  	[sflag:s23] =	ssyncadd.s32 $0xFFFFFFB0  }
0xb3: {  	[spmem:s1] =	stream.indirect.scatter.add.f32 [tilespmem:s16], [sflag:$0x3], $0x80, s17, s24, $0xb8;
	[tilespmem:$0x1DA80] =	vst v63  }
0xb4: {  	_ =	swait.ge [sflag:s13], $0x2800  }
0xb5: {  	[sflag:s13] =	ssyncset.done $0x0  }
0xb6: {  	[sflag:s13] =	ssyncadd.s32 $0xFFFFD800  }
0xb7: {  	[spmem:s1] =	stream.indirect.scatter.add.f32 [tilespmem:s25], [sflag:$0x3], $0x80, s18, s24, $0xb8;
	[tilespmem:$0x1DA80] =	vst v63  }
0xb8: {  	_ =	swait.ge [sflag:s13], $0x2800  }
0xb9: {  	[sflag:s13] =	ssyncset.done $0x0  }
0xba: {  	[sflag:s13] =	ssyncadd.s32 $0xFFFFD800  }
0xbb: {  	[bflag:$0x0] =	sbarrier.arrive $0xFFFF  }
0xbc: {  	s31 =	rddreg [dreg:$0x3]  }
0xbd: {  	s0 =	sadd.s32 s31, s9  }
0xbe: {  	[hbm:s0], [sflag:s5] =	dma.local [spmem:s12], $0x2700  }
0xbf: {  	_ =	swait.ge [sflag:s13], $0x2700  }
0xc0: {  	s29 =	sadd.s32 $0x1, s29;
	[sflag:s13] =	ssyncset.done $0x0  }
0xc1: {  	p1 =	sne.s32 s29, s10;
	s0 =	sadd.s32 @!p0 $0x27000, s9;
	[sflag:s13] =	ssyncadd.s32 $0xFFFFD900  }
0xc2: {  	[hbm:s0], [sflag:s5] =	dma.local @!p0 [spmem:s14], $0x100  }
.Ltmp1:
0xc3: {  	_ = 	snop;
	(pc) =	sbr.rel @p1 .LBB2_1-.Ltmp1, $4  }
0xc4: {  	s0 =	simm.s32 @!p0 $0x3  }
0xc5: {  	_ =	swait.ge @!p0 [sflag:s0], $0x100  }
0xc6: {  	[sflag:s0] =	ssyncset.done @!p0 $0x0  }
0xc7: {  	[sflag:s0] =	ssyncadd.s32 @!p0 $0xFFFFFF00  }
0xc8: {  	_ =	sfence.sel $0x180000  }
0xc9: {  	[bflag:$0x0] =	sbarrier.arrive $0xFFFF  }
0xca: {  	_ =	strace $0x9000004A  }
0xcb: {  	[bflag:$0x2] =	sbarrier.arrive $0xFFFF  }
0xcc: {  	s0 =	rddreg [dreg:$0x2]  }
0xcd: {  	s0 =	sadd.s32 @!p0 $0x100000, s0  }
0xce: {  	[sflag:s0] =	ssyncadd.tile.s32 @!p0 $0x1;
	_ =	shalt  }
.Lfunc_end2:
_tile_overlayer_lowered:
.L_overlay_start_2:
0xcf: {  	(tag) =	ssettag $0x2  }
0xd0: {  	s0 =	rddreg [dreg:$0x0];
	s2 =	stileid.u32  }
0xd1: {  	s1 =	rddreg [dreg:$0x1];
	p0 =	sne.s32 s2, $0x0  }
0xd2: {  	s3 =	rddreg [dreg:$0x2];
	[bflag:$0x3] =	sbarrier.arrive $0xFFFF;
	s2 =	simm.s32 @!p0 $0x1C03  }
0xd3: {  	[timem:s3], [sflag:s2] =	dma.local @!p0 [hbm:s0], s1  }
0xd4: {  	s0 =	simm.s32 @!p0 $0x3  }
0xd5: {  	_ =	swait.ge @!p0 [sflag:s0], s1  }
0xd6: {  	s1 =	ssub.s32 @!p0 $0x0, s1;
	[sflag:s0] =	ssyncset.done @!p0 $0x0  }
0xd7: {  	[sflag:s0] =	ssyncadd.s32 @!p0 s1  }
0xd8: {  	[bflag:$0x3] =	sbarrier.arrive $0xFFFF  }
0xd9: {  	_ =	shalt  }

// kernel: kernel.19.cloned.1.call-start
scs
__scs_entry_jumppad:
0x0: {  	(pc) =	sbr.rel $0x88, $3  }
0x1: {  	(tag) =	ssettag $0x0;
	lr =	simm.s32 $0x1  }
0x2: {  	[smem:$0x3F7F] =	sst lr;
	_ =	strace $0xD0000000  }
0x3: {  	_ = 	snop  }
0x4: {  	_ = 	snop  }
0x5: {  	_ = 	snop  }
0x6: {  	_ = 	snop  }
0x7: {  	_ = 	snop  }
__scs_overlays_trampoline_lowered:
0x8: {  	[smem:$0x3F8E] =	sst s0  }
0x9: {  	[smem:$0x3F8F] =	sst s1  }
0xa: {  	[smem:$0x3F90] =	sst s2  }
0xb: {  	[smem:$0x3F91] =	sst s3  }
0xc: {  	[smem:$0x3F92] =	sst s4  }
0xd: {  	[smem:$0x3F93] =	sst s5  }
0xe: {  	[smem:$0x3F94] =	sst s6  }
0xf: {  	[smem:$0x3F95] =	sst s7  }
0x10: {  	[smem:$0x3F96] =	sst s8  }
0x11: {  	[smem:$0x3F97] =	sst s9;
	s0 =	simm.s32 @!p0 $0x0  }
0x12: {  	s1 =	sld [smem:$0x3F7D];
	s0 =	simm.s32 @p0 $0x1  }
0x13: {  	[smem:$0x3F98] =	sst s0;
	s0 =	simm.s32 @!p1 $0x0  }
0x14: {  	s2 =	sld [smem:$0x3F7C];
	s0 =	simm.s32 @p1 $0x1  }
0x15: {  	[smem:$0x3F99] =	sst s0;
	s0 =	simm.s32 @!p2 $0x0  }
0x16: {  	s3 =	sld [smem:$0x3FDB];
	s0 =	simm.s32 @p2 $0x1  }
0x17: {  	s4 =	simm.s32 $0x1BF5;
	[smem:$0x3F9B] =	sst s0  }
0x18: {  	s0 =	sld [smem:$0x3F7E];
	_ =	swait.ge [sflag:s4], $0x0  }
0x19: {  	s7 =	sld [smem:$0x3F7F]  }
0x1a: {  	s8 =	sadd.s32 $0xFFFFE003, lr  }
0x1b: {  	s9 =	sadd.s32 $0xFFFFFEF7, lr;
	s5 =	simm.s32 $0xFFFFFFFF;
	p2 =	slt.u32 s8, $0xFFFFF086  }
0x1c: {  	p1 =	slt.u32 s9, $0xF7A;
	s5 =	simm.s32 @!p2 $0x0  }
0x1d: {  	s5 =	simm.s32 @p1 $0x1;
	p0 =	seq.s32 s7, s2  }
0x1e: {  	s7 =	smul.u32 @!p0 $0xF7A, s2;
	p2 =	seq.s32 @!p0 s5, $0x0  }
0x1f: {  	s9 =	smul.u32 $0xF7A, s1;
	s8 =	simm.s32 @!p0 $0x1BF5;
	p2 =	por !p2, p0  }
0x20: {  	[sflag:s8] =	ssyncset.s32 @!p0 $0xFFFFF086;
	s6 =	sadd.s32 @!p0 s3, s7;
	s7 =	simm.s32 @!p0 $0x108  }
0x21: {  	s3 =	sadd.s32 s3, s9;
	s6 =	sadd.s32 @!p0 $0x88, s6;
	s7 =	simm.s32 @p2 $0x1082  }
0x22: {  	[simem:s7], [sflag:s8] =	dma.local @!p0 [hbm:s6], $0xF7A  }
0x23: {  	s9 =	sor.u32 $0xD0000000, s2;
	s6 =	simm.s32 $0x108;
	_ =	swait.ge @!p0 [sflag:s8], $0x0  }
0x24: {  	s3 =	sadd.s32 $0x88, s3;
	s6 =	simm.s32 @!p1 $0x1082;
	[sflag:s4] =	ssyncset.s32 $0xFFFFF086  }
0x25: {  	[simem:s6], [sflag:s4] =	dma.local [hbm:s3], $0xF7A  }
0x26: {  	[smem:$0x3F7F] =	sst s1;
	(tag) =	ssettag s2;
	_ =	strace s9  }
0x27: {  	s1 =	sld [smem:$0x3F8F]  }
0x28: {  	s2 =	sld [smem:$0x3F90]  }
0x29: {  	s4 =	sld [smem:$0x3F92]  }
0x2a: {  	p0 =	seq.s32 s5, $0x0;
	s5 =	sld [smem:$0x3F93]  }
0x2b: {  	s6 =	sld [smem:$0x3F94]  }
0x2c: {  	s7 =	sld [smem:$0x3F95]  }
0x2d: {  	s3 =	simm.s32 $0x108;
	s8 =	sld [smem:$0x3F96]  }
0x2e: {  	s3 =	simm.s32 @!p0 $0x1082;
	s9 =	sld [smem:$0x3F97]  }
0x2f: {  	lr =	sadd.s32 s0, s3;
	s0 =	sld [smem:$0x3F8E]  }
0x30: {  	s3 =	sld [smem:$0x3F91]  }
0x31: {  	[smem:$0x3F9A] =	sst s10  }
0x32: {  	s10 =	sld [smem:$0x3F98];
	_ =	sdelay $0x3  }
0x33: {  	p0 =	seq.s32 s10, $0x1;
	s10 =	sld [smem:$0x3F9A];
	_ =	sdelay $0x3  }
0x34: {  	[smem:$0x3F9A] =	sst s10  }
0x35: {  	s10 =	sld [smem:$0x3F99];
	_ =	sdelay $0x3  }
0x36: {  	p1 =	seq.s32 s10, $0x1;
	s10 =	sld [smem:$0x3F9A];
	_ =	sdelay $0x3  }
0x37: {  	[smem:$0x3F9A] =	sst s10  }
0x38: {  	s10 =	sld [smem:$0x3F9B]  }
0x39: {  	_ = 	snop;
	(pc) =	sbr.ind lr, $3  }
0x3a: {  	_ = 	snop  }
0x3b: {  	_ = 	snop  }
0x3c: {  	p2 =	seq.s32 s10, $0x1;
	s10 =	sld [smem:$0x3F9A]  }
0x3d: {  	_ =	shalt  }
0x3e: {  	_ =	shalt  }
0x3f: {  	_ =	shalt  }
0x40: {  	_ =	shalt  }
0x41: {  	_ =	shalt  }
0x42: {  	_ =	shalt  }
0x43: {  	_ =	shalt  }
0x44: {  	_ =	shalt  }
0x45: {  	_ =	shalt  }
0x46: {  	_ =	shalt  }
0x47: {  	_ =	shalt  }
0x48: {  	_ =	shalt  }
0x49: {  	_ =	shalt  }
0x4a: {  	_ =	shalt  }
0x4b: {  	_ =	shalt  }
0x4c: {  	_ =	shalt  }
0x4d: {  	_ =	shalt  }
0x4e: {  	_ =	shalt  }
0x4f: {  	_ =	shalt  }
0x50: {  	_ =	shalt  }
0x51: {  	_ =	shalt  }
0x52: {  	_ =	shalt  }
0x53: {  	_ =	shalt  }
0x54: {  	_ =	shalt  }
0x55: {  	_ =	shalt  }
0x56: {  	_ =	shalt  }
0x57: {  	_ =	shalt  }
0x58: {  	_ =	shalt  }
0x59: {  	_ =	shalt  }
0x5a: {  	_ =	shalt  }
0x5b: {  	_ =	shalt  }
0x5c: {  	_ =	shalt  }
0x5d: {  	_ =	shalt  }
0x5e: {  	_ =	shalt  }
0x5f: {  	_ =	shalt  }
0x60: {  	_ =	shalt  }
0x61: {  	_ =	shalt  }
0x62: {  	_ =	shalt  }
0x63: {  	_ =	shalt  }
0x64: {  	_ =	shalt  }
0x65: {  	_ =	shalt  }
0x66: {  	_ =	shalt  }
0x67: {  	_ =	shalt  }
0x68: {  	_ =	shalt  }
0x69: {  	_ =	shalt  }
0x6a: {  	_ =	shalt  }
0x6b: {  	_ =	shalt  }
0x6c: {  	_ =	shalt  }
0x6d: {  	_ =	shalt  }
0x6e: {  	_ =	shalt  }
0x6f: {  	_ =	shalt  }
0x70: {  	_ =	shalt  }
0x71: {  	_ =	shalt  }
0x72: {  	_ =	shalt  }
0x73: {  	_ =	shalt  }
0x74: {  	_ =	shalt  }
0x75: {  	_ =	shalt  }
0x76: {  	_ =	shalt  }
0x77: {  	_ =	shalt  }
0x78: {  	_ =	shalt  }
0x79: {  	_ =	shalt  }
0x7a: {  	_ =	shalt  }
0x7b: {  	_ =	shalt  }
0x7c: {  	_ =	shalt  }
0x7d: {  	_ =	shalt  }
0x7e: {  	_ =	shalt  }
0x7f: {  	_ =	shalt  }
0x80: {  	_ =	shalt  }
0x81: {  	_ =	shalt  }
0x82: {  	_ =	shalt  }
0x83: {  	_ =	shalt  }
0x84: {  	_ =	shalt  }
0x85: {  	_ =	shalt  }
0x86: {  	_ =	shalt  }
0x87: {  	_ =	shalt  }
.Lfunc_end0:
.L_simem_size_0:
called_computation.2_lowered:
.L_overlay_start_0:
0x88: {  	s2 =	sld [smem:$0x3FD9]  }
0x89: {  	s3 =	sld [smem:$0x3FFE];
	_ =	sdelay $0x1  }
0x8a: {  	s1 =	srdreg.scid  }
0x8b: {  	s0 =	sand.u32 $0x1, s1  }
0x8c: {  	s16 =	sshll.u32 s0, $0xA;
	s2 =	sadd.s32 s3, s2  }
0x8d: {  	s2 =	sadd.s32 s2, s16  }
0x8e: {  	[smem:$0x3FA6] =	sst s2  }
0x8f: {  	_ = 	snop  }
0x90: {  	(tm) =	ssettm $0x1  }
0x91: {  	s17 =	sld [smem:$0x3FFB];
	_ =	sdelay $0x3  }
0x92: {  	_ =	strace s17  }
0x93: {  	s2 =	sld [smem:$0x3FFC];
	_ =	sdelay $0x3  }
0x94: {  	_ =	strace s2  }
0x95: {  	s2 =	sld [smem:$0x3FFD];
	_ =	sdelay $0x3  }
0x96: {  	_ =	strace s2  }
0x97: {  	_ =	strace $0x8FFFFFFF  }
0x98: {  	s18 =	sld [smem:$0x3FDB];
	_ =	sdelay $0x1  }
0x99: {  	s19 =	simm.s32 $_scs_section_size  }
0x9a: {  	s4 =	simm.s32 $_size__tile_overlayer_lowered;
	s5 =	simm.s32 $_tile_overlayer_lowered  }
0x9b: {  	s22 =	simm.s32 $0x1BFF;
	s21 =	sshll.u32 s5, $0x1;
	s2 =	sadd.s32 s19, s18  }
0x9c: {  	s6 =	simm.s32 $0x0;
	s20 =	sshll.u32 s4, $0x1;
	s4 =	sadd.s32 s21, s2  }
0x9d: {  	[timem:s6], [sflag:s22] =	dma.local [hbm:s4], s20  }
0x9e: {  	_ =	swait.ge [sflag:s22], s20  }
0x9f: {  	s3 =	ssub.s32 $0x0, s20;
	[sflag:s22] =	ssyncset.done $0x0  }
0xa0: {  	[sflag:s22] =	ssyncadd.s32 s3;
	_ =	sdelay $0x1  }
0xa1: {  	s23 =	simm.s32 $0x1B8B  }
0xa2: {  	_ =	swait.ge [sflag:s23], $0x1  }
0xa3: {  	[sflag:s23] =	ssyncset.done $0x0  }
0xa4: {  	s25 =	simm.s32 $0x1B8E;
	s24 =	sld [smem:$0x3FFE];
	[sflag:s23] =	ssyncadd.s32 $0xFFFFFFFF  }
0xa5: {  	s26 =	simm.s32 $execute0_lowered;
	[smem:$0x3FD2] =	sst s25  }
0xa6: {  	s4 =	sshll.u32 s26, $0x1;
	_ =	strace $0x8000004C;
	[dreg:$0x1] =	wrdreg $0xFFFFFFFF  }
0xa7: {  	s28 =	simm.s32 $_size_execute0_lowered;
	s2 =	sadd.s32 s2, s4;
	[dreg:$0x0] =	wrdreg $0x0  }
0xa8: {  	s4 =	sshll.u32 s28, $0x1;
	[dreg:$0x2] =	wrdreg s2  }
0xa9: {  	[dreg:$0x3] =	wrdreg s4  }
0xaa: {  	[dreg:$0x4] =	wrdreg $0xC0  }
0xab: {  	_ =	task [dreg:s6], $0x5FFFF  }
0xac: {  	[dreg:$0x1] =	wrdreg $0xFFFFFFFF  }
0xad: {  	[dreg:$0x0] =	wrdreg $0x60  }
0xae: {  	[dreg:$0x2] =	wrdreg s24  }
0xaf: {  	[dreg:$0x3] =	wrdreg $0x9  }
0xb0: {  	_ =	task.clear_ibuf [dreg:s6], $0x4FFFF;
	_ =	strace $0x9000004C  }
0xb1: {  	s29 =	simm.s32 $0x9;
	_ =	strace $0x8000004E  }
0xb2: {  	_ =	swait.ge [sflag:s29], $0x1  }
0xb3: {  	[sflag:s29] =	ssyncadd.s32 $0xFFFFFFFF  }
0xb4: {  	_ =	strace $0x9000004E  }
0xb5: {  	_ =	sfence  }
0xb6: {  	s30 =	sld [smem:$0x0];
	_ =	sdelay $0x2  }
0xb7: {  	s31 =	sshll.u32 s1, $0xD;
	s1 =	sshrl.u32 s1, $0x2  }
0xb8: {  	s3 =	sand.u32 $0x4000, s31;
	s1 =	sadd.s32 s1, s30  }
0xb9: {  	s0 =	sor.u32 s3, s0;
	s1 =	sshll.u32 s1, $0x11  }
0xba: {  	s0 =	sor.u32 s1, s0  }
0xbb: {  	s0 =	sadd.s32 $0x8F2B, s0  }
0xbc: {  	[sflag:s0] =	ssyncadd.remote.s32 $0x1  }
0xbd: {  	_ =	sfence.sel $0xFFFF  }
0xbe: {  	[dreg:$0x0] =	wrdreg $0xFFFFFFFF;
	(pc) =	sbr.abs _section_cstart, $3  }
0xbf: {  	[dreg:$0x1] =	wrdreg $0xFFFFFFFF  }
0xc0: {  	_ =	task.clear_ibuf [dreg:s6], $0x2FFFF;
	_ =	strace $0x9FFFFFFF  }
0xc1: {  	(tm) =	ssettm $0x7FFFFFFF  }
tec
execute0_lowered:
.L_overlay_start_1:
0x0: {  	(tag) =	ssettag $0x1  }
0x1: {  	s0 =	rddreg [dreg:$0x0];
	s1 =	srdreg.scid  }
0x2: {  	s10 =	stileid.u32;
	s2 =	simm.s32 $0x0;
	s11 =	simm.s32 $0x1  }
0x3: {  	s12 =	simm.s32 $0x50;
	s13 =	simm.s32 $0x400;
	s14 =	simm.s32 $0x2C00  }
0x4: {  	s15 =	simm.s32 $0xA0;
	s16 =	simm.s32 $0x5400;
	s23 =	simm.s32 $0x250  }
0x5: {  	s24 =	simm.s32 $0xF400;
	s25 =	simm.s32 $0x2A0;
	s26 =	simm.s32 $0x11C00  }
0x6: {  	s29 =	simm.s32 $0x2F0;
	s31 =	simm.s32 $0x14400;
	s28 =	simm.s32 $0x5  }
0x7: {  	s30 =	simm.s32 $0x0;
	s1 =	sand.u32 $0x1, s1;
	[smem:$0x7FF] =	sst s2  }
0x8: {  	s9 =	smul.u32 $0x4E20, s10;
	_ =	strace $0x8000004D;
	[dreg:$0x3] =	wrdreg s23  }
0x9: {  	s3 =	sshll.u32 s10, $0x1;
	s10 =	smul.u32 $0x4E200, s10;
	[dreg:$0x4] =	wrdreg s24  }
0xa: {  	s4 =	sor.u32 s1, s3;
	s3 =	sadd.s32 $0x18200, s0;
	[dreg:$0x5] =	wrdreg s25  }
0xb: {  	s6 =	ssub.s32 $0x2, s1;
	s17 =	smul.u32 $0x2710, s1;
	[dreg:$0x6] =	wrdreg s26  }
0xc: {  	s1 =	smul.u32 $0x27100, s1;
	[dreg:$0x7] =	wrdreg s29;
	s23 =	simm.s32 $0xCC00  }
0xd: {  	[dreg:$0x8] =	wrdreg s31;
	s24 =	simm.s32 $0x340;
	s5 =	smul.u32 $0x2710, s4  }
0xe: {  	s25 =	simm.s32 $0x16C00;
	s26 =	simm.s32 $0x4;
	s7 =	smul.u32 $0x138800, s4  }
0xf: {  	s4 =	sadd.s32 $0x4600, s0;
	s8 =	sshrl.u32 s6, $0x1;
	s0 =	sadd.s32 $0xA2A800, s0  }
0x10: {  	s6 =	ssub.s32 s6, s8;
	s19 =	sadd.s32 s17, s9;
	s17 =	simm.s32 $0xF0  }
0x11: {  	s5 =	sshrl.u32 s5, $0x3;
	s7 =	sshrl.u32 s7, $0x3;
	s6 =	smax.u32 s6, $0x1  }
0x12: {  	s20 =	sadd.s32 $0x190, s19;
	s21 =	sadd.s32 $0x320, s19;
	s19 =	simm.s32 $0x140  }
0x13: {  	s5 =	sadd.s32 s4, s5;
	s18 =	sadd.s32 s0, s7;
	[dreg:$0xb] =	wrdreg s6  }
0x14: {  	s0 =	sadd.s32 s10, s0;
	[dreg:$0xc] =	wrdreg s21;
	s22 =	sshrl.u32 s20, $0x3  }
0x15: {  	s10 =	simm.s32 $0x200;
	[dreg:$0x9] =	wrdreg s5;
	s5 =	sadd.s32 $0x25800, s18  }
0x16: {  	s20 =	simm.s32 $0xA400;
	s0 =	sadd.s32 s1, s0;
	[dreg:$0xa] =	wrdreg s5  }
0x17: {  	s21 =	simm.s32 $0x3;
	[dreg:$0x2] =	wrdreg s0;
	s0 =	sadd.s32 s22, s4  }
0x18: {  	s18 =	simm.s32 $0x7C00;
	s22 =	simm.s32 $0x2;
	[dreg:$0xd] =	wrdreg s0  }
.LBB2_1:
0x19: {  	s0 =	rddreg [dreg:$0x9]  }
0x1a: {  	[tilespmem:s2], [sflag:$0x1] =	stream.linear.gather [hbm4b:s0+s2], $0x190, $0x38;
	[tilespmem:$0x19400] =	vst v63  }
0x1b: {  	s7 =	rddreg [dreg:$0xd]  }
0x1c: {  	[tilespmem:s10], [sflag:$0x2] =	stream.linear.gather [hbm4b:s7+s2], $0x190, $0x38;
	[tilespmem:$0x19400] =	vst v63  }
0x1d: {  	_ =	swait.ge [sflag:s11], $0x190  }
0x1e: {  	p0 =	por $0x1, $0x1;
	[sflag:s11] =	ssyncset.done $0x0  }
0x1f: {  	s0 =	simm.s32 @!p0 $0x5;
	[sflag:s11] =	ssyncadd.s32 $0xFFFFFE70  }
0x20: {  	_ =	swait.ge @!p0 [sflag:s0], $0xC800  }
0x21: {  	[sflag:s0] =	ssyncset.done @!p0 $0x0  }
0x22: {  	[sflag:s0] =	ssyncadd.s32 @!p0 $0xFFFF3800  }
0x23: {  	[tilespmem:s13], [sflag:$0x3] =	stream.indirect.gather [hbm4b:s3+s12], $0x80, s2, s12, $0xb8;
	[tilespmem:$0x19400] =	vst v63  }
0x24: {  	_ = 	snop  }
0x25: {  	[tilespmem:s14], [sflag:$0x3] =	stream.indirect.gather [hbm4b:s3+s12], $0x80, s12, s12, $0xb8;
	[tilespmem:$0x19400] =	vst v63  }
0x26: {  	_ = 	snop  }
0x27: {  	[tilespmem:s16], [sflag:$0x3] =	stream.indirect.gather [hbm4b:s3+s12], $0x80, s15, s12, $0xb8;
	[tilespmem:$0x19400] =	vst v63  }
0x28: {  	_ = 	snop  }
0x29: {  	[tilespmem:s18], [sflag:$0x3] =	stream.indirect.gather [hbm4b:s3+s12], $0x80, s17, s12, $0xb8;
	[tilespmem:$0x19400] =	vst v63  }
0x2a: {  	_ = 	snop  }
0x2b: {  	[tilespmem:s20], [sflag:$0x3] =	stream.indirect.gather [hbm4b:s3+s12], $0x80, s19, s12, $0xb8;
	[tilespmem:$0x19400] =	vst v63  }
0x2c: {  	_ =	swait.ge [sflag:s21], $0x2800  }
0x2d: {  	[sflag:s21] =	ssyncset.done $0x0  }
0x2e: {  	[sflag:s21] =	ssyncadd.s32 $0xFFFFD800  }
0x2f: {  	_ =	swait.ge [sflag:s21], $0x2800  }
0x30: {  	[sflag:s21] =	ssyncset.done $0x0  }
0x31: {  	[sflag:s21] =	ssyncadd.s32 $0xFFFFD800  }
0x32: {  	_ =	swait.ge [sflag:s21], $0x2800  }
0x33: {  	[sflag:s21] =	ssyncset.done $0x0  }
0x34: {  	[sflag:s21] =	ssyncadd.s32 $0xFFFFD800  }
0x35: {  	_ =	swait.ge [sflag:s21], $0x2800  }
0x36: {  	[sflag:s21] =	ssyncset.done $0x0  }
0x37: {  	[sflag:s21] =	ssyncadd.s32 $0xFFFFD800  }
0x38: {  	_ =	swait.ge [sflag:s21], $0x2800  }
0x39: {  	s8 =	rddreg [dreg:$0x2]  }
0x3a: {  	[sflag:s21] =	ssyncset.done $0x0;
	s1 =	rddreg [dreg:$0xc]  }
0x3b: {  	[sflag:s21] =	ssyncadd.s32 $0xFFFFD800;
	s5 =	sadd.s32 $0x0, s8;
	s9 =	sshrl.u32 s1, $0x3  }
0x3c: {  	[hbm4b:s5+s2] =	stream.linear.scatter [tilespmem:s13], [sflag:$0x5], $0xC800, $0x38;
	[tilespmem:$0x19400] =	vst v63  }
0x3d: {  	s0 =	sadd.s32 s4, s9  }
0x3e: {  	[tilespmem:s2], [sflag:$0x1] =	stream.linear.gather [hbm4b:s0+s2], $0x190, $0x38;
	[tilespmem:$0x19400] =	vst v63  }
0x3f: {  	_ =	swait.ge [sflag:s22], $0x190  }
0x40: {  	[sflag:s22] =	ssyncset.done $0x0  }
0x41: {  	s0 =	simm.s32 @!p0 $0x6;
	[sflag:s22] =	ssyncadd.s32 $0xFFFFFE70  }
0x42: {  	_ =	swait.ge @!p0 [sflag:s0], $0xC800  }
0x43: {  	s6 =	rddreg [dreg:$0x5]  }
0x44: {  	[sflag:s0] =	ssyncset.done @!p0 $0x0;
	s8 =	rddreg [dreg:$0x3]  }
0x45: {  	s29 =	rddreg [dreg:$0x4];
	[sflag:s0] =	ssyncadd.s32 @!p0 $0xFFFF3800  }
0x46: {  	[tilespmem:s23], [sflag:$0x4] =	stream.indirect.gather [hbm4b:s3+s12], $0x80, s10, s12, $0xb8;
	[tilespmem:$0x19400] =	vst v63  }
0x47: {  	s31 =	rddreg [dreg:$0x6]  }
0x48: {  	[tilespmem:s29], [sflag:$0x4] =	stream.indirect.gather [hbm4b:s3+s12], $0x80, s8, s12, $0xb8;
	[tilespmem:$0x19400] =	vst v63  }
0x49: {  	s9 =	rddreg [dreg:$0x7]  }
0x4a: {  	[tilespmem:s31], [sflag:$0x4] =	stream.indirect.gather [hbm4b:s3+s12], $0x80, s6, s12, $0xb8;
	[tilespmem:$0x19400] =	vst v63  }
0x4b: {  	s29 =	rddreg [dreg:$0x8]  }
0x4c: {  	[tilespmem:s29], [sflag:$0x4] =	stream.indirect.gather [hbm4b:s3+s12], $0x80, s9, s12, $0xb8;
	[tilespmem:$0x19400] =	vst v63  }
0x4d: {  	_ = 	snop  }
0x4e: {  	[tilespmem:s25], [sflag:$0x4] =	stream.indirect.gather [hbm4b:s3+s12], $0x80, s24, s12, $0xb8;
	[tilespmem:$0x19400] =	vst v63  }
0x4f: {  	_ =	swait.ge [sflag:s26], $0x2800  }
0x50: {  	[sflag:s26] =	ssyncset.done $0x0  }
0x51: {  	[sflag:s26] =	ssyncadd.s32 $0xFFFFD800  }
0x52: {  	_ =	swait.ge [sflag:s26], $0x2800  }
0x53: {  	[sflag:s26] =	ssyncset.done $0x0  }
0x54: {  	[sflag:s26] =	ssyncadd.s32 $0xFFFFD800  }
0x55: {  	_ =	swait.ge [sflag:s26], $0x2800  }
0x56: {  	[sflag:s26] =	ssyncset.done $0x0  }
0x57: {  	[sflag:s26] =	ssyncadd.s32 $0xFFFFD800  }
0x58: {  	_ =	swait.ge [sflag:s26], $0x2800  }
0x59: {  	[sflag:s26] =	ssyncset.done $0x0  }
0x5a: {  	s0 =	sadd.s32 $0x64, s7;
	[sflag:s26] =	ssyncadd.s32 $0xFFFFD800  }
0x5b: {  	s8 =	smov.u32 s1;
	s31 =	simm.s32 $0x3200;
	_ =	swait.ge [sflag:s26], $0x2800  }
.LBB2_2:
0x5c: {  	[sflag:s26] =	ssyncset.done $0x0  }
0x5d: {  	s5 =	sadd.s32 $0x1900, s5;
	[sflag:s26] =	ssyncadd.s32 $0xFFFFD800  }
0x5e: {  	[hbm4b:s5+s2] =	stream.linear.scatter [tilespmem:s23], [sflag:$0x6], $0xC800, $0x38;
	[tilespmem:$0x19400] =	vst v63  }
0x5f: {  	_ = 	snop  }
0x60: {  	[tilespmem:s10], [sflag:$0x2] =	stream.linear.gather [hbm4b:s0+s2], $0x190, $0x38;
	[tilespmem:$0x19400] =	vst v63  }
0x61: {  	s6 =	smov.u32 s31;
	_ =	swait.ge [sflag:s11], $0x190  }
0x62: {  	p1 =	seq.s32 s6, $0x0;
	[sflag:s11] =	ssyncset.done $0x0  }
0x63: {  	s5 =	simm.s32 @!p1 $0x5;
	[sflag:s11] =	ssyncadd.s32 $0xFFFFFE70  }
0x64: {  	_ =	swait.ge @!p1 [sflag:s5], $0xC800  }
0x65: {  	[sflag:s5] =	ssyncset.done @!p1 $0x0  }
0x66: {  	[sflag:s5] =	ssyncadd.s32 @!p1 $0xFFFF3800  }
0x67: {  	[tilespmem:s13], [sflag:$0x3] =	stream.indirect.gather [hbm4b:s3+s12], $0x80, s2, s12, $0xb8;
	[tilespmem:$0x19400] =	vst v63  }
0x68: {  	_ = 	snop  }
0x69: {  	[tilespmem:s14], [sflag:$0x3] =	stream.indirect.gather [hbm4b:s3+s12], $0x80, s12, s12, $0xb8;
	[tilespmem:$0x19400] =	vst v63  }
0x6a: {  	_ = 	snop  }
0x6b: {  	[tilespmem:s16], [sflag:$0x3] =	stream.indirect.gather [hbm4b:s3+s12], $0x80, s15, s12, $0xb8;
	[tilespmem:$0x19400] =	vst v63  }
0x6c: {  	_ = 	snop  }
0x6d: {  	[tilespmem:s18], [sflag:$0x3] =	stream.indirect.gather [hbm4b:s3+s12], $0x80, s17, s12, $0xb8;
	[tilespmem:$0x19400] =	vst v63  }
0x6e: {  	_ = 	snop  }
0x6f: {  	[tilespmem:s20], [sflag:$0x3] =	stream.indirect.gather [hbm4b:s3+s12], $0x80, s19, s12, $0xb8;
	[tilespmem:$0x19400] =	vst v63  }
0x70: {  	_ =	swait.ge [sflag:s21], $0x2800  }
0x71: {  	[sflag:s21] =	ssyncset.done $0x0  }
0x72: {  	[sflag:s21] =	ssyncadd.s32 $0xFFFFD800  }
0x73: {  	_ =	swait.ge [sflag:s21], $0x2800  }
0x74: {  	[sflag:s21] =	ssyncset.done $0x0  }
0x75: {  	[sflag:s21] =	ssyncadd.s32 $0xFFFFD800  }
0x76: {  	_ =	swait.ge [sflag:s21], $0x2800  }
0x77: {  	[sflag:s21] =	ssyncset.done $0x0  }
0x78: {  	[sflag:s21] =	ssyncadd.s32 $0xFFFFD800  }
0x79: {  	_ =	swait.ge [sflag:s21], $0x2800  }
0x7a: {  	[sflag:s21] =	ssyncset.done $0x0  }
0x7b: {  	[sflag:s21] =	ssyncadd.s32 $0xFFFFD800  }
0x7c: {  	_ =	swait.ge [sflag:s21], $0x2800  }
0x7d: {  	s8 =	sadd.s32 $0x320, s8;
	s7 =	rddreg [dreg:$0x2];
	[sflag:s21] =	ssyncset.done $0x0  }
0x7e: {  	s9 =	sshrl.u32 s8, $0x3;
	[sflag:s21] =	ssyncadd.s32 $0xFFFFD800;
	s5 =	sadd.s32 s6, s7  }
0x7f: {  	[hbm4b:s5+s2] =	stream.linear.scatter [tilespmem:s13], [sflag:$0x5], $0xC800, $0x38;
	[tilespmem:$0x19400] =	vst v63  }
0x80: {  	s6 =	sadd.s32 s4, s9  }
0x81: {  	[tilespmem:s2], [sflag:$0x1] =	stream.linear.gather [hbm4b:s6+s2], $0x190, $0x38;
	[tilespmem:$0x19400] =	vst v63  }
0x82: {  	_ =	swait.ge [sflag:s22], $0x190  }
0x83: {  	[sflag:s22] =	ssyncset.done $0x0  }
0x84: {  	s6 =	simm.s32 @!p1 $0x6;
	[sflag:s22] =	ssyncadd.s32 $0xFFFFFE70  }
0x85: {  	_ =	swait.ge @!p1 [sflag:s6], $0xC800  }
0x86: {  	s7 =	rddreg [dreg:$0x7]  }
0x87: {  	[sflag:s6] =	ssyncset.done @!p1 $0x0;
	s29 =	rddreg [dreg:$0x3]  }
0x88: {  	s9 =	rddreg [dreg:$0x4];
	[sflag:s6] =	ssyncadd.s32 @!p1 $0xFFFF3800  }
0x89: {  	[tilespmem:s23], [sflag:$0x4] =	stream.indirect.gather [hbm4b:s3+s12], $0x80, s10, s12, $0xb8;
	[tilespmem:$0x19400] =	vst v63  }
0x8a: {  	s1 =	rddreg [dreg:$0x6]  }
0x8b: {  	[tilespmem:s9], [sflag:$0x4] =	stream.indirect.gather [hbm4b:s3+s12], $0x80, s29, s12, $0xb8;
	[tilespmem:$0x19400] =	vst v63  }
0x8c: {  	s6 =	rddreg [dreg:$0x5]  }
0x8d: {  	[tilespmem:s1], [sflag:$0x4] =	stream.indirect.gather [hbm4b:s3+s12], $0x80, s6, s12, $0xb8;
	[tilespmem:$0x19400] =	vst v63  }
0x8e: {  	s29 =	rddreg [dreg:$0x8]  }
0x8f: {  	[tilespmem:s29], [sflag:$0x4] =	stream.indirect.gather [hbm4b:s3+s12], $0x80, s7, s12, $0xb8;
	[tilespmem:$0x19400] =	vst v63  }
0x90: {  	_ = 	snop  }
0x91: {  	[tilespmem:s25], [sflag:$0x4] =	stream.indirect.gather [hbm4b:s3+s12], $0x80, s24, s12, $0xb8;
	[tilespmem:$0x19400] =	vst v63  }
0x92: {  	_ =	swait.ge [sflag:s26], $0x2800  }
0x93: {  	[sflag:s26] =	ssyncset.done $0x0  }
0x94: {  	[sflag:s26] =	ssyncadd.s32 $0xFFFFD800  }
0x95: {  	_ =	swait.ge [sflag:s26], $0x2800  }
0x96: {  	[sflag:s26] =	ssyncset.done $0x0  }
0x97: {  	[sflag:s26] =	ssyncadd.s32 $0xFFFFD800  }
0x98: {  	s31 =	sadd.s32 $0x3200, s31;
	_ =	swait.ge [sflag:s26], $0x2800  }
0x99: {  	p0 =	sne.s32 s31, $0x25800;
	[sflag:s26] =	ssyncset.done $0x0  }
.Ltmp0:
0x9a: {  	[sflag:s26] =	ssyncadd.s32 $0xFFFFD800;
	(pc) =	sbr.rel @p0 .LBB2_2-.Ltmp0, $4  }
0x9b: {  	_ =	swait.ge [sflag:s26], $0x2800  }
0x9c: {  	[sflag:s26] =	ssyncset.done $0x0  }
0x9d: {  	[sflag:s26] =	ssyncadd.s32 $0xFFFFD800  }
0x9e: {  	s0 =	sadd.s32 $0x64, s0;
	_ =	swait.ge [sflag:s26], $0x2800  }
0x9f: {  	[sflag:s26] =	ssyncset.done $0x0  }
0xa0: {  	s0 =	sadd.s32 $0x1900, s5;
	[sflag:s26] =	ssyncadd.s32 $0xFFFFD800  }
0xa1: {  	[hbm4b:s0+s2] =	stream.linear.scatter [tilespmem:s23], [sflag:$0x6], $0xC800, $0x38;
	[tilespmem:$0x19400] =	vst v63  }
0xa2: {  	_ =	swait.ge [sflag:s11], $0x190  }
0xa3: {  	[sflag:s11] =	ssyncset.done $0x0  }
0xa4: {  	[sflag:s11] =	ssyncadd.s32 $0xFFFFFE70  }
0xa5: {  	_ =	swait.ge [sflag:s28], $0xC800  }
0xa6: {  	[sflag:s28] =	ssyncset.done $0x0  }
0xa7: {  	[sflag:s28] =	ssyncadd.s32 $0xFFFF3800  }
0xa8: {  	[tilespmem:s13], [sflag:$0x3] =	stream.indirect.gather [hbm4b:s3+s12], $0x80, s2, s12, $0xb8;
	[tilespmem:$0x19400] =	vst v63  }
0xa9: {  	_ = 	snop  }
0xaa: {  	[tilespmem:s14], [sflag:$0x3] =	stream.indirect.gather [hbm4b:s3+s12], $0x80, s12, s12, $0xb8;
	[tilespmem:$0x19400] =	vst v63  }
0xab: {  	_ = 	snop  }
0xac: {  	[tilespmem:s16], [sflag:$0x3] =	stream.indirect.gather [hbm4b:s3+s12], $0x80, s15, s12, $0xb8;
	[tilespmem:$0x19400] =	vst v63  }
0xad: {  	_ = 	snop  }
0xae: {  	[tilespmem:s18], [sflag:$0x3] =	stream.indirect.gather [hbm4b:s3+s12], $0x80, s17, s12, $0xb8;
	[tilespmem:$0x19400] =	vst v63  }
0xaf: {  	_ = 	snop  }
0xb0: {  	[tilespmem:s20], [sflag:$0x3] =	stream.indirect.gather [hbm4b:s3+s12], $0x80, s19, s12, $0xb8;
	[tilespmem:$0x19400] =	vst v63  }
0xb1: {  	_ =	swait.ge [sflag:s21], $0x2800  }
0xb2: {  	[sflag:s21] =	ssyncset.done $0x0  }
0xb3: {  	[sflag:s21] =	ssyncadd.s32 $0xFFFFD800  }
0xb4: {  	_ =	swait.ge [sflag:s21], $0x2800  }
0xb5: {  	[sflag:s21] =	ssyncset.done $0x0  }
0xb6: {  	[sflag:s21] =	ssyncadd.s32 $0xFFFFD800  }
0xb7: {  	_ =	swait.ge [sflag:s21], $0x2800  }
0xb8: {  	[sflag:s21] =	ssyncset.done $0x0  }
0xb9: {  	[sflag:s21] =	ssyncadd.s32 $0xFFFFD800  }
0xba: {  	_ =	swait.ge [sflag:s21], $0x2800  }
0xbb: {  	[sflag:s21] =	ssyncset.done $0x0  }
0xbc: {  	[sflag:s21] =	ssyncadd.s32 $0xFFFFD800  }
0xbd: {  	_ =	swait.ge [sflag:s21], $0x2800  }
0xbe: {  	[sflag:s21] =	ssyncset.done $0x0  }
0xbf: {  	s29 =	rddreg [dreg:$0xa];
	[sflag:s21] =	ssyncadd.s32 $0xFFFFD800  }
0xc0: {  	[hbm4b:s29+s2] =	stream.linear.scatter [tilespmem:s13], [sflag:$0x5], $0xC800, $0x38;
	[tilespmem:$0x19400] =	vst v63  }
0xc1: {  	_ =	swait.ge [sflag:s28], $0xC800  }
0xc2: {  	[sflag:s28] =	ssyncset.done $0x0  }
0xc3: {  	s1 =	simm.s32 $0x6;
	[sflag:s28] =	ssyncadd.s32 $0xFFFF3800  }
0xc4: {  	_ =	swait.ge [sflag:s1], $0xC800  }
0xc5: {  	s30 =	sadd.s32 $0x1, s30;
	s31 =	rddreg [dreg:$0xb]  }
0xc6: {  	p0 =	sne.s32 s30, s31  }
.Ltmp1:
0xc7: {  	_ = 	snop;
	(pc) =	sbr.rel @p0 .LBB2_1-.Ltmp1, $3  }
0xc8: {  	_ =	sdelay $0x1  }
0xc9: {  	[sflag:s1] =	ssyncset.done $0x0  }
0xca: {  	[sflag:s1] =	ssyncadd.s32 $0xFFFF3800  }
0xcb: {  	_ =	sfence.sel $0x180000  }
0xcc: {  	[bflag:$0x0] =	sbarrier.arrive $0xFFFF  }
0xcd: {  	_ =	strace $0x9000004D  }
0xce: {  	s0 =	stileid.u32;
	[bflag:$0x2] =	sbarrier.arrive $0xFFFF  }
0xcf: {  	p0 =	sne.s32 s0, $0x0;
	s0 =	rddreg [dreg:$0x1]  }
0xd0: {  	s0 =	sadd.s32 @!p0 $0x100000, s0  }
0xd1: {  	[sflag:s0] =	ssyncadd.tile.s32 @!p0 $0x1;
	_ =	shalt  }
.Lfunc_end2:
_tile_overlayer_lowered:
.L_overlay_start_2:
0xd2: {  	(tag) =	ssettag $0x2  }
0xd3: {  	s0 =	rddreg [dreg:$0x0];
	s2 =	stileid.u32  }
0xd4: {  	s1 =	rddreg [dreg:$0x1];
	p0 =	sne.s32 s2, $0x0  }
0xd5: {  	s3 =	rddreg [dreg:$0x2];
	[bflag:$0x3] =	sbarrier.arrive $0xFFFF;
	s2 =	simm.s32 @!p0 $0x1C07  }
0xd6: {  	[timem:s3], [sflag:s2] =	dma.local @!p0 [hbm:s0], s1  }
0xd7: {  	s0 =	simm.s32 @!p0 $0x7  }
0xd8: {  	_ =	swait.ge @!p0 [sflag:s0], s1  }
0xd9: {  	s1 =	ssub.s32 @!p0 $0x0, s1;
	[sflag:s0] =	ssyncset.done @!p0 $0x0  }
0xda: {  	[sflag:s0] =	ssyncadd.s32 @!p0 s1  }
0xdb: {  	[bflag:$0x3] =	sbarrier.arrive $0xFFFF  }
0xdc: {  	_ =	shalt  }

// kernel: kernel.22.cloned.1.call-start
scs
__scs_entry_jumppad:
0x0: {  	(pc) =	sbr.rel $0x88, $3  }
0x1: {  	(tag) =	ssettag $0x0;
	lr =	simm.s32 $0x1  }
0x2: {  	[smem:$0x3F7F] =	sst lr;
	_ =	strace $0xD0000000  }
0x3: {  	_ = 	snop  }
0x4: {  	_ = 	snop  }
0x5: {  	_ = 	snop  }
0x6: {  	_ = 	snop  }
0x7: {  	_ = 	snop  }
__scs_overlays_trampoline_lowered:
0x8: {  	[smem:$0x3F8E] =	sst s0  }
0x9: {  	[smem:$0x3F8F] =	sst s1  }
0xa: {  	[smem:$0x3F90] =	sst s2  }
0xb: {  	[smem:$0x3F91] =	sst s3  }
0xc: {  	[smem:$0x3F92] =	sst s4  }
0xd: {  	[smem:$0x3F93] =	sst s5  }
0xe: {  	[smem:$0x3F94] =	sst s6  }
0xf: {  	[smem:$0x3F95] =	sst s7  }
0x10: {  	[smem:$0x3F96] =	sst s8  }
0x11: {  	[smem:$0x3F97] =	sst s9;
	s0 =	simm.s32 @!p0 $0x0  }
0x12: {  	s1 =	sld [smem:$0x3F7D];
	s0 =	simm.s32 @p0 $0x1  }
0x13: {  	[smem:$0x3F98] =	sst s0;
	s0 =	simm.s32 @!p1 $0x0  }
0x14: {  	s2 =	sld [smem:$0x3F7C];
	s0 =	simm.s32 @p1 $0x1  }
0x15: {  	[smem:$0x3F99] =	sst s0;
	s0 =	simm.s32 @!p2 $0x0  }
0x16: {  	s3 =	sld [smem:$0x3FDB];
	s0 =	simm.s32 @p2 $0x1  }
0x17: {  	s4 =	simm.s32 $0x1BF5;
	[smem:$0x3F9B] =	sst s0  }
0x18: {  	s0 =	sld [smem:$0x3F7E];
	_ =	swait.ge [sflag:s4], $0x0  }
0x19: {  	s7 =	sld [smem:$0x3F7F]  }
0x1a: {  	s8 =	sadd.s32 $0xFFFFE003, lr  }
0x1b: {  	s9 =	sadd.s32 $0xFFFFFEF7, lr;
	s5 =	simm.s32 $0xFFFFFFFF;
	p2 =	slt.u32 s8, $0xFFFFF086  }
0x1c: {  	p1 =	slt.u32 s9, $0xF7A;
	s5 =	simm.s32 @!p2 $0x0  }
0x1d: {  	s5 =	simm.s32 @p1 $0x1;
	p0 =	seq.s32 s7, s2  }
0x1e: {  	s7 =	smul.u32 @!p0 $0xF7A, s2;
	p2 =	seq.s32 @!p0 s5, $0x0  }
0x1f: {  	s9 =	smul.u32 $0xF7A, s1;
	s8 =	simm.s32 @!p0 $0x1BF5;
	p2 =	por !p2, p0  }
0x20: {  	[sflag:s8] =	ssyncset.s32 @!p0 $0xFFFFF086;
	s6 =	sadd.s32 @!p0 s3, s7;
	s7 =	simm.s32 @!p0 $0x108  }
0x21: {  	s3 =	sadd.s32 s3, s9;
	s6 =	sadd.s32 @!p0 $0x88, s6;
	s7 =	simm.s32 @p2 $0x1082  }
0x22: {  	[simem:s7], [sflag:s8] =	dma.local @!p0 [hbm:s6], $0xF7A  }
0x23: {  	s9 =	sor.u32 $0xD0000000, s2;
	s6 =	simm.s32 $0x108;
	_ =	swait.ge @!p0 [sflag:s8], $0x0  }
0x24: {  	s3 =	sadd.s32 $0x88, s3;
	s6 =	simm.s32 @!p1 $0x1082;
	[sflag:s4] =	ssyncset.s32 $0xFFFFF086  }
0x25: {  	[simem:s6], [sflag:s4] =	dma.local [hbm:s3], $0xF7A  }
0x26: {  	[smem:$0x3F7F] =	sst s1;
	(tag) =	ssettag s2;
	_ =	strace s9  }
0x27: {  	s1 =	sld [smem:$0x3F8F]  }
0x28: {  	s2 =	sld [smem:$0x3F90]  }
0x29: {  	s4 =	sld [smem:$0x3F92]  }
0x2a: {  	p0 =	seq.s32 s5, $0x0;
	s5 =	sld [smem:$0x3F93]  }
0x2b: {  	s6 =	sld [smem:$0x3F94]  }
0x2c: {  	s7 =	sld [smem:$0x3F95]  }
0x2d: {  	s3 =	simm.s32 $0x108;
	s8 =	sld [smem:$0x3F96]  }
0x2e: {  	s3 =	simm.s32 @!p0 $0x1082;
	s9 =	sld [smem:$0x3F97]  }
0x2f: {  	lr =	sadd.s32 s0, s3;
	s0 =	sld [smem:$0x3F8E]  }
0x30: {  	s3 =	sld [smem:$0x3F91]  }
0x31: {  	[smem:$0x3F9A] =	sst s10  }
0x32: {  	s10 =	sld [smem:$0x3F98];
	_ =	sdelay $0x3  }
0x33: {  	p0 =	seq.s32 s10, $0x1;
	s10 =	sld [smem:$0x3F9A];
	_ =	sdelay $0x3  }
0x34: {  	[smem:$0x3F9A] =	sst s10  }
0x35: {  	s10 =	sld [smem:$0x3F99];
	_ =	sdelay $0x3  }
0x36: {  	p1 =	seq.s32 s10, $0x1;
	s10 =	sld [smem:$0x3F9A];
	_ =	sdelay $0x3  }
0x37: {  	[smem:$0x3F9A] =	sst s10  }
0x38: {  	s10 =	sld [smem:$0x3F9B]  }
0x39: {  	_ = 	snop;
	(pc) =	sbr.ind lr, $3  }
0x3a: {  	_ = 	snop  }
0x3b: {  	_ = 	snop  }
0x3c: {  	p2 =	seq.s32 s10, $0x1;
	s10 =	sld [smem:$0x3F9A]  }
0x3d: {  	_ =	shalt  }
0x3e: {  	_ =	shalt  }
0x3f: {  	_ =	shalt  }
0x40: {  	_ =	shalt  }
0x41: {  	_ =	shalt  }
0x42: {  	_ =	shalt  }
0x43: {  	_ =	shalt  }
0x44: {  	_ =	shalt  }
0x45: {  	_ =	shalt  }
0x46: {  	_ =	shalt  }
0x47: {  	_ =	shalt  }
0x48: {  	_ =	shalt  }
0x49: {  	_ =	shalt  }
0x4a: {  	_ =	shalt  }
0x4b: {  	_ =	shalt  }
0x4c: {  	_ =	shalt  }
0x4d: {  	_ =	shalt  }
0x4e: {  	_ =	shalt  }
0x4f: {  	_ =	shalt  }
0x50: {  	_ =	shalt  }
0x51: {  	_ =	shalt  }
0x52: {  	_ =	shalt  }
0x53: {  	_ =	shalt  }
0x54: {  	_ =	shalt  }
0x55: {  	_ =	shalt  }
0x56: {  	_ =	shalt  }
0x57: {  	_ =	shalt  }
0x58: {  	_ =	shalt  }
0x59: {  	_ =	shalt  }
0x5a: {  	_ =	shalt  }
0x5b: {  	_ =	shalt  }
0x5c: {  	_ =	shalt  }
0x5d: {  	_ =	shalt  }
0x5e: {  	_ =	shalt  }
0x5f: {  	_ =	shalt  }
0x60: {  	_ =	shalt  }
0x61: {  	_ =	shalt  }
0x62: {  	_ =	shalt  }
0x63: {  	_ =	shalt  }
0x64: {  	_ =	shalt  }
0x65: {  	_ =	shalt  }
0x66: {  	_ =	shalt  }
0x67: {  	_ =	shalt  }
0x68: {  	_ =	shalt  }
0x69: {  	_ =	shalt  }
0x6a: {  	_ =	shalt  }
0x6b: {  	_ =	shalt  }
0x6c: {  	_ =	shalt  }
0x6d: {  	_ =	shalt  }
0x6e: {  	_ =	shalt  }
0x6f: {  	_ =	shalt  }
0x70: {  	_ =	shalt  }
0x71: {  	_ =	shalt  }
0x72: {  	_ =	shalt  }
0x73: {  	_ =	shalt  }
0x74: {  	_ =	shalt  }
0x75: {  	_ =	shalt  }
0x76: {  	_ =	shalt  }
0x77: {  	_ =	shalt  }
0x78: {  	_ =	shalt  }
0x79: {  	_ =	shalt  }
0x7a: {  	_ =	shalt  }
0x7b: {  	_ =	shalt  }
0x7c: {  	_ =	shalt  }
0x7d: {  	_ =	shalt  }
0x7e: {  	_ =	shalt  }
0x7f: {  	_ =	shalt  }
0x80: {  	_ =	shalt  }
0x81: {  	_ =	shalt  }
0x82: {  	_ =	shalt  }
0x83: {  	_ =	shalt  }
0x84: {  	_ =	shalt  }
0x85: {  	_ =	shalt  }
0x86: {  	_ =	shalt  }
0x87: {  	_ =	shalt  }
.Lfunc_end0:
.L_simem_size_0:
called_computation.3_lowered:
.L_overlay_start_0:
0x88: {  	s2 =	sld [smem:$0x3FD9]  }
0x89: {  	s3 =	sld [smem:$0x3FFE];
	_ =	sdelay $0x1  }
0x8a: {  	s1 =	srdreg.scid  }
0x8b: {  	s0 =	sand.u32 $0x1, s1  }
0x8c: {  	s16 =	sshll.u32 s0, $0xA;
	s2 =	sadd.s32 s3, s2  }
0x8d: {  	s2 =	sadd.s32 s2, s16  }
0x8e: {  	[smem:$0x3FA6] =	sst s2  }
0x8f: {  	_ = 	snop  }
0x90: {  	(tm) =	ssettm $0x1  }
0x91: {  	s17 =	sld [smem:$0x3FFB];
	_ =	sdelay $0x3  }
0x92: {  	_ =	strace s17  }
0x93: {  	s2 =	sld [smem:$0x3FFC];
	_ =	sdelay $0x3  }
0x94: {  	_ =	strace s2  }
0x95: {  	s2 =	sld [smem:$0x3FFD];
	_ =	sdelay $0x3  }
0x96: {  	_ =	strace s2  }
0x97: {  	_ =	strace $0x8FFFFFFF  }
0x98: {  	s18 =	sld [smem:$0x3FDB];
	_ =	sdelay $0x1  }
0x99: {  	s19 =	simm.s32 $_scs_section_size  }
0x9a: {  	s4 =	simm.s32 $_size__tile_overlayer_lowered;
	s5 =	simm.s32 $_tile_overlayer_lowered  }
0x9b: {  	s22 =	simm.s32 $0x1BFF;
	s21 =	sshll.u32 s5, $0x1;
	s2 =	sadd.s32 s19, s18  }
0x9c: {  	s6 =	simm.s32 $0x0;
	s20 =	sshll.u32 s4, $0x1;
	s4 =	sadd.s32 s21, s2  }
0x9d: {  	[timem:s6], [sflag:s22] =	dma.local [hbm:s4], s20  }
0x9e: {  	_ =	swait.ge [sflag:s22], s20  }
0x9f: {  	s3 =	ssub.s32 $0x0, s20;
	[sflag:s22] =	ssyncset.done $0x0  }
0xa0: {  	[sflag:s22] =	ssyncadd.s32 s3;
	_ =	sdelay $0x1  }
0xa1: {  	s23 =	simm.s32 $0x1B8B  }
0xa2: {  	_ =	swait.ge [sflag:s23], $0x1  }
0xa3: {  	[sflag:s23] =	ssyncset.done $0x0  }
0xa4: {  	s25 =	simm.s32 $0x1B8E;
	s24 =	sld [smem:$0x3FFE];
	[sflag:s23] =	ssyncadd.s32 $0xFFFFFFFF  }
0xa5: {  	s26 =	simm.s32 $execute0_lowered;
	[smem:$0x3FD2] =	sst s25  }
0xa6: {  	s4 =	sshll.u32 s26, $0x1;
	_ =	strace $0x8000004F;
	[dreg:$0x1] =	wrdreg $0xFFFFFFFF  }
0xa7: {  	s28 =	simm.s32 $_size_execute0_lowered;
	s2 =	sadd.s32 s2, s4;
	[dreg:$0x0] =	wrdreg $0x0  }
0xa8: {  	s4 =	sshll.u32 s28, $0x1;
	[dreg:$0x2] =	wrdreg s2  }
0xa9: {  	[dreg:$0x3] =	wrdreg s4  }
0xaa: {  	[dreg:$0x4] =	wrdreg $0xC0  }
0xab: {  	_ =	task [dreg:s6], $0x5FFFF  }
0xac: {  	[dreg:$0x1] =	wrdreg $0xFFFFFFFF  }
0xad: {  	[dreg:$0x0] =	wrdreg $0x60  }
0xae: {  	[dreg:$0x2] =	wrdreg s24  }
0xaf: {  	[dreg:$0x3] =	wrdreg $0x0  }
0xb0: {  	[dreg:$0x4] =	wrdreg $0x9  }
0xb1: {  	_ =	task.clear_ibuf [dreg:s6], $0x5FFFF;
	_ =	strace $0x9000004F  }
0xb2: {  	s29 =	simm.s32 $0x9;
	_ =	strace $0x80000051  }
0xb3: {  	_ =	swait.ge [sflag:s29], $0x1  }
0xb4: {  	[sflag:s29] =	ssyncadd.s32 $0xFFFFFFFF  }
0xb5: {  	_ =	strace $0x90000051  }
0xb6: {  	_ =	sfence  }
0xb7: {  	s30 =	sld [smem:$0x0];
	_ =	sdelay $0x2  }
0xb8: {  	s31 =	sshll.u32 s1, $0xD;
	s1 =	sshrl.u32 s1, $0x2  }
0xb9: {  	s3 =	sand.u32 $0x4000, s31;
	s1 =	sadd.s32 s1, s30  }
0xba: {  	s0 =	sor.u32 s3, s0;
	s1 =	sshll.u32 s1, $0x11  }
0xbb: {  	s0 =	sor.u32 s1, s0  }
0xbc: {  	s0 =	sadd.s32 $0x8F2B, s0  }
0xbd: {  	[sflag:s0] =	ssyncadd.remote.s32 $0x1  }
0xbe: {  	_ =	sfence.sel $0xFFFF  }
0xbf: {  	[dreg:$0x0] =	wrdreg $0xFFFFFFFF;
	(pc) =	sbr.abs _section_cstart, $3  }
0xc0: {  	[dreg:$0x1] =	wrdreg $0xFFFFFFFF  }
0xc1: {  	_ =	task.clear_ibuf [dreg:s6], $0x2FFFF;
	_ =	strace $0x9FFFFFFF  }
0xc2: {  	(tm) =	ssettm $0x7FFFFFFF  }
0xc3: {  	_ =	shalt  }
tec
execute0_lowered:
.L_overlay_start_1:
0x0: {  	(tag) =	ssettag $0x1  }
0x1: {  	s0 =	rddreg [dreg:$0x0]  }
0x2: {  	s1 =	rddreg [dreg:$0x1];
	s12 =	stileid.u32  }
0x3: {  	s2 =	simm.s32 $0x0;
	s3 =	srdreg.scid;
	s22 =	smul.u32 $0x2700, s12  }
0x4: {  	s17 =	simm.s32 $0x13880;
	s18 =	simm.s32 $0x13900;
	s7 =	smul.u32 $0x4E000, s12  }
0x5: {  	s21 =	simm.s32 $0x13980;
	s28 =	simm.s32 $0x1B280;
	s26 =	smul.u32 $0x4E20, s12  }
0x6: {  	s29 =	simm.s32 $0x0;
	[smem:$0x7FF] =	sst s2;
	s16 =	smul.u32 $0x4E200, s12  }
0x7: {  	s4 =	sand.u32 $0x1, s3;
	s11 =	sadd.s32 $0xE400, s0;
	s31 =	smul.u32 $0x9C4, s12  }
0x8: {  	s25 =	sshll.u32 s12, $0x6;
	s15 =	sadd.s32 $0x138000, s1;
	s5 =	smul.u32 $0x4E2000, s4  }
0x9: {  	p0 =	sne.s32 s12, $0x0;
	s23 =	smul.u32 $0x27100, s4;
	s4 =	ssub.s32 $0x2, s4  }
0xa: {  	_ =	strace $0x80000050;
	s6 =	sshrl.u32 s4, $0x1;
	[dreg:$0x3] =	wrdreg s22  }
0xb: {  	s9 =	sadd.s32 s22, s0;
	s24 =	sshrl.u32 s7, $0x2;
	s30 =	sshrl.u32 s26, $0x3  }
0xc: {  	s20 =	sadd.s32 $0x1400, s16;
	s22 =	simm.s32 $0x13A00;
	s26 =	simm.s32 $0x2  }
0xd: {  	s8 =	sadd.s32 s5, s0;
	s10 =	sadd.s32 s23, s0;
	s13 =	ssub.s32 s4, s6  }
0xe: {  	s14 =	sadd.s32 s24, s1;
	s3 =	sadd.s32 $0x66600, s9;
	s5 =	sor.u32 $0x1C03, s25  }
0xf: {  	s6 =	sadd.s32 $0x8D600, s0;
	s7 =	sadd.s32 s11, s30;
	s11 =	sadd.s32 s31, s11  }
0x10: {  	s23 =	simm.s32 $0x1;
	s24 =	simm.s32 $0x50;
	s25 =	simm.s32 $0x16280  }
0x11: {  	[dreg:$0x4] =	wrdreg s3;
	s19 =	sadd.s32 $0xF0C800, s8;
	s8 =	sadd.s32 $0xA, s7  }
0x12: {  	s9 =	sadd.s32 $0x8D800, s10;
	s10 =	smax.u32 s13, $0x1;
	s12 =	sshrl.u32 s14, $0x3  }
0x13: {  	s13 =	simm.s32 $0x3;
	s14 =	sshrl.u32 @!p0 s15, $0x3;
	s15 =	sadd.s32 s16, s19  }
0x14: {  	s16 =	simm.s32 $0x13A80;
	s19 =	sadd.s32 s19, s20;
	s20 =	simm.s32 $0x18A80  }
.LBB2_1:
0x15: {  	s0 =	rddreg [dreg:$0x4]  }
0x16: {  	[spmem:s12], [sflag:s5] =	dma.local [hbm:s0], $0x2700  }
0x17: {  	_ =	swait.ge [sflag:s13], $0x2700  }
0x18: {  	[sflag:s13] =	ssyncset.done $0x0  }
0x19: {  	s0 =	simm.s32 @!p0 $0x3;
	[sflag:s13] =	ssyncadd.s32 $0xFFFFD900  }
0x1a: {  	[spmem:s14], [sflag:s5] =	dma.local @!p0 [hbm:s6], $0x100  }
0x1b: {  	_ =	swait.ge @!p0 [sflag:s0], $0x100  }
0x1c: {  	[sflag:s0] =	ssyncset.done @!p0 $0x0  }
0x1d: {  	[sflag:s0] =	ssyncadd.s32 @!p0 $0xFFFFFF00  }
0x1e: {  	[bflag:$0x0] =	sbarrier.arrive $0xFFFF  }
0x1f: {  	[tilespmem:s16], [sflag:$0x1] =	stream.linear.gather [hbm4b:s15+s2], $0x5000, $0x38;
	[tilespmem:$0x1DA80] =	vst v63  }
0x20: {  	_ = 	snop  }
0x21: {  	[tilespmem:s17], [sflag:$0x1] =	stream.linear.gather [hbm4b:s7+s2], $0x50, $0x38;
	[tilespmem:$0x1DA80] =	vst v63  }
0x22: {  	_ = 	snop  }
0x23: {  	[tilespmem:s18], [sflag:$0x1] =	stream.linear.gather [hbm4b:s8+s2], $0x50, $0x38;
	[tilespmem:$0x1DA80] =	vst v63  }
0x24: {  	s4 =	sadd.s32 $0xFFFFF600, s19;
	s30 =	sadd.s32 $0x0, s11  }
0x25: {  	[tilespmem:s20], [sflag:$0x2] =	stream.linear.gather [hbm4b:s4+s2], $0x5000, $0x38;
	[tilespmem:$0x1DA80] =	vst v63  }
0x26: {  	s3 =	sadd.s32 $0x14, s30  }
0x27: {  	[tilespmem:s21], [sflag:$0x2] =	stream.linear.gather [hbm4b:s3+s2], $0x50, $0x38;
	[tilespmem:$0x1DA80] =	vst v63  }
0x28: {  	s4 =	sadd.s32 $0x1E, s30  }
0x29: {  	[tilespmem:s22], [sflag:$0x2] =	stream.linear.gather [hbm4b:s4+s2], $0x50, $0x38;
	[tilespmem:$0x1DA80] =	vst v63  }
0x2a: {  	_ =	swait.ge [sflag:s23], $0x5000  }
0x2b: {  	[sflag:s23] =	ssyncset.done $0x0  }
0x2c: {  	[sflag:s23] =	ssyncadd.s32 $0xFFFFB000  }
0x2d: {  	_ =	swait.ge [sflag:s23], $0x50  }
0x2e: {  	[sflag:s23] =	ssyncset.done $0x0  }
0x2f: {  	[sflag:s23] =	ssyncadd.s32 $0xFFFFFFB0  }
0x30: {  	_ =	swait.ge [sflag:s23], $0x50  }
0x31: {  	[sflag:s23] =	ssyncset.done $0x0  }
0x32: {  	[sflag:s23] =	ssyncadd.s32 $0xFFFFFFB0  }
0x33: {  	[spmem:s1] =	stream.indirect.scatter.add.f32 [tilespmem:s16], [sflag:$0x3], $0x80, s17, s24, $0xb8;
	[tilespmem:$0x1DA80] =	vst v63  }
0x34: {  	_ =	swait.ge [sflag:s13], $0x2800  }
0x35: {  	[sflag:s13] =	ssyncset.done $0x0  }
0x36: {  	[sflag:s13] =	ssyncadd.s32 $0xFFFFD800  }
0x37: {  	[spmem:s1] =	stream.indirect.scatter.add.f32 [tilespmem:s25], [sflag:$0x3], $0x80, s18, s24, $0xb8;
	[tilespmem:$0x1DA80] =	vst v63  }
0x38: {  	_ =	swait.ge [sflag:s13], $0x2800  }
0x39: {  	[sflag:s13] =	ssyncset.done $0x0  }
0x3a: {  	[sflag:s13] =	ssyncadd.s32 $0xFFFFD800  }
0x3b: {  	[tilespmem:s16], [sflag:$0x1] =	stream.linear.gather [hbm4b:s19+s2], $0x5000, $0x38;
	[tilespmem:$0x1DA80] =	vst v63  }
0x3c: {  	s3 =	sadd.s32 $0x28, s30  }
0x3d: {  	[tilespmem:s17], [sflag:$0x1] =	stream.linear.gather [hbm4b:s3+s2], $0x50, $0x38;
	[tilespmem:$0x1DA80] =	vst v63  }
0x3e: {  	s4 =	sadd.s32 $0x32, s30  }
0x3f: {  	[tilespmem:s18], [sflag:$0x1] =	stream.linear.gather [hbm4b:s4+s2], $0x50, $0x38;
	[tilespmem:$0x1DA80] =	vst v63  }
0x40: {  	_ =	swait.ge [sflag:s26], $0x5000  }
0x41: {  	[sflag:s26] =	ssyncset.done $0x0  }
0x42: {  	[sflag:s26] =	ssyncadd.s32 $0xFFFFB000  }
0x43: {  	_ =	swait.ge [sflag:s26], $0x50  }
0x44: {  	[sflag:s26] =	ssyncset.done $0x0  }
0x45: {  	[sflag:s26] =	ssyncadd.s32 $0xFFFFFFB0  }
0x46: {  	_ =	swait.ge [sflag:s26], $0x50  }
0x47: {  	[sflag:s26] =	ssyncset.done $0x0  }
0x48: {  	[sflag:s26] =	ssyncadd.s32 $0xFFFFFFB0  }
0x49: {  	[spmem:s1] =	stream.indirect.scatter.add.f32 [tilespmem:s20], [sflag:$0x3], $0x80, s21, s24, $0xb8;
	[tilespmem:$0x1DA80] =	vst v63  }
0x4a: {  	_ =	swait.ge [sflag:s13], $0x2800  }
0x4b: {  	[sflag:s13] =	ssyncset.done $0x0  }
0x4c: {  	[sflag:s13] =	ssyncadd.s32 $0xFFFFD800  }
0x4d: {  	[spmem:s1] =	stream.indirect.scatter.add.f32 [tilespmem:s28], [sflag:$0x3], $0x80, s22, s24, $0xb8;
	[tilespmem:$0x1DA80] =	vst v63  }
0x4e: {  	s31 =	simm.s32 $0x28;
	_ =	swait.ge [sflag:s13], $0x2800  }
0x4f: {  	s0 =	simm.s32 $0x50;
	s30 =	sadd.s32 $0x1400, s19;
	[sflag:s13] =	ssyncset.done $0x0  }
.LBB2_2:
0x50: {  	s3 =	sadd.s32 $0xFFFFF600, s30  }
0x51: {  	s4 =	sadd.s32 s31, s11;
	[sflag:s13] =	ssyncadd.s32 $0xFFFFD800;
	s31 =	smov.u32 s0  }
0x52: {  	[tilespmem:s20], [sflag:$0x2] =	stream.linear.gather [hbm4b:s3+s2], $0x5000, $0x38;
	[tilespmem:$0x1DA80] =	vst v63  }
0x53: {  	p1 =	sne.s32 s0, $0x988;
	s0 =	sadd.s32 $0x28, s0;
	s3 =	sadd.s32 $0x14, s4  }
0x54: {  	[tilespmem:s21], [sflag:$0x2] =	stream.linear.gather [hbm4b:s3+s2], $0x50, $0x38;
	[tilespmem:$0x1DA80] =	vst v63  }
0x55: {  	s3 =	sadd.s32 $0x1E, s4  }
0x56: {  	[tilespmem:s22], [sflag:$0x2] =	stream.linear.gather [hbm4b:s3+s2], $0x50, $0x38;
	[tilespmem:$0x1DA80] =	vst v63  }
0x57: {  	_ =	swait.ge [sflag:s23], $0x5000  }
0x58: {  	[sflag:s23] =	ssyncset.done $0x0  }
0x59: {  	[sflag:s23] =	ssyncadd.s32 $0xFFFFB000  }
0x5a: {  	_ =	swait.ge [sflag:s23], $0x50  }
0x5b: {  	[sflag:s23] =	ssyncset.done $0x0  }
0x5c: {  	[sflag:s23] =	ssyncadd.s32 $0xFFFFFFB0  }
0x5d: {  	_ =	swait.ge [sflag:s23], $0x50  }
0x5e: {  	[sflag:s23] =	ssyncset.done $0x0  }
0x5f: {  	[sflag:s23] =	ssyncadd.s32 $0xFFFFFFB0  }
0x60: {  	[spmem:s1] =	stream.indirect.scatter.add.f32 [tilespmem:s16], [sflag:$0x3], $0x80, s17, s24, $0xb8;
	[tilespmem:$0x1DA80] =	vst v63  }
0x61: {  	_ =	swait.ge [sflag:s13], $0x2800  }
0x62: {  	[sflag:s13] =	ssyncset.done $0x0  }
0x63: {  	[sflag:s13] =	ssyncadd.s32 $0xFFFFD800  }
0x64: {  	[spmem:s1] =	stream.indirect.scatter.add.f32 [tilespmem:s25], [sflag:$0x3], $0x80, s18, s24, $0xb8;
	[tilespmem:$0x1DA80] =	vst v63  }
0x65: {  	_ =	swait.ge [sflag:s13], $0x2800  }
0x66: {  	[sflag:s13] =	ssyncset.done $0x0  }
0x67: {  	[sflag:s13] =	ssyncadd.s32 $0xFFFFD800  }
0x68: {  	[tilespmem:s16], [sflag:$0x1] =	stream.linear.gather [hbm4b:s30+s2], $0x5000, $0x38;
	[tilespmem:$0x1DA80] =	vst v63  }
0x69: {  	s3 =	sadd.s32 $0x28, s4  }
0x6a: {  	[tilespmem:s17], [sflag:$0x1] =	stream.linear.gather [hbm4b:s3+s2], $0x50, $0x38;
	[tilespmem:$0x1DA80] =	vst v63  }
0x6b: {  	s3 =	sadd.s32 $0x32, s4  }
0x6c: {  	[tilespmem:s18], [sflag:$0x1] =	stream.linear.gather [hbm4b:s3+s2], $0x50, $0x38;
	[tilespmem:$0x1DA80] =	vst v63  }
0x6d: {  	_ =	swait.ge [sflag:s26], $0x5000  }
0x6e: {  	[sflag:s26] =	ssyncset.done $0x0  }
0x6f: {  	[sflag:s26] =	ssyncadd.s32 $0xFFFFB000  }
0x70: {  	_ =	swait.ge [sflag:s26], $0x50  }
0x71: {  	[sflag:s26] =	ssyncset.done $0x0  }
0x72: {  	[sflag:s26] =	ssyncadd.s32 $0xFFFFFFB0  }
0x73: {  	_ =	swait.ge [sflag:s26], $0x50  }
0x74: {  	[sflag:s26] =	ssyncset.done $0x0  }
0x75: {  	[sflag:s26] =	ssyncadd.s32 $0xFFFFFFB0  }
0x76: {  	[spmem:s1] =	stream.indirect.scatter.add.f32 [tilespmem:s20], [sflag:$0x3], $0x80, s21, s24, $0xb8;
	[tilespmem:$0x1DA80] =	vst v63  }
0x77: {  	_ =	swait.ge [sflag:s13], $0x2800  }
.Ltmp0:
0x78: {  	[sflag:s13] =	ssyncset.done $0x0;
	(pc) =	sbr.rel @p1 .LBB2_2-.Ltmp0, $4  }
0x79: {  	[sflag:s13] =	ssyncadd.s32 $0xFFFFD800  }
0x7a: {  	[spmem:s1] =	stream.indirect.scatter.add.f32 [tilespmem:s28], [sflag:$0x3], $0x80, s22, s24, $0xb8;
	[tilespmem:$0x1DA80] =	vst v63  }
0x7b: {  	_ =	swait.ge [sflag:s13], $0x2800  }
0x7c: {  	s30 =	sadd.s32 $0x1400, s30;
	[sflag:s13] =	ssyncset.done $0x0  }
0x7d: {  	s0 =	sadd.s32 $0xFFFFF600, s30;
	s3 =	sadd.s32 s31, s11;
	[sflag:s13] =	ssyncadd.s32 $0xFFFFD800  }
0x7e: {  	[tilespmem:s20], [sflag:$0x2] =	stream.linear.gather [hbm4b:s0+s2], $0x5000, $0x38;
	[tilespmem:$0x1DA80] =	vst v63  }
0x7f: {  	s4 =	sadd.s32 $0x14, s3  }
0x80: {  	[tilespmem:s21], [sflag:$0x2] =	stream.linear.gather [hbm4b:s4+s2], $0x50, $0x38;
	[tilespmem:$0x1DA80] =	vst v63  }
0x81: {  	s31 =	sadd.s32 $0x1E, s3  }
0x82: {  	[tilespmem:s22], [sflag:$0x2] =	stream.linear.gather [hbm4b:s31+s2], $0x50, $0x38;
	[tilespmem:$0x1DA80] =	vst v63  }
0x83: {  	_ =	swait.ge [sflag:s23], $0x5000  }
0x84: {  	[sflag:s23] =	ssyncset.done $0x0  }
0x85: {  	[sflag:s23] =	ssyncadd.s32 $0xFFFFB000  }
0x86: {  	_ =	swait.ge [sflag:s23], $0x50  }
0x87: {  	[sflag:s23] =	ssyncset.done $0x0  }
0x88: {  	[sflag:s23] =	ssyncadd.s32 $0xFFFFFFB0  }
0x89: {  	_ =	swait.ge [sflag:s23], $0x50  }
0x8a: {  	[sflag:s23] =	ssyncset.done $0x0  }
0x8b: {  	[sflag:s23] =	ssyncadd.s32 $0xFFFFFFB0  }
0x8c: {  	[spmem:s1] =	stream.indirect.scatter.add.f32 [tilespmem:s16], [sflag:$0x3], $0x80, s17, s24, $0xb8;
	[tilespmem:$0x1DA80] =	vst v63  }
0x8d: {  	_ =	swait.ge [sflag:s13], $0x2800  }
0x8e: {  	[sflag:s13] =	ssyncset.done $0x0  }
0x8f: {  	[sflag:s13] =	ssyncadd.s32 $0xFFFFD800  }
0x90: {  	[spmem:s1] =	stream.indirect.scatter.add.f32 [tilespmem:s25], [sflag:$0x3], $0x80, s18, s24, $0xb8;
	[tilespmem:$0x1DA80] =	vst v63  }
0x91: {  	_ =	swait.ge [sflag:s13], $0x2800  }
0x92: {  	[sflag:s13] =	ssyncset.done $0x0  }
0x93: {  	[sflag:s13] =	ssyncadd.s32 $0xFFFFD800  }
0x94: {  	[tilespmem:s16], [sflag:$0x1] =	stream.linear.gather [hbm4b:s30+s2], $0x5000, $0x38;
	[tilespmem:$0x1DA80] =	vst v63  }
0x95: {  	s4 =	sadd.s32 $0x28, s3  }
0x96: {  	[tilespmem:s17], [sflag:$0x1] =	stream.linear.gather [hbm4b:s4+s2], $0x50, $0x38;
	[tilespmem:$0x1DA80] =	vst v63  }
0x97: {  	s30 =	sadd.s32 $0x32, s3  }
0x98: {  	[tilespmem:s18], [sflag:$0x1] =	stream.linear.gather [hbm4b:s30+s2], $0x50, $0x38;
	[tilespmem:$0x1DA80] =	vst v63  }
0x99: {  	_ =	swait.ge [sflag:s26], $0x5000  }
0x9a: {  	[sflag:s26] =	ssyncset.done $0x0  }
0x9b: {  	[sflag:s26] =	ssyncadd.s32 $0xFFFFB000  }
0x9c: {  	_ =	swait.ge [sflag:s26], $0x50  }
0x9d: {  	[sflag:s26] =	ssyncset.done $0x0  }
0x9e: {  	[sflag:s26] =	ssyncadd.s32 $0xFFFFFFB0  }
0x9f: {  	_ =	swait.ge [sflag:s26], $0x50  }
0xa0: {  	[sflag:s26] =	ssyncset.done $0x0  }
0xa1: {  	[sflag:s26] =	ssyncadd.s32 $0xFFFFFFB0  }
0xa2: {  	[spmem:s1] =	stream.indirect.scatter.add.f32 [tilespmem:s20], [sflag:$0x3], $0x80, s21, s24, $0xb8;
	[tilespmem:$0x1DA80] =	vst v63  }
0xa3: {  	_ =	swait.ge [sflag:s13], $0x2800  }
0xa4: {  	[sflag:s13] =	ssyncset.done $0x0  }
0xa5: {  	[sflag:s13] =	ssyncadd.s32 $0xFFFFD800  }
0xa6: {  	[spmem:s1] =	stream.indirect.scatter.add.f32 [tilespmem:s28], [sflag:$0x3], $0x80, s22, s24, $0xb8;
	[tilespmem:$0x1DA80] =	vst v63  }
0xa7: {  	_ =	swait.ge [sflag:s13], $0x2800  }
0xa8: {  	[sflag:s13] =	ssyncset.done $0x0  }
0xa9: {  	[sflag:s13] =	ssyncadd.s32 $0xFFFFD800  }
0xaa: {  	_ =	swait.ge [sflag:s23], $0x5000  }
0xab: {  	[sflag:s23] =	ssyncset.done $0x0  }
0xac: {  	[sflag:s23] =	ssyncadd.s32 $0xFFFFB000  }
0xad: {  	_ =	swait.ge [sflag:s23], $0x50  }
0xae: {  	[sflag:s23] =	ssyncset.done $0x0  }
0xaf: {  	[sflag:s23] =	ssyncadd.s32 $0xFFFFFFB0  }
0xb0: {  	_ =	swait.ge [sflag:s23], $0x50  }
0xb1: {  	[sflag:s23] =	ssyncset.done $0x0  }
0xb2: {  	[sflag:s23] =	ssyncadd.s32 $0xFFFFFFB0  }
0xb3: {  	[spmem:s1] =	stream.indirect.scatter.add.f32 [tilespmem:s16], [sflag:$0x3], $0x80, s17, s24, $0xb8;
	[tilespmem:$0x1DA80] =	vst v63  }
0xb4: {  	_ =	swait.ge [sflag:s13], $0x2800  }
0xb5: {  	[sflag:s13] =	ssyncset.done $0x0  }
0xb6: {  	[sflag:s13] =	ssyncadd.s32 $0xFFFFD800  }
0xb7: {  	[spmem:s1] =	stream.indirect.scatter.add.f32 [tilespmem:s25], [sflag:$0x3], $0x80, s18, s24, $0xb8;
	[tilespmem:$0x1DA80] =	vst v63  }
0xb8: {  	_ =	swait.ge [sflag:s13], $0x2800  }
0xb9: {  	[sflag:s13] =	ssyncset.done $0x0  }
0xba: {  	[sflag:s13] =	ssyncadd.s32 $0xFFFFD800  }
0xbb: {  	[bflag:$0x0] =	sbarrier.arrive $0xFFFF  }
0xbc: {  	s31 =	rddreg [dreg:$0x3]  }
0xbd: {  	s0 =	sadd.s32 s31, s9  }
0xbe: {  	[hbm:s0], [sflag:s5] =	dma.local [spmem:s12], $0x2700  }
0xbf: {  	_ =	swait.ge [sflag:s13], $0x2700  }
0xc0: {  	s29 =	sadd.s32 $0x1, s29;
	[sflag:s13] =	ssyncset.done $0x0  }
0xc1: {  	p1 =	sne.s32 s29, s10;
	s0 =	sadd.s32 @!p0 $0x27000, s9;
	[sflag:s13] =	ssyncadd.s32 $0xFFFFD900  }
0xc2: {  	[hbm:s0], [sflag:s5] =	dma.local @!p0 [spmem:s14], $0x100  }
.Ltmp1:
0xc3: {  	_ = 	snop;
	(pc) =	sbr.rel @p1 .LBB2_1-.Ltmp1, $4  }
0xc4: {  	s0 =	simm.s32 @!p0 $0x3  }
0xc5: {  	_ =	swait.ge @!p0 [sflag:s0], $0x100  }
0xc6: {  	[sflag:s0] =	ssyncset.done @!p0 $0x0  }
0xc7: {  	[sflag:s0] =	ssyncadd.s32 @!p0 $0xFFFFFF00  }
0xc8: {  	_ =	sfence.sel $0x180000  }
0xc9: {  	[bflag:$0x0] =	sbarrier.arrive $0xFFFF  }
0xca: {  	_ =	strace $0x90000050  }
0xcb: {  	[bflag:$0x2] =	sbarrier.arrive $0xFFFF  }
0xcc: {  	s0 =	rddreg [dreg:$0x2]  }
0xcd: {  	s0 =	sadd.s32 @!p0 $0x100000, s0  }
0xce: {  	[sflag:s0] =	ssyncadd.tile.s32 @!p0 $0x1;
	_ =	shalt  }
.Lfunc_end2:
_tile_overlayer_lowered:
.L_overlay_start_2:
0xcf: {  	(tag) =	ssettag $0x2  }
0xd0: {  	s0 =	rddreg [dreg:$0x0];
	s2 =	stileid.u32  }
0xd1: {  	s1 =	rddreg [dreg:$0x1];
	p0 =	sne.s32 s2, $0x0  }
0xd2: {  	s3 =	rddreg [dreg:$0x2];
	[bflag:$0x3] =	sbarrier.arrive $0xFFFF;
	s2 =	simm.s32 @!p0 $0x1C03  }
0xd3: {  	[timem:s3], [sflag:s2] =	dma.local @!p0 [hbm:s0], s1  }
0xd4: {  	s0 =	simm.s32 @!p0 $0x3  }
0xd5: {  	_ =	swait.ge @!p0 [sflag:s0], s1  }
0xd6: {  	s1 =	ssub.s32 @!p0 $0x0, s1;
	[sflag:s0] =	ssyncset.done @!p0 $0x0  }
0xd7: {  	[sflag:s0] =	ssyncadd.s32 @!p0 s1  }
0xd8: {  	[bflag:$0x3] =	sbarrier.arrive $0xFFFF  }
0xd9: {  	_ =	shalt  }

</sc_bundles>
